<compile_context>
chip_gen: v7x
topology: tpu7x:2x2x1
jax: 0.10.2.dev20260603
libtpu: 0.0.44.dev20260713+nightly
codegen_flags: <defaults>
</compile_context>

<pallas_src>
import functools
from math import sqrt

import jax
import jax.numpy as jnp
from jax import lax
from jax.experimental import pallas as pl
from jax.experimental.pallas import tpu as pltpu
from jax.experimental.pallas import tpu_sc as plsc

L = 2048
H = 16
D = 64
SK = 40
SKP = 48
U = 40
UP = 48
BQ = 256
NBLK = L // BQ
HPB = 2
NC, NS = 2, 16
NW = NC * NS
RPW = L // NW
CHUNK = 16
NCH = RPW // CHUNK
SCALE = 1.0 / sqrt(D)



def _sc_scatter_rows(idx_v, buf_v, b, ch, value_vec, add, lane0):

    def row_body(r, carry):
        rvec = jnp.full((16,), r, jnp.int32)
        for g in range(SKP // 16):
            vg = idx_v[ch * CHUNK + r, pl.ds(g * 16, 16)]
            for j in range(16):
                if g * 16 + j >= SK:
                    break
                svec = jnp.full((16,), vg[j], jnp.int32)
                if add:
                    plsc.addupdate_scatter(buf_v.at[b], [rvec, svec],
                                           value_vec, mask=lane0)
                else:
                    plsc.store_scatter(buf_v.at[b], [rvec, svec],
                                       value_vec, mask=lane0)
        return carry

    lax.fori_loop(0, CHUNK, row_body, 0)


def _sc_count_body(idx_hbm, zeros_hbm, out_hbm, idx_v, buf_v, sem0, sem1):
    wid = lax.axis_index("s") * NC + lax.axis_index("c")
    base = wid * RPW
    pltpu.sync_copy(idx_hbm.at[pl.ds(base, RPW)], idx_v)
    pltpu.sync_copy(zeros_hbm, buf_v.at[0])
    pltpu.sync_copy(zeros_hbm, buf_v.at[1])
    lane0 = lax.iota(jnp.int32, 16) == 0
    ones = jnp.ones((16,), jnp.float32)
    zeros16 = jnp.zeros((16,), jnp.float32)
    sems = [sem0, sem1]
    pending = [None, None]
    for ch in range(NCH):
        b = ch % 2
        if pending[b] is not None:
            pending[b].wait()
            _sc_scatter_rows(idx_v, buf_v, b, ch - 2, zeros16, False, lane0)
        _sc_scatter_rows(idx_v, buf_v, b, ch, ones, True, lane0)
        cp = pltpu.make_async_copy(
            buf_v.at[b], out_hbm.at[pl.ds(base + ch * CHUNK, CHUNK)], sems[b])
        cp.start()
        pending[b] = cp
    pending[0].wait()
    pending[1].wait()


def _build_count(index_sample):
    mesh = plsc.VectorSubcoreMesh(core_axis_name="c", subcore_axis_name="s")
    fn = pl.kernel(
        _sc_count_body,
        out_type=jax.ShapeDtypeStruct((L, L), jnp.float32),
        mesh=mesh,
        scratch_types=[
            pltpu.VMEM((RPW, SKP), jnp.int32),
            pltpu.VMEM((2, CHUNK, L), jnp.float32),
            pltpu.SemaphoreType.DMA,
            pltpu.SemaphoreType.DMA,
        ],
        compiler_params=pltpu.CompilerParams(needs_layout_passes=False),
    )
    idx = jnp.pad(index_sample.astype(jnp.int32), ((0, 0), (0, SKP - SK)))
    zeros = jnp.zeros((CHUNK, L), jnp.float32)
    return fn(idx, zeros)



def _m_body(q_ref, k_ref, cnt_ref, sel_ref, macc_ref):
    i = pl.program_id(0)
    cnt = cnt_ref[...]
    neg = jnp.where(cnt > 0.0, jnp.float32(0.0), jnp.float32(-jnp.inf))
    w = lax.dot_general(cnt, k_ref[...], (((1,), (0,)), ((), ())),
                        preferred_element_type=jnp.float32)
    for j in range(H):
        q = q_ref[:, j * D:(j + 1) * D]
        k = k_ref[:, j * D:(j + 1) * D]
        s = lax.dot_general(q, k, (((1,), (1,)), ((), ())),
                            preferred_element_type=jnp.float32)
        mx = jnp.max(s + neg, axis=1)
        sm = jnp.sum(q * w[:, j * D:(j + 1) * D], axis=1)
        macc_ref[j:j + 1, pl.ds(i * BQ, BQ)] = (mx - sm * jnp.float32(1.0 / L))[None, :]

    @pl.when(i == NBLK - 1)
    def _():
        vals0 = macc_ref[...]
        flat = lax.broadcasted_iota(jnp.int32, (H, L), 1)
        lane = lax.broadcasted_iota(jnp.int32, (H, 128), 1)

        def body(t, carry):
            vals, sel = carry
            mxv = jnp.max(vals, axis=1, keepdims=True)
            fi = jnp.min(jnp.where(vals == mxv, flat, jnp.int32(L)),
                         axis=1, keepdims=True)
            sel = jnp.where(lane == t, fi, sel)
            vals = jnp.where(flat == fi, jnp.float32(-jnp.inf), vals)
            return vals, sel

        _, sel = lax.fori_loop(
            0, U, body, (vals0, jnp.full((H, 128), L, jnp.int32)))
        sel_ref[:, 0, :] = sel.astype(jnp.float32)


def _compute_sel(qf, kf, count):
    return pl.pallas_call(
        _m_body,
        grid=(NBLK,),
        in_specs=[
            pl.BlockSpec((BQ, H * D), lambda i: (i, 0)),
            pl.BlockSpec((L, H * D), lambda i: (0, 0)),
            pl.BlockSpec((BQ, L), lambda i: (i, 0)),
        ],
        out_specs=pl.BlockSpec((H, 1, 128), lambda i: (0, 0, 0)),
        out_shape=jax.ShapeDtypeStruct((H, 1, 128), jnp.float32),
        scratch_shapes=[pltpu.VMEM((H, L), jnp.float32)],
    )(qf, kf, count)



def _ctx_body(sel_ref, q_ref, k_ref, v_ref, o_ref):
    tmat = (lax.broadcasted_iota(jnp.int32, (UP, 128), 0)
            == lax.broadcasted_iota(jnp.int32, (UP, 128), 1)).astype(jnp.float32)
    iota_l = lax.broadcasted_iota(jnp.int32, (1, L), 1).astype(jnp.float32)

    for j in range(HPB):
        selrow = sel_ref[j, :, :]
        selcolv = lax.dot_general(tmat, selrow, (((1,), (1,)), ((), ())),
                                  preferred_element_type=jnp.float32)
        oh = (selcolv == iota_l).astype(jnp.float32)

        q = q_ref[:, j * D:(j + 1) * D]
        k = k_ref[:, j * D:(j + 1) * D]
        v = v_ref[:, j * D:(j + 1) * D]
        qr = lax.dot_general(oh, q, (((1,), (0,)), ((), ())),
                             preferred_element_type=jnp.float32)
        sc = lax.dot_general(qr, k, (((1,), (1,)), ((), ())),
                             preferred_element_type=jnp.float32) * jnp.float32(SCALE)
        sc = sc - jnp.max(sc, axis=1, keepdims=True)
        e = jnp.exp(sc)
        attn = e / jnp.sum(e, axis=1, keepdims=True)
        upd = lax.dot_general(attn, v, (((1,), (0,)), ((), ())),
                              preferred_element_type=jnp.float32)
        vmean = jnp.mean(v, axis=0, keepdims=True)
        selcol = jnp.sum(oh, axis=0)[:, None]
        scat = lax.dot_general(oh, upd, (((0,), (0,)), ((), ())),
                               preferred_element_type=jnp.float32)
        o_ref[:, j * D:(j + 1) * D] = scat + (jnp.float32(1.0) - selcol) * vmean


def _compute_ctx(sel, qf, kf, vf):
    return pl.pallas_call(
        _ctx_body,
        grid=(H // HPB,),
        in_specs=[
            pl.BlockSpec((HPB, 1, 128), lambda p: (p, 0, 0)),
            pl.BlockSpec((L, HPB * D), lambda p: (0, p)),
            pl.BlockSpec((L, HPB * D), lambda p: (0, p)),
            pl.BlockSpec((L, HPB * D), lambda p: (0, p)),
        ],
        out_specs=pl.BlockSpec((L, HPB * D), lambda p: (0, p)),
        out_shape=jax.ShapeDtypeStruct((L, H * D), jnp.float32),
    )(sel, qf, kf, vf)


def kernel(queries, keys, values, atten_data, index_sample, attn_mask):
    del atten_data, attn_mask
    qf = queries.reshape(L, H * D)
    kf = keys.reshape(L, H * D)
    vf = values.reshape(L, H * D)
    count = _build_count(index_sample)
    sel = _compute_sel(qf, kf, count)
    ctx = _compute_ctx(sel, qf, kf, vf)
    return ctx.reshape(1, L, H, D)

# --- scband reference (transcript-rebuilt; emitter-appended) ---
"""Pipeline reference for scband-prob-attention-53403623358558 (READ-ONLY COPY).

The authoritative reference and input builder live on the scoring server;
editing this copy changes nothing except your own understanding.
"""

import jax, jax.numpy as jnp
import numpy as np
from math import sqrt

def setup_inputs(seed: int = 0):
    key = jax.random.key(seed)
    ks = jax.random.split(key, 5)
    B, L, H, D = 1, 2048, 16, 64
    sample_k = 5 * int(np.ceil(np.log(L)))  # 40
    queries = jax.random.normal(ks[0], (B, L, H, D), dtype=jnp.float32)
    keys = jax.random.normal(ks[1], (B, L, H, D), dtype=jnp.float32)
    values = jax.random.normal(ks[2], (B, L, H, D), dtype=jnp.float32)
    atten_data = jax.random.uniform(ks[3], (B, L, 2), dtype=jnp.float32)
    index_sample = jax.random.randint(ks[4], (L, sample_k), 0, L)
    attn_mask = jnp.zeros((1,), dtype=bool)
    return {"queries": queries, "keys": keys, "values": values, "atten_data": atten_data, "index_sample": index_sample, "attn_mask": attn_mask}

def reference(queries, keys, values, atten_data, index_sample, attn_mask):
    # ProbAttention with layer_num=1 (prob_QK branch), mask_flag=False, output_attention=False
    B, L_Q, H, D = queries.shape
    L_K = keys.shape[1]
    factor = 5
    U_part = min(factor * int(np.ceil(np.log(L_K))), L_K)
    u = min(factor * int(np.ceil(np.log(L_Q))), L_Q)
    Q = jnp.transpose(queries, (0, 2, 1, 3))  # [B,H,L_Q,D]
    K = jnp.transpose(keys, (0, 2, 1, 3))
    V = jnp.transpose(values, (0, 2, 1, 3))
    # _prob_QK: gather sample_k keys per query (shared index over B,H like torch)
    K_sample = K[:, :, index_sample, :]  # [B,H,L_Q,sample_k,D]
    Q_K_sample = jnp.einsum('bhld,bhlsd->bhls', Q, K_sample)
    M = Q_K_sample.max(axis=-1) - Q_K_sample.sum(axis=-1) / L_K
    _, M_top = jax.lax.top_k(M, u)  # [B,H,u]
    Q_reduce = jnp.take_along_axis(Q, M_top[..., None], axis=2)  # [B,H,u,D]
    scores_top = jnp.einsum('bhud,bhkd->bhuk', Q_reduce, K)
    scale = 1.0 / sqrt(D)
    scores_top = scores_top * scale
    # _get_initial_context (mask_flag=False): mean of V expanded
    V_sum = V.mean(axis=2)  # [B,H,D]
    context = jnp.broadcast_to(V_sum[:, :, None, :], (B, H, L_Q, D))
    # _update_context: softmax + scatter-overwrite at selected query positions
    attn = jax.nn.softmax(scores_top, axis=-1)
    update = jnp.einsum('bhuk,bhkd->bhud', attn, V)
    b_idx = jnp.arange(B)[:, None, None]
    h_idx = jnp.arange(H)[None, :, None]
    context = context.at[b_idx, h_idx, M_top].set(update)
    return jnp.transpose(context, (0, 2, 1, 3))  # [B,L_Q,H,D]

if __name__ == "__main__":
    import jax
    _d = setup_inputs()
    print(jax.jit(kernel)(*tuple(_d.values())))

</pallas_src>

<mosaic_0001>
#map = affine_map<(d0, d1) -> (0, 0)>
module attributes {stable_mosaic.version = 14 : i64} {
  func.func @_sc_count_body(%arg0: i32, %arg1: i32, %arg2: memref<2048x48xi32, #tpu.memory_space<hbm>>, %arg3: memref<16x2048xf32, #tpu.memory_space<hbm>>, %arg4: memref<2048x2048xf32, #tpu.memory_space<hbm>>, %arg5: memref<64x48xi32, #tpu.memory_space<vmem>>, %arg6: memref<2x16x2048xf32, #tpu.memory_space<vmem>>, %arg7: memref<!tpu.dma_semaphore, #tpu.memory_space<semaphore_mem>>, %arg8: memref<!tpu.dma_semaphore, #tpu.memory_space<semaphore_mem>>) attributes {dimension_semantics = [#tpu.dimension_semantics<core_parallel>, #tpu.dimension_semantics<subcore_parallel>], iteration_bounds = array<i64: 2, 16>, scalar_prefetch = 0 : i64, scratch_operands = 4 : i64, tpu.core_type = #tpu.core_type<sc_vector_subcore>, window_params = [{transform_indices = #map}, {transform_indices = #map}, {transform_indices = #map}]} {
    %mul3A = arith.constant 2 : i32
    %mul3A_0 = arith.muli %arg1, %mul3A : i32
    %add3A = arith.addi %mul3A_0, %arg0 : i32
    %mul3A_1 = arith.constant 64 : i32
    %mul3A_2 = arith.muli %add3A, %mul3A_1 : i32
    "tpu.region"() ({
      %run_scoped3A_154 = tpu.sem_alloc : memref<!tpu.dma_semaphore, #tpu.memory_space<semaphore_mem>>
      %dma_start3A_155 = arith.constant 0 : i32
      %dma_start3A_156 = tpu.memref_slice %arg2[%mul3A_2, %dma_start3A_155] : memref<2048x48xi32, #tpu.memory_space<hbm>> -> memref<64x48xi32, #tpu.memory_space<hbm>>
      %dma_start3A_157 = arith.constant 0 : i32
      %dma_start3A_158 = tpu.memref_slice %arg2[%mul3A_2, %dma_start3A_157] : memref<2048x48xi32, #tpu.memory_space<hbm>> -> memref<64x48xi32, #tpu.memory_space<hbm>>
      tpu.enqueue_dma source(%dma_start3A_158 : memref<64x48xi32, #tpu.memory_space<hbm>>) target(%arg5 : memref<64x48xi32, #tpu.memory_space<vmem>>) target_semaphore(%run_scoped3A_154 : memref<!tpu.dma_semaphore, #tpu.memory_space<semaphore_mem>>)
      %dma_wait3A_159 = arith.constant 0 : i32
      %dma_wait3A_160 = tpu.memref_slice %arg2[%mul3A_2, %dma_wait3A_159] : memref<2048x48xi32, #tpu.memory_space<hbm>> -> memref<64x48xi32, #tpu.memory_space<hbm>>
      %dma_wait3A_161 = arith.constant 0 : i32
      %dma_wait3A_162 = tpu.memref_slice %arg2[%mul3A_2, %dma_wait3A_161] : memref<2048x48xi32, #tpu.memory_space<hbm>> -> memref<64x48xi32, #tpu.memory_space<hbm>>
      tpu.wait_dma2 semaphore(%run_scoped3A_154 : memref<!tpu.dma_semaphore, #tpu.memory_space<semaphore_mem>>) src(%dma_wait3A_162 : memref<64x48xi32, #tpu.memory_space<hbm>>) dst(%arg5 : memref<64x48xi32, #tpu.memory_space<vmem>>)
      tpu.yield
    }) : () -> ()
    %run_scoped3A = arith.constant 0 : i32
    "tpu.region"() ({
      %run_scoped3A_154 = tpu.sem_alloc : memref<!tpu.dma_semaphore, #tpu.memory_space<semaphore_mem>>
      %dma_start3A_155 = arith.constant 0 : i32
      %dma_start3A_156 = arith.constant 0 : i32
      %dma_start3A_157 = tpu.memref_slice %arg6[%run_scoped3A, %dma_start3A_155, %dma_start3A_156] : memref<2x16x2048xf32, #tpu.memory_space<vmem>> -> memref<1x16x2048xf32, #tpu.memory_space<vmem>>
      %dma_start3A_158 = tpu.memref_squeeze %dma_start3A_157 : memref<1x16x2048xf32, #tpu.memory_space<vmem>> -> memref<16x2048xf32, #tpu.memory_space<vmem>>
      %dma_start3A_159 = arith.constant 0 : i32
      %dma_start3A_160 = arith.constant 0 : i32
      %dma_start3A_161 = tpu.memref_slice %arg6[%run_scoped3A, %dma_start3A_159, %dma_start3A_160] : memref<2x16x2048xf32, #tpu.memory_space<vmem>> -> memref<1x16x2048xf32, #tpu.memory_space<vmem>>
      %dma_start3A_162 = tpu.memref_squeeze %dma_start3A_161 : memref<1x16x2048xf32, #tpu.memory_space<vmem>> -> memref<16x2048xf32, #tpu.memory_space<vmem>>
      tpu.enqueue_dma source(%arg3 : memref<16x2048xf32, #tpu.memory_space<hbm>>) target(%dma_start3A_162 : memref<16x2048xf32, #tpu.memory_space<vmem>>) target_semaphore(%run_scoped3A_154 : memref<!tpu.dma_semaphore, #tpu.memory_space<semaphore_mem>>)
      %dma_wait3A_163 = arith.constant 0 : i32
      %dma_wait3A_164 = arith.constant 0 : i32
      %dma_wait3A_165 = tpu.memref_slice %arg6[%run_scoped3A, %dma_wait3A_163, %dma_wait3A_164] : memref<2x16x2048xf32, #tpu.memory_space<vmem>> -> memref<1x16x2048xf32, #tpu.memory_space<vmem>>
      %dma_wait3A_166 = tpu.memref_squeeze %dma_wait3A_165 : memref<1x16x2048xf32, #tpu.memory_space<vmem>> -> memref<16x2048xf32, #tpu.memory_space<vmem>>
      %dma_wait3A_167 = arith.constant 0 : i32
      %dma_wait3A_168 = arith.constant 0 : i32
      %dma_wait3A_169 = tpu.memref_slice %arg6[%run_scoped3A, %dma_wait3A_167, %dma_wait3A_168] : memref<2x16x2048xf32, #tpu.memory_space<vmem>> -> memref<1x16x2048xf32, #tpu.memory_space<vmem>>
      %dma_wait3A_170 = tpu.memref_squeeze %dma_wait3A_169 : memref<1x16x2048xf32, #tpu.memory_space<vmem>> -> memref<16x2048xf32, #tpu.memory_space<vmem>>
      tpu.wait_dma2 semaphore(%run_scoped3A_154 : memref<!tpu.dma_semaphore, #tpu.memory_space<semaphore_mem>>) src(%arg3 : memref<16x2048xf32, #tpu.memory_space<hbm>>) dst(%dma_wait3A_170 : memref<16x2048xf32, #tpu.memory_space<vmem>>)
      tpu.yield
    }) : () -> ()
    %run_scoped3A_3 = arith.constant 1 : i32
    "tpu.region"() ({
      %run_scoped3A_154 = tpu.sem_alloc : memref<!tpu.dma_semaphore, #tpu.memory_space<semaphore_mem>>
      %dma_start3A_155 = arith.constant 0 : i32
      %dma_start3A_156 = arith.constant 0 : i32
      %dma_start3A_157 = tpu.memref_slice %arg6[%run_scoped3A_3, %dma_start3A_155, %dma_start3A_156] : memref<2x16x2048xf32, #tpu.memory_space<vmem>> -> memref<1x16x2048xf32, #tpu.memory_space<vmem>>
      %dma_start3A_158 = tpu.memref_squeeze %dma_start3A_157 : memref<1x16x2048xf32, #tpu.memory_space<vmem>> -> memref<16x2048xf32, #tpu.memory_space<vmem>>
      %dma_start3A_159 = arith.constant 0 : i32
      %dma_start3A_160 = arith.constant 0 : i32
      %dma_start3A_161 = tpu.memref_slice %arg6[%run_scoped3A_3, %dma_start3A_159, %dma_start3A_160] : memref<2x16x2048xf32, #tpu.memory_space<vmem>> -> memref<1x16x2048xf32, #tpu.memory_space<vmem>>
      %dma_start3A_162 = tpu.memref_squeeze %dma_start3A_161 : memref<1x16x2048xf32, #tpu.memory_space<vmem>> -> memref<16x2048xf32, #tpu.memory_space<vmem>>
      tpu.enqueue_dma source(%arg3 : memref<16x2048xf32, #tpu.memory_space<hbm>>) target(%dma_start3A_162 : memref<16x2048xf32, #tpu.memory_space<vmem>>) target_semaphore(%run_scoped3A_154 : memref<!tpu.dma_semaphore, #tpu.memory_space<semaphore_mem>>)
      %dma_wait3A_163 = arith.constant 0 : i32
      %dma_wait3A_164 = arith.constant 0 : i32
      %dma_wait3A_165 = tpu.memref_slice %arg6[%run_scoped3A_3, %dma_wait3A_163, %dma_wait3A_164] : memref<2x16x2048xf32, #tpu.memory_space<vmem>> -> memref<1x16x2048xf32, #tpu.memory_space<vmem>>
      %dma_wait3A_166 = tpu.memref_squeeze %dma_wait3A_165 : memref<1x16x2048xf32, #tpu.memory_space<vmem>> -> memref<16x2048xf32, #tpu.memory_space<vmem>>
      %dma_wait3A_167 = arith.constant 0 : i32
      %dma_wait3A_168 = arith.constant 0 : i32
      %dma_wait3A_169 = tpu.memref_slice %arg6[%run_scoped3A_3, %dma_wait3A_167, %dma_wait3A_168] : memref<2x16x2048xf32, #tpu.memory_space<vmem>> -> memref<1x16x2048xf32, #tpu.memory_space<vmem>>
      %dma_wait3A_170 = tpu.memref_squeeze %dma_wait3A_169 : memref<1x16x2048xf32, #tpu.memory_space<vmem>> -> memref<16x2048xf32, #tpu.memory_space<vmem>>
      tpu.wait_dma2 semaphore(%run_scoped3A_154 : memref<!tpu.dma_semaphore, #tpu.memory_space<semaphore_mem>>) src(%arg3 : memref<16x2048xf32, #tpu.memory_space<hbm>>) dst(%dma_wait3A_170 : memref<16x2048xf32, #tpu.memory_space<vmem>>)
      tpu.yield
    }) : () -> ()
    %iota3A = tpu.iota {dimensions = array<i32: 0>} : vector<16xi32>
    %eq3A = arith.constant 0 : i32
    %eq3A_4 = vector.broadcast %eq3A : i32 to vector<16xi32>
    %eq3A_5 = arith.cmpi eq, %iota3A, %eq3A_4 : vector<16xi32>
    %broadcast_in_dim3A = arith.constant 1.000000e+00 : f32
    %broadcast_in_dim3A_6 = vector.broadcast %broadcast_in_dim3A : f32 to vector<16xf32>
    %broadcast_in_dim3A_7 = arith.constant 0.000000e+00 : f32
    %broadcast_in_dim3A_8 = vector.broadcast %broadcast_in_dim3A_7 : f32 to vector<16xf32>
    %scan3A = arith.constant 0 : i32
    %scan3A_9 = arith.constant 0 : i32
    %scan3A_10 = arith.constant 16 : i32
    %scan3A_11 = arith.addi %scan3A_9, %scan3A_10 : i32
    %scan3A_12 = arith.constant 1 : i32
    scf.for %scan3A_154 = %scan3A_9 to %scan3A_11 step %scan3A_12  : i32 {
      %broadcast_in_dim3A_155 = vector.broadcast %scan3A_154 : i32 to vector<16xi32>
      %add3A_156 = arith.constant 0 : i32
      %add3A_157 = arith.addi %add3A_156, %scan3A_154 : i32
      %get3A = arith.index_cast %add3A_157 : i32 to index
      %get3A_158 = arith.constant 0 : index
      %get3A_159 = tpu.vector_load %arg5[%get3A, %get3A_158] {strides = array<i32>} : memref<64x48xi32, #tpu.memory_space<vmem>>, vector<16xi32>,
      %slice3A = vector.extract_strided_slice %get3A_159 {offsets = [0], sizes = [1], strides = [1]} : vector<16xi32> to vector<1xi32>
      %squeeze3A = vector.extract %slice3A[0] : i32 from vector<1xi32>
      %broadcast_in_dim3A_160 = vector.broadcast %squeeze3A : i32 to vector<16xi32>
      %scatter3A = arith.constant 0 : i32
      %scatter3A_161 = arith.constant 0 : i32
      %scatter3A_162 = arith.constant 0 : i32
      %scatter3A_163 = tpu.memref_slice %arg6[%scatter3A, %scatter3A_161, %scatter3A_162] : memref<2x16x2048xf32, #tpu.memory_space<vmem>> -> memref<1x16x2048xf32, #tpu.memory_space<vmem>>
      %scatter3A_164 = tpu.memref_squeeze %scatter3A_163 : memref<1x16x2048xf32, #tpu.memory_space<vmem>> -> memref<16x2048xf32, #tpu.memory_space<vmem>>
      tpu.vector_store_idx %scatter3A_164[%broadcast_in_dim3A_155, %broadcast_in_dim3A_160], %broadcast_in_dim3A_6 masked %eq3A_5 {add = true} : memref<16x2048xf32, #tpu.memory_space<vmem>>[vector<16xi32>, vector<16xi32>], vector<16xf32>, vector<16xi1>
      %slice3A_165 = vector.extract_strided_slice %get3A_159 {offsets = [1], sizes = [1], strides = [1]} : vector<16xi32> to vector<1xi32>
      %squeeze3A_166 = vector.extract %slice3A_165[0] : i32 from vector<1xi32>
      %broadcast_in_dim3A_167 = vector.broadcast %squeeze3A_166 : i32 to vector<16xi32>
      %scatter3A_168 = arith.constant 0 : i32
      %scatter3A_169 = arith.constant 0 : i32
      %scatter3A_170 = arith.constant 0 : i32
      %scatter3A_171 = tpu.memref_slice %arg6[%scatter3A_168, %scatter3A_169, %scatter3A_170] : memref<2x16x2048xf32, #tpu.memory_space<vmem>> -> memref<1x16x2048xf32, #tpu.memory_space<vmem>>
      %scatter3A_172 = tpu.memref_squeeze %scatter3A_171 : memref<1x16x2048xf32, #tpu.memory_space<vmem>> -> memref<16x2048xf32, #tpu.memory_space<vmem>>
      tpu.vector_store_idx %scatter3A_172[%broadcast_in_dim3A_155, %broadcast_in_dim3A_167], %broadcast_in_dim3A_6 masked %eq3A_5 {add = true} : memref<16x2048xf32, #tpu.memory_space<vmem>>[vector<16xi32>, vector<16xi32>], vector<16xf32>, vector<16xi1>
      %slice3A_173 = vector.extract_strided_slice %get3A_159 {offsets = [2], sizes = [1], strides = [1]} : vector<16xi32> to vector<1xi32>
      %squeeze3A_174 = vector.extract %slice3A_173[0] : i32 from vector<1xi32>
      %broadcast_in_dim3A_175 = vector.broadcast %squeeze3A_174 : i32 to vector<16xi32>
      %scatter3A_176 = arith.constant 0 : i32
      %scatter3A_177 = arith.constant 0 : i32
      %scatter3A_178 = arith.constant 0 : i32
      %scatter3A_179 = tpu.memref_slice %arg6[%scatter3A_176, %scatter3A_177, %scatter3A_178] : memref<2x16x2048xf32, #tpu.memory_space<vmem>> -> memref<1x16x2048xf32, #tpu.memory_space<vmem>>
      %scatter3A_180 = tpu.memref_squeeze %scatter3A_179 : memref<1x16x2048xf32, #tpu.memory_space<vmem>> -> memref<16x2048xf32, #tpu.memory_space<vmem>>
      tpu.vector_store_idx %scatter3A_180[%broadcast_in_dim3A_155, %broadcast_in_dim3A_175], %broadcast_in_dim3A_6 masked %eq3A_5 {add = true} : memref<16x2048xf32, #tpu.memory_space<vmem>>[vector<16xi32>, vector<16xi32>], vector<16xf32>, vector<16xi1>
      %slice3A_181 = vector.extract_strided_slice %get3A_159 {offsets = [3], sizes = [1], strides = [1]} : vector<16xi32> to vector<1xi32>
      %squeeze3A_182 = vector.extract %slice3A_181[0] : i32 from vector<1xi32>
      %broadcast_in_dim3A_183 = vector.broadcast %squeeze3A_182 : i32 to vector<16xi32>
      %scatter3A_184 = arith.constant 0 : i32
      %scatter3A_185 = arith.constant 0 : i32
      %scatter3A_186 = arith.constant 0 : i32
      %scatter3A_187 = tpu.memref_slice %arg6[%scatter3A_184, %scatter3A_185, %scatter3A_186] : memref<2x16x2048xf32, #tpu.memory_space<vmem>> -> memref<1x16x2048xf32, #tpu.memory_space<vmem>>
      %scatter3A_188 = tpu.memref_squeeze %scatter3A_187 : memref<1x16x2048xf32, #tpu.memory_space<vmem>> -> memref<16x2048xf32, #tpu.memory_space<vmem>>
      tpu.vector_store_idx %scatter3A_188[%broadcast_in_dim3A_155, %broadcast_in_dim3A_183], %broadcast_in_dim3A_6 masked %eq3A_5 {add = true} : memref<16x2048xf32, #tpu.memory_space<vmem>>[vector<16xi32>, vector<16xi32>], vector<16xf32>, vector<16xi1>
      %slice3A_189 = vector.extract_strided_slice %get3A_159 {offsets = [4], sizes = [1], strides = [1]} : vector<16xi32> to vector<1xi32>
      %squeeze3A_190 = vector.extract %slice3A_189[0] : i32 from vector<1xi32>
      %broadcast_in_dim3A_191 = vector.broadcast %squeeze3A_190 : i32 to vector<16xi32>
      %scatter3A_192 = arith.constant 0 : i32
      %scatter3A_193 = arith.constant 0 : i32
      %scatter3A_194 = arith.constant 0 : i32
      %scatter3A_195 = tpu.memref_slice %arg6[%scatter3A_192, %scatter3A_193, %scatter3A_194] : memref<2x16x2048xf32, #tpu.memory_space<vmem>> -> memref<1x16x2048xf32, #tpu.memory_space<vmem>>
      %scatter3A_196 = tpu.memref_squeeze %scatter3A_195 : memref<1x16x2048xf32, #tpu.memory_space<vmem>> -> memref<16x2048xf32, #tpu.memory_space<vmem>>
      tpu.vector_store_idx %scatter3A_196[%broadcast_in_dim3A_155, %broadcast_in_dim3A_191], %broadcast_in_dim3A_6 masked %eq3A_5 {add = true} : memref<16x2048xf32, #tpu.memory_space<vmem>>[vector<16xi32>, vector<16xi32>], vector<16xf32>, vector<16xi1>
      %slice3A_197 = vector.extract_strided_slice %get3A_159 {offsets = [5], sizes = [1], strides = [1]} : vector<16xi32> to vector<1xi32>
      %squeeze3A_198 = vector.extract %slice3A_197[0] : i32 from vector<1xi32>
      %broadcast_in_dim3A_199 = vector.broadcast %squeeze3A_198 : i32 to vector<16xi32>
      %scatter3A_200 = arith.constant 0 : i32
      %scatter3A_201 = arith.constant 0 : i32
      %scatter3A_202 = arith.constant 0 : i32
      %scatter3A_203 = tpu.memref_slice %arg6[%scatter3A_200, %scatter3A_201, %scatter3A_202] : memref<2x16x2048xf32, #tpu.memory_space<vmem>> -> memref<1x16x2048xf32, #tpu.memory_space<vmem>>
      %scatter3A_204 = tpu.memref_squeeze %scatter3A_203 : memref<1x16x2048xf32, #tpu.memory_space<vmem>> -> memref<16x2048xf32, #tpu.memory_space<vmem>>
      tpu.vector_store_idx %scatter3A_204[%broadcast_in_dim3A_155, %broadcast_in_dim3A_199], %broadcast_in_dim3A_6 masked %eq3A_5 {add = true} : memref<16x2048xf32, #tpu.memory_space<vmem>>[vector<16xi32>, vector<16xi32>], vector<16xf32>, vector<16xi1>
      %slice3A_205 = vector.extract_strided_slice %get3A_159 {offsets = [6], sizes = [1], strides = [1]} : vector<16xi32> to vector<1xi32>
      %squeeze3A_206 = vector.extract %slice3A_205[0] : i32 from vector<1xi32>
      %broadcast_in_dim3A_207 = vector.broadcast %squeeze3A_206 : i32 to vector<16xi32>
      %scatter3A_208 = arith.constant 0 : i32
      %scatter3A_209 = arith.constant 0 : i32
      %scatter3A_210 = arith.constant 0 : i32
      %scatter3A_211 = tpu.memref_slice %arg6[%scatter3A_208, %scatter3A_209, %scatter3A_210] : memref<2x16x2048xf32, #tpu.memory_space<vmem>> -> memref<1x16x2048xf32, #tpu.memory_space<vmem>>
      %scatter3A_212 = tpu.memref_squeeze %scatter3A_211 : memref<1x16x2048xf32, #tpu.memory_space<vmem>> -> memref<16x2048xf32, #tpu.memory_space<vmem>>
      tpu.vector_store_idx %scatter3A_212[%broadcast_in_dim3A_155, %broadcast_in_dim3A_207], %broadcast_in_dim3A_6 masked %eq3A_5 {add = true} : memref<16x2048xf32, #tpu.memory_space<vmem>>[vector<16xi32>, vector<16xi32>], vector<16xf32>, vector<16xi1>
      %slice3A_213 = vector.extract_strided_slice %get3A_159 {offsets = [7], sizes = [1], strides = [1]} : vector<16xi32> to vector<1xi32>
      %squeeze3A_214 = vector.extract %slice3A_213[0] : i32 from vector<1xi32>
      %broadcast_in_dim3A_215 = vector.broadcast %squeeze3A_214 : i32 to vector<16xi32>
      %scatter3A_216 = arith.constant 0 : i32
      %scatter3A_217 = arith.constant 0 : i32
      %scatter3A_218 = arith.constant 0 : i32
      %scatter3A_219 = tpu.memref_slice %arg6[%scatter3A_216, %scatter3A_217, %scatter3A_218] : memref<2x16x2048xf32, #tpu.memory_space<vmem>> -> memref<1x16x2048xf32, #tpu.memory_space<vmem>>
      %scatter3A_220 = tpu.memref_squeeze %scatter3A_219 : memref<1x16x2048xf32, #tpu.memory_space<vmem>> -> memref<16x2048xf32, #tpu.memory_space<vmem>>
      tpu.vector_store_idx %scatter3A_220[%broadcast_in_dim3A_155, %broadcast_in_dim3A_215], %broadcast_in_dim3A_6 masked %eq3A_5 {add = true} : memref<16x2048xf32, #tpu.memory_space<vmem>>[vector<16xi32>, vector<16xi32>], vector<16xf32>, vector<16xi1>
      %slice3A_221 = vector.extract_strided_slice %get3A_159 {offsets = [8], sizes = [1], strides = [1]} : vector<16xi32> to vector<1xi32>
      %squeeze3A_222 = vector.extract %slice3A_221[0] : i32 from vector<1xi32>
      %broadcast_in_dim3A_223 = vector.broadcast %squeeze3A_222 : i32 to vector<16xi32>
      %scatter3A_224 = arith.constant 0 : i32
      %scatter3A_225 = arith.constant 0 : i32
      %scatter3A_226 = arith.constant 0 : i32
      %scatter3A_227 = tpu.memref_slice %arg6[%scatter3A_224, %scatter3A_225, %scatter3A_226] : memref<2x16x2048xf32, #tpu.memory_space<vmem>> -> memref<1x16x2048xf32, #tpu.memory_space<vmem>>
      %scatter3A_228 = tpu.memref_squeeze %scatter3A_227 : memref<1x16x2048xf32, #tpu.memory_space<vmem>> -> memref<16x2048xf32, #tpu.memory_space<vmem>>
      tpu.vector_store_idx %scatter3A_228[%broadcast_in_dim3A_155, %broadcast_in_dim3A_223], %broadcast_in_dim3A_6 masked %eq3A_5 {add = true} : memref<16x2048xf32, #tpu.memory_space<vmem>>[vector<16xi32>, vector<16xi32>], vector<16xf32>, vector<16xi1>
      %slice3A_229 = vector.extract_strided_slice %get3A_159 {offsets = [9], sizes = [1], strides = [1]} : vector<16xi32> to vector<1xi32>
      %squeeze3A_230 = vector.extract %slice3A_229[0] : i32 from vector<1xi32>
      %broadcast_in_dim3A_231 = vector.broadcast %squeeze3A_230 : i32 to vector<16xi32>
      %scatter3A_232 = arith.constant 0 : i32
      %scatter3A_233 = arith.constant 0 : i32
      %scatter3A_234 = arith.constant 0 : i32
      %scatter3A_235 = tpu.memref_slice %arg6[%scatter3A_232, %scatter3A_233, %scatter3A_234] : memref<2x16x2048xf32, #tpu.memory_space<vmem>> -> memref<1x16x2048xf32, #tpu.memory_space<vmem>>
      %scatter3A_236 = tpu.memref_squeeze %scatter3A_235 : memref<1x16x2048xf32, #tpu.memory_space<vmem>> -> memref<16x2048xf32, #tpu.memory_space<vmem>>
      tpu.vector_store_idx %scatter3A_236[%broadcast_in_dim3A_155, %broadcast_in_dim3A_231], %broadcast_in_dim3A_6 masked %eq3A_5 {add = true} : memref<16x2048xf32, #tpu.memory_space<vmem>>[vector<16xi32>, vector<16xi32>], vector<16xf32>, vector<16xi1>
      %slice3A_237 = vector.extract_strided_slice %get3A_159 {offsets = [10], sizes = [1], strides = [1]} : vector<16xi32> to vector<1xi32>
      %squeeze3A_238 = vector.extract %slice3A_237[0] : i32 from vector<1xi32>
      %broadcast_in_dim3A_239 = vector.broadcast %squeeze3A_238 : i32 to vector<16xi32>
      %scatter3A_240 = arith.constant 0 : i32
      %scatter3A_241 = arith.constant 0 : i32
      %scatter3A_242 = arith.constant 0 : i32
      %scatter3A_243 = tpu.memref_slice %arg6[%scatter3A_240, %scatter3A_241, %scatter3A_242] : memref<2x16x2048xf32, #tpu.memory_space<vmem>> -> memref<1x16x2048xf32, #tpu.memory_space<vmem>>
      %scatter3A_244 = tpu.memref_squeeze %scatter3A_243 : memref<1x16x2048xf32, #tpu.memory_space<vmem>> -> memref<16x2048xf32, #tpu.memory_space<vmem>>
      tpu.vector_store_idx %scatter3A_244[%broadcast_in_dim3A_155, %broadcast_in_dim3A_239], %broadcast_in_dim3A_6 masked %eq3A_5 {add = true} : memref<16x2048xf32, #tpu.memory_space<vmem>>[vector<16xi32>, vector<16xi32>], vector<16xf32>, vector<16xi1>
      %slice3A_245 = vector.extract_strided_slice %get3A_159 {offsets = [11], sizes = [1], strides = [1]} : vector<16xi32> to vector<1xi32>
      %squeeze3A_246 = vector.extract %slice3A_245[0] : i32 from vector<1xi32>
      %broadcast_in_dim3A_247 = vector.broadcast %squeeze3A_246 : i32 to vector<16xi32>
      %scatter3A_248 = arith.constant 0 : i32
      %scatter3A_249 = arith.constant 0 : i32
      %scatter3A_250 = arith.constant 0 : i32
      %scatter3A_251 = tpu.memref_slice %arg6[%scatter3A_248, %scatter3A_249, %scatter3A_250] : memref<2x16x2048xf32, #tpu.memory_space<vmem>> -> memref<1x16x2048xf32, #tpu.memory_space<vmem>>
      %scatter3A_252 = tpu.memref_squeeze %scatter3A_251 : memref<1x16x2048xf32, #tpu.memory_space<vmem>> -> memref<16x2048xf32, #tpu.memory_space<vmem>>
      tpu.vector_store_idx %scatter3A_252[%broadcast_in_dim3A_155, %broadcast_in_dim3A_247], %broadcast_in_dim3A_6 masked %eq3A_5 {add = true} : memref<16x2048xf32, #tpu.memory_space<vmem>>[vector<16xi32>, vector<16xi32>], vector<16xf32>, vector<16xi1>
      %slice3A_253 = vector.extract_strided_slice %get3A_159 {offsets = [12], sizes = [1], strides = [1]} : vector<16xi32> to vector<1xi32>
      %squeeze3A_254 = vector.extract %slice3A_253[0] : i32 from vector<1xi32>
      %broadcast_in_dim3A_255 = vector.broadcast %squeeze3A_254 : i32 to vector<16xi32>
      %scatter3A_256 = arith.constant 0 : i32
      %scatter3A_257 = arith.constant 0 : i32
      %scatter3A_258 = arith.constant 0 : i32
      %scatter3A_259 = tpu.memref_slice %arg6[%scatter3A_256, %scatter3A_257, %scatter3A_258] : memref<2x16x2048xf32, #tpu.memory_space<vmem>> -> memref<1x16x2048xf32, #tpu.memory_space<vmem>>
      %scatter3A_260 = tpu.memref_squeeze %scatter3A_259 : memref<1x16x2048xf32, #tpu.memory_space<vmem>> -> memref<16x2048xf32, #tpu.memory_space<vmem>>
      tpu.vector_store_idx %scatter3A_260[%broadcast_in_dim3A_155, %broadcast_in_dim3A_255], %broadcast_in_dim3A_6 masked %eq3A_5 {add = true} : memref<16x2048xf32, #tpu.memory_space<vmem>>[vector<16xi32>, vector<16xi32>], vector<16xf32>, vector<16xi1>
      %slice3A_261 = vector.extract_strided_slice %get3A_159 {offsets = [13], sizes = [1], strides = [1]} : vector<16xi32> to vector<1xi32>
      %squeeze3A_262 = vector.extract %slice3A_261[0] : i32 from vector<1xi32>
      %broadcast_in_dim3A_263 = vector.broadcast %squeeze3A_262 : i32 to vector<16xi32>
      %scatter3A_264 = arith.constant 0 : i32
      %scatter3A_265 = arith.constant 0 : i32
      %scatter3A_266 = arith.constant 0 : i32
      %scatter3A_267 = tpu.memref_slice %arg6[%scatter3A_264, %scatter3A_265, %scatter3A_266] : memref<2x16x2048xf32, #tpu.memory_space<vmem>> -> memref<1x16x2048xf32, #tpu.memory_space<vmem>>
      %scatter3A_268 = tpu.memref_squeeze %scatter3A_267 : memref<1x16x2048xf32, #tpu.memory_space<vmem>> -> memref<16x2048xf32, #tpu.memory_space<vmem>>
      tpu.vector_store_idx %scatter3A_268[%broadcast_in_dim3A_155, %broadcast_in_dim3A_263], %broadcast_in_dim3A_6 masked %eq3A_5 {add = true} : memref<16x2048xf32, #tpu.memory_space<vmem>>[vector<16xi32>, vector<16xi32>], vector<16xf32>, vector<16xi1>
      %slice3A_269 = vector.extract_strided_slice %get3A_159 {offsets = [14], sizes = [1], strides = [1]} : vector<16xi32> to vector<1xi32>
      %squeeze3A_270 = vector.extract %slice3A_269[0] : i32 from vector<1xi32>
      %broadcast_in_dim3A_271 = vector.broadcast %squeeze3A_270 : i32 to vector<16xi32>
      %scatter3A_272 = arith.constant 0 : i32
      %scatter3A_273 = arith.constant 0 : i32
      %scatter3A_274 = arith.constant 0 : i32
      %scatter3A_275 = tpu.memref_slice %arg6[%scatter3A_272, %scatter3A_273, %scatter3A_274] : memref<2x16x2048xf32, #tpu.memory_space<vmem>> -> memref<1x16x2048xf32, #tpu.memory_space<vmem>>
      %scatter3A_276 = tpu.memref_squeeze %scatter3A_275 : memref<1x16x2048xf32, #tpu.memory_space<vmem>> -> memref<16x2048xf32, #tpu.memory_space<vmem>>
      tpu.vector_store_idx %scatter3A_276[%broadcast_in_dim3A_155, %broadcast_in_dim3A_271], %broadcast_in_dim3A_6 masked %eq3A_5 {add = true} : memref<16x2048xf32, #tpu.memory_space<vmem>>[vector<16xi32>, vector<16xi32>], vector<16xf32>, vector<16xi1>
      %slice3A_277 = vector.extract_strided_slice %get3A_159 {offsets = [15], sizes = [1], strides = [1]} : vector<16xi32> to vector<1xi32>
      %squeeze3A_278 = vector.extract %slice3A_277[0] : i32 from vector<1xi32>
      %broadcast_in_dim3A_279 = vector.broadcast %squeeze3A_278 : i32 to vector<16xi32>
      %scatter3A_280 = arith.constant 0 : i32
      %scatter3A_281 = arith.constant 0 : i32
      %scatter3A_282 = arith.constant 0 : i32
      %scatter3A_283 = tpu.memref_slice %arg6[%scatter3A_280, %scatter3A_281, %scatter3A_282] : memref<2x16x2048xf32, #tpu.memory_space<vmem>> -> memref<1x16x2048xf32, #tpu.memory_space<vmem>>
      %scatter3A_284 = tpu.memref_squeeze %scatter3A_283 : memref<1x16x2048xf32, #tpu.memory_space<vmem>> -> memref<16x2048xf32, #tpu.memory_space<vmem>>
      tpu.vector_store_idx %scatter3A_284[%broadcast_in_dim3A_155, %broadcast_in_dim3A_279], %broadcast_in_dim3A_6 masked %eq3A_5 {add = true} : memref<16x2048xf32, #tpu.memory_space<vmem>>[vector<16xi32>, vector<16xi32>], vector<16xf32>, vector<16xi1>
      %add3A_285 = arith.constant 0 : i32
      %add3A_286 = arith.addi %add3A_285, %scan3A_154 : i32
      %get3A_287 = arith.index_cast %add3A_286 : i32 to index
      %get3A_288 = arith.constant 16 : index
      %get3A_289 = tpu.vector_load %arg5[%get3A_287, %get3A_288] {strides = array<i32>} : memref<64x48xi32, #tpu.memory_space<vmem>>, vector<16xi32>,
      %slice3A_290 = vector.extract_strided_slice %get3A_289 {offsets = [0], sizes = [1], strides = [1]} : vector<16xi32> to vector<1xi32>
      %squeeze3A_291 = vector.extract %slice3A_290[0] : i32 from vector<1xi32>
      %broadcast_in_dim3A_292 = vector.broadcast %squeeze3A_291 : i32 to vector<16xi32>
      %scatter3A_293 = arith.constant 0 : i32
      %scatter3A_294 = arith.constant 0 : i32
      %scatter3A_295 = arith.constant 0 : i32
      %scatter3A_296 = tpu.memref_slice %arg6[%scatter3A_293, %scatter3A_294, %scatter3A_295] : memref<2x16x2048xf32, #tpu.memory_space<vmem>> -> memref<1x16x2048xf32, #tpu.memory_space<vmem>>
      %scatter3A_297 = tpu.memref_squeeze %scatter3A_296 : memref<1x16x2048xf32, #tpu.memory_space<vmem>> -> memref<16x2048xf32, #tpu.memory_space<vmem>>
      tpu.vector_store_idx %scatter3A_297[%broadcast_in_dim3A_155, %broadcast_in_dim3A_292], %broadcast_in_dim3A_6 masked %eq3A_5 {add = true} : memref<16x2048xf32, #tpu.memory_space<vmem>>[vector<16xi32>, vector<16xi32>], vector<16xf32>, vector<16xi1>
      %slice3A_298 = vector.extract_strided_slice %get3A_289 {offsets = [1], sizes = [1], strides = [1]} : vector<16xi32> to vector<1xi32>
      %squeeze3A_299 = vector.extract %slice3A_298[0] : i32 from vector<1xi32>
      %broadcast_in_dim3A_300 = vector.broadcast %squeeze3A_299 : i32 to vector<16xi32>
      %scatter3A_301 = arith.constant 0 : i32
      %scatter3A_302 = arith.constant 0 : i32
      %scatter3A_303 = arith.constant 0 : i32
      %scatter3A_304 = tpu.memref_slice %arg6[%scatter3A_301, %scatter3A_302, %scatter3A_303] : memref<2x16x2048xf32, #tpu.memory_space<vmem>> -> memref<1x16x2048xf32, #tpu.memory_space<vmem>>
      %scatter3A_305 = tpu.memref_squeeze %scatter3A_304 : memref<1x16x2048xf32, #tpu.memory_space<vmem>> -> memref<16x2048xf32, #tpu.memory_space<vmem>>
      tpu.vector_store_idx %scatter3A_305[%broadcast_in_dim3A_155, %broadcast_in_dim3A_300], %broadcast_in_dim3A_6 masked %eq3A_5 {add = true} : memref<16x2048xf32, #tpu.memory_space<vmem>>[vector<16xi32>, vector<16xi32>], vector<16xf32>, vector<16xi1>
      %slice3A_306 = vector.extract_strided_slice %get3A_289 {offsets = [2], sizes = [1], strides = [1]} : vector<16xi32> to vector<1xi32>
      %squeeze3A_307 = vector.extract %slice3A_306[0] : i32 from vector<1xi32>
      %broadcast_in_dim3A_308 = vector.broadcast %squeeze3A_307 : i32 to vector<16xi32>
      %scatter3A_309 = arith.constant 0 : i32
      %scatter3A_310 = arith.constant 0 : i32
      %scatter3A_311 = arith.constant 0 : i32
      %scatter3A_312 = tpu.memref_slice %arg6[%scatter3A_309, %scatter3A_310, %scatter3A_311] : memref<2x16x2048xf32, #tpu.memory_space<vmem>> -> memref<1x16x2048xf32, #tpu.memory_space<vmem>>
      %scatter3A_313 = tpu.memref_squeeze %scatter3A_312 : memref<1x16x2048xf32, #tpu.memory_space<vmem>> -> memref<16x2048xf32, #tpu.memory_space<vmem>>
      tpu.vector_store_idx %scatter3A_313[%broadcast_in_dim3A_155, %broadcast_in_dim3A_308], %broadcast_in_dim3A_6 masked %eq3A_5 {add = true} : memref<16x2048xf32, #tpu.memory_space<vmem>>[vector<16xi32>, vector<16xi32>], vector<16xf32>, vector<16xi1>
      %slice3A_314 = vector.extract_strided_slice %get3A_289 {offsets = [3], sizes = [1], strides = [1]} : vector<16xi32> to vector<1xi32>
      %squeeze3A_315 = vector.extract %slice3A_314[0] : i32 from vector<1xi32>
      %broadcast_in_dim3A_316 = vector.broadcast %squeeze3A_315 : i32 to vector<16xi32>
      %scatter3A_317 = arith.constant 0 : i32
      %scatter3A_318 = arith.constant 0 : i32
      %scatter3A_319 = arith.constant 0 : i32
      %scatter3A_320 = tpu.memref_slice %arg6[%scatter3A_317, %scatter3A_318, %scatter3A_319] : memref<2x16x2048xf32, #tpu.memory_space<vmem>> -> memref<1x16x2048xf32, #tpu.memory_space<vmem>>
      %scatter3A_321 = tpu.memref_squeeze %scatter3A_320 : memref<1x16x2048xf32, #tpu.memory_space<vmem>> -> memref<16x2048xf32, #tpu.memory_space<vmem>>
      tpu.vector_store_idx %scatter3A_321[%broadcast_in_dim3A_155, %broadcast_in_dim3A_316], %broadcast_in_dim3A_6 masked %eq3A_5 {add = true} : memref<16x2048xf32, #tpu.memory_space<vmem>>[vector<16xi32>, vector<16xi32>], vector<16xf32>, vector<16xi1>
      %slice3A_322 = vector.extract_strided_slice %get3A_289 {offsets = [4], sizes = [1], strides = [1]} : vector<16xi32> to vector<1xi32>
      %squeeze3A_323 = vector.extract %slice3A_322[0] : i32 from vector<1xi32>
      %broadcast_in_dim3A_324 = vector.broadcast %squeeze3A_323 : i32 to vector<16xi32>
      %scatter3A_325 = arith.constant 0 : i32
      %scatter3A_326 = arith.constant 0 : i32
      %scatter3A_327 = arith.constant 0 : i32
      %scatter3A_328 = tpu.memref_slice %arg6[%scatter3A_325, %scatter3A_326, %scatter3A_327] : memref<2x16x2048xf32, #tpu.memory_space<vmem>> -> memref<1x16x2048xf32, #tpu.memory_space<vmem>>
      %scatter3A_329 = tpu.memref_squeeze %scatter3A_328 : memref<1x16x2048xf32, #tpu.memory_space<vmem>> -> memref<16x2048xf32, #tpu.memory_space<vmem>>
      tpu.vector_store_idx %scatter3A_329[%broadcast_in_dim3A_155, %broadcast_in_dim3A_324], %broadcast_in_dim3A_6 masked %eq3A_5 {add = true} : memref<16x2048xf32, #tpu.memory_space<vmem>>[vector<16xi32>, vector<16xi32>], vector<16xf32>, vector<16xi1>
      %slice3A_330 = vector.extract_strided_slice %get3A_289 {offsets = [5], sizes = [1], strides = [1]} : vector<16xi32> to vector<1xi32>
      %squeeze3A_331 = vector.extract %slice3A_330[0] : i32 from vector<1xi32>
      %broadcast_in_dim3A_332 = vector.broadcast %squeeze3A_331 : i32 to vector<16xi32>
      %scatter3A_333 = arith.constant 0 : i32
      %scatter3A_334 = arith.constant 0 : i32
      %scatter3A_335 = arith.constant 0 : i32
      %scatter3A_336 = tpu.memref_slice %arg6[%scatter3A_333, %scatter3A_334, %scatter3A_335] : memref<2x16x2048xf32, #tpu.memory_space<vmem>> -> memref<1x16x2048xf32, #tpu.memory_space<vmem>>
      %scatter3A_337 = tpu.memref_squeeze %scatter3A_336 : memref<1x16x2048xf32, #tpu.memory_space<vmem>> -> memref<16x2048xf32, #tpu.memory_space<vmem>>
      tpu.vector_store_idx %scatter3A_337[%broadcast_in_dim3A_155, %broadcast_in_dim3A_332], %broadcast_in_dim3A_6 masked %eq3A_5 {add = true} : memref<16x2048xf32, #tpu.memory_space<vmem>>[vector<16xi32>, vector<16xi32>], vector<16xf32>, vector<16xi1>
      %slice3A_338 = vector.extract_strided_slice %get3A_289 {offsets = [6], sizes = [1], strides = [1]} : vector<16xi32> to vector<1xi32>
      %squeeze3A_339 = vector.extract %slice3A_338[0] : i32 from vector<1xi32>
      %broadcast_in_dim3A_340 = vector.broadcast %squeeze3A_339 : i32 to vector<16xi32>
      %scatter3A_341 = arith.constant 0 : i32
      %scatter3A_342 = arith.constant 0 : i32
      %scatter3A_343 = arith.constant 0 : i32
      %scatter3A_344 = tpu.memref_slice %arg6[%scatter3A_341, %scatter3A_342, %scatter3A_343] : memref<2x16x2048xf32, #tpu.memory_space<vmem>> -> memref<1x16x2048xf32, #tpu.memory_space<vmem>>
      %scatter3A_345 = tpu.memref_squeeze %scatter3A_344 : memref<1x16x2048xf32, #tpu.memory_space<vmem>> -> memref<16x2048xf32, #tpu.memory_space<vmem>>
      tpu.vector_store_idx %scatter3A_345[%broadcast_in_dim3A_155, %broadcast_in_dim3A_340], %broadcast_in_dim3A_6 masked %eq3A_5 {add = true} : memref<16x2048xf32, #tpu.memory_space<vmem>>[vector<16xi32>, vector<16xi32>], vector<16xf32>, vector<16xi1>
      %slice3A_346 = vector.extract_strided_slice %get3A_289 {offsets = [7], sizes = [1], strides = [1]} : vector<16xi32> to vector<1xi32>
      %squeeze3A_347 = vector.extract %slice3A_346[0] : i32 from vector<1xi32>
      %broadcast_in_dim3A_348 = vector.broadcast %squeeze3A_347 : i32 to vector<16xi32>
      %scatter3A_349 = arith.constant 0 : i32
      %scatter3A_350 = arith.constant 0 : i32
      %scatter3A_351 = arith.constant 0 : i32
      %scatter3A_352 = tpu.memref_slice %arg6[%scatter3A_349, %scatter3A_350, %scatter3A_351] : memref<2x16x2048xf32, #tpu.memory_space<vmem>> -> memref<1x16x2048xf32, #tpu.memory_space<vmem>>
      %scatter3A_353 = tpu.memref_squeeze %scatter3A_352 : memref<1x16x2048xf32, #tpu.memory_space<vmem>> -> memref<16x2048xf32, #tpu.memory_space<vmem>>
      tpu.vector_store_idx %scatter3A_353[%broadcast_in_dim3A_155, %broadcast_in_dim3A_348], %broadcast_in_dim3A_6 masked %eq3A_5 {add = true} : memref<16x2048xf32, #tpu.memory_space<vmem>>[vector<16xi32>, vector<16xi32>], vector<16xf32>, vector<16xi1>
      %slice3A_354 = vector.extract_strided_slice %get3A_289 {offsets = [8], sizes = [1], strides = [1]} : vector<16xi32> to vector<1xi32>
      %squeeze3A_355 = vector.extract %slice3A_354[0] : i32 from vector<1xi32>
      %broadcast_in_dim3A_356 = vector.broadcast %squeeze3A_355 : i32 to vector<16xi32>
      %scatter3A_357 = arith.constant 0 : i32
      %scatter3A_358 = arith.constant 0 : i32
      %scatter3A_359 = arith.constant 0 : i32
      %scatter3A_360 = tpu.memref_slice %arg6[%scatter3A_357, %scatter3A_358, %scatter3A_359] : memref<2x16x2048xf32, #tpu.memory_space<vmem>> -> memref<1x16x2048xf32, #tpu.memory_space<vmem>>
      %scatter3A_361 = tpu.memref_squeeze %scatter3A_360 : memref<1x16x2048xf32, #tpu.memory_space<vmem>> -> memref<16x2048xf32, #tpu.memory_space<vmem>>
      tpu.vector_store_idx %scatter3A_361[%broadcast_in_dim3A_155, %broadcast_in_dim3A_356], %broadcast_in_dim3A_6 masked %eq3A_5 {add = true} : memref<16x2048xf32, #tpu.memory_space<vmem>>[vector<16xi32>, vector<16xi32>], vector<16xf32>, vector<16xi1>
      %slice3A_362 = vector.extract_strided_slice %get3A_289 {offsets = [9], sizes = [1], strides = [1]} : vector<16xi32> to vector<1xi32>
      %squeeze3A_363 = vector.extract %slice3A_362[0] : i32 from vector<1xi32>
      %broadcast_in_dim3A_364 = vector.broadcast %squeeze3A_363 : i32 to vector<16xi32>
      %scatter3A_365 = arith.constant 0 : i32
      %scatter3A_366 = arith.constant 0 : i32
      %scatter3A_367 = arith.constant 0 : i32
      %scatter3A_368 = tpu.memref_slice %arg6[%scatter3A_365, %scatter3A_366, %scatter3A_367] : memref<2x16x2048xf32, #tpu.memory_space<vmem>> -> memref<1x16x2048xf32, #tpu.memory_space<vmem>>
      %scatter3A_369 = tpu.memref_squeeze %scatter3A_368 : memref<1x16x2048xf32, #tpu.memory_space<vmem>> -> memref<16x2048xf32, #tpu.memory_space<vmem>>
      tpu.vector_store_idx %scatter3A_369[%broadcast_in_dim3A_155, %broadcast_in_dim3A_364], %broadcast_in_dim3A_6 masked %eq3A_5 {add = true} : memref<16x2048xf32, #tpu.memory_space<vmem>>[vector<16xi32>, vector<16xi32>], vector<16xf32>, vector<16xi1>
      %slice3A_370 = vector.extract_strided_slice %get3A_289 {offsets = [10], sizes = [1], strides = [1]} : vector<16xi32> to vector<1xi32>
      %squeeze3A_371 = vector.extract %slice3A_370[0] : i32 from vector<1xi32>
      %broadcast_in_dim3A_372 = vector.broadcast %squeeze3A_371 : i32 to vector<16xi32>
      %scatter3A_373 = arith.constant 0 : i32
      %scatter3A_374 = arith.constant 0 : i32
      %scatter3A_375 = arith.constant 0 : i32
      %scatter3A_376 = tpu.memref_slice %arg6[%scatter3A_373, %scatter3A_374, %scatter3A_375] : memref<2x16x2048xf32, #tpu.memory_space<vmem>> -> memref<1x16x2048xf32, #tpu.memory_space<vmem>>
      %scatter3A_377 = tpu.memref_squeeze %scatter3A_376 : memref<1x16x2048xf32, #tpu.memory_space<vmem>> -> memref<16x2048xf32, #tpu.memory_space<vmem>>
      tpu.vector_store_idx %scatter3A_377[%broadcast_in_dim3A_155, %broadcast_in_dim3A_372], %broadcast_in_dim3A_6 masked %eq3A_5 {add = true} : memref<16x2048xf32, #tpu.memory_space<vmem>>[vector<16xi32>, vector<16xi32>], vector<16xf32>, vector<16xi1>
      %slice3A_378 = vector.extract_strided_slice %get3A_289 {offsets = [11], sizes = [1], strides = [1]} : vector<16xi32> to vector<1xi32>
      %squeeze3A_379 = vector.extract %slice3A_378[0] : i32 from vector<1xi32>
      %broadcast_in_dim3A_380 = vector.broadcast %squeeze3A_379 : i32 to vector<16xi32>
      %scatter3A_381 = arith.constant 0 : i32
      %scatter3A_382 = arith.constant 0 : i32
      %scatter3A_383 = arith.constant 0 : i32
      %scatter3A_384 = tpu.memref_slice %arg6[%scatter3A_381, %scatter3A_382, %scatter3A_383] : memref<2x16x2048xf32, #tpu.memory_space<vmem>> -> memref<1x16x2048xf32, #tpu.memory_space<vmem>>
      %scatter3A_385 = tpu.memref_squeeze %scatter3A_384 : memref<1x16x2048xf32, #tpu.memory_space<vmem>> -> memref<16x2048xf32, #tpu.memory_space<vmem>>
      tpu.vector_store_idx %scatter3A_385[%broadcast_in_dim3A_155, %broadcast_in_dim3A_380], %broadcast_in_dim3A_6 masked %eq3A_5 {add = true} : memref<16x2048xf32, #tpu.memory_space<vmem>>[vector<16xi32>, vector<16xi32>], vector<16xf32>, vector<16xi1>
      %slice3A_386 = vector.extract_strided_slice %get3A_289 {offsets = [12], sizes = [1], strides = [1]} : vector<16xi32> to vector<1xi32>
      %squeeze3A_387 = vector.extract %slice3A_386[0] : i32 from vector<1xi32>
      %broadcast_in_dim3A_388 = vector.broadcast %squeeze3A_387 : i32 to vector<16xi32>
      %scatter3A_389 = arith.constant 0 : i32
      %scatter3A_390 = arith.constant 0 : i32
      %scatter3A_391 = arith.constant 0 : i32
      %scatter3A_392 = tpu.memref_slice %arg6[%scatter3A_389, %scatter3A_390, %scatter3A_391] : memref<2x16x2048xf32, #tpu.memory_space<vmem>> -> memref<1x16x2048xf32, #tpu.memory_space<vmem>>
      %scatter3A_393 = tpu.memref_squeeze %scatter3A_392 : memref<1x16x2048xf32, #tpu.memory_space<vmem>> -> memref<16x2048xf32, #tpu.memory_space<vmem>>
      tpu.vector_store_idx %scatter3A_393[%broadcast_in_dim3A_155, %broadcast_in_dim3A_388], %broadcast_in_dim3A_6 masked %eq3A_5 {add = true} : memref<16x2048xf32, #tpu.memory_space<vmem>>[vector<16xi32>, vector<16xi32>], vector<16xf32>, vector<16xi1>
      %slice3A_394 = vector.extract_strided_slice %get3A_289 {offsets = [13], sizes = [1], strides = [1]} : vector<16xi32> to vector<1xi32>
      %squeeze3A_395 = vector.extract %slice3A_394[0] : i32 from vector<1xi32>
      %broadcast_in_dim3A_396 = vector.broadcast %squeeze3A_395 : i32 to vector<16xi32>
      %scatter3A_397 = arith.constant 0 : i32
      %scatter3A_398 = arith.constant 0 : i32
      %scatter3A_399 = arith.constant 0 : i32
      %scatter3A_400 = tpu.memref_slice %arg6[%scatter3A_397, %scatter3A_398, %scatter3A_399] : memref<2x16x2048xf32, #tpu.memory_space<vmem>> -> memref<1x16x2048xf32, #tpu.memory_space<vmem>>
      %scatter3A_401 = tpu.memref_squeeze %scatter3A_400 : memref<1x16x2048xf32, #tpu.memory_space<vmem>> -> memref<16x2048xf32, #tpu.memory_space<vmem>>
      tpu.vector_store_idx %scatter3A_401[%broadcast_in_dim3A_155, %broadcast_in_dim3A_396], %broadcast_in_dim3A_6 masked %eq3A_5 {add = true} : memref<16x2048xf32, #tpu.memory_space<vmem>>[vector<16xi32>, vector<16xi32>], vector<16xf32>, vector<16xi1>
      %slice3A_402 = vector.extract_strided_slice %get3A_289 {offsets = [14], sizes = [1], strides = [1]} : vector<16xi32> to vector<1xi32>
      %squeeze3A_403 = vector.extract %slice3A_402[0] : i32 from vector<1xi32>
      %broadcast_in_dim3A_404 = vector.broadcast %squeeze3A_403 : i32 to vector<16xi32>
      %scatter3A_405 = arith.constant 0 : i32
      %scatter3A_406 = arith.constant 0 : i32
      %scatter3A_407 = arith.constant 0 : i32
      %scatter3A_408 = tpu.memref_slice %arg6[%scatter3A_405, %scatter3A_406, %scatter3A_407] : memref<2x16x2048xf32, #tpu.memory_space<vmem>> -> memref<1x16x2048xf32, #tpu.memory_space<vmem>>
      %scatter3A_409 = tpu.memref_squeeze %scatter3A_408 : memref<1x16x2048xf32, #tpu.memory_space<vmem>> -> memref<16x2048xf32, #tpu.memory_space<vmem>>
      tpu.vector_store_idx %scatter3A_409[%broadcast_in_dim3A_155, %broadcast_in_dim3A_404], %broadcast_in_dim3A_6 masked %eq3A_5 {add = true} : memref<16x2048xf32, #tpu.memory_space<vmem>>[vector<16xi32>, vector<16xi32>], vector<16xf32>, vector<16xi1>
      %slice3A_410 = vector.extract_strided_slice %get3A_289 {offsets = [15], sizes = [1], strides = [1]} : vector<16xi32> to vector<1xi32>
      %squeeze3A_411 = vector.extract %slice3A_410[0] : i32 from vector<1xi32>
      %broadcast_in_dim3A_412 = vector.broadcast %squeeze3A_411 : i32 to vector<16xi32>
      %scatter3A_413 = arith.constant 0 : i32
      %scatter3A_414 = arith.constant 0 : i32
      %scatter3A_415 = arith.constant 0 : i32
      %scatter3A_416 = tpu.memref_slice %arg6[%scatter3A_413, %scatter3A_414, %scatter3A_415] : memref<2x16x2048xf32, #tpu.memory_space<vmem>> -> memref<1x16x2048xf32, #tpu.memory_space<vmem>>
      %scatter3A_417 = tpu.memref_squeeze %scatter3A_416 : memref<1x16x2048xf32, #tpu.memory_space<vmem>> -> memref<16x2048xf32, #tpu.memory_space<vmem>>
      tpu.vector_store_idx %scatter3A_417[%broadcast_in_dim3A_155, %broadcast_in_dim3A_412], %broadcast_in_dim3A_6 masked %eq3A_5 {add = true} : memref<16x2048xf32, #tpu.memory_space<vmem>>[vector<16xi32>, vector<16xi32>], vector<16xf32>, vector<16xi1>
      %add3A_418 = arith.constant 0 : i32
      %add3A_419 = arith.addi %add3A_418, %scan3A_154 : i32
      %get3A_420 = arith.index_cast %add3A_419 : i32 to index
      %get3A_421 = arith.constant 32 : index
      %get3A_422 = tpu.vector_load %arg5[%get3A_420, %get3A_421] {strides = array<i32>} : memref<64x48xi32, #tpu.memory_space<vmem>>, vector<16xi32>,
      %slice3A_423 = vector.extract_strided_slice %get3A_422 {offsets = [0], sizes = [1], strides = [1]} : vector<16xi32> to vector<1xi32>
      %squeeze3A_424 = vector.extract %slice3A_423[0] : i32 from vector<1xi32>
      %broadcast_in_dim3A_425 = vector.broadcast %squeeze3A_424 : i32 to vector<16xi32>
      %scatter3A_426 = arith.constant 0 : i32
      %scatter3A_427 = arith.constant 0 : i32
      %scatter3A_428 = arith.constant 0 : i32
      %scatter3A_429 = tpu.memref_slice %arg6[%scatter3A_426, %scatter3A_427, %scatter3A_428] : memref<2x16x2048xf32, #tpu.memory_space<vmem>> -> memref<1x16x2048xf32, #tpu.memory_space<vmem>>
      %scatter3A_430 = tpu.memref_squeeze %scatter3A_429 : memref<1x16x2048xf32, #tpu.memory_space<vmem>> -> memref<16x2048xf32, #tpu.memory_space<vmem>>
      tpu.vector_store_idx %scatter3A_430[%broadcast_in_dim3A_155, %broadcast_in_dim3A_425], %broadcast_in_dim3A_6 masked %eq3A_5 {add = true} : memref<16x2048xf32, #tpu.memory_space<vmem>>[vector<16xi32>, vector<16xi32>], vector<16xf32>, vector<16xi1>
      %slice3A_431 = vector.extract_strided_slice %get3A_422 {offsets = [1], sizes = [1], strides = [1]} : vector<16xi32> to vector<1xi32>
      %squeeze3A_432 = vector.extract %slice3A_431[0] : i32 from vector<1xi32>
      %broadcast_in_dim3A_433 = vector.broadcast %squeeze3A_432 : i32 to vector<16xi32>
      %scatter3A_434 = arith.constant 0 : i32
      %scatter3A_435 = arith.constant 0 : i32
      %scatter3A_436 = arith.constant 0 : i32
      %scatter3A_437 = tpu.memref_slice %arg6[%scatter3A_434, %scatter3A_435, %scatter3A_436] : memref<2x16x2048xf32, #tpu.memory_space<vmem>> -> memref<1x16x2048xf32, #tpu.memory_space<vmem>>
      %scatter3A_438 = tpu.memref_squeeze %scatter3A_437 : memref<1x16x2048xf32, #tpu.memory_space<vmem>> -> memref<16x2048xf32, #tpu.memory_space<vmem>>
      tpu.vector_store_idx %scatter3A_438[%broadcast_in_dim3A_155, %broadcast_in_dim3A_433], %broadcast_in_dim3A_6 masked %eq3A_5 {add = true} : memref<16x2048xf32, #tpu.memory_space<vmem>>[vector<16xi32>, vector<16xi32>], vector<16xf32>, vector<16xi1>
      %slice3A_439 = vector.extract_strided_slice %get3A_422 {offsets = [2], sizes = [1], strides = [1]} : vector<16xi32> to vector<1xi32>
      %squeeze3A_440 = vector.extract %slice3A_439[0] : i32 from vector<1xi32>
      %broadcast_in_dim3A_441 = vector.broadcast %squeeze3A_440 : i32 to vector<16xi32>
      %scatter3A_442 = arith.constant 0 : i32
      %scatter3A_443 = arith.constant 0 : i32
      %scatter3A_444 = arith.constant 0 : i32
      %scatter3A_445 = tpu.memref_slice %arg6[%scatter3A_442, %scatter3A_443, %scatter3A_444] : memref<2x16x2048xf32, #tpu.memory_space<vmem>> -> memref<1x16x2048xf32, #tpu.memory_space<vmem>>
      %scatter3A_446 = tpu.memref_squeeze %scatter3A_445 : memref<1x16x2048xf32, #tpu.memory_space<vmem>> -> memref<16x2048xf32, #tpu.memory_space<vmem>>
      tpu.vector_store_idx %scatter3A_446[%broadcast_in_dim3A_155, %broadcast_in_dim3A_441], %broadcast_in_dim3A_6 masked %eq3A_5 {add = true} : memref<16x2048xf32, #tpu.memory_space<vmem>>[vector<16xi32>, vector<16xi32>], vector<16xf32>, vector<16xi1>
      %slice3A_447 = vector.extract_strided_slice %get3A_422 {offsets = [3], sizes = [1], strides = [1]} : vector<16xi32> to vector<1xi32>
      %squeeze3A_448 = vector.extract %slice3A_447[0] : i32 from vector<1xi32>
      %broadcast_in_dim3A_449 = vector.broadcast %squeeze3A_448 : i32 to vector<16xi32>
      %scatter3A_450 = arith.constant 0 : i32
      %scatter3A_451 = arith.constant 0 : i32
      %scatter3A_452 = arith.constant 0 : i32
      %scatter3A_453 = tpu.memref_slice %arg6[%scatter3A_450, %scatter3A_451, %scatter3A_452] : memref<2x16x2048xf32, #tpu.memory_space<vmem>> -> memref<1x16x2048xf32, #tpu.memory_space<vmem>>
      %scatter3A_454 = tpu.memref_squeeze %scatter3A_453 : memref<1x16x2048xf32, #tpu.memory_space<vmem>> -> memref<16x2048xf32, #tpu.memory_space<vmem>>
      tpu.vector_store_idx %scatter3A_454[%broadcast_in_dim3A_155, %broadcast_in_dim3A_449], %broadcast_in_dim3A_6 masked %eq3A_5 {add = true} : memref<16x2048xf32, #tpu.memory_space<vmem>>[vector<16xi32>, vector<16xi32>], vector<16xf32>, vector<16xi1>
      %slice3A_455 = vector.extract_strided_slice %get3A_422 {offsets = [4], sizes = [1], strides = [1]} : vector<16xi32> to vector<1xi32>
      %squeeze3A_456 = vector.extract %slice3A_455[0] : i32 from vector<1xi32>
      %broadcast_in_dim3A_457 = vector.broadcast %squeeze3A_456 : i32 to vector<16xi32>
      %scatter3A_458 = arith.constant 0 : i32
      %scatter3A_459 = arith.constant 0 : i32
      %scatter3A_460 = arith.constant 0 : i32
      %scatter3A_461 = tpu.memref_slice %arg6[%scatter3A_458, %scatter3A_459, %scatter3A_460] : memref<2x16x2048xf32, #tpu.memory_space<vmem>> -> memref<1x16x2048xf32, #tpu.memory_space<vmem>>
      %scatter3A_462 = tpu.memref_squeeze %scatter3A_461 : memref<1x16x2048xf32, #tpu.memory_space<vmem>> -> memref<16x2048xf32, #tpu.memory_space<vmem>>
      tpu.vector_store_idx %scatter3A_462[%broadcast_in_dim3A_155, %broadcast_in_dim3A_457], %broadcast_in_dim3A_6 masked %eq3A_5 {add = true} : memref<16x2048xf32, #tpu.memory_space<vmem>>[vector<16xi32>, vector<16xi32>], vector<16xf32>, vector<16xi1>
      %slice3A_463 = vector.extract_strided_slice %get3A_422 {offsets = [5], sizes = [1], strides = [1]} : vector<16xi32> to vector<1xi32>
      %squeeze3A_464 = vector.extract %slice3A_463[0] : i32 from vector<1xi32>
      %broadcast_in_dim3A_465 = vector.broadcast %squeeze3A_464 : i32 to vector<16xi32>
      %scatter3A_466 = arith.constant 0 : i32
      %scatter3A_467 = arith.constant 0 : i32
      %scatter3A_468 = arith.constant 0 : i32
      %scatter3A_469 = tpu.memref_slice %arg6[%scatter3A_466, %scatter3A_467, %scatter3A_468] : memref<2x16x2048xf32, #tpu.memory_space<vmem>> -> memref<1x16x2048xf32, #tpu.memory_space<vmem>>
      %scatter3A_470 = tpu.memref_squeeze %scatter3A_469 : memref<1x16x2048xf32, #tpu.memory_space<vmem>> -> memref<16x2048xf32, #tpu.memory_space<vmem>>
      tpu.vector_store_idx %scatter3A_470[%broadcast_in_dim3A_155, %broadcast_in_dim3A_465], %broadcast_in_dim3A_6 masked %eq3A_5 {add = true} : memref<16x2048xf32, #tpu.memory_space<vmem>>[vector<16xi32>, vector<16xi32>], vector<16xf32>, vector<16xi1>
      %slice3A_471 = vector.extract_strided_slice %get3A_422 {offsets = [6], sizes = [1], strides = [1]} : vector<16xi32> to vector<1xi32>
      %squeeze3A_472 = vector.extract %slice3A_471[0] : i32 from vector<1xi32>
      %broadcast_in_dim3A_473 = vector.broadcast %squeeze3A_472 : i32 to vector<16xi32>
      %scatter3A_474 = arith.constant 0 : i32
      %scatter3A_475 = arith.constant 0 : i32
      %scatter3A_476 = arith.constant 0 : i32
      %scatter3A_477 = tpu.memref_slice %arg6[%scatter3A_474, %scatter3A_475, %scatter3A_476] : memref<2x16x2048xf32, #tpu.memory_space<vmem>> -> memref<1x16x2048xf32, #tpu.memory_space<vmem>>
      %scatter3A_478 = tpu.memref_squeeze %scatter3A_477 : memref<1x16x2048xf32, #tpu.memory_space<vmem>> -> memref<16x2048xf32, #tpu.memory_space<vmem>>
      tpu.vector_store_idx %scatter3A_478[%broadcast_in_dim3A_155, %broadcast_in_dim3A_473], %broadcast_in_dim3A_6 masked %eq3A_5 {add = true} : memref<16x2048xf32, #tpu.memory_space<vmem>>[vector<16xi32>, vector<16xi32>], vector<16xf32>, vector<16xi1>
      %slice3A_479 = vector.extract_strided_slice %get3A_422 {offsets = [7], sizes = [1], strides = [1]} : vector<16xi32> to vector<1xi32>
      %squeeze3A_480 = vector.extract %slice3A_479[0] : i32 from vector<1xi32>
      %broadcast_in_dim3A_481 = vector.broadcast %squeeze3A_480 : i32 to vector<16xi32>
      %scatter3A_482 = arith.constant 0 : i32
      %scatter3A_483 = arith.constant 0 : i32
      %scatter3A_484 = arith.constant 0 : i32
      %scatter3A_485 = tpu.memref_slice %arg6[%scatter3A_482, %scatter3A_483, %scatter3A_484] : memref<2x16x2048xf32, #tpu.memory_space<vmem>> -> memref<1x16x2048xf32, #tpu.memory_space<vmem>>
      %scatter3A_486 = tpu.memref_squeeze %scatter3A_485 : memref<1x16x2048xf32, #tpu.memory_space<vmem>> -> memref<16x2048xf32, #tpu.memory_space<vmem>>
      tpu.vector_store_idx %scatter3A_486[%broadcast_in_dim3A_155, %broadcast_in_dim3A_481], %broadcast_in_dim3A_6 masked %eq3A_5 {add = true} : memref<16x2048xf32, #tpu.memory_space<vmem>>[vector<16xi32>, vector<16xi32>], vector<16xf32>, vector<16xi1>
    }
    %scan3A_13 = arith.constant 16 : i32
    %add3A_14 = arith.constant 0 : i32
    %add3A_15 = arith.addi %mul3A_2, %add3A_14 : i32
    %dma_start3A = arith.constant 0 : i32
    %dma_start3A_16 = arith.constant 0 : i32
    %dma_start3A_17 = arith.constant 0 : i32
    %dma_start3A_18 = tpu.memref_slice %arg6[%dma_start3A, %dma_start3A_16, %dma_start3A_17] : memref<2x16x2048xf32, #tpu.memory_space<vmem>> -> memref<1x16x2048xf32, #tpu.memory_space<vmem>>
    %dma_start3A_19 = tpu.memref_squeeze %dma_start3A_18 : memref<1x16x2048xf32, #tpu.memory_space<vmem>> -> memref<16x2048xf32, #tpu.memory_space<vmem>>
    %dma_start3A_20 = arith.constant 0 : i32
    %dma_start3A_21 = tpu.memref_slice %arg4[%add3A_15, %dma_start3A_20] : memref<2048x2048xf32, #tpu.memory_space<hbm>> -> memref<16x2048xf32, #tpu.memory_space<hbm>>
    %dma_start3A_22 = arith.constant 0 : i32
    %dma_start3A_23 = tpu.memref_slice %arg4[%add3A_15, %dma_start3A_22] : memref<2048x2048xf32, #tpu.memory_space<hbm>> -> memref<16x2048xf32, #tpu.memory_space<hbm>>
    %dma_start3A_24 = arith.constant 0 : i32
    %dma_start3A_25 = arith.constant 0 : i32
    %dma_start3A_26 = tpu.memref_slice %arg6[%dma_start3A, %dma_start3A_24, %dma_start3A_25] : memref<2x16x2048xf32, #tpu.memory_space<vmem>> -> memref<1x16x2048xf32, #tpu.memory_space<vmem>>
    %dma_start3A_27 = tpu.memref_squeeze %dma_start3A_26 : memref<1x16x2048xf32, #tpu.memory_space<vmem>> -> memref<16x2048xf32, #tpu.memory_space<vmem>>
    tpu.enqueue_dma source(%dma_start3A_27 : memref<16x2048xf32, #tpu.memory_space<vmem>>) target(%dma_start3A_23 : memref<16x2048xf32, #tpu.memory_space<hbm>>) target_semaphore(%arg7 : memref<!tpu.dma_semaphore, #tpu.memory_space<semaphore_mem>>)
    %scan3A_28 = arith.constant 0 : i32
    %scan3A_29 = arith.constant 0 : i32
    %scan3A_30 = arith.constant 16 : i32
    %scan3A_31 = arith.addi %scan3A_29, %scan3A_30 : i32
    %scan3A_32 = arith.constant 1 : i32
    scf.for %scan3A_154 = %scan3A_29 to %scan3A_31 step %scan3A_32  : i32 {
      %broadcast_in_dim3A_155 = vector.broadcast %scan3A_154 : i32 to vector<16xi32>
      %add3A_156 = arith.constant 16 : i32
      %add3A_157 = arith.addi %add3A_156, %scan3A_154 : i32
      %get3A = arith.index_cast %add3A_157 : i32 to index
      %get3A_158 = arith.constant 0 : index
      %get3A_159 = tpu.vector_load %arg5[%get3A, %get3A_158] {strides = array<i32>} : memref<64x48xi32, #tpu.memory_space<vmem>>, vector<16xi32>,
      %slice3A = vector.extract_strided_slice %get3A_159 {offsets = [0], sizes = [1], strides = [1]} : vector<16xi32> to vector<1xi32>
      %squeeze3A = vector.extract %slice3A[0] : i32 from vector<1xi32>
      %broadcast_in_dim3A_160 = vector.broadcast %squeeze3A : i32 to vector<16xi32>
      %scatter3A = arith.constant 1 : i32
      %scatter3A_161 = arith.constant 0 : i32
      %scatter3A_162 = arith.constant 0 : i32
      %scatter3A_163 = tpu.memref_slice %arg6[%scatter3A, %scatter3A_161, %scatter3A_162] : memref<2x16x2048xf32, #tpu.memory_space<vmem>> -> memref<1x16x2048xf32, #tpu.memory_space<vmem>>
      %scatter3A_164 = tpu.memref_squeeze %scatter3A_163 : memref<1x16x2048xf32, #tpu.memory_space<vmem>> -> memref<16x2048xf32, #tpu.memory_space<vmem>>
      tpu.vector_store_idx %scatter3A_164[%broadcast_in_dim3A_155, %broadcast_in_dim3A_160], %broadcast_in_dim3A_6 masked %eq3A_5 {add = true} : memref<16x2048xf32, #tpu.memory_space<vmem>>[vector<16xi32>, vector<16xi32>], vector<16xf32>, vector<16xi1>
      %slice3A_165 = vector.extract_strided_slice %get3A_159 {offsets = [1], sizes = [1], strides = [1]} : vector<16xi32> to vector<1xi32>
      %squeeze3A_166 = vector.extract %slice3A_165[0] : i32 from vector<1xi32>
      %broadcast_in_dim3A_167 = vector.broadcast %squeeze3A_166 : i32 to vector<16xi32>
      %scatter3A_168 = arith.constant 1 : i32
      %scatter3A_169 = arith.constant 0 : i32
      %scatter3A_170 = arith.constant 0 : i32
      %scatter3A_171 = tpu.memref_slice %arg6[%scatter3A_168, %scatter3A_169, %scatter3A_170] : memref<2x16x2048xf32, #tpu.memory_space<vmem>> -> memref<1x16x2048xf32, #tpu.memory_space<vmem>>
      %scatter3A_172 = tpu.memref_squeeze %scatter3A_171 : memref<1x16x2048xf32, #tpu.memory_space<vmem>> -> memref<16x2048xf32, #tpu.memory_space<vmem>>
      tpu.vector_store_idx %scatter3A_172[%broadcast_in_dim3A_155, %broadcast_in_dim3A_167], %broadcast_in_dim3A_6 masked %eq3A_5 {add = true} : memref<16x2048xf32, #tpu.memory_space<vmem>>[vector<16xi32>, vector<16xi32>], vector<16xf32>, vector<16xi1>
      %slice3A_173 = vector.extract_strided_slice %get3A_159 {offsets = [2], sizes = [1], strides = [1]} : vector<16xi32> to vector<1xi32>
      %squeeze3A_174 = vector.extract %slice3A_173[0] : i32 from vector<1xi32>
      %broadcast_in_dim3A_175 = vector.broadcast %squeeze3A_174 : i32 to vector<16xi32>
      %scatter3A_176 = arith.constant 1 : i32
      %scatter3A_177 = arith.constant 0 : i32
      %scatter3A_178 = arith.constant 0 : i32
      %scatter3A_179 = tpu.memref_slice %arg6[%scatter3A_176, %scatter3A_177, %scatter3A_178] : memref<2x16x2048xf32, #tpu.memory_space<vmem>> -> memref<1x16x2048xf32, #tpu.memory_space<vmem>>
      %scatter3A_180 = tpu.memref_squeeze %scatter3A_179 : memref<1x16x2048xf32, #tpu.memory_space<vmem>> -> memref<16x2048xf32, #tpu.memory_space<vmem>>
      tpu.vector_store_idx %scatter3A_180[%broadcast_in_dim3A_155, %broadcast_in_dim3A_175], %broadcast_in_dim3A_6 masked %eq3A_5 {add = true} : memref<16x2048xf32, #tpu.memory_space<vmem>>[vector<16xi32>, vector<16xi32>], vector<16xf32>, vector<16xi1>
      %slice3A_181 = vector.extract_strided_slice %get3A_159 {offsets = [3], sizes = [1], strides = [1]} : vector<16xi32> to vector<1xi32>
      %squeeze3A_182 = vector.extract %slice3A_181[0] : i32 from vector<1xi32>
      %broadcast_in_dim3A_183 = vector.broadcast %squeeze3A_182 : i32 to vector<16xi32>
      %scatter3A_184 = arith.constant 1 : i32
      %scatter3A_185 = arith.constant 0 : i32
      %scatter3A_186 = arith.constant 0 : i32
      %scatter3A_187 = tpu.memref_slice %arg6[%scatter3A_184, %scatter3A_185, %scatter3A_186] : memref<2x16x2048xf32, #tpu.memory_space<vmem>> -> memref<1x16x2048xf32, #tpu.memory_space<vmem>>
      %scatter3A_188 = tpu.memref_squeeze %scatter3A_187 : memref<1x16x2048xf32, #tpu.memory_space<vmem>> -> memref<16x2048xf32, #tpu.memory_space<vmem>>
      tpu.vector_store_idx %scatter3A_188[%broadcast_in_dim3A_155, %broadcast_in_dim3A_183], %broadcast_in_dim3A_6 masked %eq3A_5 {add = true} : memref<16x2048xf32, #tpu.memory_space<vmem>>[vector<16xi32>, vector<16xi32>], vector<16xf32>, vector<16xi1>
      %slice3A_189 = vector.extract_strided_slice %get3A_159 {offsets = [4], sizes = [1], strides = [1]} : vector<16xi32> to vector<1xi32>
      %squeeze3A_190 = vector.extract %slice3A_189[0] : i32 from vector<1xi32>
      %broadcast_in_dim3A_191 = vector.broadcast %squeeze3A_190 : i32 to vector<16xi32>
      %scatter3A_192 = arith.constant 1 : i32
      %scatter3A_193 = arith.constant 0 : i32
      %scatter3A_194 = arith.constant 0 : i32
      %scatter3A_195 = tpu.memref_slice %arg6[%scatter3A_192, %scatter3A_193, %scatter3A_194] : memref<2x16x2048xf32, #tpu.memory_space<vmem>> -> memref<1x16x2048xf32, #tpu.memory_space<vmem>>
      %scatter3A_196 = tpu.memref_squeeze %scatter3A_195 : memref<1x16x2048xf32, #tpu.memory_space<vmem>> -> memref<16x2048xf32, #tpu.memory_space<vmem>>
      tpu.vector_store_idx %scatter3A_196[%broadcast_in_dim3A_155, %broadcast_in_dim3A_191], %broadcast_in_dim3A_6 masked %eq3A_5 {add = true} : memref<16x2048xf32, #tpu.memory_space<vmem>>[vector<16xi32>, vector<16xi32>], vector<16xf32>, vector<16xi1>
      %slice3A_197 = vector.extract_strided_slice %get3A_159 {offsets = [5], sizes = [1], strides = [1]} : vector<16xi32> to vector<1xi32>
      %squeeze3A_198 = vector.extract %slice3A_197[0] : i32 from vector<1xi32>
      %broadcast_in_dim3A_199 = vector.broadcast %squeeze3A_198 : i32 to vector<16xi32>
      %scatter3A_200 = arith.constant 1 : i32
      %scatter3A_201 = arith.constant 0 : i32
      %scatter3A_202 = arith.constant 0 : i32
      %scatter3A_203 = tpu.memref_slice %arg6[%scatter3A_200, %scatter3A_201, %scatter3A_202] : memref<2x16x2048xf32, #tpu.memory_space<vmem>> -> memref<1x16x2048xf32, #tpu.memory_space<vmem>>
      %scatter3A_204 = tpu.memref_squeeze %scatter3A_203 : memref<1x16x2048xf32, #tpu.memory_space<vmem>> -> memref<16x2048xf32, #tpu.memory_space<vmem>>
      tpu.vector_store_idx %scatter3A_204[%broadcast_in_dim3A_155, %broadcast_in_dim3A_199], %broadcast_in_dim3A_6 masked %eq3A_5 {add = true} : memref<16x2048xf32, #tpu.memory_space<vmem>>[vector<16xi32>, vector<16xi32>], vector<16xf32>, vector<16xi1>
      %slice3A_205 = vector.extract_strided_slice %get3A_159 {offsets = [6], sizes = [1], strides = [1]} : vector<16xi32> to vector<1xi32>
      %squeeze3A_206 = vector.extract %slice3A_205[0] : i32 from vector<1xi32>
      %broadcast_in_dim3A_207 = vector.broadcast %squeeze3A_206 : i32 to vector<16xi32>
      %scatter3A_208 = arith.constant 1 : i32
      %scatter3A_209 = arith.constant 0 : i32
      %scatter3A_210 = arith.constant 0 : i32
      %scatter3A_211 = tpu.memref_slice %arg6[%scatter3A_208, %scatter3A_209, %scatter3A_210] : memref<2x16x2048xf32, #tpu.memory_space<vmem>> -> memref<1x16x2048xf32, #tpu.memory_space<vmem>>
      %scatter3A_212 = tpu.memref_squeeze %scatter3A_211 : memref<1x16x2048xf32, #tpu.memory_space<vmem>> -> memref<16x2048xf32, #tpu.memory_space<vmem>>
      tpu.vector_store_idx %scatter3A_212[%broadcast_in_dim3A_155, %broadcast_in_dim3A_207], %broadcast_in_dim3A_6 masked %eq3A_5 {add = true} : memref<16x2048xf32, #tpu.memory_space<vmem>>[vector<16xi32>, vector<16xi32>], vector<16xf32>, vector<16xi1>
      %slice3A_213 = vector.extract_strided_slice %get3A_159 {offsets = [7], sizes = [1], strides = [1]} : vector<16xi32> to vector<1xi32>
      %squeeze3A_214 = vector.extract %slice3A_213[0] : i32 from vector<1xi32>
      %broadcast_in_dim3A_215 = vector.broadcast %squeeze3A_214 : i32 to vector<16xi32>
      %scatter3A_216 = arith.constant 1 : i32
      %scatter3A_217 = arith.constant 0 : i32
      %scatter3A_218 = arith.constant 0 : i32
      %scatter3A_219 = tpu.memref_slice %arg6[%scatter3A_216, %scatter3A_217, %scatter3A_218] : memref<2x16x2048xf32, #tpu.memory_space<vmem>> -> memref<1x16x2048xf32, #tpu.memory_space<vmem>>
      %scatter3A_220 = tpu.memref_squeeze %scatter3A_219 : memref<1x16x2048xf32, #tpu.memory_space<vmem>> -> memref<16x2048xf32, #tpu.memory_space<vmem>>
      tpu.vector_store_idx %scatter3A_220[%broadcast_in_dim3A_155, %broadcast_in_dim3A_215], %broadcast_in_dim3A_6 masked %eq3A_5 {add = true} : memref<16x2048xf32, #tpu.memory_space<vmem>>[vector<16xi32>, vector<16xi32>], vector<16xf32>, vector<16xi1>
      %slice3A_221 = vector.extract_strided_slice %get3A_159 {offsets = [8], sizes = [1], strides = [1]} : vector<16xi32> to vector<1xi32>
      %squeeze3A_222 = vector.extract %slice3A_221[0] : i32 from vector<1xi32>
      %broadcast_in_dim3A_223 = vector.broadcast %squeeze3A_222 : i32 to vector<16xi32>
      %scatter3A_224 = arith.constant 1 : i32
      %scatter3A_225 = arith.constant 0 : i32
      %scatter3A_226 = arith.constant 0 : i32
      %scatter3A_227 = tpu.memref_slice %arg6[%scatter3A_224, %scatter3A_225, %scatter3A_226] : memref<2x16x2048xf32, #tpu.memory_space<vmem>> -> memref<1x16x2048xf32, #tpu.memory_space<vmem>>
      %scatter3A_228 = tpu.memref_squeeze %scatter3A_227 : memref<1x16x2048xf32, #tpu.memory_space<vmem>> -> memref<16x2048xf32, #tpu.memory_space<vmem>>
      tpu.vector_store_idx %scatter3A_228[%broadcast_in_dim3A_155, %broadcast_in_dim3A_223], %broadcast_in_dim3A_6 masked %eq3A_5 {add = true} : memref<16x2048xf32, #tpu.memory_space<vmem>>[vector<16xi32>, vector<16xi32>], vector<16xf32>, vector<16xi1>
      %slice3A_229 = vector.extract_strided_slice %get3A_159 {offsets = [9], sizes = [1], strides = [1]} : vector<16xi32> to vector<1xi32>
      %squeeze3A_230 = vector.extract %slice3A_229[0] : i32 from vector<1xi32>
      %broadcast_in_dim3A_231 = vector.broadcast %squeeze3A_230 : i32 to vector<16xi32>
      %scatter3A_232 = arith.constant 1 : i32
      %scatter3A_233 = arith.constant 0 : i32
      %scatter3A_234 = arith.constant 0 : i32
      %scatter3A_235 = tpu.memref_slice %arg6[%scatter3A_232, %scatter3A_233, %scatter3A_234] : memref<2x16x2048xf32, #tpu.memory_space<vmem>> -> memref<1x16x2048xf32, #tpu.memory_space<vmem>>
      %scatter3A_236 = tpu.memref_squeeze %scatter3A_235 : memref<1x16x2048xf32, #tpu.memory_space<vmem>> -> memref<16x2048xf32, #tpu.memory_space<vmem>>
      tpu.vector_store_idx %scatter3A_236[%broadcast_in_dim3A_155, %broadcast_in_dim3A_231], %broadcast_in_dim3A_6 masked %eq3A_5 {add = true} : memref<16x2048xf32, #tpu.memory_space<vmem>>[vector<16xi32>, vector<16xi32>], vector<16xf32>, vector<16xi1>
      %slice3A_237 = vector.extract_strided_slice %get3A_159 {offsets = [10], sizes = [1], strides = [1]} : vector<16xi32> to vector<1xi32>
      %squeeze3A_238 = vector.extract %slice3A_237[0] : i32 from vector<1xi32>
      %broadcast_in_dim3A_239 = vector.broadcast %squeeze3A_238 : i32 to vector<16xi32>
      %scatter3A_240 = arith.constant 1 : i32
      %scatter3A_241 = arith.constant 0 : i32
      %scatter3A_242 = arith.constant 0 : i32
      %scatter3A_243 = tpu.memref_slice %arg6[%scatter3A_240, %scatter3A_241, %scatter3A_242] : memref<2x16x2048xf32, #tpu.memory_space<vmem>> -> memref<1x16x2048xf32, #tpu.memory_space<vmem>>
      %scatter3A_244 = tpu.memref_squeeze %scatter3A_243 : memref<1x16x2048xf32, #tpu.memory_space<vmem>> -> memref<16x2048xf32, #tpu.memory_space<vmem>>
      tpu.vector_store_idx %scatter3A_244[%broadcast_in_dim3A_155, %broadcast_in_dim3A_239], %broadcast_in_dim3A_6 masked %eq3A_5 {add = true} : memref<16x2048xf32, #tpu.memory_space<vmem>>[vector<16xi32>, vector<16xi32>], vector<16xf32>, vector<16xi1>
      %slice3A_245 = vector.extract_strided_slice %get3A_159 {offsets = [11], sizes = [1], strides = [1]} : vector<16xi32> to vector<1xi32>
      %squeeze3A_246 = vector.extract %slice3A_245[0] : i32 from vector<1xi32>
      %broadcast_in_dim3A_247 = vector.broadcast %squeeze3A_246 : i32 to vector<16xi32>
      %scatter3A_248 = arith.constant 1 : i32
      %scatter3A_249 = arith.constant 0 : i32
      %scatter3A_250 = arith.constant 0 : i32
      %scatter3A_251 = tpu.memref_slice %arg6[%scatter3A_248, %scatter3A_249, %scatter3A_250] : memref<2x16x2048xf32, #tpu.memory_space<vmem>> -> memref<1x16x2048xf32, #tpu.memory_space<vmem>>
      %scatter3A_252 = tpu.memref_squeeze %scatter3A_251 : memref<1x16x2048xf32, #tpu.memory_space<vmem>> -> memref<16x2048xf32, #tpu.memory_space<vmem>>
      tpu.vector_store_idx %scatter3A_252[%broadcast_in_dim3A_155, %broadcast_in_dim3A_247], %broadcast_in_dim3A_6 masked %eq3A_5 {add = true} : memref<16x2048xf32, #tpu.memory_space<vmem>>[vector<16xi32>, vector<16xi32>], vector<16xf32>, vector<16xi1>
      %slice3A_253 = vector.extract_strided_slice %get3A_159 {offsets = [12], sizes = [1], strides = [1]} : vector<16xi32> to vector<1xi32>
      %squeeze3A_254 = vector.extract %slice3A_253[0] : i32 from vector<1xi32>
      %broadcast_in_dim3A_255 = vector.broadcast %squeeze3A_254 : i32 to vector<16xi32>
      %scatter3A_256 = arith.constant 1 : i32
      %scatter3A_257 = arith.constant 0 : i32
      %scatter3A_258 = arith.constant 0 : i32
      %scatter3A_259 = tpu.memref_slice %arg6[%scatter3A_256, %scatter3A_257, %scatter3A_258] : memref<2x16x2048xf32, #tpu.memory_space<vmem>> -> memref<1x16x2048xf32, #tpu.memory_space<vmem>>
      %scatter3A_260 = tpu.memref_squeeze %scatter3A_259 : memref<1x16x2048xf32, #tpu.memory_space<vmem>> -> memref<16x2048xf32, #tpu.memory_space<vmem>>
      tpu.vector_store_idx %scatter3A_260[%broadcast_in_dim3A_155, %broadcast_in_dim3A_255], %broadcast_in_dim3A_6 masked %eq3A_5 {add = true} : memref<16x2048xf32, #tpu.memory_space<vmem>>[vector<16xi32>, vector<16xi32>], vector<16xf32>, vector<16xi1>
      %slice3A_261 = vector.extract_strided_slice %get3A_159 {offsets = [13], sizes = [1], strides = [1]} : vector<16xi32> to vector<1xi32>
      %squeeze3A_262 = vector.extract %slice3A_261[0] : i32 from vector<1xi32>
      %broadcast_in_dim3A_263 = vector.broadcast %squeeze3A_262 : i32 to vector<16xi32>
      %scatter3A_264 = arith.constant 1 : i32
      %scatter3A_265 = arith.constant 0 : i32
      %scatter3A_266 = arith.constant 0 : i32
      %scatter3A_267 = tpu.memref_slice %arg6[%scatter3A_264, %scatter3A_265, %scatter3A_266] : memref<2x16x2048xf32, #tpu.memory_space<vmem>> -> memref<1x16x2048xf32, #tpu.memory_space<vmem>>
      %scatter3A_268 = tpu.memref_squeeze %scatter3A_267 : memref<1x16x2048xf32, #tpu.memory_space<vmem>> -> memref<16x2048xf32, #tpu.memory_space<vmem>>
      tpu.vector_store_idx %scatter3A_268[%broadcast_in_dim3A_155, %broadcast_in_dim3A_263], %broadcast_in_dim3A_6 masked %eq3A_5 {add = true} : memref<16x2048xf32, #tpu.memory_space<vmem>>[vector<16xi32>, vector<16xi32>], vector<16xf32>, vector<16xi1>
      %slice3A_269 = vector.extract_strided_slice %get3A_159 {offsets = [14], sizes = [1], strides = [1]} : vector<16xi32> to vector<1xi32>
      %squeeze3A_270 = vector.extract %slice3A_269[0] : i32 from vector<1xi32>
      %broadcast_in_dim3A_271 = vector.broadcast %squeeze3A_270 : i32 to vector<16xi32>
      %scatter3A_272 = arith.constant 1 : i32
      %scatter3A_273 = arith.constant 0 : i32
      %scatter3A_274 = arith.constant 0 : i32
      %scatter3A_275 = tpu.memref_slice %arg6[%scatter3A_272, %scatter3A_273, %scatter3A_274] : memref<2x16x2048xf32, #tpu.memory_space<vmem>> -> memref<1x16x2048xf32, #tpu.memory_space<vmem>>
      %scatter3A_276 = tpu.memref_squeeze %scatter3A_275 : memref<1x16x2048xf32, #tpu.memory_space<vmem>> -> memref<16x2048xf32, #tpu.memory_space<vmem>>
      tpu.vector_store_idx %scatter3A_276[%broadcast_in_dim3A_155, %broadcast_in_dim3A_271], %broadcast_in_dim3A_6 masked %eq3A_5 {add = true} : memref<16x2048xf32, #tpu.memory_space<vmem>>[vector<16xi32>, vector<16xi32>], vector<16xf32>, vector<16xi1>
      %slice3A_277 = vector.extract_strided_slice %get3A_159 {offsets = [15], sizes = [1], strides = [1]} : vector<16xi32> to vector<1xi32>
      %squeeze3A_278 = vector.extract %slice3A_277[0] : i32 from vector<1xi32>
      %broadcast_in_dim3A_279 = vector.broadcast %squeeze3A_278 : i32 to vector<16xi32>
      %scatter3A_280 = arith.constant 1 : i32
      %scatter3A_281 = arith.constant 0 : i32
      %scatter3A_282 = arith.constant 0 : i32
      %scatter3A_283 = tpu.memref_slice %arg6[%scatter3A_280, %scatter3A_281, %scatter3A_282] : memref<2x16x2048xf32, #tpu.memory_space<vmem>> -> memref<1x16x2048xf32, #tpu.memory_space<vmem>>
      %scatter3A_284 = tpu.memref_squeeze %scatter3A_283 : memref<1x16x2048xf32, #tpu.memory_space<vmem>> -> memref<16x2048xf32, #tpu.memory_space<vmem>>
      tpu.vector_store_idx %scatter3A_284[%broadcast_in_dim3A_155, %broadcast_in_dim3A_279], %broadcast_in_dim3A_6 masked %eq3A_5 {add = true} : memref<16x2048xf32, #tpu.memory_space<vmem>>[vector<16xi32>, vector<16xi32>], vector<16xf32>, vector<16xi1>
      %add3A_285 = arith.constant 16 : i32
      %add3A_286 = arith.addi %add3A_285, %scan3A_154 : i32
      %get3A_287 = arith.index_cast %add3A_286 : i32 to index
      %get3A_288 = arith.constant 16 : index
      %get3A_289 = tpu.vector_load %arg5[%get3A_287, %get3A_288] {strides = array<i32>} : memref<64x48xi32, #tpu.memory_space<vmem>>, vector<16xi32>,
      %slice3A_290 = vector.extract_strided_slice %get3A_289 {offsets = [0], sizes = [1], strides = [1]} : vector<16xi32> to vector<1xi32>
      %squeeze3A_291 = vector.extract %slice3A_290[0] : i32 from vector<1xi32>
      %broadcast_in_dim3A_292 = vector.broadcast %squeeze3A_291 : i32 to vector<16xi32>
      %scatter3A_293 = arith.constant 1 : i32
      %scatter3A_294 = arith.constant 0 : i32
      %scatter3A_295 = arith.constant 0 : i32
      %scatter3A_296 = tpu.memref_slice %arg6[%scatter3A_293, %scatter3A_294, %scatter3A_295] : memref<2x16x2048xf32, #tpu.memory_space<vmem>> -> memref<1x16x2048xf32, #tpu.memory_space<vmem>>
      %scatter3A_297 = tpu.memref_squeeze %scatter3A_296 : memref<1x16x2048xf32, #tpu.memory_space<vmem>> -> memref<16x2048xf32, #tpu.memory_space<vmem>>
      tpu.vector_store_idx %scatter3A_297[%broadcast_in_dim3A_155, %broadcast_in_dim3A_292], %broadcast_in_dim3A_6 masked %eq3A_5 {add = true} : memref<16x2048xf32, #tpu.memory_space<vmem>>[vector<16xi32>, vector<16xi32>], vector<16xf32>, vector<16xi1>
      %slice3A_298 = vector.extract_strided_slice %get3A_289 {offsets = [1], sizes = [1], strides = [1]} : vector<16xi32> to vector<1xi32>
      %squeeze3A_299 = vector.extract %slice3A_298[0] : i32 from vector<1xi32>
      %broadcast_in_dim3A_300 = vector.broadcast %squeeze3A_299 : i32 to vector<16xi32>
      %scatter3A_301 = arith.constant 1 : i32
      %scatter3A_302 = arith.constant 0 : i32
      %scatter3A_303 = arith.constant 0 : i32
      %scatter3A_304 = tpu.memref_slice %arg6[%scatter3A_301, %scatter3A_302, %scatter3A_303] : memref<2x16x2048xf32, #tpu.memory_space<vmem>> -> memref<1x16x2048xf32, #tpu.memory_space<vmem>>
      %scatter3A_305 = tpu.memref_squeeze %scatter3A_304 : memref<1x16x2048xf32, #tpu.memory_space<vmem>> -> memref<16x2048xf32, #tpu.memory_space<vmem>>
      tpu.vector_store_idx %scatter3A_305[%broadcast_in_dim3A_155, %broadcast_in_dim3A_300], %broadcast_in_dim3A_6 masked %eq3A_5 {add = true} : memref<16x2048xf32, #tpu.memory_space<vmem>>[vector<16xi32>, vector<16xi32>], vector<16xf32>, vector<16xi1>
      %slice3A_306 = vector.extract_strided_slice %get3A_289 {offsets = [2], sizes = [1], strides = [1]} : vector<16xi32> to vector<1xi32>
      %squeeze3A_307 = vector.extract %slice3A_306[0] : i32 from vector<1xi32>
      %broadcast_in_dim3A_308 = vector.broadcast %squeeze3A_307 : i32 to vector<16xi32>
      %scatter3A_309 = arith.constant 1 : i32
      %scatter3A_310 = arith.constant 0 : i32
      %scatter3A_311 = arith.constant 0 : i32
      %scatter3A_312 = tpu.memref_slice %arg6[%scatter3A_309, %scatter3A_310, %scatter3A_311] : memref<2x16x2048xf32, #tpu.memory_space<vmem>> -> memref<1x16x2048xf32, #tpu.memory_space<vmem>>
      %scatter3A_313 = tpu.memref_squeeze %scatter3A_312 : memref<1x16x2048xf32, #tpu.memory_space<vmem>> -> memref<16x2048xf32, #tpu.memory_space<vmem>>
      tpu.vector_store_idx %scatter3A_313[%broadcast_in_dim3A_155, %broadcast_in_dim3A_308], %broadcast_in_dim3A_6 masked %eq3A_5 {add = true} : memref<16x2048xf32, #tpu.memory_space<vmem>>[vector<16xi32>, vector<16xi32>], vector<16xf32>, vector<16xi1>
      %slice3A_314 = vector.extract_strided_slice %get3A_289 {offsets = [3], sizes = [1], strides = [1]} : vector<16xi32> to vector<1xi32>
      %squeeze3A_315 = vector.extract %slice3A_314[0] : i32 from vector<1xi32>
      %broadcast_in_dim3A_316 = vector.broadcast %squeeze3A_315 : i32 to vector<16xi32>
      %scatter3A_317 = arith.constant 1 : i32
      %scatter3A_318 = arith.constant 0 : i32
      %scatter3A_319 = arith.constant 0 : i32
      %scatter3A_320 = tpu.memref_slice %arg6[%scatter3A_317, %scatter3A_318, %scatter3A_319] : memref<2x16x2048xf32, #tpu.memory_space<vmem>> -> memref<1x16x2048xf32, #tpu.memory_space<vmem>>
      %scatter3A_321 = tpu.memref_squeeze %scatter3A_320 : memref<1x16x2048xf32, #tpu.memory_space<vmem>> -> memref<16x2048xf32, #tpu.memory_space<vmem>>
      tpu.vector_store_idx %scatter3A_321[%broadcast_in_dim3A_155, %broadcast_in_dim3A_316], %broadcast_in_dim3A_6 masked %eq3A_5 {add = true} : memref<16x2048xf32, #tpu.memory_space<vmem>>[vector<16xi32>, vector<16xi32>], vector<16xf32>, vector<16xi1>
      %slice3A_322 = vector.extract_strided_slice %get3A_289 {offsets = [4], sizes = [1], strides = [1]} : vector<16xi32> to vector<1xi32>
      %squeeze3A_323 = vector.extract %slice3A_322[0] : i32 from vector<1xi32>
      %broadcast_in_dim3A_324 = vector.broadcast %squeeze3A_323 : i32 to vector<16xi32>
      %scatter3A_325 = arith.constant 1 : i32
      %scatter3A_326 = arith.constant 0 : i32
      %scatter3A_327 = arith.constant 0 : i32
      %scatter3A_328 = tpu.memref_slice %arg6[%scatter3A_325, %scatter3A_326, %scatter3A_327] : memref<2x16x2048xf32, #tpu.memory_space<vmem>> -> memref<1x16x2048xf32, #tpu.memory_space<vmem>>
      %scatter3A_329 = tpu.memref_squeeze %scatter3A_328 : memref<1x16x2048xf32, #tpu.memory_space<vmem>> -> memref<16x2048xf32, #tpu.memory_space<vmem>>
      tpu.vector_store_idx %scatter3A_329[%broadcast_in_dim3A_155, %broadcast_in_dim3A_324], %broadcast_in_dim3A_6 masked %eq3A_5 {add = true} : memref<16x2048xf32, #tpu.memory_space<vmem>>[vector<16xi32>, vector<16xi32>], vector<16xf32>, vector<16xi1>
      %slice3A_330 = vector.extract_strided_slice %get3A_289 {offsets = [5], sizes = [1], strides = [1]} : vector<16xi32> to vector<1xi32>
      %squeeze3A_331 = vector.extract %slice3A_330[0] : i32 from vector<1xi32>
      %broadcast_in_dim3A_332 = vector.broadcast %squeeze3A_331 : i32 to vector<16xi32>
      %scatter3A_333 = arith.constant 1 : i32
      %scatter3A_334 = arith.constant 0 : i32
      %scatter3A_335 = arith.constant 0 : i32
      %scatter3A_336 = tpu.memref_slice %arg6[%scatter3A_333, %scatter3A_334, %scatter3A_335] : memref<2x16x2048xf32, #tpu.memory_space<vmem>> -> memref<1x16x2048xf32, #tpu.memory_space<vmem>>
      %scatter3A_337 = tpu.memref_squeeze %scatter3A_336 : memref<1x16x2048xf32, #tpu.memory_space<vmem>> -> memref<16x2048xf32, #tpu.memory_space<vmem>>
      tpu.vector_store_idx %scatter3A_337[%broadcast_in_dim3A_155, %broadcast_in_dim3A_332], %broadcast_in_dim3A_6 masked %eq3A_5 {add = true} : memref<16x2048xf32, #tpu.memory_space<vmem>>[vector<16xi32>, vector<16xi32>], vector<16xf32>, vector<16xi1>
      %slice3A_338 = vector.extract_strided_slice %get3A_289 {offsets = [6], sizes = [1], strides = [1]} : vector<16xi32> to vector<1xi32>
      %squeeze3A_339 = vector.extract %slice3A_338[0] : i32 from vector<1xi32>
      %broadcast_in_dim3A_340 = vector.broadcast %squeeze3A_339 : i32 to vector<16xi32>
      %scatter3A_341 = arith.constant 1 : i32
      %scatter3A_342 = arith.constant 0 : i32
      %scatter3A_343 = arith.constant 0 : i32
      %scatter3A_344 = tpu.memref_slice %arg6[%scatter3A_341, %scatter3A_342, %scatter3A_343] : memref<2x16x2048xf32, #tpu.memory_space<vmem>> -> memref<1x16x2048xf32, #tpu.memory_space<vmem>>
      %scatter3A_345 = tpu.memref_squeeze %scatter3A_344 : memref<1x16x2048xf32, #tpu.memory_space<vmem>> -> memref<16x2048xf32, #tpu.memory_space<vmem>>
      tpu.vector_store_idx %scatter3A_345[%broadcast_in_dim3A_155, %broadcast_in_dim3A_340], %broadcast_in_dim3A_6 masked %eq3A_5 {add = true} : memref<16x2048xf32, #tpu.memory_space<vmem>>[vector<16xi32>, vector<16xi32>], vector<16xf32>, vector<16xi1>
      %slice3A_346 = vector.extract_strided_slice %get3A_289 {offsets = [7], sizes = [1], strides = [1]} : vector<16xi32> to vector<1xi32>
      %squeeze3A_347 = vector.extract %slice3A_346[0] : i32 from vector<1xi32>
      %broadcast_in_dim3A_348 = vector.broadcast %squeeze3A_347 : i32 to vector<16xi32>
      %scatter3A_349 = arith.constant 1 : i32
      %scatter3A_350 = arith.constant 0 : i32
      %scatter3A_351 = arith.constant 0 : i32
      %scatter3A_352 = tpu.memref_slice %arg6[%scatter3A_349, %scatter3A_350, %scatter3A_351] : memref<2x16x2048xf32, #tpu.memory_space<vmem>> -> memref<1x16x2048xf32, #tpu.memory_space<vmem>>
      %scatter3A_353 = tpu.memref_squeeze %scatter3A_352 : memref<1x16x2048xf32, #tpu.memory_space<vmem>> -> memref<16x2048xf32, #tpu.memory_space<vmem>>
      tpu.vector_store_idx %scatter3A_353[%broadcast_in_dim3A_155, %broadcast_in_dim3A_348], %broadcast_in_dim3A_6 masked %eq3A_5 {add = true} : memref<16x2048xf32, #tpu.memory_space<vmem>>[vector<16xi32>, vector<16xi32>], vector<16xf32>, vector<16xi1>
      %slice3A_354 = vector.extract_strided_slice %get3A_289 {offsets = [8], sizes = [1], strides = [1]} : vector<16xi32> to vector<1xi32>
      %squeeze3A_355 = vector.extract %slice3A_354[0] : i32 from vector<1xi32>
      %broadcast_in_dim3A_356 = vector.broadcast %squeeze3A_355 : i32 to vector<16xi32>
      %scatter3A_357 = arith.constant 1 : i32
      %scatter3A_358 = arith.constant 0 : i32
      %scatter3A_359 = arith.constant 0 : i32
      %scatter3A_360 = tpu.memref_slice %arg6[%scatter3A_357, %scatter3A_358, %scatter3A_359] : memref<2x16x2048xf32, #tpu.memory_space<vmem>> -> memref<1x16x2048xf32, #tpu.memory_space<vmem>>
      %scatter3A_361 = tpu.memref_squeeze %scatter3A_360 : memref<1x16x2048xf32, #tpu.memory_space<vmem>> -> memref<16x2048xf32, #tpu.memory_space<vmem>>
      tpu.vector_store_idx %scatter3A_361[%broadcast_in_dim3A_155, %broadcast_in_dim3A_356], %broadcast_in_dim3A_6 masked %eq3A_5 {add = true} : memref<16x2048xf32, #tpu.memory_space<vmem>>[vector<16xi32>, vector<16xi32>], vector<16xf32>, vector<16xi1>
      %slice3A_362 = vector.extract_strided_slice %get3A_289 {offsets = [9], sizes = [1], strides = [1]} : vector<16xi32> to vector<1xi32>
      %squeeze3A_363 = vector.extract %slice3A_362[0] : i32 from vector<1xi32>
      %broadcast_in_dim3A_364 = vector.broadcast %squeeze3A_363 : i32 to vector<16xi32>
      %scatter3A_365 = arith.constant 1 : i32
      %scatter3A_366 = arith.constant 0 : i32
      %scatter3A_367 = arith.constant 0 : i32
      %scatter3A_368 = tpu.memref_slice %arg6[%scatter3A_365, %scatter3A_366, %scatter3A_367] : memref<2x16x2048xf32, #tpu.memory_space<vmem>> -> memref<1x16x2048xf32, #tpu.memory_space<vmem>>
      %scatter3A_369 = tpu.memref_squeeze %scatter3A_368 : memref<1x16x2048xf32, #tpu.memory_space<vmem>> -> memref<16x2048xf32, #tpu.memory_space<vmem>>
      tpu.vector_store_idx %scatter3A_369[%broadcast_in_dim3A_155, %broadcast_in_dim3A_364], %broadcast_in_dim3A_6 masked %eq3A_5 {add = true} : memref<16x2048xf32, #tpu.memory_space<vmem>>[vector<16xi32>, vector<16xi32>], vector<16xf32>, vector<16xi1>
      %slice3A_370 = vector.extract_strided_slice %get3A_289 {offsets = [10], sizes = [1], strides = [1]} : vector<16xi32> to vector<1xi32>
      %squeeze3A_371 = vector.extract %slice3A_370[0] : i32 from vector<1xi32>
      %broadcast_in_dim3A_372 = vector.broadcast %squeeze3A_371 : i32 to vector<16xi32>
      %scatter3A_373 = arith.constant 1 : i32
      %scatter3A_374 = arith.constant 0 : i32
      %scatter3A_375 = arith.constant 0 : i32
      %scatter3A_376 = tpu.memref_slice %arg6[%scatter3A_373, %scatter3A_374, %scatter3A_375] : memref<2x16x2048xf32, #tpu.memory_space<vmem>> -> memref<1x16x2048xf32, #tpu.memory_space<vmem>>
      %scatter3A_377 = tpu.memref_squeeze %scatter3A_376 : memref<1x16x2048xf32, #tpu.memory_space<vmem>> -> memref<16x2048xf32, #tpu.memory_space<vmem>>
      tpu.vector_store_idx %scatter3A_377[%broadcast_in_dim3A_155, %broadcast_in_dim3A_372], %broadcast_in_dim3A_6 masked %eq3A_5 {add = true} : memref<16x2048xf32, #tpu.memory_space<vmem>>[vector<16xi32>, vector<16xi32>], vector<16xf32>, vector<16xi1>
      %slice3A_378 = vector.extract_strided_slice %get3A_289 {offsets = [11], sizes = [1], strides = [1]} : vector<16xi32> to vector<1xi32>
      %squeeze3A_379 = vector.extract %slice3A_378[0] : i32 from vector<1xi32>
      %broadcast_in_dim3A_380 = vector.broadcast %squeeze3A_379 : i32 to vector<16xi32>
      %scatter3A_381 = arith.constant 1 : i32
      %scatter3A_382 = arith.constant 0 : i32
      %scatter3A_383 = arith.constant 0 : i32
      %scatter3A_384 = tpu.memref_slice %arg6[%scatter3A_381, %scatter3A_382, %scatter3A_383] : memref<2x16x2048xf32, #tpu.memory_space<vmem>> -> memref<1x16x2048xf32, #tpu.memory_space<vmem>>
      %scatter3A_385 = tpu.memref_squeeze %scatter3A_384 : memref<1x16x2048xf32, #tpu.memory_space<vmem>> -> memref<16x2048xf32, #tpu.memory_space<vmem>>
      tpu.vector_store_idx %scatter3A_385[%broadcast_in_dim3A_155, %broadcast_in_dim3A_380], %broadcast_in_dim3A_6 masked %eq3A_5 {add = true} : memref<16x2048xf32, #tpu.memory_space<vmem>>[vector<16xi32>, vector<16xi32>], vector<16xf32>, vector<16xi1>
      %slice3A_386 = vector.extract_strided_slice %get3A_289 {offsets = [12], sizes = [1], strides = [1]} : vector<16xi32> to vector<1xi32>
      %squeeze3A_387 = vector.extract %slice3A_386[0] : i32 from vector<1xi32>
      %broadcast_in_dim3A_388 = vector.broadcast %squeeze3A_387 : i32 to vector<16xi32>
      %scatter3A_389 = arith.constant 1 : i32
      %scatter3A_390 = arith.constant 0 : i32
      %scatter3A_391 = arith.constant 0 : i32
      %scatter3A_392 = tpu.memref_slice %arg6[%scatter3A_389, %scatter3A_390, %scatter3A_391] : memref<2x16x2048xf32, #tpu.memory_space<vmem>> -> memref<1x16x2048xf32, #tpu.memory_space<vmem>>
      %scatter3A_393 = tpu.memref_squeeze %scatter3A_392 : memref<1x16x2048xf32, #tpu.memory_space<vmem>> -> memref<16x2048xf32, #tpu.memory_space<vmem>>
      tpu.vector_store_idx %scatter3A_393[%broadcast_in_dim3A_155, %broadcast_in_dim3A_388], %broadcast_in_dim3A_6 masked %eq3A_5 {add = true} : memref<16x2048xf32, #tpu.memory_space<vmem>>[vector<16xi32>, vector<16xi32>], vector<16xf32>, vector<16xi1>
      %slice3A_394 = vector.extract_strided_slice %get3A_289 {offsets = [13], sizes = [1], strides = [1]} : vector<16xi32> to vector<1xi32>
      %squeeze3A_395 = vector.extract %slice3A_394[0] : i32 from vector<1xi32>
      %broadcast_in_dim3A_396 = vector.broadcast %squeeze3A_395 : i32 to vector<16xi32>
      %scatter3A_397 = arith.constant 1 : i32
      %scatter3A_398 = arith.constant 0 : i32
      %scatter3A_399 = arith.constant 0 : i32
      %scatter3A_400 = tpu.memref_slice %arg6[%scatter3A_397, %scatter3A_398, %scatter3A_399] : memref<2x16x2048xf32, #tpu.memory_space<vmem>> -> memref<1x16x2048xf32, #tpu.memory_space<vmem>>
      %scatter3A_401 = tpu.memref_squeeze %scatter3A_400 : memref<1x16x2048xf32, #tpu.memory_space<vmem>> -> memref<16x2048xf32, #tpu.memory_space<vmem>>
      tpu.vector_store_idx %scatter3A_401[%broadcast_in_dim3A_155, %broadcast_in_dim3A_396], %broadcast_in_dim3A_6 masked %eq3A_5 {add = true} : memref<16x2048xf32, #tpu.memory_space<vmem>>[vector<16xi32>, vector<16xi32>], vector<16xf32>, vector<16xi1>
      %slice3A_402 = vector.extract_strided_slice %get3A_289 {offsets = [14], sizes = [1], strides = [1]} : vector<16xi32> to vector<1xi32>
      %squeeze3A_403 = vector.extract %slice3A_402[0] : i32 from vector<1xi32>
      %broadcast_in_dim3A_404 = vector.broadcast %squeeze3A_403 : i32 to vector<16xi32>
      %scatter3A_405 = arith.constant 1 : i32
      %scatter3A_406 = arith.constant 0 : i32
      %scatter3A_407 = arith.constant 0 : i32
      %scatter3A_408 = tpu.memref_slice %arg6[%scatter3A_405, %scatter3A_406, %scatter3A_407] : memref<2x16x2048xf32, #tpu.memory_space<vmem>> -> memref<1x16x2048xf32, #tpu.memory_space<vmem>>
      %scatter3A_409 = tpu.memref_squeeze %scatter3A_408 : memref<1x16x2048xf32, #tpu.memory_space<vmem>> -> memref<16x2048xf32, #tpu.memory_space<vmem>>
      tpu.vector_store_idx %scatter3A_409[%broadcast_in_dim3A_155, %broadcast_in_dim3A_404], %broadcast_in_dim3A_6 masked %eq3A_5 {add = true} : memref<16x2048xf32, #tpu.memory_space<vmem>>[vector<16xi32>, vector<16xi32>], vector<16xf32>, vector<16xi1>
      %slice3A_410 = vector.extract_strided_slice %get3A_289 {offsets = [15], sizes = [1], strides = [1]} : vector<16xi32> to vector<1xi32>
      %squeeze3A_411 = vector.extract %slice3A_410[0] : i32 from vector<1xi32>
      %broadcast_in_dim3A_412 = vector.broadcast %squeeze3A_411 : i32 to vector<16xi32>
      %scatter3A_413 = arith.constant 1 : i32
      %scatter3A_414 = arith.constant 0 : i32
      %scatter3A_415 = arith.constant 0 : i32
      %scatter3A_416 = tpu.memref_slice %arg6[%scatter3A_413, %scatter3A_414, %scatter3A_415] : memref<2x16x2048xf32, #tpu.memory_space<vmem>> -> memref<1x16x2048xf32, #tpu.memory_space<vmem>>
      %scatter3A_417 = tpu.memref_squeeze %scatter3A_416 : memref<1x16x2048xf32, #tpu.memory_space<vmem>> -> memref<16x2048xf32, #tpu.memory_space<vmem>>
      tpu.vector_store_idx %scatter3A_417[%broadcast_in_dim3A_155, %broadcast_in_dim3A_412], %broadcast_in_dim3A_6 masked %eq3A_5 {add = true} : memref<16x2048xf32, #tpu.memory_space<vmem>>[vector<16xi32>, vector<16xi32>], vector<16xf32>, vector<16xi1>
      %add3A_418 = arith.constant 16 : i32
      %add3A_419 = arith.addi %add3A_418, %scan3A_154 : i32
      %get3A_420 = arith.index_cast %add3A_419 : i32 to index
      %get3A_421 = arith.constant 32 : index
      %get3A_422 = tpu.vector_load %arg5[%get3A_420, %get3A_421] {strides = array<i32>} : memref<64x48xi32, #tpu.memory_space<vmem>>, vector<16xi32>,
      %slice3A_423 = vector.extract_strided_slice %get3A_422 {offsets = [0], sizes = [1], strides = [1]} : vector<16xi32> to vector<1xi32>
      %squeeze3A_424 = vector.extract %slice3A_423[0] : i32 from vector<1xi32>
      %broadcast_in_dim3A_425 = vector.broadcast %squeeze3A_424 : i32 to vector<16xi32>
      %scatter3A_426 = arith.constant 1 : i32
      %scatter3A_427 = arith.constant 0 : i32
      %scatter3A_428 = arith.constant 0 : i32
      %scatter3A_429 = tpu.memref_slice %arg6[%scatter3A_426, %scatter3A_427, %scatter3A_428] : memref<2x16x2048xf32, #tpu.memory_space<vmem>> -> memref<1x16x2048xf32, #tpu.memory_space<vmem>>
      %scatter3A_430 = tpu.memref_squeeze %scatter3A_429 : memref<1x16x2048xf32, #tpu.memory_space<vmem>> -> memref<16x2048xf32, #tpu.memory_space<vmem>>
      tpu.vector_store_idx %scatter3A_430[%broadcast_in_dim3A_155, %broadcast_in_dim3A_425], %broadcast_in_dim3A_6 masked %eq3A_5 {add = true} : memref<16x2048xf32, #tpu.memory_space<vmem>>[vector<16xi32>, vector<16xi32>], vector<16xf32>, vector<16xi1>
      %slice3A_431 = vector.extract_strided_slice %get3A_422 {offsets = [1], sizes = [1], strides = [1]} : vector<16xi32> to vector<1xi32>
      %squeeze3A_432 = vector.extract %slice3A_431[0] : i32 from vector<1xi32>
      %broadcast_in_dim3A_433 = vector.broadcast %squeeze3A_432 : i32 to vector<16xi32>
      %scatter3A_434 = arith.constant 1 : i32
      %scatter3A_435 = arith.constant 0 : i32
      %scatter3A_436 = arith.constant 0 : i32
      %scatter3A_437 = tpu.memref_slice %arg6[%scatter3A_434, %scatter3A_435, %scatter3A_436] : memref<2x16x2048xf32, #tpu.memory_space<vmem>> -> memref<1x16x2048xf32, #tpu.memory_space<vmem>>
      %scatter3A_438 = tpu.memref_squeeze %scatter3A_437 : memref<1x16x2048xf32, #tpu.memory_space<vmem>> -> memref<16x2048xf32, #tpu.memory_space<vmem>>
      tpu.vector_store_idx %scatter3A_438[%broadcast_in_dim3A_155, %broadcast_in_dim3A_433], %broadcast_in_dim3A_6 masked %eq3A_5 {add = true} : memref<16x2048xf32, #tpu.memory_space<vmem>>[vector<16xi32>, vector<16xi32>], vector<16xf32>, vector<16xi1>
      %slice3A_439 = vector.extract_strided_slice %get3A_422 {offsets = [2], sizes = [1], strides = [1]} : vector<16xi32> to vector<1xi32>
      %squeeze3A_440 = vector.extract %slice3A_439[0] : i32 from vector<1xi32>
      %broadcast_in_dim3A_441 = vector.broadcast %squeeze3A_440 : i32 to vector<16xi32>
      %scatter3A_442 = arith.constant 1 : i32
      %scatter3A_443 = arith.constant 0 : i32
      %scatter3A_444 = arith.constant 0 : i32
      %scatter3A_445 = tpu.memref_slice %arg6[%scatter3A_442, %scatter3A_443, %scatter3A_444] : memref<2x16x2048xf32, #tpu.memory_space<vmem>> -> memref<1x16x2048xf32, #tpu.memory_space<vmem>>
      %scatter3A_446 = tpu.memref_squeeze %scatter3A_445 : memref<1x16x2048xf32, #tpu.memory_space<vmem>> -> memref<16x2048xf32, #tpu.memory_space<vmem>>
      tpu.vector_store_idx %scatter3A_446[%broadcast_in_dim3A_155, %broadcast_in_dim3A_441], %broadcast_in_dim3A_6 masked %eq3A_5 {add = true} : memref<16x2048xf32, #tpu.memory_space<vmem>>[vector<16xi32>, vector<16xi32>], vector<16xf32>, vector<16xi1>
      %slice3A_447 = vector.extract_strided_slice %get3A_422 {offsets = [3], sizes = [1], strides = [1]} : vector<16xi32> to vector<1xi32>
      %squeeze3A_448 = vector.extract %slice3A_447[0] : i32 from vector<1xi32>
      %broadcast_in_dim3A_449 = vector.broadcast %squeeze3A_448 : i32 to vector<16xi32>
      %scatter3A_450 = arith.constant 1 : i32
      %scatter3A_451 = arith.constant 0 : i32
      %scatter3A_452 = arith.constant 0 : i32
      %scatter3A_453 = tpu.memref_slice %arg6[%scatter3A_450, %scatter3A_451, %scatter3A_452] : memref<2x16x2048xf32, #tpu.memory_space<vmem>> -> memref<1x16x2048xf32, #tpu.memory_space<vmem>>
      %scatter3A_454 = tpu.memref_squeeze %scatter3A_453 : memref<1x16x2048xf32, #tpu.memory_space<vmem>> -> memref<16x2048xf32, #tpu.memory_space<vmem>>
      tpu.vector_store_idx %scatter3A_454[%broadcast_in_dim3A_155, %broadcast_in_dim3A_449], %broadcast_in_dim3A_6 masked %eq3A_5 {add = true} : memref<16x2048xf32, #tpu.memory_space<vmem>>[vector<16xi32>, vector<16xi32>], vector<16xf32>, vector<16xi1>
      %slice3A_455 = vector.extract_strided_slice %get3A_422 {offsets = [4], sizes = [1], strides = [1]} : vector<16xi32> to vector<1xi32>
      %squeeze3A_456 = vector.extract %slice3A_455[0] : i32 from vector<1xi32>
      %broadcast_in_dim3A_457 = vector.broadcast %squeeze3A_456 : i32 to vector<16xi32>
      %scatter3A_458 = arith.constant 1 : i32
      %scatter3A_459 = arith.constant 0 : i32
      %scatter3A_460 = arith.constant 0 : i32
      %scatter3A_461 = tpu.memref_slice %arg6[%scatter3A_458, %scatter3A_459, %scatter3A_460] : memref<2x16x2048xf32, #tpu.memory_space<vmem>> -> memref<1x16x2048xf32, #tpu.memory_space<vmem>>
      %scatter3A_462 = tpu.memref_squeeze %scatter3A_461 : memref<1x16x2048xf32, #tpu.memory_space<vmem>> -> memref<16x2048xf32, #tpu.memory_space<vmem>>
      tpu.vector_store_idx %scatter3A_462[%broadcast_in_dim3A_155, %broadcast_in_dim3A_457], %broadcast_in_dim3A_6 masked %eq3A_5 {add = true} : memref<16x2048xf32, #tpu.memory_space<vmem>>[vector<16xi32>, vector<16xi32>], vector<16xf32>, vector<16xi1>
      %slice3A_463 = vector.extract_strided_slice %get3A_422 {offsets = [5], sizes = [1], strides = [1]} : vector<16xi32> to vector<1xi32>
      %squeeze3A_464 = vector.extract %slice3A_463[0] : i32 from vector<1xi32>
      %broadcast_in_dim3A_465 = vector.broadcast %squeeze3A_464 : i32 to vector<16xi32>
      %scatter3A_466 = arith.constant 1 : i32
      %scatter3A_467 = arith.constant 0 : i32
      %scatter3A_468 = arith.constant 0 : i32
      %scatter3A_469 = tpu.memref_slice %arg6[%scatter3A_466, %scatter3A_467, %scatter3A_468] : memref<2x16x2048xf32, #tpu.memory_space<vmem>> -> memref<1x16x2048xf32, #tpu.memory_space<vmem>>
      %scatter3A_470 = tpu.memref_squeeze %scatter3A_469 : memref<1x16x2048xf32, #tpu.memory_space<vmem>> -> memref<16x2048xf32, #tpu.memory_space<vmem>>
      tpu.vector_store_idx %scatter3A_470[%broadcast_in_dim3A_155, %broadcast_in_dim3A_465], %broadcast_in_dim3A_6 masked %eq3A_5 {add = true} : memref<16x2048xf32, #tpu.memory_space<vmem>>[vector<16xi32>, vector<16xi32>], vector<16xf32>, vector<16xi1>
      %slice3A_471 = vector.extract_strided_slice %get3A_422 {offsets = [6], sizes = [1], strides = [1]} : vector<16xi32> to vector<1xi32>
      %squeeze3A_472 = vector.extract %slice3A_471[0] : i32 from vector<1xi32>
      %broadcast_in_dim3A_473 = vector.broadcast %squeeze3A_472 : i32 to vector<16xi32>
      %scatter3A_474 = arith.constant 1 : i32
      %scatter3A_475 = arith.constant 0 : i32
      %scatter3A_476 = arith.constant 0 : i32
      %scatter3A_477 = tpu.memref_slice %arg6[%scatter3A_474, %scatter3A_475, %scatter3A_476] : memref<2x16x2048xf32, #tpu.memory_space<vmem>> -> memref<1x16x2048xf32, #tpu.memory_space<vmem>>
      %scatter3A_478 = tpu.memref_squeeze %scatter3A_477 : memref<1x16x2048xf32, #tpu.memory_space<vmem>> -> memref<16x2048xf32, #tpu.memory_space<vmem>>
      tpu.vector_store_idx %scatter3A_478[%broadcast_in_dim3A_155, %broadcast_in_dim3A_473], %broadcast_in_dim3A_6 masked %eq3A_5 {add = true} : memref<16x2048xf32, #tpu.memory_space<vmem>>[vector<16xi32>, vector<16xi32>], vector<16xf32>, vector<16xi1>
      %slice3A_479 = vector.extract_strided_slice %get3A_422 {offsets = [7], sizes = [1], strides = [1]} : vector<16xi32> to vector<1xi32>
      %squeeze3A_480 = vector.extract %slice3A_479[0] : i32 from vector<1xi32>
      %broadcast_in_dim3A_481 = vector.broadcast %squeeze3A_480 : i32 to vector<16xi32>
      %scatter3A_482 = arith.constant 1 : i32
      %scatter3A_483 = arith.constant 0 : i32
      %scatter3A_484 = arith.constant 0 : i32
      %scatter3A_485 = tpu.memref_slice %arg6[%scatter3A_482, %scatter3A_483, %scatter3A_484] : memref<2x16x2048xf32, #tpu.memory_space<vmem>> -> memref<1x16x2048xf32, #tpu.memory_space<vmem>>
      %scatter3A_486 = tpu.memref_squeeze %scatter3A_485 : memref<1x16x2048xf32, #tpu.memory_space<vmem>> -> memref<16x2048xf32, #tpu.memory_space<vmem>>
      tpu.vector_store_idx %scatter3A_486[%broadcast_in_dim3A_155, %broadcast_in_dim3A_481], %broadcast_in_dim3A_6 masked %eq3A_5 {add = true} : memref<16x2048xf32, #tpu.memory_space<vmem>>[vector<16xi32>, vector<16xi32>], vector<16xf32>, vector<16xi1>
    }
    %scan3A_33 = arith.constant 16 : i32
    %add3A_34 = arith.constant 16 : i32
    %add3A_35 = arith.addi %mul3A_2, %add3A_34 : i32
    %dma_start3A_36 = arith.constant 1 : i32
    %dma_start3A_37 = arith.constant 0 : i32
    %dma_start3A_38 = arith.constant 0 : i32
    %dma_start3A_39 = tpu.memref_slice %arg6[%dma_start3A_36, %dma_start3A_37, %dma_start3A_38] : memref<2x16x2048xf32, #tpu.memory_space<vmem>> -> memref<1x16x2048xf32, #tpu.memory_space<vmem>>
    %dma_start3A_40 = tpu.memref_squeeze %dma_start3A_39 : memref<1x16x2048xf32, #tpu.memory_space<vmem>> -> memref<16x2048xf32, #tpu.memory_space<vmem>>
    %dma_start3A_41 = arith.constant 0 : i32
    %dma_start3A_42 = tpu.memref_slice %arg4[%add3A_35, %dma_start3A_41] : memref<2048x2048xf32, #tpu.memory_space<hbm>> -> memref<16x2048xf32, #tpu.memory_space<hbm>>
    %dma_start3A_43 = arith.constant 0 : i32
    %dma_start3A_44 = tpu.memref_slice %arg4[%add3A_35, %dma_start3A_43] : memref<2048x2048xf32, #tpu.memory_space<hbm>> -> memref<16x2048xf32, #tpu.memory_space<hbm>>
    %dma_start3A_45 = arith.constant 0 : i32
    %dma_start3A_46 = arith.constant 0 : i32
    %dma_start3A_47 = tpu.memref_slice %arg6[%dma_start3A_36, %dma_start3A_45, %dma_start3A_46] : memref<2x16x2048xf32, #tpu.memory_space<vmem>> -> memref<1x16x2048xf32, #tpu.memory_space<vmem>>
    %dma_start3A_48 = tpu.memref_squeeze %dma_start3A_47 : memref<1x16x2048xf32, #tpu.memory_space<vmem>> -> memref<16x2048xf32, #tpu.memory_space<vmem>>
    tpu.enqueue_dma source(%dma_start3A_48 : memref<16x2048xf32, #tpu.memory_space<vmem>>) target(%dma_start3A_44 : memref<16x2048xf32, #tpu.memory_space<hbm>>) target_semaphore(%arg8 : memref<!tpu.dma_semaphore, #tpu.memory_space<semaphore_mem>>)
    %dma_wait3A = arith.constant 0 : i32
    %dma_wait3A_49 = arith.constant 0 : i32
    %dma_wait3A_50 = arith.constant 0 : i32
    %dma_wait3A_51 = tpu.memref_slice %arg6[%dma_wait3A, %dma_wait3A_49, %dma_wait3A_50] : memref<2x16x2048xf32, #tpu.memory_space<vmem>> -> memref<1x16x2048xf32, #tpu.memory_space<vmem>>
    %dma_wait3A_52 = tpu.memref_squeeze %dma_wait3A_51 : memref<1x16x2048xf32, #tpu.memory_space<vmem>> -> memref<16x2048xf32, #tpu.memory_space<vmem>>
    %dma_wait3A_53 = arith.constant 0 : i32
    %dma_wait3A_54 = tpu.memref_slice %arg4[%add3A_15, %dma_wait3A_53] : memref<2048x2048xf32, #tpu.memory_space<hbm>> -> memref<16x2048xf32, #tpu.memory_space<hbm>>
    %dma_wait3A_55 = arith.constant 0 : i32
    %dma_wait3A_56 = tpu.memref_slice %arg4[%add3A_15, %dma_wait3A_55] : memref<2048x2048xf32, #tpu.memory_space<hbm>> -> memref<16x2048xf32, #tpu.memory_space<hbm>>
    %dma_wait3A_57 = arith.constant 0 : i32
    %dma_wait3A_58 = arith.constant 0 : i32
    %dma_wait3A_59 = tpu.memref_slice %arg6[%dma_wait3A, %dma_wait3A_57, %dma_wait3A_58] : memref<2x16x2048xf32, #tpu.memory_space<vmem>> -> memref<1x16x2048xf32, #tpu.memory_space<vmem>>
    %dma_wait3A_60 = tpu.memref_squeeze %dma_wait3A_59 : memref<1x16x2048xf32, #tpu.memory_space<vmem>> -> memref<16x2048xf32, #tpu.memory_space<vmem>>
    tpu.wait_dma2 semaphore(%arg7 : memref<!tpu.dma_semaphore, #tpu.memory_space<semaphore_mem>>) src(%dma_wait3A_60 : memref<16x2048xf32, #tpu.memory_space<vmem>>) dst(%dma_wait3A_56 : memref<16x2048xf32, #tpu.memory_space<hbm>>)
    %scan3A_61 = arith.constant 0 : i32
    %scan3A_62 = arith.constant 0 : i32
    %scan3A_63 = arith.constant 16 : i32
    %scan3A_64 = arith.addi %scan3A_62, %scan3A_63 : i32
    %scan3A_65 = arith.constant 1 : i32
    scf.for %scan3A_154 = %scan3A_62 to %scan3A_64 step %scan3A_65  : i32 {
      %broadcast_in_dim3A_155 = vector.broadcast %scan3A_154 : i32 to vector<16xi32>
      %add3A_156 = arith.constant 0 : i32
      %add3A_157 = arith.addi %add3A_156, %scan3A_154 : i32
      %get3A = arith.index_cast %add3A_157 : i32 to index
      %get3A_158 = arith.constant 0 : index
      %get3A_159 = tpu.vector_load %arg5[%get3A, %get3A_158] {strides = array<i32>} : memref<64x48xi32, #tpu.memory_space<vmem>>, vector<16xi32>,
      %slice3A = vector.extract_strided_slice %get3A_159 {offsets = [0], sizes = [1], strides = [1]} : vector<16xi32> to vector<1xi32>
      %squeeze3A = vector.extract %slice3A[0] : i32 from vector<1xi32>
      %broadcast_in_dim3A_160 = vector.broadcast %squeeze3A : i32 to vector<16xi32>
      %scatter3A = arith.constant 0 : i32
      %scatter3A_161 = arith.constant 0 : i32
      %scatter3A_162 = arith.constant 0 : i32
      %scatter3A_163 = tpu.memref_slice %arg6[%scatter3A, %scatter3A_161, %scatter3A_162] : memref<2x16x2048xf32, #tpu.memory_space<vmem>> -> memref<1x16x2048xf32, #tpu.memory_space<vmem>>
      %scatter3A_164 = tpu.memref_squeeze %scatter3A_163 : memref<1x16x2048xf32, #tpu.memory_space<vmem>> -> memref<16x2048xf32, #tpu.memory_space<vmem>>
      tpu.vector_store_idx %scatter3A_164[%broadcast_in_dim3A_155, %broadcast_in_dim3A_160], %broadcast_in_dim3A_8 masked %eq3A_5 : memref<16x2048xf32, #tpu.memory_space<vmem>>[vector<16xi32>, vector<16xi32>], vector<16xf32>, vector<16xi1>
      %slice3A_165 = vector.extract_strided_slice %get3A_159 {offsets = [1], sizes = [1], strides = [1]} : vector<16xi32> to vector<1xi32>
      %squeeze3A_166 = vector.extract %slice3A_165[0] : i32 from vector<1xi32>
      %broadcast_in_dim3A_167 = vector.broadcast %squeeze3A_166 : i32 to vector<16xi32>
      %scatter3A_168 = arith.constant 0 : i32
      %scatter3A_169 = arith.constant 0 : i32
      %scatter3A_170 = arith.constant 0 : i32
      %scatter3A_171 = tpu.memref_slice %arg6[%scatter3A_168, %scatter3A_169, %scatter3A_170] : memref<2x16x2048xf32, #tpu.memory_space<vmem>> -> memref<1x16x2048xf32, #tpu.memory_space<vmem>>
      %scatter3A_172 = tpu.memref_squeeze %scatter3A_171 : memref<1x16x2048xf32, #tpu.memory_space<vmem>> -> memref<16x2048xf32, #tpu.memory_space<vmem>>
      tpu.vector_store_idx %scatter3A_172[%broadcast_in_dim3A_155, %broadcast_in_dim3A_167], %broadcast_in_dim3A_8 masked %eq3A_5 : memref<16x2048xf32, #tpu.memory_space<vmem>>[vector<16xi32>, vector<16xi32>], vector<16xf32>, vector<16xi1>
      %slice3A_173 = vector.extract_strided_slice %get3A_159 {offsets = [2], sizes = [1], strides = [1]} : vector<16xi32> to vector<1xi32>
      %squeeze3A_174 = vector.extract %slice3A_173[0] : i32 from vector<1xi32>
      %broadcast_in_dim3A_175 = vector.broadcast %squeeze3A_174 : i32 to vector<16xi32>
      %scatter3A_176 = arith.constant 0 : i32
      %scatter3A_177 = arith.constant 0 : i32
      %scatter3A_178 = arith.constant 0 : i32
      %scatter3A_179 = tpu.memref_slice %arg6[%scatter3A_176, %scatter3A_177, %scatter3A_178] : memref<2x16x2048xf32, #tpu.memory_space<vmem>> -> memref<1x16x2048xf32, #tpu.memory_space<vmem>>
      %scatter3A_180 = tpu.memref_squeeze %scatter3A_179 : memref<1x16x2048xf32, #tpu.memory_space<vmem>> -> memref<16x2048xf32, #tpu.memory_space<vmem>>
      tpu.vector_store_idx %scatter3A_180[%broadcast_in_dim3A_155, %broadcast_in_dim3A_175], %broadcast_in_dim3A_8 masked %eq3A_5 : memref<16x2048xf32, #tpu.memory_space<vmem>>[vector<16xi32>, vector<16xi32>], vector<16xf32>, vector<16xi1>
      %slice3A_181 = vector.extract_strided_slice %get3A_159 {offsets = [3], sizes = [1], strides = [1]} : vector<16xi32> to vector<1xi32>
      %squeeze3A_182 = vector.extract %slice3A_181[0] : i32 from vector<1xi32>
      %broadcast_in_dim3A_183 = vector.broadcast %squeeze3A_182 : i32 to vector<16xi32>
      %scatter3A_184 = arith.constant 0 : i32
      %scatter3A_185 = arith.constant 0 : i32
      %scatter3A_186 = arith.constant 0 : i32
      %scatter3A_187 = tpu.memref_slice %arg6[%scatter3A_184, %scatter3A_185, %scatter3A_186] : memref<2x16x2048xf32, #tpu.memory_space<vmem>> -> memref<1x16x2048xf32, #tpu.memory_space<vmem>>
      %scatter3A_188 = tpu.memref_squeeze %scatter3A_187 : memref<1x16x2048xf32, #tpu.memory_space<vmem>> -> memref<16x2048xf32, #tpu.memory_space<vmem>>
      tpu.vector_store_idx %scatter3A_188[%broadcast_in_dim3A_155, %broadcast_in_dim3A_183], %broadcast_in_dim3A_8 masked %eq3A_5 : memref<16x2048xf32, #tpu.memory_space<vmem>>[vector<16xi32>, vector<16xi32>], vector<16xf32>, vector<16xi1>
      %slice3A_189 = vector.extract_strided_slice %get3A_159 {offsets = [4], sizes = [1], strides = [1]} : vector<16xi32> to vector<1xi32>
      %squeeze3A_190 = vector.extract %slice3A_189[0] : i32 from vector<1xi32>
      %broadcast_in_dim3A_191 = vector.broadcast %squeeze3A_190 : i32 to vector<16xi32>
      %scatter3A_192 = arith.constant 0 : i32
      %scatter3A_193 = arith.constant 0 : i32
      %scatter3A_194 = arith.constant 0 : i32
      %scatter3A_195 = tpu.memref_slice %arg6[%scatter3A_192, %scatter3A_193, %scatter3A_194] : memref<2x16x2048xf32, #tpu.memory_space<vmem>> -> memref<1x16x2048xf32, #tpu.memory_space<vmem>>
      %scatter3A_196 = tpu.memref_squeeze %scatter3A_195 : memref<1x16x2048xf32, #tpu.memory_space<vmem>> -> memref<16x2048xf32, #tpu.memory_space<vmem>>
      tpu.vector_store_idx %scatter3A_196[%broadcast_in_dim3A_155, %broadcast_in_dim3A_191], %broadcast_in_dim3A_8 masked %eq3A_5 : memref<16x2048xf32, #tpu.memory_space<vmem>>[vector<16xi32>, vector<16xi32>], vector<16xf32>, vector<16xi1>
      %slice3A_197 = vector.extract_strided_slice %get3A_159 {offsets = [5], sizes = [1], strides = [1]} : vector<16xi32> to vector<1xi32>
      %squeeze3A_198 = vector.extract %slice3A_197[0] : i32 from vector<1xi32>
      %broadcast_in_dim3A_199 = vector.broadcast %squeeze3A_198 : i32 to vector<16xi32>
      %scatter3A_200 = arith.constant 0 : i32
      %scatter3A_201 = arith.constant 0 : i32
      %scatter3A_202 = arith.constant 0 : i32
      %scatter3A_203 = tpu.memref_slice %arg6[%scatter3A_200, %scatter3A_201, %scatter3A_202] : memref<2x16x2048xf32, #tpu.memory_space<vmem>> -> memref<1x16x2048xf32, #tpu.memory_space<vmem>>
      %scatter3A_204 = tpu.memref_squeeze %scatter3A_203 : memref<1x16x2048xf32, #tpu.memory_space<vmem>> -> memref<16x2048xf32, #tpu.memory_space<vmem>>
      tpu.vector_store_idx %scatter3A_204[%broadcast_in_dim3A_155, %broadcast_in_dim3A_199], %broadcast_in_dim3A_8 masked %eq3A_5 : memref<16x2048xf32, #tpu.memory_space<vmem>>[vector<16xi32>, vector<16xi32>], vector<16xf32>, vector<16xi1>
      %slice3A_205 = vector.extract_strided_slice %get3A_159 {offsets = [6], sizes = [1], strides = [1]} : vector<16xi32> to vector<1xi32>
      %squeeze3A_206 = vector.extract %slice3A_205[0] : i32 from vector<1xi32>
      %broadcast_in_dim3A_207 = vector.broadcast %squeeze3A_206 : i32 to vector<16xi32>
      %scatter3A_208 = arith.constant 0 : i32
      %scatter3A_209 = arith.constant 0 : i32
      %scatter3A_210 = arith.constant 0 : i32
      %scatter3A_211 = tpu.memref_slice %arg6[%scatter3A_208, %scatter3A_209, %scatter3A_210] : memref<2x16x2048xf32, #tpu.memory_space<vmem>> -> memref<1x16x2048xf32, #tpu.memory_space<vmem>>
      %scatter3A_212 = tpu.memref_squeeze %scatter3A_211 : memref<1x16x2048xf32, #tpu.memory_space<vmem>> -> memref<16x2048xf32, #tpu.memory_space<vmem>>
      tpu.vector_store_idx %scatter3A_212[%broadcast_in_dim3A_155, %broadcast_in_dim3A_207], %broadcast_in_dim3A_8 masked %eq3A_5 : memref<16x2048xf32, #tpu.memory_space<vmem>>[vector<16xi32>, vector<16xi32>], vector<16xf32>, vector<16xi1>
      %slice3A_213 = vector.extract_strided_slice %get3A_159 {offsets = [7], sizes = [1], strides = [1]} : vector<16xi32> to vector<1xi32>
      %squeeze3A_214 = vector.extract %slice3A_213[0] : i32 from vector<1xi32>
      %broadcast_in_dim3A_215 = vector.broadcast %squeeze3A_214 : i32 to vector<16xi32>
      %scatter3A_216 = arith.constant 0 : i32
      %scatter3A_217 = arith.constant 0 : i32
      %scatter3A_218 = arith.constant 0 : i32
      %scatter3A_219 = tpu.memref_slice %arg6[%scatter3A_216, %scatter3A_217, %scatter3A_218] : memref<2x16x2048xf32, #tpu.memory_space<vmem>> -> memref<1x16x2048xf32, #tpu.memory_space<vmem>>
      %scatter3A_220 = tpu.memref_squeeze %scatter3A_219 : memref<1x16x2048xf32, #tpu.memory_space<vmem>> -> memref<16x2048xf32, #tpu.memory_space<vmem>>
      tpu.vector_store_idx %scatter3A_220[%broadcast_in_dim3A_155, %broadcast_in_dim3A_215], %broadcast_in_dim3A_8 masked %eq3A_5 : memref<16x2048xf32, #tpu.memory_space<vmem>>[vector<16xi32>, vector<16xi32>], vector<16xf32>, vector<16xi1>
      %slice3A_221 = vector.extract_strided_slice %get3A_159 {offsets = [8], sizes = [1], strides = [1]} : vector<16xi32> to vector<1xi32>
      %squeeze3A_222 = vector.extract %slice3A_221[0] : i32 from vector<1xi32>
      %broadcast_in_dim3A_223 = vector.broadcast %squeeze3A_222 : i32 to vector<16xi32>
      %scatter3A_224 = arith.constant 0 : i32
      %scatter3A_225 = arith.constant 0 : i32
      %scatter3A_226 = arith.constant 0 : i32
      %scatter3A_227 = tpu.memref_slice %arg6[%scatter3A_224, %scatter3A_225, %scatter3A_226] : memref<2x16x2048xf32, #tpu.memory_space<vmem>> -> memref<1x16x2048xf32, #tpu.memory_space<vmem>>
      %scatter3A_228 = tpu.memref_squeeze %scatter3A_227 : memref<1x16x2048xf32, #tpu.memory_space<vmem>> -> memref<16x2048xf32, #tpu.memory_space<vmem>>
      tpu.vector_store_idx %scatter3A_228[%broadcast_in_dim3A_155, %broadcast_in_dim3A_223], %broadcast_in_dim3A_8 masked %eq3A_5 : memref<16x2048xf32, #tpu.memory_space<vmem>>[vector<16xi32>, vector<16xi32>], vector<16xf32>, vector<16xi1>
      %slice3A_229 = vector.extract_strided_slice %get3A_159 {offsets = [9], sizes = [1], strides = [1]} : vector<16xi32> to vector<1xi32>
      %squeeze3A_230 = vector.extract %slice3A_229[0] : i32 from vector<1xi32>
      %broadcast_in_dim3A_231 = vector.broadcast %squeeze3A_230 : i32 to vector<16xi32>
      %scatter3A_232 = arith.constant 0 : i32
      %scatter3A_233 = arith.constant 0 : i32
      %scatter3A_234 = arith.constant 0 : i32
      %scatter3A_235 = tpu.memref_slice %arg6[%scatter3A_232, %scatter3A_233, %scatter3A_234] : memref<2x16x2048xf32, #tpu.memory_space<vmem>> -> memref<1x16x2048xf32, #tpu.memory_space<vmem>>
      %scatter3A_236 = tpu.memref_squeeze %scatter3A_235 : memref<1x16x2048xf32, #tpu.memory_space<vmem>> -> memref<16x2048xf32, #tpu.memory_space<vmem>>
      tpu.vector_store_idx %scatter3A_236[%broadcast_in_dim3A_155, %broadcast_in_dim3A_231], %broadcast_in_dim3A_8 masked %eq3A_5 : memref<16x2048xf32, #tpu.memory_space<vmem>>[vector<16xi32>, vector<16xi32>], vector<16xf32>, vector<16xi1>
      %slice3A_237 = vector.extract_strided_slice %get3A_159 {offsets = [10], sizes = [1], strides = [1]} : vector<16xi32> to vector<1xi32>
      %squeeze3A_238 = vector.extract %slice3A_237[0] : i32 from vector<1xi32>
      %broadcast_in_dim3A_239 = vector.broadcast %squeeze3A_238 : i32 to vector<16xi32>
      %scatter3A_240 = arith.constant 0 : i32
      %scatter3A_241 = arith.constant 0 : i32
      %scatter3A_242 = arith.constant 0 : i32
      %scatter3A_243 = tpu.memref_slice %arg6[%scatter3A_240, %scatter3A_241, %scatter3A_242] : memref<2x16x2048xf32, #tpu.memory_space<vmem>> -> memref<1x16x2048xf32, #tpu.memory_space<vmem>>
      %scatter3A_244 = tpu.memref_squeeze %scatter3A_243 : memref<1x16x2048xf32, #tpu.memory_space<vmem>> -> memref<16x2048xf32, #tpu.memory_space<vmem>>
      tpu.vector_store_idx %scatter3A_244[%broadcast_in_dim3A_155, %broadcast_in_dim3A_239], %broadcast_in_dim3A_8 masked %eq3A_5 : memref<16x2048xf32, #tpu.memory_space<vmem>>[vector<16xi32>, vector<16xi32>], vector<16xf32>, vector<16xi1>
      %slice3A_245 = vector.extract_strided_slice %get3A_159 {offsets = [11], sizes = [1], strides = [1]} : vector<16xi32> to vector<1xi32>
      %squeeze3A_246 = vector.extract %slice3A_245[0] : i32 from vector<1xi32>
      %broadcast_in_dim3A_247 = vector.broadcast %squeeze3A_246 : i32 to vector<16xi32>
      %scatter3A_248 = arith.constant 0 : i32
      %scatter3A_249 = arith.constant 0 : i32
      %scatter3A_250 = arith.constant 0 : i32
      %scatter3A_251 = tpu.memref_slice %arg6[%scatter3A_248, %scatter3A_249, %scatter3A_250] : memref<2x16x2048xf32, #tpu.memory_space<vmem>> -> memref<1x16x2048xf32, #tpu.memory_space<vmem>>
      %scatter3A_252 = tpu.memref_squeeze %scatter3A_251 : memref<1x16x2048xf32, #tpu.memory_space<vmem>> -> memref<16x2048xf32, #tpu.memory_space<vmem>>
      tpu.vector_store_idx %scatter3A_252[%broadcast_in_dim3A_155, %broadcast_in_dim3A_247], %broadcast_in_dim3A_8 masked %eq3A_5 : memref<16x2048xf32, #tpu.memory_space<vmem>>[vector<16xi32>, vector<16xi32>], vector<16xf32>, vector<16xi1>
      %slice3A_253 = vector.extract_strided_slice %get3A_159 {offsets = [12], sizes = [1], strides = [1]} : vector<16xi32> to vector<1xi32>
      %squeeze3A_254 = vector.extract %slice3A_253[0] : i32 from vector<1xi32>
      %broadcast_in_dim3A_255 = vector.broadcast %squeeze3A_254 : i32 to vector<16xi32>
      %scatter3A_256 = arith.constant 0 : i32
      %scatter3A_257 = arith.constant 0 : i32
      %scatter3A_258 = arith.constant 0 : i32
      %scatter3A_259 = tpu.memref_slice %arg6[%scatter3A_256, %scatter3A_257, %scatter3A_258] : memref<2x16x2048xf32, #tpu.memory_space<vmem>> -> memref<1x16x2048xf32, #tpu.memory_space<vmem>>
      %scatter3A_260 = tpu.memref_squeeze %scatter3A_259 : memref<1x16x2048xf32, #tpu.memory_space<vmem>> -> memref<16x2048xf32, #tpu.memory_space<vmem>>
      tpu.vector_store_idx %scatter3A_260[%broadcast_in_dim3A_155, %broadcast_in_dim3A_255], %broadcast_in_dim3A_8 masked %eq3A_5 : memref<16x2048xf32, #tpu.memory_space<vmem>>[vector<16xi32>, vector<16xi32>], vector<16xf32>, vector<16xi1>
      %slice3A_261 = vector.extract_strided_slice %get3A_159 {offsets = [13], sizes = [1], strides = [1]} : vector<16xi32> to vector<1xi32>
      %squeeze3A_262 = vector.extract %slice3A_261[0] : i32 from vector<1xi32>
      %broadcast_in_dim3A_263 = vector.broadcast %squeeze3A_262 : i32 to vector<16xi32>
      %scatter3A_264 = arith.constant 0 : i32
      %scatter3A_265 = arith.constant 0 : i32
      %scatter3A_266 = arith.constant 0 : i32
      %scatter3A_267 = tpu.memref_slice %arg6[%scatter3A_264, %scatter3A_265, %scatter3A_266] : memref<2x16x2048xf32, #tpu.memory_space<vmem>> -> memref<1x16x2048xf32, #tpu.memory_space<vmem>>
      %scatter3A_268 = tpu.memref_squeeze %scatter3A_267 : memref<1x16x2048xf32, #tpu.memory_space<vmem>> -> memref<16x2048xf32, #tpu.memory_space<vmem>>
      tpu.vector_store_idx %scatter3A_268[%broadcast_in_dim3A_155, %broadcast_in_dim3A_263], %broadcast_in_dim3A_8 masked %eq3A_5 : memref<16x2048xf32, #tpu.memory_space<vmem>>[vector<16xi32>, vector<16xi32>], vector<16xf32>, vector<16xi1>
      %slice3A_269 = vector.extract_strided_slice %get3A_159 {offsets = [14], sizes = [1], strides = [1]} : vector<16xi32> to vector<1xi32>
      %squeeze3A_270 = vector.extract %slice3A_269[0] : i32 from vector<1xi32>
      %broadcast_in_dim3A_271 = vector.broadcast %squeeze3A_270 : i32 to vector<16xi32>
      %scatter3A_272 = arith.constant 0 : i32
      %scatter3A_273 = arith.constant 0 : i32
      %scatter3A_274 = arith.constant 0 : i32
      %scatter3A_275 = tpu.memref_slice %arg6[%scatter3A_272, %scatter3A_273, %scatter3A_274] : memref<2x16x2048xf32, #tpu.memory_space<vmem>> -> memref<1x16x2048xf32, #tpu.memory_space<vmem>>
      %scatter3A_276 = tpu.memref_squeeze %scatter3A_275 : memref<1x16x2048xf32, #tpu.memory_space<vmem>> -> memref<16x2048xf32, #tpu.memory_space<vmem>>
      tpu.vector_store_idx %scatter3A_276[%broadcast_in_dim3A_155, %broadcast_in_dim3A_271], %broadcast_in_dim3A_8 masked %eq3A_5 : memref<16x2048xf32, #tpu.memory_space<vmem>>[vector<16xi32>, vector<16xi32>], vector<16xf32>, vector<16xi1>
      %slice3A_277 = vector.extract_strided_slice %get3A_159 {offsets = [15], sizes = [1], strides = [1]} : vector<16xi32> to vector<1xi32>
      %squeeze3A_278 = vector.extract %slice3A_277[0] : i32 from vector<1xi32>
      %broadcast_in_dim3A_279 = vector.broadcast %squeeze3A_278 : i32 to vector<16xi32>
      %scatter3A_280 = arith.constant 0 : i32
      %scatter3A_281 = arith.constant 0 : i32
      %scatter3A_282 = arith.constant 0 : i32
      %scatter3A_283 = tpu.memref_slice %arg6[%scatter3A_280, %scatter3A_281, %scatter3A_282] : memref<2x16x2048xf32, #tpu.memory_space<vmem>> -> memref<1x16x2048xf32, #tpu.memory_space<vmem>>
      %scatter3A_284 = tpu.memref_squeeze %scatter3A_283 : memref<1x16x2048xf32, #tpu.memory_space<vmem>> -> memref<16x2048xf32, #tpu.memory_space<vmem>>
      tpu.vector_store_idx %scatter3A_284[%broadcast_in_dim3A_155, %broadcast_in_dim3A_279], %broadcast_in_dim3A_8 masked %eq3A_5 : memref<16x2048xf32, #tpu.memory_space<vmem>>[vector<16xi32>, vector<16xi32>], vector<16xf32>, vector<16xi1>
      %add3A_285 = arith.constant 0 : i32
      %add3A_286 = arith.addi %add3A_285, %scan3A_154 : i32
      %get3A_287 = arith.index_cast %add3A_286 : i32 to index
      %get3A_288 = arith.constant 16 : index
      %get3A_289 = tpu.vector_load %arg5[%get3A_287, %get3A_288] {strides = array<i32>} : memref<64x48xi32, #tpu.memory_space<vmem>>, vector<16xi32>,
      %slice3A_290 = vector.extract_strided_slice %get3A_289 {offsets = [0], sizes = [1], strides = [1]} : vector<16xi32> to vector<1xi32>
      %squeeze3A_291 = vector.extract %slice3A_290[0] : i32 from vector<1xi32>
      %broadcast_in_dim3A_292 = vector.broadcast %squeeze3A_291 : i32 to vector<16xi32>
      %scatter3A_293 = arith.constant 0 : i32
      %scatter3A_294 = arith.constant 0 : i32
      %scatter3A_295 = arith.constant 0 : i32
      %scatter3A_296 = tpu.memref_slice %arg6[%scatter3A_293, %scatter3A_294, %scatter3A_295] : memref<2x16x2048xf32, #tpu.memory_space<vmem>> -> memref<1x16x2048xf32, #tpu.memory_space<vmem>>
      %scatter3A_297 = tpu.memref_squeeze %scatter3A_296 : memref<1x16x2048xf32, #tpu.memory_space<vmem>> -> memref<16x2048xf32, #tpu.memory_space<vmem>>
      tpu.vector_store_idx %scatter3A_297[%broadcast_in_dim3A_155, %broadcast_in_dim3A_292], %broadcast_in_dim3A_8 masked %eq3A_5 : memref<16x2048xf32, #tpu.memory_space<vmem>>[vector<16xi32>, vector<16xi32>], vector<16xf32>, vector<16xi1>
      %slice3A_298 = vector.extract_strided_slice %get3A_289 {offsets = [1], sizes = [1], strides = [1]} : vector<16xi32> to vector<1xi32>
      %squeeze3A_299 = vector.extract %slice3A_298[0] : i32 from vector<1xi32>
      %broadcast_in_dim3A_300 = vector.broadcast %squeeze3A_299 : i32 to vector<16xi32>
      %scatter3A_301 = arith.constant 0 : i32
      %scatter3A_302 = arith.constant 0 : i32
      %scatter3A_303 = arith.constant 0 : i32
      %scatter3A_304 = tpu.memref_slice %arg6[%scatter3A_301, %scatter3A_302, %scatter3A_303] : memref<2x16x2048xf32, #tpu.memory_space<vmem>> -> memref<1x16x2048xf32, #tpu.memory_space<vmem>>
      %scatter3A_305 = tpu.memref_squeeze %scatter3A_304 : memref<1x16x2048xf32, #tpu.memory_space<vmem>> -> memref<16x2048xf32, #tpu.memory_space<vmem>>
      tpu.vector_store_idx %scatter3A_305[%broadcast_in_dim3A_155, %broadcast_in_dim3A_300], %broadcast_in_dim3A_8 masked %eq3A_5 : memref<16x2048xf32, #tpu.memory_space<vmem>>[vector<16xi32>, vector<16xi32>], vector<16xf32>, vector<16xi1>
      %slice3A_306 = vector.extract_strided_slice %get3A_289 {offsets = [2], sizes = [1], strides = [1]} : vector<16xi32> to vector<1xi32>
      %squeeze3A_307 = vector.extract %slice3A_306[0] : i32 from vector<1xi32>
      %broadcast_in_dim3A_308 = vector.broadcast %squeeze3A_307 : i32 to vector<16xi32>
      %scatter3A_309 = arith.constant 0 : i32
      %scatter3A_310 = arith.constant 0 : i32
      %scatter3A_311 = arith.constant 0 : i32
      %scatter3A_312 = tpu.memref_slice %arg6[%scatter3A_309, %scatter3A_310, %scatter3A_311] : memref<2x16x2048xf32, #tpu.memory_space<vmem>> -> memref<1x16x2048xf32, #tpu.memory_space<vmem>>
      %scatter3A_313 = tpu.memref_squeeze %scatter3A_312 : memref<1x16x2048xf32, #tpu.memory_space<vmem>> -> memref<16x2048xf32, #tpu.memory_space<vmem>>
      tpu.vector_store_idx %scatter3A_313[%broadcast_in_dim3A_155, %broadcast_in_dim3A_308], %broadcast_in_dim3A_8 masked %eq3A_5 : memref<16x2048xf32, #tpu.memory_space<vmem>>[vector<16xi32>, vector<16xi32>], vector<16xf32>, vector<16xi1>
      %slice3A_314 = vector.extract_strided_slice %get3A_289 {offsets = [3], sizes = [1], strides = [1]} : vector<16xi32> to vector<1xi32>
      %squeeze3A_315 = vector.extract %slice3A_314[0] : i32 from vector<1xi32>
      %broadcast_in_dim3A_316 = vector.broadcast %squeeze3A_315 : i32 to vector<16xi32>
      %scatter3A_317 = arith.constant 0 : i32
      %scatter3A_318 = arith.constant 0 : i32
      %scatter3A_319 = arith.constant 0 : i32
      %scatter3A_320 = tpu.memref_slice %arg6[%scatter3A_317, %scatter3A_318, %scatter3A_319] : memref<2x16x2048xf32, #tpu.memory_space<vmem>> -> memref<1x16x2048xf32, #tpu.memory_space<vmem>>
      %scatter3A_321 = tpu.memref_squeeze %scatter3A_320 : memref<1x16x2048xf32, #tpu.memory_space<vmem>> -> memref<16x2048xf32, #tpu.memory_space<vmem>>
      tpu.vector_store_idx %scatter3A_321[%broadcast_in_dim3A_155, %broadcast_in_dim3A_316], %broadcast_in_dim3A_8 masked %eq3A_5 : memref<16x2048xf32, #tpu.memory_space<vmem>>[vector<16xi32>, vector<16xi32>], vector<16xf32>, vector<16xi1>
      %slice3A_322 = vector.extract_strided_slice %get3A_289 {offsets = [4], sizes = [1], strides = [1]} : vector<16xi32> to vector<1xi32>
      %squeeze3A_323 = vector.extract %slice3A_322[0] : i32 from vector<1xi32>
      %broadcast_in_dim3A_324 = vector.broadcast %squeeze3A_323 : i32 to vector<16xi32>
      %scatter3A_325 = arith.constant 0 : i32
      %scatter3A_326 = arith.constant 0 : i32
      %scatter3A_327 = arith.constant 0 : i32
      %scatter3A_328 = tpu.memref_slice %arg6[%scatter3A_325, %scatter3A_326, %scatter3A_327] : memref<2x16x2048xf32, #tpu.memory_space<vmem>> -> memref<1x16x2048xf32, #tpu.memory_space<vmem>>
      %scatter3A_329 = tpu.memref_squeeze %scatter3A_328 : memref<1x16x2048xf32, #tpu.memory_space<vmem>> -> memref<16x2048xf32, #tpu.memory_space<vmem>>
      tpu.vector_store_idx %scatter3A_329[%broadcast_in_dim3A_155, %broadcast_in_dim3A_324], %broadcast_in_dim3A_8 masked %eq3A_5 : memref<16x2048xf32, #tpu.memory_space<vmem>>[vector<16xi32>, vector<16xi32>], vector<16xf32>, vector<16xi1>
      %slice3A_330 = vector.extract_strided_slice %get3A_289 {offsets = [5], sizes = [1], strides = [1]} : vector<16xi32> to vector<1xi32>
      %squeeze3A_331 = vector.extract %slice3A_330[0] : i32 from vector<1xi32>
      %broadcast_in_dim3A_332 = vector.broadcast %squeeze3A_331 : i32 to vector<16xi32>
      %scatter3A_333 = arith.constant 0 : i32
      %scatter3A_334 = arith.constant 0 : i32
      %scatter3A_335 = arith.constant 0 : i32
      %scatter3A_336 = tpu.memref_slice %arg6[%scatter3A_333, %scatter3A_334, %scatter3A_335] : memref<2x16x2048xf32, #tpu.memory_space<vmem>> -> memref<1x16x2048xf32, #tpu.memory_space<vmem>>
      %scatter3A_337 = tpu.memref_squeeze %scatter3A_336 : memref<1x16x2048xf32, #tpu.memory_space<vmem>> -> memref<16x2048xf32, #tpu.memory_space<vmem>>
      tpu.vector_store_idx %scatter3A_337[%broadcast_in_dim3A_155, %broadcast_in_dim3A_332], %broadcast_in_dim3A_8 masked %eq3A_5 : memref<16x2048xf32, #tpu.memory_space<vmem>>[vector<16xi32>, vector<16xi32>], vector<16xf32>, vector<16xi1>
      %slice3A_338 = vector.extract_strided_slice %get3A_289 {offsets = [6], sizes = [1], strides = [1]} : vector<16xi32> to vector<1xi32>
      %squeeze3A_339 = vector.extract %slice3A_338[0] : i32 from vector<1xi32>
      %broadcast_in_dim3A_340 = vector.broadcast %squeeze3A_339 : i32 to vector<16xi32>
      %scatter3A_341 = arith.constant 0 : i32
      %scatter3A_342 = arith.constant 0 : i32
      %scatter3A_343 = arith.constant 0 : i32
      %scatter3A_344 = tpu.memref_slice %arg6[%scatter3A_341, %scatter3A_342, %scatter3A_343] : memref<2x16x2048xf32, #tpu.memory_space<vmem>> -> memref<1x16x2048xf32, #tpu.memory_space<vmem>>
      %scatter3A_345 = tpu.memref_squeeze %scatter3A_344 : memref<1x16x2048xf32, #tpu.memory_space<vmem>> -> memref<16x2048xf32, #tpu.memory_space<vmem>>
      tpu.vector_store_idx %scatter3A_345[%broadcast_in_dim3A_155, %broadcast_in_dim3A_340], %broadcast_in_dim3A_8 masked %eq3A_5 : memref<16x2048xf32, #tpu.memory_space<vmem>>[vector<16xi32>, vector<16xi32>], vector<16xf32>, vector<16xi1>
      %slice3A_346 = vector.extract_strided_slice %get3A_289 {offsets = [7], sizes = [1], strides = [1]} : vector<16xi32> to vector<1xi32>
      %squeeze3A_347 = vector.extract %slice3A_346[0] : i32 from vector<1xi32>
      %broadcast_in_dim3A_348 = vector.broadcast %squeeze3A_347 : i32 to vector<16xi32>
      %scatter3A_349 = arith.constant 0 : i32
      %scatter3A_350 = arith.constant 0 : i32
      %scatter3A_351 = arith.constant 0 : i32
      %scatter3A_352 = tpu.memref_slice %arg6[%scatter3A_349, %scatter3A_350, %scatter3A_351] : memref<2x16x2048xf32, #tpu.memory_space<vmem>> -> memref<1x16x2048xf32, #tpu.memory_space<vmem>>
      %scatter3A_353 = tpu.memref_squeeze %scatter3A_352 : memref<1x16x2048xf32, #tpu.memory_space<vmem>> -> memref<16x2048xf32, #tpu.memory_space<vmem>>
      tpu.vector_store_idx %scatter3A_353[%broadcast_in_dim3A_155, %broadcast_in_dim3A_348], %broadcast_in_dim3A_8 masked %eq3A_5 : memref<16x2048xf32, #tpu.memory_space<vmem>>[vector<16xi32>, vector<16xi32>], vector<16xf32>, vector<16xi1>
      %slice3A_354 = vector.extract_strided_slice %get3A_289 {offsets = [8], sizes = [1], strides = [1]} : vector<16xi32> to vector<1xi32>
      %squeeze3A_355 = vector.extract %slice3A_354[0] : i32 from vector<1xi32>
      %broadcast_in_dim3A_356 = vector.broadcast %squeeze3A_355 : i32 to vector<16xi32>
      %scatter3A_357 = arith.constant 0 : i32
      %scatter3A_358 = arith.constant 0 : i32
      %scatter3A_359 = arith.constant 0 : i32
      %scatter3A_360 = tpu.memref_slice %arg6[%scatter3A_357, %scatter3A_358, %scatter3A_359] : memref<2x16x2048xf32, #tpu.memory_space<vmem>> -> memref<1x16x2048xf32, #tpu.memory_space<vmem>>
      %scatter3A_361 = tpu.memref_squeeze %scatter3A_360 : memref<1x16x2048xf32, #tpu.memory_space<vmem>> -> memref<16x2048xf32, #tpu.memory_space<vmem>>
      tpu.vector_store_idx %scatter3A_361[%broadcast_in_dim3A_155, %broadcast_in_dim3A_356], %broadcast_in_dim3A_8 masked %eq3A_5 : memref<16x2048xf32, #tpu.memory_space<vmem>>[vector<16xi32>, vector<16xi32>], vector<16xf32>, vector<16xi1>
      %slice3A_362 = vector.extract_strided_slice %get3A_289 {offsets = [9], sizes = [1], strides = [1]} : vector<16xi32> to vector<1xi32>
      %squeeze3A_363 = vector.extract %slice3A_362[0] : i32 from vector<1xi32>
      %broadcast_in_dim3A_364 = vector.broadcast %squeeze3A_363 : i32 to vector<16xi32>
      %scatter3A_365 = arith.constant 0 : i32
      %scatter3A_366 = arith.constant 0 : i32
      %scatter3A_367 = arith.constant 0 : i32
      %scatter3A_368 = tpu.memref_slice %arg6[%scatter3A_365, %scatter3A_366, %scatter3A_367] : memref<2x16x2048xf32, #tpu.memory_space<vmem>> -> memref<1x16x2048xf32, #tpu.memory_space<vmem>>
      %scatter3A_369 = tpu.memref_squeeze %scatter3A_368 : memref<1x16x2048xf32, #tpu.memory_space<vmem>> -> memref<16x2048xf32, #tpu.memory_space<vmem>>
      tpu.vector_store_idx %scatter3A_369[%broadcast_in_dim3A_155, %broadcast_in_dim3A_364], %broadcast_in_dim3A_8 masked %eq3A_5 : memref<16x2048xf32, #tpu.memory_space<vmem>>[vector<16xi32>, vector<16xi32>], vector<16xf32>, vector<16xi1>
      %slice3A_370 = vector.extract_strided_slice %get3A_289 {offsets = [10], sizes = [1], strides = [1]} : vector<16xi32> to vector<1xi32>
      %squeeze3A_371 = vector.extract %slice3A_370[0] : i32 from vector<1xi32>
      %broadcast_in_dim3A_372 = vector.broadcast %squeeze3A_371 : i32 to vector<16xi32>
      %scatter3A_373 = arith.constant 0 : i32
      %scatter3A_374 = arith.constant 0 : i32
      %scatter3A_375 = arith.constant 0 : i32
      %scatter3A_376 = tpu.memref_slice %arg6[%scatter3A_373, %scatter3A_374, %scatter3A_375] : memref<2x16x2048xf32, #tpu.memory_space<vmem>> -> memref<1x16x2048xf32, #tpu.memory_space<vmem>>
      %scatter3A_377 = tpu.memref_squeeze %scatter3A_376 : memref<1x16x2048xf32, #tpu.memory_space<vmem>> -> memref<16x2048xf32, #tpu.memory_space<vmem>>
      tpu.vector_store_idx %scatter3A_377[%broadcast_in_dim3A_155, %broadcast_in_dim3A_372], %broadcast_in_dim3A_8 masked %eq3A_5 : memref<16x2048xf32, #tpu.memory_space<vmem>>[vector<16xi32>, vector<16xi32>], vector<16xf32>, vector<16xi1>
      %slice3A_378 = vector.extract_strided_slice %get3A_289 {offsets = [11], sizes = [1], strides = [1]} : vector<16xi32> to vector<1xi32>
      %squeeze3A_379 = vector.extract %slice3A_378[0] : i32 from vector<1xi32>
      %broadcast_in_dim3A_380 = vector.broadcast %squeeze3A_379 : i32 to vector<16xi32>
      %scatter3A_381 = arith.constant 0 : i32
      %scatter3A_382 = arith.constant 0 : i32
      %scatter3A_383 = arith.constant 0 : i32
      %scatter3A_384 = tpu.memref_slice %arg6[%scatter3A_381, %scatter3A_382, %scatter3A_383] : memref<2x16x2048xf32, #tpu.memory_space<vmem>> -> memref<1x16x2048xf32, #tpu.memory_space<vmem>>
      %scatter3A_385 = tpu.memref_squeeze %scatter3A_384 : memref<1x16x2048xf32, #tpu.memory_space<vmem>> -> memref<16x2048xf32, #tpu.memory_space<vmem>>
      tpu.vector_store_idx %scatter3A_385[%broadcast_in_dim3A_155, %broadcast_in_dim3A_380], %broadcast_in_dim3A_8 masked %eq3A_5 : memref<16x2048xf32, #tpu.memory_space<vmem>>[vector<16xi32>, vector<16xi32>], vector<16xf32>, vector<16xi1>
      %slice3A_386 = vector.extract_strided_slice %get3A_289 {offsets = [12], sizes = [1], strides = [1]} : vector<16xi32> to vector<1xi32>
      %squeeze3A_387 = vector.extract %slice3A_386[0] : i32 from vector<1xi32>
      %broadcast_in_dim3A_388 = vector.broadcast %squeeze3A_387 : i32 to vector<16xi32>
      %scatter3A_389 = arith.constant 0 : i32
      %scatter3A_390 = arith.constant 0 : i32
      %scatter3A_391 = arith.constant 0 : i32
      %scatter3A_392 = tpu.memref_slice %arg6[%scatter3A_389, %scatter3A_390, %scatter3A_391] : memref<2x16x2048xf32, #tpu.memory_space<vmem>> -> memref<1x16x2048xf32, #tpu.memory_space<vmem>>
      %scatter3A_393 = tpu.memref_squeeze %scatter3A_392 : memref<1x16x2048xf32, #tpu.memory_space<vmem>> -> memref<16x2048xf32, #tpu.memory_space<vmem>>
      tpu.vector_store_idx %scatter3A_393[%broadcast_in_dim3A_155, %broadcast_in_dim3A_388], %broadcast_in_dim3A_8 masked %eq3A_5 : memref<16x2048xf32, #tpu.memory_space<vmem>>[vector<16xi32>, vector<16xi32>], vector<16xf32>, vector<16xi1>
      %slice3A_394 = vector.extract_strided_slice %get3A_289 {offsets = [13], sizes = [1], strides = [1]} : vector<16xi32> to vector<1xi32>
      %squeeze3A_395 = vector.extract %slice3A_394[0] : i32 from vector<1xi32>
      %broadcast_in_dim3A_396 = vector.broadcast %squeeze3A_395 : i32 to vector<16xi32>
      %scatter3A_397 = arith.constant 0 : i32
      %scatter3A_398 = arith.constant 0 : i32
      %scatter3A_399 = arith.constant 0 : i32
      %scatter3A_400 = tpu.memref_slice %arg6[%scatter3A_397, %scatter3A_398, %scatter3A_399] : memref<2x16x2048xf32, #tpu.memory_space<vmem>> -> memref<1x16x2048xf32, #tpu.memory_space<vmem>>
      %scatter3A_401 = tpu.memref_squeeze %scatter3A_400 : memref<1x16x2048xf32, #tpu.memory_space<vmem>> -> memref<16x2048xf32, #tpu.memory_space<vmem>>
      tpu.vector_store_idx %scatter3A_401[%broadcast_in_dim3A_155, %broadcast_in_dim3A_396], %broadcast_in_dim3A_8 masked %eq3A_5 : memref<16x2048xf32, #tpu.memory_space<vmem>>[vector<16xi32>, vector<16xi32>], vector<16xf32>, vector<16xi1>
      %slice3A_402 = vector.extract_strided_slice %get3A_289 {offsets = [14], sizes = [1], strides = [1]} : vector<16xi32> to vector<1xi32>
      %squeeze3A_403 = vector.extract %slice3A_402[0] : i32 from vector<1xi32>
      %broadcast_in_dim3A_404 = vector.broadcast %squeeze3A_403 : i32 to vector<16xi32>
      %scatter3A_405 = arith.constant 0 : i32
      %scatter3A_406 = arith.constant 0 : i32
      %scatter3A_407 = arith.constant 0 : i32
      %scatter3A_408 = tpu.memref_slice %arg6[%scatter3A_405, %scatter3A_406, %scatter3A_407] : memref<2x16x2048xf32, #tpu.memory_space<vmem>> -> memref<1x16x2048xf32, #tpu.memory_space<vmem>>
      %scatter3A_409 = tpu.memref_squeeze %scatter3A_408 : memref<1x16x2048xf32, #tpu.memory_space<vmem>> -> memref<16x2048xf32, #tpu.memory_space<vmem>>
      tpu.vector_store_idx %scatter3A_409[%broadcast_in_dim3A_155, %broadcast_in_dim3A_404], %broadcast_in_dim3A_8 masked %eq3A_5 : memref<16x2048xf32, #tpu.memory_space<vmem>>[vector<16xi32>, vector<16xi32>], vector<16xf32>, vector<16xi1>
      %slice3A_410 = vector.extract_strided_slice %get3A_289 {offsets = [15], sizes = [1], strides = [1]} : vector<16xi32> to vector<1xi32>
      %squeeze3A_411 = vector.extract %slice3A_410[0] : i32 from vector<1xi32>
      %broadcast_in_dim3A_412 = vector.broadcast %squeeze3A_411 : i32 to vector<16xi32>
      %scatter3A_413 = arith.constant 0 : i32
      %scatter3A_414 = arith.constant 0 : i32
      %scatter3A_415 = arith.constant 0 : i32
      %scatter3A_416 = tpu.memref_slice %arg6[%scatter3A_413, %scatter3A_414, %scatter3A_415] : memref<2x16x2048xf32, #tpu.memory_space<vmem>> -> memref<1x16x2048xf32, #tpu.memory_space<vmem>>
      %scatter3A_417 = tpu.memref_squeeze %scatter3A_416 : memref<1x16x2048xf32, #tpu.memory_space<vmem>> -> memref<16x2048xf32, #tpu.memory_space<vmem>>
      tpu.vector_store_idx %scatter3A_417[%broadcast_in_dim3A_155, %broadcast_in_dim3A_412], %broadcast_in_dim3A_8 masked %eq3A_5 : memref<16x2048xf32, #tpu.memory_space<vmem>>[vector<16xi32>, vector<16xi32>], vector<16xf32>, vector<16xi1>
      %add3A_418 = arith.constant 0 : i32
      %add3A_419 = arith.addi %add3A_418, %scan3A_154 : i32
      %get3A_420 = arith.index_cast %add3A_419 : i32 to index
      %get3A_421 = arith.constant 32 : index
      %get3A_422 = tpu.vector_load %arg5[%get3A_420, %get3A_421] {strides = array<i32>} : memref<64x48xi32, #tpu.memory_space<vmem>>, vector<16xi32>,
      %slice3A_423 = vector.extract_strided_slice %get3A_422 {offsets = [0], sizes = [1], strides = [1]} : vector<16xi32> to vector<1xi32>
      %squeeze3A_424 = vector.extract %slice3A_423[0] : i32 from vector<1xi32>
      %broadcast_in_dim3A_425 = vector.broadcast %squeeze3A_424 : i32 to vector<16xi32>
      %scatter3A_426 = arith.constant 0 : i32
      %scatter3A_427 = arith.constant 0 : i32
      %scatter3A_428 = arith.constant 0 : i32
      %scatter3A_429 = tpu.memref_slice %arg6[%scatter3A_426, %scatter3A_427, %scatter3A_428] : memref<2x16x2048xf32, #tpu.memory_space<vmem>> -> memref<1x16x2048xf32, #tpu.memory_space<vmem>>
      %scatter3A_430 = tpu.memref_squeeze %scatter3A_429 : memref<1x16x2048xf32, #tpu.memory_space<vmem>> -> memref<16x2048xf32, #tpu.memory_space<vmem>>
      tpu.vector_store_idx %scatter3A_430[%broadcast_in_dim3A_155, %broadcast_in_dim3A_425], %broadcast_in_dim3A_8 masked %eq3A_5 : memref<16x2048xf32, #tpu.memory_space<vmem>>[vector<16xi32>, vector<16xi32>], vector<16xf32>, vector<16xi1>
      %slice3A_431 = vector.extract_strided_slice %get3A_422 {offsets = [1], sizes = [1], strides = [1]} : vector<16xi32> to vector<1xi32>
      %squeeze3A_432 = vector.extract %slice3A_431[0] : i32 from vector<1xi32>
      %broadcast_in_dim3A_433 = vector.broadcast %squeeze3A_432 : i32 to vector<16xi32>
      %scatter3A_434 = arith.constant 0 : i32
      %scatter3A_435 = arith.constant 0 : i32
      %scatter3A_436 = arith.constant 0 : i32
      %scatter3A_437 = tpu.memref_slice %arg6[%scatter3A_434, %scatter3A_435, %scatter3A_436] : memref<2x16x2048xf32, #tpu.memory_space<vmem>> -> memref<1x16x2048xf32, #tpu.memory_space<vmem>>
      %scatter3A_438 = tpu.memref_squeeze %scatter3A_437 : memref<1x16x2048xf32, #tpu.memory_space<vmem>> -> memref<16x2048xf32, #tpu.memory_space<vmem>>
      tpu.vector_store_idx %scatter3A_438[%broadcast_in_dim3A_155, %broadcast_in_dim3A_433], %broadcast_in_dim3A_8 masked %eq3A_5 : memref<16x2048xf32, #tpu.memory_space<vmem>>[vector<16xi32>, vector<16xi32>], vector<16xf32>, vector<16xi1>
      %slice3A_439 = vector.extract_strided_slice %get3A_422 {offsets = [2], sizes = [1], strides = [1]} : vector<16xi32> to vector<1xi32>
      %squeeze3A_440 = vector.extract %slice3A_439[0] : i32 from vector<1xi32>
      %broadcast_in_dim3A_441 = vector.broadcast %squeeze3A_440 : i32 to vector<16xi32>
      %scatter3A_442 = arith.constant 0 : i32
      %scatter3A_443 = arith.constant 0 : i32
      %scatter3A_444 = arith.constant 0 : i32
      %scatter3A_445 = tpu.memref_slice %arg6[%scatter3A_442, %scatter3A_443, %scatter3A_444] : memref<2x16x2048xf32, #tpu.memory_space<vmem>> -> memref<1x16x2048xf32, #tpu.memory_space<vmem>>
      %scatter3A_446 = tpu.memref_squeeze %scatter3A_445 : memref<1x16x2048xf32, #tpu.memory_space<vmem>> -> memref<16x2048xf32, #tpu.memory_space<vmem>>
      tpu.vector_store_idx %scatter3A_446[%broadcast_in_dim3A_155, %broadcast_in_dim3A_441], %broadcast_in_dim3A_8 masked %eq3A_5 : memref<16x2048xf32, #tpu.memory_space<vmem>>[vector<16xi32>, vector<16xi32>], vector<16xf32>, vector<16xi1>
      %slice3A_447 = vector.extract_strided_slice %get3A_422 {offsets = [3], sizes = [1], strides = [1]} : vector<16xi32> to vector<1xi32>
      %squeeze3A_448 = vector.extract %slice3A_447[0] : i32 from vector<1xi32>
      %broadcast_in_dim3A_449 = vector.broadcast %squeeze3A_448 : i32 to vector<16xi32>
      %scatter3A_450 = arith.constant 0 : i32
      %scatter3A_451 = arith.constant 0 : i32
      %scatter3A_452 = arith.constant 0 : i32
      %scatter3A_453 = tpu.memref_slice %arg6[%scatter3A_450, %scatter3A_451, %scatter3A_452] : memref<2x16x2048xf32, #tpu.memory_space<vmem>> -> memref<1x16x2048xf32, #tpu.memory_space<vmem>>
      %scatter3A_454 = tpu.memref_squeeze %scatter3A_453 : memref<1x16x2048xf32, #tpu.memory_space<vmem>> -> memref<16x2048xf32, #tpu.memory_space<vmem>>
      tpu.vector_store_idx %scatter3A_454[%broadcast_in_dim3A_155, %broadcast_in_dim3A_449], %broadcast_in_dim3A_8 masked %eq3A_5 : memref<16x2048xf32, #tpu.memory_space<vmem>>[vector<16xi32>, vector<16xi32>], vector<16xf32>, vector<16xi1>
      %slice3A_455 = vector.extract_strided_slice %get3A_422 {offsets = [4], sizes = [1], strides = [1]} : vector<16xi32> to vector<1xi32>
      %squeeze3A_456 = vector.extract %slice3A_455[0] : i32 from vector<1xi32>
      %broadcast_in_dim3A_457 = vector.broadcast %squeeze3A_456 : i32 to vector<16xi32>
      %scatter3A_458 = arith.constant 0 : i32
      %scatter3A_459 = arith.constant 0 : i32
      %scatter3A_460 = arith.constant 0 : i32
      %scatter3A_461 = tpu.memref_slice %arg6[%scatter3A_458, %scatter3A_459, %scatter3A_460] : memref<2x16x2048xf32, #tpu.memory_space<vmem>> -> memref<1x16x2048xf32, #tpu.memory_space<vmem>>
      %scatter3A_462 = tpu.memref_squeeze %scatter3A_461 : memref<1x16x2048xf32, #tpu.memory_space<vmem>> -> memref<16x2048xf32, #tpu.memory_space<vmem>>
      tpu.vector_store_idx %scatter3A_462[%broadcast_in_dim3A_155, %broadcast_in_dim3A_457], %broadcast_in_dim3A_8 masked %eq3A_5 : memref<16x2048xf32, #tpu.memory_space<vmem>>[vector<16xi32>, vector<16xi32>], vector<16xf32>, vector<16xi1>
      %slice3A_463 = vector.extract_strided_slice %get3A_422 {offsets = [5], sizes = [1], strides = [1]} : vector<16xi32> to vector<1xi32>
      %squeeze3A_464 = vector.extract %slice3A_463[0] : i32 from vector<1xi32>
      %broadcast_in_dim3A_465 = vector.broadcast %squeeze3A_464 : i32 to vector<16xi32>
      %scatter3A_466 = arith.constant 0 : i32
      %scatter3A_467 = arith.constant 0 : i32
      %scatter3A_468 = arith.constant 0 : i32
      %scatter3A_469 = tpu.memref_slice %arg6[%scatter3A_466, %scatter3A_467, %scatter3A_468] : memref<2x16x2048xf32, #tpu.memory_space<vmem>> -> memref<1x16x2048xf32, #tpu.memory_space<vmem>>
      %scatter3A_470 = tpu.memref_squeeze %scatter3A_469 : memref<1x16x2048xf32, #tpu.memory_space<vmem>> -> memref<16x2048xf32, #tpu.memory_space<vmem>>
      tpu.vector_store_idx %scatter3A_470[%broadcast_in_dim3A_155, %broadcast_in_dim3A_465], %broadcast_in_dim3A_8 masked %eq3A_5 : memref<16x2048xf32, #tpu.memory_space<vmem>>[vector<16xi32>, vector<16xi32>], vector<16xf32>, vector<16xi1>
      %slice3A_471 = vector.extract_strided_slice %get3A_422 {offsets = [6], sizes = [1], strides = [1]} : vector<16xi32> to vector<1xi32>
      %squeeze3A_472 = vector.extract %slice3A_471[0] : i32 from vector<1xi32>
      %broadcast_in_dim3A_473 = vector.broadcast %squeeze3A_472 : i32 to vector<16xi32>
      %scatter3A_474 = arith.constant 0 : i32
      %scatter3A_475 = arith.constant 0 : i32
      %scatter3A_476 = arith.constant 0 : i32
      %scatter3A_477 = tpu.memref_slice %arg6[%scatter3A_474, %scatter3A_475, %scatter3A_476] : memref<2x16x2048xf32, #tpu.memory_space<vmem>> -> memref<1x16x2048xf32, #tpu.memory_space<vmem>>
      %scatter3A_478 = tpu.memref_squeeze %scatter3A_477 : memref<1x16x2048xf32, #tpu.memory_space<vmem>> -> memref<16x2048xf32, #tpu.memory_space<vmem>>
      tpu.vector_store_idx %scatter3A_478[%broadcast_in_dim3A_155, %broadcast_in_dim3A_473], %broadcast_in_dim3A_8 masked %eq3A_5 : memref<16x2048xf32, #tpu.memory_space<vmem>>[vector<16xi32>, vector<16xi32>], vector<16xf32>, vector<16xi1>
      %slice3A_479 = vector.extract_strided_slice %get3A_422 {offsets = [7], sizes = [1], strides = [1]} : vector<16xi32> to vector<1xi32>
      %squeeze3A_480 = vector.extract %slice3A_479[0] : i32 from vector<1xi32>
      %broadcast_in_dim3A_481 = vector.broadcast %squeeze3A_480 : i32 to vector<16xi32>
      %scatter3A_482 = arith.constant 0 : i32
      %scatter3A_483 = arith.constant 0 : i32
      %scatter3A_484 = arith.constant 0 : i32
      %scatter3A_485 = tpu.memref_slice %arg6[%scatter3A_482, %scatter3A_483, %scatter3A_484] : memref<2x16x2048xf32, #tpu.memory_space<vmem>> -> memref<1x16x2048xf32, #tpu.memory_space<vmem>>
      %scatter3A_486 = tpu.memref_squeeze %scatter3A_485 : memref<1x16x2048xf32, #tpu.memory_space<vmem>> -> memref<16x2048xf32, #tpu.memory_space<vmem>>
      tpu.vector_store_idx %scatter3A_486[%broadcast_in_dim3A_155, %broadcast_in_dim3A_481], %broadcast_in_dim3A_8 masked %eq3A_5 : memref<16x2048xf32, #tpu.memory_space<vmem>>[vector<16xi32>, vector<16xi32>], vector<16xf32>, vector<16xi1>
    }
    %scan3A_66 = arith.constant 16 : i32
    %scan3A_67 = arith.constant 0 : i32
    %scan3A_68 = arith.constant 0 : i32
    %scan3A_69 = arith.constant 16 : i32
    %scan3A_70 = arith.addi %scan3A_68, %scan3A_69 : i32
    %scan3A_71 = arith.constant 1 : i32
    scf.for %scan3A_154 = %scan3A_68 to %scan3A_70 step %scan3A_71  : i32 {
      %broadcast_in_dim3A_155 = vector.broadcast %scan3A_154 : i32 to vector<16xi32>
      %add3A_156 = arith.constant 32 : i32
      %add3A_157 = arith.addi %add3A_156, %scan3A_154 : i32
      %get3A = arith.index_cast %add3A_157 : i32 to index
      %get3A_158 = arith.constant 0 : index
      %get3A_159 = tpu.vector_load %arg5[%get3A, %get3A_158] {strides = array<i32>} : memref<64x48xi32, #tpu.memory_space<vmem>>, vector<16xi32>,
      %slice3A = vector.extract_strided_slice %get3A_159 {offsets = [0], sizes = [1], strides = [1]} : vector<16xi32> to vector<1xi32>
      %squeeze3A = vector.extract %slice3A[0] : i32 from vector<1xi32>
      %broadcast_in_dim3A_160 = vector.broadcast %squeeze3A : i32 to vector<16xi32>
      %scatter3A = arith.constant 0 : i32
      %scatter3A_161 = arith.constant 0 : i32
      %scatter3A_162 = arith.constant 0 : i32
      %scatter3A_163 = tpu.memref_slice %arg6[%scatter3A, %scatter3A_161, %scatter3A_162] : memref<2x16x2048xf32, #tpu.memory_space<vmem>> -> memref<1x16x2048xf32, #tpu.memory_space<vmem>>
      %scatter3A_164 = tpu.memref_squeeze %scatter3A_163 : memref<1x16x2048xf32, #tpu.memory_space<vmem>> -> memref<16x2048xf32, #tpu.memory_space<vmem>>
      tpu.vector_store_idx %scatter3A_164[%broadcast_in_dim3A_155, %broadcast_in_dim3A_160], %broadcast_in_dim3A_6 masked %eq3A_5 {add = true} : memref<16x2048xf32, #tpu.memory_space<vmem>>[vector<16xi32>, vector<16xi32>], vector<16xf32>, vector<16xi1>
      %slice3A_165 = vector.extract_strided_slice %get3A_159 {offsets = [1], sizes = [1], strides = [1]} : vector<16xi32> to vector<1xi32>
      %squeeze3A_166 = vector.extract %slice3A_165[0] : i32 from vector<1xi32>
      %broadcast_in_dim3A_167 = vector.broadcast %squeeze3A_166 : i32 to vector<16xi32>
      %scatter3A_168 = arith.constant 0 : i32
      %scatter3A_169 = arith.constant 0 : i32
      %scatter3A_170 = arith.constant 0 : i32
      %scatter3A_171 = tpu.memref_slice %arg6[%scatter3A_168, %scatter3A_169, %scatter3A_170] : memref<2x16x2048xf32, #tpu.memory_space<vmem>> -> memref<1x16x2048xf32, #tpu.memory_space<vmem>>
      %scatter3A_172 = tpu.memref_squeeze %scatter3A_171 : memref<1x16x2048xf32, #tpu.memory_space<vmem>> -> memref<16x2048xf32, #tpu.memory_space<vmem>>
      tpu.vector_store_idx %scatter3A_172[%broadcast_in_dim3A_155, %broadcast_in_dim3A_167], %broadcast_in_dim3A_6 masked %eq3A_5 {add = true} : memref<16x2048xf32, #tpu.memory_space<vmem>>[vector<16xi32>, vector<16xi32>], vector<16xf32>, vector<16xi1>
      %slice3A_173 = vector.extract_strided_slice %get3A_159 {offsets = [2], sizes = [1], strides = [1]} : vector<16xi32> to vector<1xi32>
      %squeeze3A_174 = vector.extract %slice3A_173[0] : i32 from vector<1xi32>
      %broadcast_in_dim3A_175 = vector.broadcast %squeeze3A_174 : i32 to vector<16xi32>
      %scatter3A_176 = arith.constant 0 : i32
      %scatter3A_177 = arith.constant 0 : i32
      %scatter3A_178 = arith.constant 0 : i32
      %scatter3A_179 = tpu.memref_slice %arg6[%scatter3A_176, %scatter3A_177, %scatter3A_178] : memref<2x16x2048xf32, #tpu.memory_space<vmem>> -> memref<1x16x2048xf32, #tpu.memory_space<vmem>>
      %scatter3A_180 = tpu.memref_squeeze %scatter3A_179 : memref<1x16x2048xf32, #tpu.memory_space<vmem>> -> memref<16x2048xf32, #tpu.memory_space<vmem>>
      tpu.vector_store_idx %scatter3A_180[%broadcast_in_dim3A_155, %broadcast_in_dim3A_175], %broadcast_in_dim3A_6 masked %eq3A_5 {add = true} : memref<16x2048xf32, #tpu.memory_space<vmem>>[vector<16xi32>, vector<16xi32>], vector<16xf32>, vector<16xi1>
      %slice3A_181 = vector.extract_strided_slice %get3A_159 {offsets = [3], sizes = [1], strides = [1]} : vector<16xi32> to vector<1xi32>
      %squeeze3A_182 = vector.extract %slice3A_181[0] : i32 from vector<1xi32>
      %broadcast_in_dim3A_183 = vector.broadcast %squeeze3A_182 : i32 to vector<16xi32>
      %scatter3A_184 = arith.constant 0 : i32
      %scatter3A_185 = arith.constant 0 : i32
      %scatter3A_186 = arith.constant 0 : i32
      %scatter3A_187 = tpu.memref_slice %arg6[%scatter3A_184, %scatter3A_185, %scatter3A_186] : memref<2x16x2048xf32, #tpu.memory_space<vmem>> -> memref<1x16x2048xf32, #tpu.memory_space<vmem>>
      %scatter3A_188 = tpu.memref_squeeze %scatter3A_187 : memref<1x16x2048xf32, #tpu.memory_space<vmem>> -> memref<16x2048xf32, #tpu.memory_space<vmem>>
      tpu.vector_store_idx %scatter3A_188[%broadcast_in_dim3A_155, %broadcast_in_dim3A_183], %broadcast_in_dim3A_6 masked %eq3A_5 {add = true} : memref<16x2048xf32, #tpu.memory_space<vmem>>[vector<16xi32>, vector<16xi32>], vector<16xf32>, vector<16xi1>
      %slice3A_189 = vector.extract_strided_slice %get3A_159 {offsets = [4], sizes = [1], strides = [1]} : vector<16xi32> to vector<1xi32>
      %squeeze3A_190 = vector.extract %slice3A_189[0] : i32 from vector<1xi32>
      %broadcast_in_dim3A_191 = vector.broadcast %squeeze3A_190 : i32 to vector<16xi32>
      %scatter3A_192 = arith.constant 0 : i32
      %scatter3A_193 = arith.constant 0 : i32
      %scatter3A_194 = arith.constant 0 : i32
      %scatter3A_195 = tpu.memref_slice %arg6[%scatter3A_192, %scatter3A_193, %scatter3A_194] : memref<2x16x2048xf32, #tpu.memory_space<vmem>> -> memref<1x16x2048xf32, #tpu.memory_space<vmem>>
      %scatter3A_196 = tpu.memref_squeeze %scatter3A_195 : memref<1x16x2048xf32, #tpu.memory_space<vmem>> -> memref<16x2048xf32, #tpu.memory_space<vmem>>
      tpu.vector_store_idx %scatter3A_196[%broadcast_in_dim3A_155, %broadcast_in_dim3A_191], %broadcast_in_dim3A_6 masked %eq3A_5 {add = true} : memref<16x2048xf32, #tpu.memory_space<vmem>>[vector<16xi32>, vector<16xi32>], vector<16xf32>, vector<16xi1>
      %slice3A_197 = vector.extract_strided_slice %get3A_159 {offsets = [5], sizes = [1], strides = [1]} : vector<16xi32> to vector<1xi32>
      %squeeze3A_198 = vector.extract %slice3A_197[0] : i32 from vector<1xi32>
      %broadcast_in_dim3A_199 = vector.broadcast %squeeze3A_198 : i32 to vector<16xi32>
      %scatter3A_200 = arith.constant 0 : i32
      %scatter3A_201 = arith.constant 0 : i32
      %scatter3A_202 = arith.constant 0 : i32
      %scatter3A_203 = tpu.memref_slice %arg6[%scatter3A_200, %scatter3A_201, %scatter3A_202] : memref<2x16x2048xf32, #tpu.memory_space<vmem>> -> memref<1x16x2048xf32, #tpu.memory_space<vmem>>
      %scatter3A_204 = tpu.memref_squeeze %scatter3A_203 : memref<1x16x2048xf32, #tpu.memory_space<vmem>> -> memref<16x2048xf32, #tpu.memory_space<vmem>>
      tpu.vector_store_idx %scatter3A_204[%broadcast_in_dim3A_155, %broadcast_in_dim3A_199], %broadcast_in_dim3A_6 masked %eq3A_5 {add = true} : memref<16x2048xf32, #tpu.memory_space<vmem>>[vector<16xi32>, vector<16xi32>], vector<16xf32>, vector<16xi1>
      %slice3A_205 = vector.extract_strided_slice %get3A_159 {offsets = [6], sizes = [1], strides = [1]} : vector<16xi32> to vector<1xi32>
      %squeeze3A_206 = vector.extract %slice3A_205[0] : i32 from vector<1xi32>
      %broadcast_in_dim3A_207 = vector.broadcast %squeeze3A_206 : i32 to vector<16xi32>
      %scatter3A_208 = arith.constant 0 : i32
      %scatter3A_209 = arith.constant 0 : i32
      %scatter3A_210 = arith.constant 0 : i32
      %scatter3A_211 = tpu.memref_slice %arg6[%scatter3A_208, %scatter3A_209, %scatter3A_210] : memref<2x16x2048xf32, #tpu.memory_space<vmem>> -> memref<1x16x2048xf32, #tpu.memory_space<vmem>>
      %scatter3A_212 = tpu.memref_squeeze %scatter3A_211 : memref<1x16x2048xf32, #tpu.memory_space<vmem>> -> memref<16x2048xf32, #tpu.memory_space<vmem>>
      tpu.vector_store_idx %scatter3A_212[%broadcast_in_dim3A_155, %broadcast_in_dim3A_207], %broadcast_in_dim3A_6 masked %eq3A_5 {add = true} : memref<16x2048xf32, #tpu.memory_space<vmem>>[vector<16xi32>, vector<16xi32>], vector<16xf32>, vector<16xi1>
      %slice3A_213 = vector.extract_strided_slice %get3A_159 {offsets = [7], sizes = [1], strides = [1]} : vector<16xi32> to vector<1xi32>
      %squeeze3A_214 = vector.extract %slice3A_213[0] : i32 from vector<1xi32>
      %broadcast_in_dim3A_215 = vector.broadcast %squeeze3A_214 : i32 to vector<16xi32>
      %scatter3A_216 = arith.constant 0 : i32
      %scatter3A_217 = arith.constant 0 : i32
      %scatter3A_218 = arith.constant 0 : i32
      %scatter3A_219 = tpu.memref_slice %arg6[%scatter3A_216, %scatter3A_217, %scatter3A_218] : memref<2x16x2048xf32, #tpu.memory_space<vmem>> -> memref<1x16x2048xf32, #tpu.memory_space<vmem>>
      %scatter3A_220 = tpu.memref_squeeze %scatter3A_219 : memref<1x16x2048xf32, #tpu.memory_space<vmem>> -> memref<16x2048xf32, #tpu.memory_space<vmem>>
      tpu.vector_store_idx %scatter3A_220[%broadcast_in_dim3A_155, %broadcast_in_dim3A_215], %broadcast_in_dim3A_6 masked %eq3A_5 {add = true} : memref<16x2048xf32, #tpu.memory_space<vmem>>[vector<16xi32>, vector<16xi32>], vector<16xf32>, vector<16xi1>
      %slice3A_221 = vector.extract_strided_slice %get3A_159 {offsets = [8], sizes = [1], strides = [1]} : vector<16xi32> to vector<1xi32>
      %squeeze3A_222 = vector.extract %slice3A_221[0] : i32 from vector<1xi32>
      %broadcast_in_dim3A_223 = vector.broadcast %squeeze3A_222 : i32 to vector<16xi32>
      %scatter3A_224 = arith.constant 0 : i32
      %scatter3A_225 = arith.constant 0 : i32
      %scatter3A_226 = arith.constant 0 : i32
      %scatter3A_227 = tpu.memref_slice %arg6[%scatter3A_224, %scatter3A_225, %scatter3A_226] : memref<2x16x2048xf32, #tpu.memory_space<vmem>> -> memref<1x16x2048xf32, #tpu.memory_space<vmem>>
      %scatter3A_228 = tpu.memref_squeeze %scatter3A_227 : memref<1x16x2048xf32, #tpu.memory_space<vmem>> -> memref<16x2048xf32, #tpu.memory_space<vmem>>
      tpu.vector_store_idx %scatter3A_228[%broadcast_in_dim3A_155, %broadcast_in_dim3A_223], %broadcast_in_dim3A_6 masked %eq3A_5 {add = true} : memref<16x2048xf32, #tpu.memory_space<vmem>>[vector<16xi32>, vector<16xi32>], vector<16xf32>, vector<16xi1>
      %slice3A_229 = vector.extract_strided_slice %get3A_159 {offsets = [9], sizes = [1], strides = [1]} : vector<16xi32> to vector<1xi32>
      %squeeze3A_230 = vector.extract %slice3A_229[0] : i32 from vector<1xi32>
      %broadcast_in_dim3A_231 = vector.broadcast %squeeze3A_230 : i32 to vector<16xi32>
      %scatter3A_232 = arith.constant 0 : i32
      %scatter3A_233 = arith.constant 0 : i32
      %scatter3A_234 = arith.constant 0 : i32
      %scatter3A_235 = tpu.memref_slice %arg6[%scatter3A_232, %scatter3A_233, %scatter3A_234] : memref<2x16x2048xf32, #tpu.memory_space<vmem>> -> memref<1x16x2048xf32, #tpu.memory_space<vmem>>
      %scatter3A_236 = tpu.memref_squeeze %scatter3A_235 : memref<1x16x2048xf32, #tpu.memory_space<vmem>> -> memref<16x2048xf32, #tpu.memory_space<vmem>>
      tpu.vector_store_idx %scatter3A_236[%broadcast_in_dim3A_155, %broadcast_in_dim3A_231], %broadcast_in_dim3A_6 masked %eq3A_5 {add = true} : memref<16x2048xf32, #tpu.memory_space<vmem>>[vector<16xi32>, vector<16xi32>], vector<16xf32>, vector<16xi1>
      %slice3A_237 = vector.extract_strided_slice %get3A_159 {offsets = [10], sizes = [1], strides = [1]} : vector<16xi32> to vector<1xi32>
      %squeeze3A_238 = vector.extract %slice3A_237[0] : i32 from vector<1xi32>
      %broadcast_in_dim3A_239 = vector.broadcast %squeeze3A_238 : i32 to vector<16xi32>
      %scatter3A_240 = arith.constant 0 : i32
      %scatter3A_241 = arith.constant 0 : i32
      %scatter3A_242 = arith.constant 0 : i32
      %scatter3A_243 = tpu.memref_slice %arg6[%scatter3A_240, %scatter3A_241, %scatter3A_242] : memref<2x16x2048xf32, #tpu.memory_space<vmem>> -> memref<1x16x2048xf32, #tpu.memory_space<vmem>>
      %scatter3A_244 = tpu.memref_squeeze %scatter3A_243 : memref<1x16x2048xf32, #tpu.memory_space<vmem>> -> memref<16x2048xf32, #tpu.memory_space<vmem>>
      tpu.vector_store_idx %scatter3A_244[%broadcast_in_dim3A_155, %broadcast_in_dim3A_239], %broadcast_in_dim3A_6 masked %eq3A_5 {add = true} : memref<16x2048xf32, #tpu.memory_space<vmem>>[vector<16xi32>, vector<16xi32>], vector<16xf32>, vector<16xi1>
      %slice3A_245 = vector.extract_strided_slice %get3A_159 {offsets = [11], sizes = [1], strides = [1]} : vector<16xi32> to vector<1xi32>
      %squeeze3A_246 = vector.extract %slice3A_245[0] : i32 from vector<1xi32>
      %broadcast_in_dim3A_247 = vector.broadcast %squeeze3A_246 : i32 to vector<16xi32>
      %scatter3A_248 = arith.constant 0 : i32
      %scatter3A_249 = arith.constant 0 : i32
      %scatter3A_250 = arith.constant 0 : i32
      %scatter3A_251 = tpu.memref_slice %arg6[%scatter3A_248, %scatter3A_249, %scatter3A_250] : memref<2x16x2048xf32, #tpu.memory_space<vmem>> -> memref<1x16x2048xf32, #tpu.memory_space<vmem>>
      %scatter3A_252 = tpu.memref_squeeze %scatter3A_251 : memref<1x16x2048xf32, #tpu.memory_space<vmem>> -> memref<16x2048xf32, #tpu.memory_space<vmem>>
      tpu.vector_store_idx %scatter3A_252[%broadcast_in_dim3A_155, %broadcast_in_dim3A_247], %broadcast_in_dim3A_6 masked %eq3A_5 {add = true} : memref<16x2048xf32, #tpu.memory_space<vmem>>[vector<16xi32>, vector<16xi32>], vector<16xf32>, vector<16xi1>
      %slice3A_253 = vector.extract_strided_slice %get3A_159 {offsets = [12], sizes = [1], strides = [1]} : vector<16xi32> to vector<1xi32>
      %squeeze3A_254 = vector.extract %slice3A_253[0] : i32 from vector<1xi32>
      %broadcast_in_dim3A_255 = vector.broadcast %squeeze3A_254 : i32 to vector<16xi32>
      %scatter3A_256 = arith.constant 0 : i32
      %scatter3A_257 = arith.constant 0 : i32
      %scatter3A_258 = arith.constant 0 : i32
      %scatter3A_259 = tpu.memref_slice %arg6[%scatter3A_256, %scatter3A_257, %scatter3A_258] : memref<2x16x2048xf32, #tpu.memory_space<vmem>> -> memref<1x16x2048xf32, #tpu.memory_space<vmem>>
      %scatter3A_260 = tpu.memref_squeeze %scatter3A_259 : memref<1x16x2048xf32, #tpu.memory_space<vmem>> -> memref<16x2048xf32, #tpu.memory_space<vmem>>
      tpu.vector_store_idx %scatter3A_260[%broadcast_in_dim3A_155, %broadcast_in_dim3A_255], %broadcast_in_dim3A_6 masked %eq3A_5 {add = true} : memref<16x2048xf32, #tpu.memory_space<vmem>>[vector<16xi32>, vector<16xi32>], vector<16xf32>, vector<16xi1>
      %slice3A_261 = vector.extract_strided_slice %get3A_159 {offsets = [13], sizes = [1], strides = [1]} : vector<16xi32> to vector<1xi32>
      %squeeze3A_262 = vector.extract %slice3A_261[0] : i32 from vector<1xi32>
      %broadcast_in_dim3A_263 = vector.broadcast %squeeze3A_262 : i32 to vector<16xi32>
      %scatter3A_264 = arith.constant 0 : i32
      %scatter3A_265 = arith.constant 0 : i32
      %scatter3A_266 = arith.constant 0 : i32
      %scatter3A_267 = tpu.memref_slice %arg6[%scatter3A_264, %scatter3A_265, %scatter3A_266] : memref<2x16x2048xf32, #tpu.memory_space<vmem>> -> memref<1x16x2048xf32, #tpu.memory_space<vmem>>
      %scatter3A_268 = tpu.memref_squeeze %scatter3A_267 : memref<1x16x2048xf32, #tpu.memory_space<vmem>> -> memref<16x2048xf32, #tpu.memory_space<vmem>>
      tpu.vector_store_idx %scatter3A_268[%broadcast_in_dim3A_155, %broadcast_in_dim3A_263], %broadcast_in_dim3A_6 masked %eq3A_5 {add = true} : memref<16x2048xf32, #tpu.memory_space<vmem>>[vector<16xi32>, vector<16xi32>], vector<16xf32>, vector<16xi1>
      %slice3A_269 = vector.extract_strided_slice %get3A_159 {offsets = [14], sizes = [1], strides = [1]} : vector<16xi32> to vector<1xi32>
      %squeeze3A_270 = vector.extract %slice3A_269[0] : i32 from vector<1xi32>
      %broadcast_in_dim3A_271 = vector.broadcast %squeeze3A_270 : i32 to vector<16xi32>
      %scatter3A_272 = arith.constant 0 : i32
      %scatter3A_273 = arith.constant 0 : i32
      %scatter3A_274 = arith.constant 0 : i32
      %scatter3A_275 = tpu.memref_slice %arg6[%scatter3A_272, %scatter3A_273, %scatter3A_274] : memref<2x16x2048xf32, #tpu.memory_space<vmem>> -> memref<1x16x2048xf32, #tpu.memory_space<vmem>>
      %scatter3A_276 = tpu.memref_squeeze %scatter3A_275 : memref<1x16x2048xf32, #tpu.memory_space<vmem>> -> memref<16x2048xf32, #tpu.memory_space<vmem>>
      tpu.vector_store_idx %scatter3A_276[%broadcast_in_dim3A_155, %broadcast_in_dim3A_271], %broadcast_in_dim3A_6 masked %eq3A_5 {add = true} : memref<16x2048xf32, #tpu.memory_space<vmem>>[vector<16xi32>, vector<16xi32>], vector<16xf32>, vector<16xi1>
      %slice3A_277 = vector.extract_strided_slice %get3A_159 {offsets = [15], sizes = [1], strides = [1]} : vector<16xi32> to vector<1xi32>
      %squeeze3A_278 = vector.extract %slice3A_277[0] : i32 from vector<1xi32>
      %broadcast_in_dim3A_279 = vector.broadcast %squeeze3A_278 : i32 to vector<16xi32>
      %scatter3A_280 = arith.constant 0 : i32
      %scatter3A_281 = arith.constant 0 : i32
      %scatter3A_282 = arith.constant 0 : i32
      %scatter3A_283 = tpu.memref_slice %arg6[%scatter3A_280, %scatter3A_281, %scatter3A_282] : memref<2x16x2048xf32, #tpu.memory_space<vmem>> -> memref<1x16x2048xf32, #tpu.memory_space<vmem>>
      %scatter3A_284 = tpu.memref_squeeze %scatter3A_283 : memref<1x16x2048xf32, #tpu.memory_space<vmem>> -> memref<16x2048xf32, #tpu.memory_space<vmem>>
      tpu.vector_store_idx %scatter3A_284[%broadcast_in_dim3A_155, %broadcast_in_dim3A_279], %broadcast_in_dim3A_6 masked %eq3A_5 {add = true} : memref<16x2048xf32, #tpu.memory_space<vmem>>[vector<16xi32>, vector<16xi32>], vector<16xf32>, vector<16xi1>
      %add3A_285 = arith.constant 32 : i32
      %add3A_286 = arith.addi %add3A_285, %scan3A_154 : i32
      %get3A_287 = arith.index_cast %add3A_286 : i32 to index
      %get3A_288 = arith.constant 16 : index
      %get3A_289 = tpu.vector_load %arg5[%get3A_287, %get3A_288] {strides = array<i32>} : memref<64x48xi32, #tpu.memory_space<vmem>>, vector<16xi32>,
      %slice3A_290 = vector.extract_strided_slice %get3A_289 {offsets = [0], sizes = [1], strides = [1]} : vector<16xi32> to vector<1xi32>
      %squeeze3A_291 = vector.extract %slice3A_290[0] : i32 from vector<1xi32>
      %broadcast_in_dim3A_292 = vector.broadcast %squeeze3A_291 : i32 to vector<16xi32>
      %scatter3A_293 = arith.constant 0 : i32
      %scatter3A_294 = arith.constant 0 : i32
      %scatter3A_295 = arith.constant 0 : i32
      %scatter3A_296 = tpu.memref_slice %arg6[%scatter3A_293, %scatter3A_294, %scatter3A_295] : memref<2x16x2048xf32, #tpu.memory_space<vmem>> -> memref<1x16x2048xf32, #tpu.memory_space<vmem>>
      %scatter3A_297 = tpu.memref_squeeze %scatter3A_296 : memref<1x16x2048xf32, #tpu.memory_space<vmem>> -> memref<16x2048xf32, #tpu.memory_space<vmem>>
      tpu.vector_store_idx %scatter3A_297[%broadcast_in_dim3A_155, %broadcast_in_dim3A_292], %broadcast_in_dim3A_6 masked %eq3A_5 {add = true} : memref<16x2048xf32, #tpu.memory_space<vmem>>[vector<16xi32>, vector<16xi32>], vector<16xf32>, vector<16xi1>
      %slice3A_298 = vector.extract_strided_slice %get3A_289 {offsets = [1], sizes = [1], strides = [1]} : vector<16xi32> to vector<1xi32>
      %squeeze3A_299 = vector.extract %slice3A_298[0] : i32 from vector<1xi32>
      %broadcast_in_dim3A_300 = vector.broadcast %squeeze3A_299 : i32 to vector<16xi32>
      %scatter3A_301 = arith.constant 0 : i32
      %scatter3A_302 = arith.constant 0 : i32
      %scatter3A_303 = arith.constant 0 : i32
      %scatter3A_304 = tpu.memref_slice %arg6[%scatter3A_301, %scatter3A_302, %scatter3A_303] : memref<2x16x2048xf32, #tpu.memory_space<vmem>> -> memref<1x16x2048xf32, #tpu.memory_space<vmem>>
      %scatter3A_305 = tpu.memref_squeeze %scatter3A_304 : memref<1x16x2048xf32, #tpu.memory_space<vmem>> -> memref<16x2048xf32, #tpu.memory_space<vmem>>
      tpu.vector_store_idx %scatter3A_305[%broadcast_in_dim3A_155, %broadcast_in_dim3A_300], %broadcast_in_dim3A_6 masked %eq3A_5 {add = true} : memref<16x2048xf32, #tpu.memory_space<vmem>>[vector<16xi32>, vector<16xi32>], vector<16xf32>, vector<16xi1>
      %slice3A_306 = vector.extract_strided_slice %get3A_289 {offsets = [2], sizes = [1], strides = [1]} : vector<16xi32> to vector<1xi32>
      %squeeze3A_307 = vector.extract %slice3A_306[0] : i32 from vector<1xi32>
      %broadcast_in_dim3A_308 = vector.broadcast %squeeze3A_307 : i32 to vector<16xi32>
      %scatter3A_309 = arith.constant 0 : i32
      %scatter3A_310 = arith.constant 0 : i32
      %scatter3A_311 = arith.constant 0 : i32
      %scatter3A_312 = tpu.memref_slice %arg6[%scatter3A_309, %scatter3A_310, %scatter3A_311] : memref<2x16x2048xf32, #tpu.memory_space<vmem>> -> memref<1x16x2048xf32, #tpu.memory_space<vmem>>
      %scatter3A_313 = tpu.memref_squeeze %scatter3A_312 : memref<1x16x2048xf32, #tpu.memory_space<vmem>> -> memref<16x2048xf32, #tpu.memory_space<vmem>>
      tpu.vector_store_idx %scatter3A_313[%broadcast_in_dim3A_155, %broadcast_in_dim3A_308], %broadcast_in_dim3A_6 masked %eq3A_5 {add = true} : memref<16x2048xf32, #tpu.memory_space<vmem>>[vector<16xi32>, vector<16xi32>], vector<16xf32>, vector<16xi1>
      %slice3A_314 = vector.extract_strided_slice %get3A_289 {offsets = [3], sizes = [1], strides = [1]} : vector<16xi32> to vector<1xi32>
      %squeeze3A_315 = vector.extract %slice3A_314[0] : i32 from vector<1xi32>
      %broadcast_in_dim3A_316 = vector.broadcast %squeeze3A_315 : i32 to vector<16xi32>
      %scatter3A_317 = arith.constant 0 : i32
      %scatter3A_318 = arith.constant 0 : i32
      %scatter3A_319 = arith.constant 0 : i32
      %scatter3A_320 = tpu.memref_slice %arg6[%scatter3A_317, %scatter3A_318, %scatter3A_319] : memref<2x16x2048xf32, #tpu.memory_space<vmem>> -> memref<1x16x2048xf32, #tpu.memory_space<vmem>>
      %scatter3A_321 = tpu.memref_squeeze %scatter3A_320 : memref<1x16x2048xf32, #tpu.memory_space<vmem>> -> memref<16x2048xf32, #tpu.memory_space<vmem>>
      tpu.vector_store_idx %scatter3A_321[%broadcast_in_dim3A_155, %broadcast_in_dim3A_316], %broadcast_in_dim3A_6 masked %eq3A_5 {add = true} : memref<16x2048xf32, #tpu.memory_space<vmem>>[vector<16xi32>, vector<16xi32>], vector<16xf32>, vector<16xi1>
      %slice3A_322 = vector.extract_strided_slice %get3A_289 {offsets = [4], sizes = [1], strides = [1]} : vector<16xi32> to vector<1xi32>
      %squeeze3A_323 = vector.extract %slice3A_322[0] : i32 from vector<1xi32>
      %broadcast_in_dim3A_324 = vector.broadcast %squeeze3A_323 : i32 to vector<16xi32>
      %scatter3A_325 = arith.constant 0 : i32
      %scatter3A_326 = arith.constant 0 : i32
      %scatter3A_327 = arith.constant 0 : i32
      %scatter3A_328 = tpu.memref_slice %arg6[%scatter3A_325, %scatter3A_326, %scatter3A_327] : memref<2x16x2048xf32, #tpu.memory_space<vmem>> -> memref<1x16x2048xf32, #tpu.memory_space<vmem>>
      %scatter3A_329 = tpu.memref_squeeze %scatter3A_328 : memref<1x16x2048xf32, #tpu.memory_space<vmem>> -> memref<16x2048xf32, #tpu.memory_space<vmem>>
      tpu.vector_store_idx %scatter3A_329[%broadcast_in_dim3A_155, %broadcast_in_dim3A_324], %broadcast_in_dim3A_6 masked %eq3A_5 {add = true} : memref<16x2048xf32, #tpu.memory_space<vmem>>[vector<16xi32>, vector<16xi32>], vector<16xf32>, vector<16xi1>
      %slice3A_330 = vector.extract_strided_slice %get3A_289 {offsets = [5], sizes = [1], strides = [1]} : vector<16xi32> to vector<1xi32>
      %squeeze3A_331 = vector.extract %slice3A_330[0] : i32 from vector<1xi32>
      %broadcast_in_dim3A_332 = vector.broadcast %squeeze3A_331 : i32 to vector<16xi32>
      %scatter3A_333 = arith.constant 0 : i32
      %scatter3A_334 = arith.constant 0 : i32
      %scatter3A_335 = arith.constant 0 : i32
      %scatter3A_336 = tpu.memref_slice %arg6[%scatter3A_333, %scatter3A_334, %scatter3A_335] : memref<2x16x2048xf32, #tpu.memory_space<vmem>> -> memref<1x16x2048xf32, #tpu.memory_space<vmem>>
      %scatter3A_337 = tpu.memref_squeeze %scatter3A_336 : memref<1x16x2048xf32, #tpu.memory_space<vmem>> -> memref<16x2048xf32, #tpu.memory_space<vmem>>
      tpu.vector_store_idx %scatter3A_337[%broadcast_in_dim3A_155, %broadcast_in_dim3A_332], %broadcast_in_dim3A_6 masked %eq3A_5 {add = true} : memref<16x2048xf32, #tpu.memory_space<vmem>>[vector<16xi32>, vector<16xi32>], vector<16xf32>, vector<16xi1>
      %slice3A_338 = vector.extract_strided_slice %get3A_289 {offsets = [6], sizes = [1], strides = [1]} : vector<16xi32> to vector<1xi32>
      %squeeze3A_339 = vector.extract %slice3A_338[0] : i32 from vector<1xi32>
      %broadcast_in_dim3A_340 = vector.broadcast %squeeze3A_339 : i32 to vector<16xi32>
      %scatter3A_341 = arith.constant 0 : i32
      %scatter3A_342 = arith.constant 0 : i32
      %scatter3A_343 = arith.constant 0 : i32
      %scatter3A_344 = tpu.memref_slice %arg6[%scatter3A_341, %scatter3A_342, %scatter3A_343] : memref<2x16x2048xf32, #tpu.memory_space<vmem>> -> memref<1x16x2048xf32, #tpu.memory_space<vmem>>
      %scatter3A_345 = tpu.memref_squeeze %scatter3A_344 : memref<1x16x2048xf32, #tpu.memory_space<vmem>> -> memref<16x2048xf32, #tpu.memory_space<vmem>>
      tpu.vector_store_idx %scatter3A_345[%broadcast_in_dim3A_155, %broadcast_in_dim3A_340], %broadcast_in_dim3A_6 masked %eq3A_5 {add = true} : memref<16x2048xf32, #tpu.memory_space<vmem>>[vector<16xi32>, vector<16xi32>], vector<16xf32>, vector<16xi1>
      %slice3A_346 = vector.extract_strided_slice %get3A_289 {offsets = [7], sizes = [1], strides = [1]} : vector<16xi32> to vector<1xi32>
      %squeeze3A_347 = vector.extract %slice3A_346[0] : i32 from vector<1xi32>
      %broadcast_in_dim3A_348 = vector.broadcast %squeeze3A_347 : i32 to vector<16xi32>
      %scatter3A_349 = arith.constant 0 : i32
      %scatter3A_350 = arith.constant 0 : i32
      %scatter3A_351 = arith.constant 0 : i32
      %scatter3A_352 = tpu.memref_slice %arg6[%scatter3A_349, %scatter3A_350, %scatter3A_351] : memref<2x16x2048xf32, #tpu.memory_space<vmem>> -> memref<1x16x2048xf32, #tpu.memory_space<vmem>>
      %scatter3A_353 = tpu.memref_squeeze %scatter3A_352 : memref<1x16x2048xf32, #tpu.memory_space<vmem>> -> memref<16x2048xf32, #tpu.memory_space<vmem>>
      tpu.vector_store_idx %scatter3A_353[%broadcast_in_dim3A_155, %broadcast_in_dim3A_348], %broadcast_in_dim3A_6 masked %eq3A_5 {add = true} : memref<16x2048xf32, #tpu.memory_space<vmem>>[vector<16xi32>, vector<16xi32>], vector<16xf32>, vector<16xi1>
      %slice3A_354 = vector.extract_strided_slice %get3A_289 {offsets = [8], sizes = [1], strides = [1]} : vector<16xi32> to vector<1xi32>
      %squeeze3A_355 = vector.extract %slice3A_354[0] : i32 from vector<1xi32>
      %broadcast_in_dim3A_356 = vector.broadcast %squeeze3A_355 : i32 to vector<16xi32>
      %scatter3A_357 = arith.constant 0 : i32
      %scatter3A_358 = arith.constant 0 : i32
      %scatter3A_359 = arith.constant 0 : i32
      %scatter3A_360 = tpu.memref_slice %arg6[%scatter3A_357, %scatter3A_358, %scatter3A_359] : memref<2x16x2048xf32, #tpu.memory_space<vmem>> -> memref<1x16x2048xf32, #tpu.memory_space<vmem>>
      %scatter3A_361 = tpu.memref_squeeze %scatter3A_360 : memref<1x16x2048xf32, #tpu.memory_space<vmem>> -> memref<16x2048xf32, #tpu.memory_space<vmem>>
      tpu.vector_store_idx %scatter3A_361[%broadcast_in_dim3A_155, %broadcast_in_dim3A_356], %broadcast_in_dim3A_6 masked %eq3A_5 {add = true} : memref<16x2048xf32, #tpu.memory_space<vmem>>[vector<16xi32>, vector<16xi32>], vector<16xf32>, vector<16xi1>
      %slice3A_362 = vector.extract_strided_slice %get3A_289 {offsets = [9], sizes = [1], strides = [1]} : vector<16xi32> to vector<1xi32>
      %squeeze3A_363 = vector.extract %slice3A_362[0] : i32 from vector<1xi32>
      %broadcast_in_dim3A_364 = vector.broadcast %squeeze3A_363 : i32 to vector<16xi32>
      %scatter3A_365 = arith.constant 0 : i32
      %scatter3A_366 = arith.constant 0 : i32
      %scatter3A_367 = arith.constant 0 : i32
      %scatter3A_368 = tpu.memref_slice %arg6[%scatter3A_365, %scatter3A_366, %scatter3A_367] : memref<2x16x2048xf32, #tpu.memory_space<vmem>> -> memref<1x16x2048xf32, #tpu.memory_space<vmem>>
      %scatter3A_369 = tpu.memref_squeeze %scatter3A_368 : memref<1x16x2048xf32, #tpu.memory_space<vmem>> -> memref<16x2048xf32, #tpu.memory_space<vmem>>
      tpu.vector_store_idx %scatter3A_369[%broadcast_in_dim3A_155, %broadcast_in_dim3A_364], %broadcast_in_dim3A_6 masked %eq3A_5 {add = true} : memref<16x2048xf32, #tpu.memory_space<vmem>>[vector<16xi32>, vector<16xi32>], vector<16xf32>, vector<16xi1>
      %slice3A_370 = vector.extract_strided_slice %get3A_289 {offsets = [10], sizes = [1], strides = [1]} : vector<16xi32> to vector<1xi32>
      %squeeze3A_371 = vector.extract %slice3A_370[0] : i32 from vector<1xi32>
      %broadcast_in_dim3A_372 = vector.broadcast %squeeze3A_371 : i32 to vector<16xi32>
      %scatter3A_373 = arith.constant 0 : i32
      %scatter3A_374 = arith.constant 0 : i32
      %scatter3A_375 = arith.constant 0 : i32
      %scatter3A_376 = tpu.memref_slice %arg6[%scatter3A_373, %scatter3A_374, %scatter3A_375] : memref<2x16x2048xf32, #tpu.memory_space<vmem>> -> memref<1x16x2048xf32, #tpu.memory_space<vmem>>
      %scatter3A_377 = tpu.memref_squeeze %scatter3A_376 : memref<1x16x2048xf32, #tpu.memory_space<vmem>> -> memref<16x2048xf32, #tpu.memory_space<vmem>>
      tpu.vector_store_idx %scatter3A_377[%broadcast_in_dim3A_155, %broadcast_in_dim3A_372], %broadcast_in_dim3A_6 masked %eq3A_5 {add = true} : memref<16x2048xf32, #tpu.memory_space<vmem>>[vector<16xi32>, vector<16xi32>], vector<16xf32>, vector<16xi1>
      %slice3A_378 = vector.extract_strided_slice %get3A_289 {offsets = [11], sizes = [1], strides = [1]} : vector<16xi32> to vector<1xi32>
      %squeeze3A_379 = vector.extract %slice3A_378[0] : i32 from vector<1xi32>
      %broadcast_in_dim3A_380 = vector.broadcast %squeeze3A_379 : i32 to vector<16xi32>
      %scatter3A_381 = arith.constant 0 : i32
      %scatter3A_382 = arith.constant 0 : i32
      %scatter3A_383 = arith.constant 0 : i32
      %scatter3A_384 = tpu.memref_slice %arg6[%scatter3A_381, %scatter3A_382, %scatter3A_383] : memref<2x16x2048xf32, #tpu.memory_space<vmem>> -> memref<1x16x2048xf32, #tpu.memory_space<vmem>>
      %scatter3A_385 = tpu.memref_squeeze %scatter3A_384 : memref<1x16x2048xf32, #tpu.memory_space<vmem>> -> memref<16x2048xf32, #tpu.memory_space<vmem>>
      tpu.vector_store_idx %scatter3A_385[%broadcast_in_dim3A_155, %broadcast_in_dim3A_380], %broadcast_in_dim3A_6 masked %eq3A_5 {add = true} : memref<16x2048xf32, #tpu.memory_space<vmem>>[vector<16xi32>, vector<16xi32>], vector<16xf32>, vector<16xi1>
      %slice3A_386 = vector.extract_strided_slice %get3A_289 {offsets = [12], sizes = [1], strides = [1]} : vector<16xi32> to vector<1xi32>
      %squeeze3A_387 = vector.extract %slice3A_386[0] : i32 from vector<1xi32>
      %broadcast_in_dim3A_388 = vector.broadcast %squeeze3A_387 : i32 to vector<16xi32>
      %scatter3A_389 = arith.constant 0 : i32
      %scatter3A_390 = arith.constant 0 : i32
      %scatter3A_391 = arith.constant 0 : i32
      %scatter3A_392 = tpu.memref_slice %arg6[%scatter3A_389, %scatter3A_390, %scatter3A_391] : memref<2x16x2048xf32, #tpu.memory_space<vmem>> -> memref<1x16x2048xf32, #tpu.memory_space<vmem>>
      %scatter3A_393 = tpu.memref_squeeze %scatter3A_392 : memref<1x16x2048xf32, #tpu.memory_space<vmem>> -> memref<16x2048xf32, #tpu.memory_space<vmem>>
      tpu.vector_store_idx %scatter3A_393[%broadcast_in_dim3A_155, %broadcast_in_dim3A_388], %broadcast_in_dim3A_6 masked %eq3A_5 {add = true} : memref<16x2048xf32, #tpu.memory_space<vmem>>[vector<16xi32>, vector<16xi32>], vector<16xf32>, vector<16xi1>
      %slice3A_394 = vector.extract_strided_slice %get3A_289 {offsets = [13], sizes = [1], strides = [1]} : vector<16xi32> to vector<1xi32>
      %squeeze3A_395 = vector.extract %slice3A_394[0] : i32 from vector<1xi32>
      %broadcast_in_dim3A_396 = vector.broadcast %squeeze3A_395 : i32 to vector<16xi32>
      %scatter3A_397 = arith.constant 0 : i32
      %scatter3A_398 = arith.constant 0 : i32
      %scatter3A_399 = arith.constant 0 : i32
      %scatter3A_400 = tpu.memref_slice %arg6[%scatter3A_397, %scatter3A_398, %scatter3A_399] : memref<2x16x2048xf32, #tpu.memory_space<vmem>> -> memref<1x16x2048xf32, #tpu.memory_space<vmem>>
      %scatter3A_401 = tpu.memref_squeeze %scatter3A_400 : memref<1x16x2048xf32, #tpu.memory_space<vmem>> -> memref<16x2048xf32, #tpu.memory_space<vmem>>
      tpu.vector_store_idx %scatter3A_401[%broadcast_in_dim3A_155, %broadcast_in_dim3A_396], %broadcast_in_dim3A_6 masked %eq3A_5 {add = true} : memref<16x2048xf32, #tpu.memory_space<vmem>>[vector<16xi32>, vector<16xi32>], vector<16xf32>, vector<16xi1>
      %slice3A_402 = vector.extract_strided_slice %get3A_289 {offsets = [14], sizes = [1], strides = [1]} : vector<16xi32> to vector<1xi32>
      %squeeze3A_403 = vector.extract %slice3A_402[0] : i32 from vector<1xi32>
      %broadcast_in_dim3A_404 = vector.broadcast %squeeze3A_403 : i32 to vector<16xi32>
      %scatter3A_405 = arith.constant 0 : i32
      %scatter3A_406 = arith.constant 0 : i32
      %scatter3A_407 = arith.constant 0 : i32
      %scatter3A_408 = tpu.memref_slice %arg6[%scatter3A_405, %scatter3A_406, %scatter3A_407] : memref<2x16x2048xf32, #tpu.memory_space<vmem>> -> memref<1x16x2048xf32, #tpu.memory_space<vmem>>
      %scatter3A_409 = tpu.memref_squeeze %scatter3A_408 : memref<1x16x2048xf32, #tpu.memory_space<vmem>> -> memref<16x2048xf32, #tpu.memory_space<vmem>>
      tpu.vector_store_idx %scatter3A_409[%broadcast_in_dim3A_155, %broadcast_in_dim3A_404], %broadcast_in_dim3A_6 masked %eq3A_5 {add = true} : memref<16x2048xf32, #tpu.memory_space<vmem>>[vector<16xi32>, vector<16xi32>], vector<16xf32>, vector<16xi1>
      %slice3A_410 = vector.extract_strided_slice %get3A_289 {offsets = [15], sizes = [1], strides = [1]} : vector<16xi32> to vector<1xi32>
      %squeeze3A_411 = vector.extract %slice3A_410[0] : i32 from vector<1xi32>
      %broadcast_in_dim3A_412 = vector.broadcast %squeeze3A_411 : i32 to vector<16xi32>
      %scatter3A_413 = arith.constant 0 : i32
      %scatter3A_414 = arith.constant 0 : i32
      %scatter3A_415 = arith.constant 0 : i32
      %scatter3A_416 = tpu.memref_slice %arg6[%scatter3A_413, %scatter3A_414, %scatter3A_415] : memref<2x16x2048xf32, #tpu.memory_space<vmem>> -> memref<1x16x2048xf32, #tpu.memory_space<vmem>>
      %scatter3A_417 = tpu.memref_squeeze %scatter3A_416 : memref<1x16x2048xf32, #tpu.memory_space<vmem>> -> memref<16x2048xf32, #tpu.memory_space<vmem>>
      tpu.vector_store_idx %scatter3A_417[%broadcast_in_dim3A_155, %broadcast_in_dim3A_412], %broadcast_in_dim3A_6 masked %eq3A_5 {add = true} : memref<16x2048xf32, #tpu.memory_space<vmem>>[vector<16xi32>, vector<16xi32>], vector<16xf32>, vector<16xi1>
      %add3A_418 = arith.constant 32 : i32
      %add3A_419 = arith.addi %add3A_418, %scan3A_154 : i32
      %get3A_420 = arith.index_cast %add3A_419 : i32 to index
      %get3A_421 = arith.constant 32 : index
      %get3A_422 = tpu.vector_load %arg5[%get3A_420, %get3A_421] {strides = array<i32>} : memref<64x48xi32, #tpu.memory_space<vmem>>, vector<16xi32>,
      %slice3A_423 = vector.extract_strided_slice %get3A_422 {offsets = [0], sizes = [1], strides = [1]} : vector<16xi32> to vector<1xi32>
      %squeeze3A_424 = vector.extract %slice3A_423[0] : i32 from vector<1xi32>
      %broadcast_in_dim3A_425 = vector.broadcast %squeeze3A_424 : i32 to vector<16xi32>
      %scatter3A_426 = arith.constant 0 : i32
      %scatter3A_427 = arith.constant 0 : i32
      %scatter3A_428 = arith.constant 0 : i32
      %scatter3A_429 = tpu.memref_slice %arg6[%scatter3A_426, %scatter3A_427, %scatter3A_428] : memref<2x16x2048xf32, #tpu.memory_space<vmem>> -> memref<1x16x2048xf32, #tpu.memory_space<vmem>>
      %scatter3A_430 = tpu.memref_squeeze %scatter3A_429 : memref<1x16x2048xf32, #tpu.memory_space<vmem>> -> memref<16x2048xf32, #tpu.memory_space<vmem>>
      tpu.vector_store_idx %scatter3A_430[%broadcast_in_dim3A_155, %broadcast_in_dim3A_425], %broadcast_in_dim3A_6 masked %eq3A_5 {add = true} : memref<16x2048xf32, #tpu.memory_space<vmem>>[vector<16xi32>, vector<16xi32>], vector<16xf32>, vector<16xi1>
      %slice3A_431 = vector.extract_strided_slice %get3A_422 {offsets = [1], sizes = [1], strides = [1]} : vector<16xi32> to vector<1xi32>
      %squeeze3A_432 = vector.extract %slice3A_431[0] : i32 from vector<1xi32>
      %broadcast_in_dim3A_433 = vector.broadcast %squeeze3A_432 : i32 to vector<16xi32>
      %scatter3A_434 = arith.constant 0 : i32
      %scatter3A_435 = arith.constant 0 : i32
      %scatter3A_436 = arith.constant 0 : i32
      %scatter3A_437 = tpu.memref_slice %arg6[%scatter3A_434, %scatter3A_435, %scatter3A_436] : memref<2x16x2048xf32, #tpu.memory_space<vmem>> -> memref<1x16x2048xf32, #tpu.memory_space<vmem>>
      %scatter3A_438 = tpu.memref_squeeze %scatter3A_437 : memref<1x16x2048xf32, #tpu.memory_space<vmem>> -> memref<16x2048xf32, #tpu.memory_space<vmem>>
      tpu.vector_store_idx %scatter3A_438[%broadcast_in_dim3A_155, %broadcast_in_dim3A_433], %broadcast_in_dim3A_6 masked %eq3A_5 {add = true} : memref<16x2048xf32, #tpu.memory_space<vmem>>[vector<16xi32>, vector<16xi32>], vector<16xf32>, vector<16xi1>
      %slice3A_439 = vector.extract_strided_slice %get3A_422 {offsets = [2], sizes = [1], strides = [1]} : vector<16xi32> to vector<1xi32>
      %squeeze3A_440 = vector.extract %slice3A_439[0] : i32 from vector<1xi32>
      %broadcast_in_dim3A_441 = vector.broadcast %squeeze3A_440 : i32 to vector<16xi32>
      %scatter3A_442 = arith.constant 0 : i32
      %scatter3A_443 = arith.constant 0 : i32
      %scatter3A_444 = arith.constant 0 : i32
      %scatter3A_445 = tpu.memref_slice %arg6[%scatter3A_442, %scatter3A_443, %scatter3A_444] : memref<2x16x2048xf32, #tpu.memory_space<vmem>> -> memref<1x16x2048xf32, #tpu.memory_space<vmem>>
      %scatter3A_446 = tpu.memref_squeeze %scatter3A_445 : memref<1x16x2048xf32, #tpu.memory_space<vmem>> -> memref<16x2048xf32, #tpu.memory_space<vmem>>
      tpu.vector_store_idx %scatter3A_446[%broadcast_in_dim3A_155, %broadcast_in_dim3A_441], %broadcast_in_dim3A_6 masked %eq3A_5 {add = true} : memref<16x2048xf32, #tpu.memory_space<vmem>>[vector<16xi32>, vector<16xi32>], vector<16xf32>, vector<16xi1>
      %slice3A_447 = vector.extract_strided_slice %get3A_422 {offsets = [3], sizes = [1], strides = [1]} : vector<16xi32> to vector<1xi32>
      %squeeze3A_448 = vector.extract %slice3A_447[0] : i32 from vector<1xi32>
      %broadcast_in_dim3A_449 = vector.broadcast %squeeze3A_448 : i32 to vector<16xi32>
      %scatter3A_450 = arith.constant 0 : i32
      %scatter3A_451 = arith.constant 0 : i32
      %scatter3A_452 = arith.constant 0 : i32
      %scatter3A_453 = tpu.memref_slice %arg6[%scatter3A_450, %scatter3A_451, %scatter3A_452] : memref<2x16x2048xf32, #tpu.memory_space<vmem>> -> memref<1x16x2048xf32, #tpu.memory_space<vmem>>
      %scatter3A_454 = tpu.memref_squeeze %scatter3A_453 : memref<1x16x2048xf32, #tpu.memory_space<vmem>> -> memref<16x2048xf32, #tpu.memory_space<vmem>>
      tpu.vector_store_idx %scatter3A_454[%broadcast_in_dim3A_155, %broadcast_in_dim3A_449], %broadcast_in_dim3A_6 masked %eq3A_5 {add = true} : memref<16x2048xf32, #tpu.memory_space<vmem>>[vector<16xi32>, vector<16xi32>], vector<16xf32>, vector<16xi1>
      %slice3A_455 = vector.extract_strided_slice %get3A_422 {offsets = [4], sizes = [1], strides = [1]} : vector<16xi32> to vector<1xi32>
      %squeeze3A_456 = vector.extract %slice3A_455[0] : i32 from vector<1xi32>
      %broadcast_in_dim3A_457 = vector.broadcast %squeeze3A_456 : i32 to vector<16xi32>
      %scatter3A_458 = arith.constant 0 : i32
      %scatter3A_459 = arith.constant 0 : i32
      %scatter3A_460 = arith.constant 0 : i32
      %scatter3A_461 = tpu.memref_slice %arg6[%scatter3A_458, %scatter3A_459, %scatter3A_460] : memref<2x16x2048xf32, #tpu.memory_space<vmem>> -> memref<1x16x2048xf32, #tpu.memory_space<vmem>>
      %scatter3A_462 = tpu.memref_squeeze %scatter3A_461 : memref<1x16x2048xf32, #tpu.memory_space<vmem>> -> memref<16x2048xf32, #tpu.memory_space<vmem>>
      tpu.vector_store_idx %scatter3A_462[%broadcast_in_dim3A_155, %broadcast_in_dim3A_457], %broadcast_in_dim3A_6 masked %eq3A_5 {add = true} : memref<16x2048xf32, #tpu.memory_space<vmem>>[vector<16xi32>, vector<16xi32>], vector<16xf32>, vector<16xi1>
      %slice3A_463 = vector.extract_strided_slice %get3A_422 {offsets = [5], sizes = [1], strides = [1]} : vector<16xi32> to vector<1xi32>
      %squeeze3A_464 = vector.extract %slice3A_463[0] : i32 from vector<1xi32>
      %broadcast_in_dim3A_465 = vector.broadcast %squeeze3A_464 : i32 to vector<16xi32>
      %scatter3A_466 = arith.constant 0 : i32
      %scatter3A_467 = arith.constant 0 : i32
      %scatter3A_468 = arith.constant 0 : i32
      %scatter3A_469 = tpu.memref_slice %arg6[%scatter3A_466, %scatter3A_467, %scatter3A_468] : memref<2x16x2048xf32, #tpu.memory_space<vmem>> -> memref<1x16x2048xf32, #tpu.memory_space<vmem>>
      %scatter3A_470 = tpu.memref_squeeze %scatter3A_469 : memref<1x16x2048xf32, #tpu.memory_space<vmem>> -> memref<16x2048xf32, #tpu.memory_space<vmem>>
      tpu.vector_store_idx %scatter3A_470[%broadcast_in_dim3A_155, %broadcast_in_dim3A_465], %broadcast_in_dim3A_6 masked %eq3A_5 {add = true} : memref<16x2048xf32, #tpu.memory_space<vmem>>[vector<16xi32>, vector<16xi32>], vector<16xf32>, vector<16xi1>
      %slice3A_471 = vector.extract_strided_slice %get3A_422 {offsets = [6], sizes = [1], strides = [1]} : vector<16xi32> to vector<1xi32>
      %squeeze3A_472 = vector.extract %slice3A_471[0] : i32 from vector<1xi32>
      %broadcast_in_dim3A_473 = vector.broadcast %squeeze3A_472 : i32 to vector<16xi32>
      %scatter3A_474 = arith.constant 0 : i32
      %scatter3A_475 = arith.constant 0 : i32
      %scatter3A_476 = arith.constant 0 : i32
      %scatter3A_477 = tpu.memref_slice %arg6[%scatter3A_474, %scatter3A_475, %scatter3A_476] : memref<2x16x2048xf32, #tpu.memory_space<vmem>> -> memref<1x16x2048xf32, #tpu.memory_space<vmem>>
      %scatter3A_478 = tpu.memref_squeeze %scatter3A_477 : memref<1x16x2048xf32, #tpu.memory_space<vmem>> -> memref<16x2048xf32, #tpu.memory_space<vmem>>
      tpu.vector_store_idx %scatter3A_478[%broadcast_in_dim3A_155, %broadcast_in_dim3A_473], %broadcast_in_dim3A_6 masked %eq3A_5 {add = true} : memref<16x2048xf32, #tpu.memory_space<vmem>>[vector<16xi32>, vector<16xi32>], vector<16xf32>, vector<16xi1>
      %slice3A_479 = vector.extract_strided_slice %get3A_422 {offsets = [7], sizes = [1], strides = [1]} : vector<16xi32> to vector<1xi32>
      %squeeze3A_480 = vector.extract %slice3A_479[0] : i32 from vector<1xi32>
      %broadcast_in_dim3A_481 = vector.broadcast %squeeze3A_480 : i32 to vector<16xi32>
      %scatter3A_482 = arith.constant 0 : i32
      %scatter3A_483 = arith.constant 0 : i32
      %scatter3A_484 = arith.constant 0 : i32
      %scatter3A_485 = tpu.memref_slice %arg6[%scatter3A_482, %scatter3A_483, %scatter3A_484] : memref<2x16x2048xf32, #tpu.memory_space<vmem>> -> memref<1x16x2048xf32, #tpu.memory_space<vmem>>
      %scatter3A_486 = tpu.memref_squeeze %scatter3A_485 : memref<1x16x2048xf32, #tpu.memory_space<vmem>> -> memref<16x2048xf32, #tpu.memory_space<vmem>>
      tpu.vector_store_idx %scatter3A_486[%broadcast_in_dim3A_155, %broadcast_in_dim3A_481], %broadcast_in_dim3A_6 masked %eq3A_5 {add = true} : memref<16x2048xf32, #tpu.memory_space<vmem>>[vector<16xi32>, vector<16xi32>], vector<16xf32>, vector<16xi1>
    }
    %scan3A_72 = arith.constant 16 : i32
    %add3A_73 = arith.constant 32 : i32
    %add3A_74 = arith.addi %mul3A_2, %add3A_73 : i32
    %dma_start3A_75 = arith.constant 0 : i32
    %dma_start3A_76 = arith.constant 0 : i32
    %dma_start3A_77 = arith.constant 0 : i32
    %dma_start3A_78 = tpu.memref_slice %arg6[%dma_start3A_75, %dma_start3A_76, %dma_start3A_77] : memref<2x16x2048xf32, #tpu.memory_space<vmem>> -> memref<1x16x2048xf32, #tpu.memory_space<vmem>>
    %dma_start3A_79 = tpu.memref_squeeze %dma_start3A_78 : memref<1x16x2048xf32, #tpu.memory_space<vmem>> -> memref<16x2048xf32, #tpu.memory_space<vmem>>
    %dma_start3A_80 = arith.constant 0 : i32
    %dma_start3A_81 = tpu.memref_slice %arg4[%add3A_74, %dma_start3A_80] : memref<2048x2048xf32, #tpu.memory_space<hbm>> -> memref<16x2048xf32, #tpu.memory_space<hbm>>
    %dma_start3A_82 = arith.constant 0 : i32
    %dma_start3A_83 = tpu.memref_slice %arg4[%add3A_74, %dma_start3A_82] : memref<2048x2048xf32, #tpu.memory_space<hbm>> -> memref<16x2048xf32, #tpu.memory_space<hbm>>
    %dma_start3A_84 = arith.constant 0 : i32
    %dma_start3A_85 = arith.constant 0 : i32
    %dma_start3A_86 = tpu.memref_slice %arg6[%dma_start3A_75, %dma_start3A_84, %dma_start3A_85] : memref<2x16x2048xf32, #tpu.memory_space<vmem>> -> memref<1x16x2048xf32, #tpu.memory_space<vmem>>
    %dma_start3A_87 = tpu.memref_squeeze %dma_start3A_86 : memref<1x16x2048xf32, #tpu.memory_space<vmem>> -> memref<16x2048xf32, #tpu.memory_space<vmem>>
    tpu.enqueue_dma source(%dma_start3A_87 : memref<16x2048xf32, #tpu.memory_space<vmem>>) target(%dma_start3A_83 : memref<16x2048xf32, #tpu.memory_space<hbm>>) target_semaphore(%arg7 : memref<!tpu.dma_semaphore, #tpu.memory_space<semaphore_mem>>)
    %dma_wait3A_88 = arith.constant 1 : i32
    %dma_wait3A_89 = arith.constant 0 : i32
    %dma_wait3A_90 = arith.constant 0 : i32
    %dma_wait3A_91 = tpu.memref_slice %arg6[%dma_wait3A_88, %dma_wait3A_89, %dma_wait3A_90] : memref<2x16x2048xf32, #tpu.memory_space<vmem>> -> memref<1x16x2048xf32, #tpu.memory_space<vmem>>
    %dma_wait3A_92 = tpu.memref_squeeze %dma_wait3A_91 : memref<1x16x2048xf32, #tpu.memory_space<vmem>> -> memref<16x2048xf32, #tpu.memory_space<vmem>>
    %dma_wait3A_93 = arith.constant 0 : i32
    %dma_wait3A_94 = tpu.memref_slice %arg4[%add3A_35, %dma_wait3A_93] : memref<2048x2048xf32, #tpu.memory_space<hbm>> -> memref<16x2048xf32, #tpu.memory_space<hbm>>
    %dma_wait3A_95 = arith.constant 0 : i32
    %dma_wait3A_96 = tpu.memref_slice %arg4[%add3A_35, %dma_wait3A_95] : memref<2048x2048xf32, #tpu.memory_space<hbm>> -> memref<16x2048xf32, #tpu.memory_space<hbm>>
    %dma_wait3A_97 = arith.constant 0 : i32
    %dma_wait3A_98 = arith.constant 0 : i32
    %dma_wait3A_99 = tpu.memref_slice %arg6[%dma_wait3A_88, %dma_wait3A_97, %dma_wait3A_98] : memref<2x16x2048xf32, #tpu.memory_space<vmem>> -> memref<1x16x2048xf32, #tpu.memory_space<vmem>>
    %dma_wait3A_100 = tpu.memref_squeeze %dma_wait3A_99 : memref<1x16x2048xf32, #tpu.memory_space<vmem>> -> memref<16x2048xf32, #tpu.memory_space<vmem>>
    tpu.wait_dma2 semaphore(%arg8 : memref<!tpu.dma_semaphore, #tpu.memory_space<semaphore_mem>>) src(%dma_wait3A_100 : memref<16x2048xf32, #tpu.memory_space<vmem>>) dst(%dma_wait3A_96 : memref<16x2048xf32, #tpu.memory_space<hbm>>)
    %scan3A_101 = arith.constant 0 : i32
    %scan3A_102 = arith.constant 0 : i32
    %scan3A_103 = arith.constant 16 : i32
    %scan3A_104 = arith.addi %scan3A_102, %scan3A_103 : i32
    %scan3A_105 = arith.constant 1 : i32
    scf.for %scan3A_154 = %scan3A_102 to %scan3A_104 step %scan3A_105  : i32 {
      %broadcast_in_dim3A_155 = vector.broadcast %scan3A_154 : i32 to vector<16xi32>
      %add3A_156 = arith.constant 16 : i32
      %add3A_157 = arith.addi %add3A_156, %scan3A_154 : i32
      %get3A = arith.index_cast %add3A_157 : i32 to index
      %get3A_158 = arith.constant 0 : index
      %get3A_159 = tpu.vector_load %arg5[%get3A, %get3A_158] {strides = array<i32>} : memref<64x48xi32, #tpu.memory_space<vmem>>, vector<16xi32>,
      %slice3A = vector.extract_strided_slice %get3A_159 {offsets = [0], sizes = [1], strides = [1]} : vector<16xi32> to vector<1xi32>
      %squeeze3A = vector.extract %slice3A[0] : i32 from vector<1xi32>
      %broadcast_in_dim3A_160 = vector.broadcast %squeeze3A : i32 to vector<16xi32>
      %scatter3A = arith.constant 1 : i32
      %scatter3A_161 = arith.constant 0 : i32
      %scatter3A_162 = arith.constant 0 : i32
      %scatter3A_163 = tpu.memref_slice %arg6[%scatter3A, %scatter3A_161, %scatter3A_162] : memref<2x16x2048xf32, #tpu.memory_space<vmem>> -> memref<1x16x2048xf32, #tpu.memory_space<vmem>>
      %scatter3A_164 = tpu.memref_squeeze %scatter3A_163 : memref<1x16x2048xf32, #tpu.memory_space<vmem>> -> memref<16x2048xf32, #tpu.memory_space<vmem>>
      tpu.vector_store_idx %scatter3A_164[%broadcast_in_dim3A_155, %broadcast_in_dim3A_160], %broadcast_in_dim3A_8 masked %eq3A_5 : memref<16x2048xf32, #tpu.memory_space<vmem>>[vector<16xi32>, vector<16xi32>], vector<16xf32>, vector<16xi1>
      %slice3A_165 = vector.extract_strided_slice %get3A_159 {offsets = [1], sizes = [1], strides = [1]} : vector<16xi32> to vector<1xi32>
      %squeeze3A_166 = vector.extract %slice3A_165[0] : i32 from vector<1xi32>
      %broadcast_in_dim3A_167 = vector.broadcast %squeeze3A_166 : i32 to vector<16xi32>
      %scatter3A_168 = arith.constant 1 : i32
      %scatter3A_169 = arith.constant 0 : i32
      %scatter3A_170 = arith.constant 0 : i32
      %scatter3A_171 = tpu.memref_slice %arg6[%scatter3A_168, %scatter3A_169, %scatter3A_170] : memref<2x16x2048xf32, #tpu.memory_space<vmem>> -> memref<1x16x2048xf32, #tpu.memory_space<vmem>>
      %scatter3A_172 = tpu.memref_squeeze %scatter3A_171 : memref<1x16x2048xf32, #tpu.memory_space<vmem>> -> memref<16x2048xf32, #tpu.memory_space<vmem>>
      tpu.vector_store_idx %scatter3A_172[%broadcast_in_dim3A_155, %broadcast_in_dim3A_167], %broadcast_in_dim3A_8 masked %eq3A_5 : memref<16x2048xf32, #tpu.memory_space<vmem>>[vector<16xi32>, vector<16xi32>], vector<16xf32>, vector<16xi1>
      %slice3A_173 = vector.extract_strided_slice %get3A_159 {offsets = [2], sizes = [1], strides = [1]} : vector<16xi32> to vector<1xi32>
      %squeeze3A_174 = vector.extract %slice3A_173[0] : i32 from vector<1xi32>
      %broadcast_in_dim3A_175 = vector.broadcast %squeeze3A_174 : i32 to vector<16xi32>
      %scatter3A_176 = arith.constant 1 : i32
      %scatter3A_177 = arith.constant 0 : i32
      %scatter3A_178 = arith.constant 0 : i32
      %scatter3A_179 = tpu.memref_slice %arg6[%scatter3A_176, %scatter3A_177, %scatter3A_178] : memref<2x16x2048xf32, #tpu.memory_space<vmem>> -> memref<1x16x2048xf32, #tpu.memory_space<vmem>>
      %scatter3A_180 = tpu.memref_squeeze %scatter3A_179 : memref<1x16x2048xf32, #tpu.memory_space<vmem>> -> memref<16x2048xf32, #tpu.memory_space<vmem>>
      tpu.vector_store_idx %scatter3A_180[%broadcast_in_dim3A_155, %broadcast_in_dim3A_175], %broadcast_in_dim3A_8 masked %eq3A_5 : memref<16x2048xf32, #tpu.memory_space<vmem>>[vector<16xi32>, vector<16xi32>], vector<16xf32>, vector<16xi1>
      %slice3A_181 = vector.extract_strided_slice %get3A_159 {offsets = [3], sizes = [1], strides = [1]} : vector<16xi32> to vector<1xi32>
      %squeeze3A_182 = vector.extract %slice3A_181[0] : i32 from vector<1xi32>
      %broadcast_in_dim3A_183 = vector.broadcast %squeeze3A_182 : i32 to vector<16xi32>
      %scatter3A_184 = arith.constant 1 : i32
      %scatter3A_185 = arith.constant 0 : i32
      %scatter3A_186 = arith.constant 0 : i32
      %scatter3A_187 = tpu.memref_slice %arg6[%scatter3A_184, %scatter3A_185, %scatter3A_186] : memref<2x16x2048xf32, #tpu.memory_space<vmem>> -> memref<1x16x2048xf32, #tpu.memory_space<vmem>>
      %scatter3A_188 = tpu.memref_squeeze %scatter3A_187 : memref<1x16x2048xf32, #tpu.memory_space<vmem>> -> memref<16x2048xf32, #tpu.memory_space<vmem>>
      tpu.vector_store_idx %scatter3A_188[%broadcast_in_dim3A_155, %broadcast_in_dim3A_183], %broadcast_in_dim3A_8 masked %eq3A_5 : memref<16x2048xf32, #tpu.memory_space<vmem>>[vector<16xi32>, vector<16xi32>], vector<16xf32>, vector<16xi1>
      %slice3A_189 = vector.extract_strided_slice %get3A_159 {offsets = [4], sizes = [1], strides = [1]} : vector<16xi32> to vector<1xi32>
      %squeeze3A_190 = vector.extract %slice3A_189[0] : i32 from vector<1xi32>
      %broadcast_in_dim3A_191 = vector.broadcast %squeeze3A_190 : i32 to vector<16xi32>
      %scatter3A_192 = arith.constant 1 : i32
      %scatter3A_193 = arith.constant 0 : i32
      %scatter3A_194 = arith.constant 0 : i32
      %scatter3A_195 = tpu.memref_slice %arg6[%scatter3A_192, %scatter3A_193, %scatter3A_194] : memref<2x16x2048xf32, #tpu.memory_space<vmem>> -> memref<1x16x2048xf32, #tpu.memory_space<vmem>>
      %scatter3A_196 = tpu.memref_squeeze %scatter3A_195 : memref<1x16x2048xf32, #tpu.memory_space<vmem>> -> memref<16x2048xf32, #tpu.memory_space<vmem>>
      tpu.vector_store_idx %scatter3A_196[%broadcast_in_dim3A_155, %broadcast_in_dim3A_191], %broadcast_in_dim3A_8 masked %eq3A_5 : memref<16x2048xf32, #tpu.memory_space<vmem>>[vector<16xi32>, vector<16xi32>], vector<16xf32>, vector<16xi1>
      %slice3A_197 = vector.extract_strided_slice %get3A_159 {offsets = [5], sizes = [1], strides = [1]} : vector<16xi32> to vector<1xi32>
      %squeeze3A_198 = vector.extract %slice3A_197[0] : i32 from vector<1xi32>
      %broadcast_in_dim3A_199 = vector.broadcast %squeeze3A_198 : i32 to vector<16xi32>
      %scatter3A_200 = arith.constant 1 : i32
      %scatter3A_201 = arith.constant 0 : i32
      %scatter3A_202 = arith.constant 0 : i32
      %scatter3A_203 = tpu.memref_slice %arg6[%scatter3A_200, %scatter3A_201, %scatter3A_202] : memref<2x16x2048xf32, #tpu.memory_space<vmem>> -> memref<1x16x2048xf32, #tpu.memory_space<vmem>>
      %scatter3A_204 = tpu.memref_squeeze %scatter3A_203 : memref<1x16x2048xf32, #tpu.memory_space<vmem>> -> memref<16x2048xf32, #tpu.memory_space<vmem>>
      tpu.vector_store_idx %scatter3A_204[%broadcast_in_dim3A_155, %broadcast_in_dim3A_199], %broadcast_in_dim3A_8 masked %eq3A_5 : memref<16x2048xf32, #tpu.memory_space<vmem>>[vector<16xi32>, vector<16xi32>], vector<16xf32>, vector<16xi1>
      %slice3A_205 = vector.extract_strided_slice %get3A_159 {offsets = [6], sizes = [1], strides = [1]} : vector<16xi32> to vector<1xi32>
      %squeeze3A_206 = vector.extract %slice3A_205[0] : i32 from vector<1xi32>
      %broadcast_in_dim3A_207 = vector.broadcast %squeeze3A_206 : i32 to vector<16xi32>
      %scatter3A_208 = arith.constant 1 : i32
      %scatter3A_209 = arith.constant 0 : i32
      %scatter3A_210 = arith.constant 0 : i32
      %scatter3A_211 = tpu.memref_slice %arg6[%scatter3A_208, %scatter3A_209, %scatter3A_210] : memref<2x16x2048xf32, #tpu.memory_space<vmem>> -> memref<1x16x2048xf32, #tpu.memory_space<vmem>>
      %scatter3A_212 = tpu.memref_squeeze %scatter3A_211 : memref<1x16x2048xf32, #tpu.memory_space<vmem>> -> memref<16x2048xf32, #tpu.memory_space<vmem>>
      tpu.vector_store_idx %scatter3A_212[%broadcast_in_dim3A_155, %broadcast_in_dim3A_207], %broadcast_in_dim3A_8 masked %eq3A_5 : memref<16x2048xf32, #tpu.memory_space<vmem>>[vector<16xi32>, vector<16xi32>], vector<16xf32>, vector<16xi1>
      %slice3A_213 = vector.extract_strided_slice %get3A_159 {offsets = [7], sizes = [1], strides = [1]} : vector<16xi32> to vector<1xi32>
      %squeeze3A_214 = vector.extract %slice3A_213[0] : i32 from vector<1xi32>
      %broadcast_in_dim3A_215 = vector.broadcast %squeeze3A_214 : i32 to vector<16xi32>
      %scatter3A_216 = arith.constant 1 : i32
      %scatter3A_217 = arith.constant 0 : i32
      %scatter3A_218 = arith.constant 0 : i32
      %scatter3A_219 = tpu.memref_slice %arg6[%scatter3A_216, %scatter3A_217, %scatter3A_218] : memref<2x16x2048xf32, #tpu.memory_space<vmem>> -> memref<1x16x2048xf32, #tpu.memory_space<vmem>>
      %scatter3A_220 = tpu.memref_squeeze %scatter3A_219 : memref<1x16x2048xf32, #tpu.memory_space<vmem>> -> memref<16x2048xf32, #tpu.memory_space<vmem>>
      tpu.vector_store_idx %scatter3A_220[%broadcast_in_dim3A_155, %broadcast_in_dim3A_215], %broadcast_in_dim3A_8 masked %eq3A_5 : memref<16x2048xf32, #tpu.memory_space<vmem>>[vector<16xi32>, vector<16xi32>], vector<16xf32>, vector<16xi1>
      %slice3A_221 = vector.extract_strided_slice %get3A_159 {offsets = [8], sizes = [1], strides = [1]} : vector<16xi32> to vector<1xi32>
      %squeeze3A_222 = vector.extract %slice3A_221[0] : i32 from vector<1xi32>
      %broadcast_in_dim3A_223 = vector.broadcast %squeeze3A_222 : i32 to vector<16xi32>
      %scatter3A_224 = arith.constant 1 : i32
      %scatter3A_225 = arith.constant 0 : i32
      %scatter3A_226 = arith.constant 0 : i32
      %scatter3A_227 = tpu.memref_slice %arg6[%scatter3A_224, %scatter3A_225, %scatter3A_226] : memref<2x16x2048xf32, #tpu.memory_space<vmem>> -> memref<1x16x2048xf32, #tpu.memory_space<vmem>>
      %scatter3A_228 = tpu.memref_squeeze %scatter3A_227 : memref<1x16x2048xf32, #tpu.memory_space<vmem>> -> memref<16x2048xf32, #tpu.memory_space<vmem>>
      tpu.vector_store_idx %scatter3A_228[%broadcast_in_dim3A_155, %broadcast_in_dim3A_223], %broadcast_in_dim3A_8 masked %eq3A_5 : memref<16x2048xf32, #tpu.memory_space<vmem>>[vector<16xi32>, vector<16xi32>], vector<16xf32>, vector<16xi1>
      %slice3A_229 = vector.extract_strided_slice %get3A_159 {offsets = [9], sizes = [1], strides = [1]} : vector<16xi32> to vector<1xi32>
      %squeeze3A_230 = vector.extract %slice3A_229[0] : i32 from vector<1xi32>
      %broadcast_in_dim3A_231 = vector.broadcast %squeeze3A_230 : i32 to vector<16xi32>
      %scatter3A_232 = arith.constant 1 : i32
      %scatter3A_233 = arith.constant 0 : i32
      %scatter3A_234 = arith.constant 0 : i32
      %scatter3A_235 = tpu.memref_slice %arg6[%scatter3A_232, %scatter3A_233, %scatter3A_234] : memref<2x16x2048xf32, #tpu.memory_space<vmem>> -> memref<1x16x2048xf32, #tpu.memory_space<vmem>>
      %scatter3A_236 = tpu.memref_squeeze %scatter3A_235 : memref<1x16x2048xf32, #tpu.memory_space<vmem>> -> memref<16x2048xf32, #tpu.memory_space<vmem>>
      tpu.vector_store_idx %scatter3A_236[%broadcast_in_dim3A_155, %broadcast_in_dim3A_231], %broadcast_in_dim3A_8 masked %eq3A_5 : memref<16x2048xf32, #tpu.memory_space<vmem>>[vector<16xi32>, vector<16xi32>], vector<16xf32>, vector<16xi1>
      %slice3A_237 = vector.extract_strided_slice %get3A_159 {offsets = [10], sizes = [1], strides = [1]} : vector<16xi32> to vector<1xi32>
      %squeeze3A_238 = vector.extract %slice3A_237[0] : i32 from vector<1xi32>
      %broadcast_in_dim3A_239 = vector.broadcast %squeeze3A_238 : i32 to vector<16xi32>
      %scatter3A_240 = arith.constant 1 : i32
      %scatter3A_241 = arith.constant 0 : i32
      %scatter3A_242 = arith.constant 0 : i32
      %scatter3A_243 = tpu.memref_slice %arg6[%scatter3A_240, %scatter3A_241, %scatter3A_242] : memref<2x16x2048xf32, #tpu.memory_space<vmem>> -> memref<1x16x2048xf32, #tpu.memory_space<vmem>>
      %scatter3A_244 = tpu.memref_squeeze %scatter3A_243 : memref<1x16x2048xf32, #tpu.memory_space<vmem>> -> memref<16x2048xf32, #tpu.memory_space<vmem>>
      tpu.vector_store_idx %scatter3A_244[%broadcast_in_dim3A_155, %broadcast_in_dim3A_239], %broadcast_in_dim3A_8 masked %eq3A_5 : memref<16x2048xf32, #tpu.memory_space<vmem>>[vector<16xi32>, vector<16xi32>], vector<16xf32>, vector<16xi1>
      %slice3A_245 = vector.extract_strided_slice %get3A_159 {offsets = [11], sizes = [1], strides = [1]} : vector<16xi32> to vector<1xi32>
      %squeeze3A_246 = vector.extract %slice3A_245[0] : i32 from vector<1xi32>
      %broadcast_in_dim3A_247 = vector.broadcast %squeeze3A_246 : i32 to vector<16xi32>
      %scatter3A_248 = arith.constant 1 : i32
      %scatter3A_249 = arith.constant 0 : i32
      %scatter3A_250 = arith.constant 0 : i32
      %scatter3A_251 = tpu.memref_slice %arg6[%scatter3A_248, %scatter3A_249, %scatter3A_250] : memref<2x16x2048xf32, #tpu.memory_space<vmem>> -> memref<1x16x2048xf32, #tpu.memory_space<vmem>>
      %scatter3A_252 = tpu.memref_squeeze %scatter3A_251 : memref<1x16x2048xf32, #tpu.memory_space<vmem>> -> memref<16x2048xf32, #tpu.memory_space<vmem>>
      tpu.vector_store_idx %scatter3A_252[%broadcast_in_dim3A_155, %broadcast_in_dim3A_247], %broadcast_in_dim3A_8 masked %eq3A_5 : memref<16x2048xf32, #tpu.memory_space<vmem>>[vector<16xi32>, vector<16xi32>], vector<16xf32>, vector<16xi1>
      %slice3A_253 = vector.extract_strided_slice %get3A_159 {offsets = [12], sizes = [1], strides = [1]} : vector<16xi32> to vector<1xi32>
      %squeeze3A_254 = vector.extract %slice3A_253[0] : i32 from vector<1xi32>
      %broadcast_in_dim3A_255 = vector.broadcast %squeeze3A_254 : i32 to vector<16xi32>
      %scatter3A_256 = arith.constant 1 : i32
      %scatter3A_257 = arith.constant 0 : i32
      %scatter3A_258 = arith.constant 0 : i32
      %scatter3A_259 = tpu.memref_slice %arg6[%scatter3A_256, %scatter3A_257, %scatter3A_258] : memref<2x16x2048xf32, #tpu.memory_space<vmem>> -> memref<1x16x2048xf32, #tpu.memory_space<vmem>>
      %scatter3A_260 = tpu.memref_squeeze %scatter3A_259 : memref<1x16x2048xf32, #tpu.memory_space<vmem>> -> memref<16x2048xf32, #tpu.memory_space<vmem>>
      tpu.vector_store_idx %scatter3A_260[%broadcast_in_dim3A_155, %broadcast_in_dim3A_255], %broadcast_in_dim3A_8 masked %eq3A_5 : memref<16x2048xf32, #tpu.memory_space<vmem>>[vector<16xi32>, vector<16xi32>], vector<16xf32>, vector<16xi1>
      %slice3A_261 = vector.extract_strided_slice %get3A_159 {offsets = [13], sizes = [1], strides = [1]} : vector<16xi32> to vector<1xi32>
      %squeeze3A_262 = vector.extract %slice3A_261[0] : i32 from vector<1xi32>
      %broadcast_in_dim3A_263 = vector.broadcast %squeeze3A_262 : i32 to vector<16xi32>
      %scatter3A_264 = arith.constant 1 : i32
      %scatter3A_265 = arith.constant 0 : i32
      %scatter3A_266 = arith.constant 0 : i32
      %scatter3A_267 = tpu.memref_slice %arg6[%scatter3A_264, %scatter3A_265, %scatter3A_266] : memref<2x16x2048xf32, #tpu.memory_space<vmem>> -> memref<1x16x2048xf32, #tpu.memory_space<vmem>>
      %scatter3A_268 = tpu.memref_squeeze %scatter3A_267 : memref<1x16x2048xf32, #tpu.memory_space<vmem>> -> memref<16x2048xf32, #tpu.memory_space<vmem>>
      tpu.vector_store_idx %scatter3A_268[%broadcast_in_dim3A_155, %broadcast_in_dim3A_263], %broadcast_in_dim3A_8 masked %eq3A_5 : memref<16x2048xf32, #tpu.memory_space<vmem>>[vector<16xi32>, vector<16xi32>], vector<16xf32>, vector<16xi1>
      %slice3A_269 = vector.extract_strided_slice %get3A_159 {offsets = [14], sizes = [1], strides = [1]} : vector<16xi32> to vector<1xi32>
      %squeeze3A_270 = vector.extract %slice3A_269[0] : i32 from vector<1xi32>
      %broadcast_in_dim3A_271 = vector.broadcast %squeeze3A_270 : i32 to vector<16xi32>
      %scatter3A_272 = arith.constant 1 : i32
      %scatter3A_273 = arith.constant 0 : i32
      %scatter3A_274 = arith.constant 0 : i32
      %scatter3A_275 = tpu.memref_slice %arg6[%scatter3A_272, %scatter3A_273, %scatter3A_274] : memref<2x16x2048xf32, #tpu.memory_space<vmem>> -> memref<1x16x2048xf32, #tpu.memory_space<vmem>>
      %scatter3A_276 = tpu.memref_squeeze %scatter3A_275 : memref<1x16x2048xf32, #tpu.memory_space<vmem>> -> memref<16x2048xf32, #tpu.memory_space<vmem>>
      tpu.vector_store_idx %scatter3A_276[%broadcast_in_dim3A_155, %broadcast_in_dim3A_271], %broadcast_in_dim3A_8 masked %eq3A_5 : memref<16x2048xf32, #tpu.memory_space<vmem>>[vector<16xi32>, vector<16xi32>], vector<16xf32>, vector<16xi1>
      %slice3A_277 = vector.extract_strided_slice %get3A_159 {offsets = [15], sizes = [1], strides = [1]} : vector<16xi32> to vector<1xi32>
      %squeeze3A_278 = vector.extract %slice3A_277[0] : i32 from vector<1xi32>
      %broadcast_in_dim3A_279 = vector.broadcast %squeeze3A_278 : i32 to vector<16xi32>
      %scatter3A_280 = arith.constant 1 : i32
      %scatter3A_281 = arith.constant 0 : i32
      %scatter3A_282 = arith.constant 0 : i32
      %scatter3A_283 = tpu.memref_slice %arg6[%scatter3A_280, %scatter3A_281, %scatter3A_282] : memref<2x16x2048xf32, #tpu.memory_space<vmem>> -> memref<1x16x2048xf32, #tpu.memory_space<vmem>>
      %scatter3A_284 = tpu.memref_squeeze %scatter3A_283 : memref<1x16x2048xf32, #tpu.memory_space<vmem>> -> memref<16x2048xf32, #tpu.memory_space<vmem>>
      tpu.vector_store_idx %scatter3A_284[%broadcast_in_dim3A_155, %broadcast_in_dim3A_279], %broadcast_in_dim3A_8 masked %eq3A_5 : memref<16x2048xf32, #tpu.memory_space<vmem>>[vector<16xi32>, vector<16xi32>], vector<16xf32>, vector<16xi1>
      %add3A_285 = arith.constant 16 : i32
      %add3A_286 = arith.addi %add3A_285, %scan3A_154 : i32
      %get3A_287 = arith.index_cast %add3A_286 : i32 to index
      %get3A_288 = arith.constant 16 : index
      %get3A_289 = tpu.vector_load %arg5[%get3A_287, %get3A_288] {strides = array<i32>} : memref<64x48xi32, #tpu.memory_space<vmem>>, vector<16xi32>,
      %slice3A_290 = vector.extract_strided_slice %get3A_289 {offsets = [0], sizes = [1], strides = [1]} : vector<16xi32> to vector<1xi32>
      %squeeze3A_291 = vector.extract %slice3A_290[0] : i32 from vector<1xi32>
      %broadcast_in_dim3A_292 = vector.broadcast %squeeze3A_291 : i32 to vector<16xi32>
      %scatter3A_293 = arith.constant 1 : i32
      %scatter3A_294 = arith.constant 0 : i32
      %scatter3A_295 = arith.constant 0 : i32
      %scatter3A_296 = tpu.memref_slice %arg6[%scatter3A_293, %scatter3A_294, %scatter3A_295] : memref<2x16x2048xf32, #tpu.memory_space<vmem>> -> memref<1x16x2048xf32, #tpu.memory_space<vmem>>
      %scatter3A_297 = tpu.memref_squeeze %scatter3A_296 : memref<1x16x2048xf32, #tpu.memory_space<vmem>> -> memref<16x2048xf32, #tpu.memory_space<vmem>>
      tpu.vector_store_idx %scatter3A_297[%broadcast_in_dim3A_155, %broadcast_in_dim3A_292], %broadcast_in_dim3A_8 masked %eq3A_5 : memref<16x2048xf32, #tpu.memory_space<vmem>>[vector<16xi32>, vector<16xi32>], vector<16xf32>, vector<16xi1>
      %slice3A_298 = vector.extract_strided_slice %get3A_289 {offsets = [1], sizes = [1], strides = [1]} : vector<16xi32> to vector<1xi32>
      %squeeze3A_299 = vector.extract %slice3A_298[0] : i32 from vector<1xi32>
      %broadcast_in_dim3A_300 = vector.broadcast %squeeze3A_299 : i32 to vector<16xi32>
      %scatter3A_301 = arith.constant 1 : i32
      %scatter3A_302 = arith.constant 0 : i32
      %scatter3A_303 = arith.constant 0 : i32
      %scatter3A_304 = tpu.memref_slice %arg6[%scatter3A_301, %scatter3A_302, %scatter3A_303] : memref<2x16x2048xf32, #tpu.memory_space<vmem>> -> memref<1x16x2048xf32, #tpu.memory_space<vmem>>
      %scatter3A_305 = tpu.memref_squeeze %scatter3A_304 : memref<1x16x2048xf32, #tpu.memory_space<vmem>> -> memref<16x2048xf32, #tpu.memory_space<vmem>>
      tpu.vector_store_idx %scatter3A_305[%broadcast_in_dim3A_155, %broadcast_in_dim3A_300], %broadcast_in_dim3A_8 masked %eq3A_5 : memref<16x2048xf32, #tpu.memory_space<vmem>>[vector<16xi32>, vector<16xi32>], vector<16xf32>, vector<16xi1>
      %slice3A_306 = vector.extract_strided_slice %get3A_289 {offsets = [2], sizes = [1], strides = [1]} : vector<16xi32> to vector<1xi32>
      %squeeze3A_307 = vector.extract %slice3A_306[0] : i32 from vector<1xi32>
      %broadcast_in_dim3A_308 = vector.broadcast %squeeze3A_307 : i32 to vector<16xi32>
      %scatter3A_309 = arith.constant 1 : i32
      %scatter3A_310 = arith.constant 0 : i32
      %scatter3A_311 = arith.constant 0 : i32
      %scatter3A_312 = tpu.memref_slice %arg6[%scatter3A_309, %scatter3A_310, %scatter3A_311] : memref<2x16x2048xf32, #tpu.memory_space<vmem>> -> memref<1x16x2048xf32, #tpu.memory_space<vmem>>
      %scatter3A_313 = tpu.memref_squeeze %scatter3A_312 : memref<1x16x2048xf32, #tpu.memory_space<vmem>> -> memref<16x2048xf32, #tpu.memory_space<vmem>>
      tpu.vector_store_idx %scatter3A_313[%broadcast_in_dim3A_155, %broadcast_in_dim3A_308], %broadcast_in_dim3A_8 masked %eq3A_5 : memref<16x2048xf32, #tpu.memory_space<vmem>>[vector<16xi32>, vector<16xi32>], vector<16xf32>, vector<16xi1>
      %slice3A_314 = vector.extract_strided_slice %get3A_289 {offsets = [3], sizes = [1], strides = [1]} : vector<16xi32> to vector<1xi32>
      %squeeze3A_315 = vector.extract %slice3A_314[0] : i32 from vector<1xi32>
      %broadcast_in_dim3A_316 = vector.broadcast %squeeze3A_315 : i32 to vector<16xi32>
      %scatter3A_317 = arith.constant 1 : i32
      %scatter3A_318 = arith.constant 0 : i32
      %scatter3A_319 = arith.constant 0 : i32
      %scatter3A_320 = tpu.memref_slice %arg6[%scatter3A_317, %scatter3A_318, %scatter3A_319] : memref<2x16x2048xf32, #tpu.memory_space<vmem>> -> memref<1x16x2048xf32, #tpu.memory_space<vmem>>
      %scatter3A_321 = tpu.memref_squeeze %scatter3A_320 : memref<1x16x2048xf32, #tpu.memory_space<vmem>> -> memref<16x2048xf32, #tpu.memory_space<vmem>>
      tpu.vector_store_idx %scatter3A_321[%broadcast_in_dim3A_155, %broadcast_in_dim3A_316], %broadcast_in_dim3A_8 masked %eq3A_5 : memref<16x2048xf32, #tpu.memory_space<vmem>>[vector<16xi32>, vector<16xi32>], vector<16xf32>, vector<16xi1>
      %slice3A_322 = vector.extract_strided_slice %get3A_289 {offsets = [4], sizes = [1], strides = [1]} : vector<16xi32> to vector<1xi32>
      %squeeze3A_323 = vector.extract %slice3A_322[0] : i32 from vector<1xi32>
      %broadcast_in_dim3A_324 = vector.broadcast %squeeze3A_323 : i32 to vector<16xi32>
      %scatter3A_325 = arith.constant 1 : i32
      %scatter3A_326 = arith.constant 0 : i32
      %scatter3A_327 = arith.constant 0 : i32
      %scatter3A_328 = tpu.memref_slice %arg6[%scatter3A_325, %scatter3A_326, %scatter3A_327] : memref<2x16x2048xf32, #tpu.memory_space<vmem>> -> memref<1x16x2048xf32, #tpu.memory_space<vmem>>
      %scatter3A_329 = tpu.memref_squeeze %scatter3A_328 : memref<1x16x2048xf32, #tpu.memory_space<vmem>> -> memref<16x2048xf32, #tpu.memory_space<vmem>>
      tpu.vector_store_idx %scatter3A_329[%broadcast_in_dim3A_155, %broadcast_in_dim3A_324], %broadcast_in_dim3A_8 masked %eq3A_5 : memref<16x2048xf32, #tpu.memory_space<vmem>>[vector<16xi32>, vector<16xi32>], vector<16xf32>, vector<16xi1>
      %slice3A_330 = vector.extract_strided_slice %get3A_289 {offsets = [5], sizes = [1], strides = [1]} : vector<16xi32> to vector<1xi32>
      %squeeze3A_331 = vector.extract %slice3A_330[0] : i32 from vector<1xi32>
      %broadcast_in_dim3A_332 = vector.broadcast %squeeze3A_331 : i32 to vector<16xi32>
      %scatter3A_333 = arith.constant 1 : i32
      %scatter3A_334 = arith.constant 0 : i32
      %scatter3A_335 = arith.constant 0 : i32
      %scatter3A_336 = tpu.memref_slice %arg6[%scatter3A_333, %scatter3A_334, %scatter3A_335] : memref<2x16x2048xf32, #tpu.memory_space<vmem>> -> memref<1x16x2048xf32, #tpu.memory_space<vmem>>
      %scatter3A_337 = tpu.memref_squeeze %scatter3A_336 : memref<1x16x2048xf32, #tpu.memory_space<vmem>> -> memref<16x2048xf32, #tpu.memory_space<vmem>>
      tpu.vector_store_idx %scatter3A_337[%broadcast_in_dim3A_155, %broadcast_in_dim3A_332], %broadcast_in_dim3A_8 masked %eq3A_5 : memref<16x2048xf32, #tpu.memory_space<vmem>>[vector<16xi32>, vector<16xi32>], vector<16xf32>, vector<16xi1>
      %slice3A_338 = vector.extract_strided_slice %get3A_289 {offsets = [6], sizes = [1], strides = [1]} : vector<16xi32> to vector<1xi32>
      %squeeze3A_339 = vector.extract %slice3A_338[0] : i32 from vector<1xi32>
      %broadcast_in_dim3A_340 = vector.broadcast %squeeze3A_339 : i32 to vector<16xi32>
      %scatter3A_341 = arith.constant 1 : i32
      %scatter3A_342 = arith.constant 0 : i32
      %scatter3A_343 = arith.constant 0 : i32
      %scatter3A_344 = tpu.memref_slice %arg6[%scatter3A_341, %scatter3A_342, %scatter3A_343] : memref<2x16x2048xf32, #tpu.memory_space<vmem>> -> memref<1x16x2048xf32, #tpu.memory_space<vmem>>
      %scatter3A_345 = tpu.memref_squeeze %scatter3A_344 : memref<1x16x2048xf32, #tpu.memory_space<vmem>> -> memref<16x2048xf32, #tpu.memory_space<vmem>>
      tpu.vector_store_idx %scatter3A_345[%broadcast_in_dim3A_155, %broadcast_in_dim3A_340], %broadcast_in_dim3A_8 masked %eq3A_5 : memref<16x2048xf32, #tpu.memory_space<vmem>>[vector<16xi32>, vector<16xi32>], vector<16xf32>, vector<16xi1>
      %slice3A_346 = vector.extract_strided_slice %get3A_289 {offsets = [7], sizes = [1], strides = [1]} : vector<16xi32> to vector<1xi32>
      %squeeze3A_347 = vector.extract %slice3A_346[0] : i32 from vector<1xi32>
      %broadcast_in_dim3A_348 = vector.broadcast %squeeze3A_347 : i32 to vector<16xi32>
      %scatter3A_349 = arith.constant 1 : i32
      %scatter3A_350 = arith.constant 0 : i32
      %scatter3A_351 = arith.constant 0 : i32
      %scatter3A_352 = tpu.memref_slice %arg6[%scatter3A_349, %scatter3A_350, %scatter3A_351] : memref<2x16x2048xf32, #tpu.memory_space<vmem>> -> memref<1x16x2048xf32, #tpu.memory_space<vmem>>
      %scatter3A_353 = tpu.memref_squeeze %scatter3A_352 : memref<1x16x2048xf32, #tpu.memory_space<vmem>> -> memref<16x2048xf32, #tpu.memory_space<vmem>>
      tpu.vector_store_idx %scatter3A_353[%broadcast_in_dim3A_155, %broadcast_in_dim3A_348], %broadcast_in_dim3A_8 masked %eq3A_5 : memref<16x2048xf32, #tpu.memory_space<vmem>>[vector<16xi32>, vector<16xi32>], vector<16xf32>, vector<16xi1>
      %slice3A_354 = vector.extract_strided_slice %get3A_289 {offsets = [8], sizes = [1], strides = [1]} : vector<16xi32> to vector<1xi32>
      %squeeze3A_355 = vector.extract %slice3A_354[0] : i32 from vector<1xi32>
      %broadcast_in_dim3A_356 = vector.broadcast %squeeze3A_355 : i32 to vector<16xi32>
      %scatter3A_357 = arith.constant 1 : i32
      %scatter3A_358 = arith.constant 0 : i32
      %scatter3A_359 = arith.constant 0 : i32
      %scatter3A_360 = tpu.memref_slice %arg6[%scatter3A_357, %scatter3A_358, %scatter3A_359] : memref<2x16x2048xf32, #tpu.memory_space<vmem>> -> memref<1x16x2048xf32, #tpu.memory_space<vmem>>
      %scatter3A_361 = tpu.memref_squeeze %scatter3A_360 : memref<1x16x2048xf32, #tpu.memory_space<vmem>> -> memref<16x2048xf32, #tpu.memory_space<vmem>>
      tpu.vector_store_idx %scatter3A_361[%broadcast_in_dim3A_155, %broadcast_in_dim3A_356], %broadcast_in_dim3A_8 masked %eq3A_5 : memref<16x2048xf32, #tpu.memory_space<vmem>>[vector<16xi32>, vector<16xi32>], vector<16xf32>, vector<16xi1>
      %slice3A_362 = vector.extract_strided_slice %get3A_289 {offsets = [9], sizes = [1], strides = [1]} : vector<16xi32> to vector<1xi32>
      %squeeze3A_363 = vector.extract %slice3A_362[0] : i32 from vector<1xi32>
      %broadcast_in_dim3A_364 = vector.broadcast %squeeze3A_363 : i32 to vector<16xi32>
      %scatter3A_365 = arith.constant 1 : i32
      %scatter3A_366 = arith.constant 0 : i32
      %scatter3A_367 = arith.constant 0 : i32
      %scatter3A_368 = tpu.memref_slice %arg6[%scatter3A_365, %scatter3A_366, %scatter3A_367] : memref<2x16x2048xf32, #tpu.memory_space<vmem>> -> memref<1x16x2048xf32, #tpu.memory_space<vmem>>
      %scatter3A_369 = tpu.memref_squeeze %scatter3A_368 : memref<1x16x2048xf32, #tpu.memory_space<vmem>> -> memref<16x2048xf32, #tpu.memory_space<vmem>>
      tpu.vector_store_idx %scatter3A_369[%broadcast_in_dim3A_155, %broadcast_in_dim3A_364], %broadcast_in_dim3A_8 masked %eq3A_5 : memref<16x2048xf32, #tpu.memory_space<vmem>>[vector<16xi32>, vector<16xi32>], vector<16xf32>, vector<16xi1>
      %slice3A_370 = vector.extract_strided_slice %get3A_289 {offsets = [10], sizes = [1], strides = [1]} : vector<16xi32> to vector<1xi32>
      %squeeze3A_371 = vector.extract %slice3A_370[0] : i32 from vector<1xi32>
      %broadcast_in_dim3A_372 = vector.broadcast %squeeze3A_371 : i32 to vector<16xi32>
      %scatter3A_373 = arith.constant 1 : i32
      %scatter3A_374 = arith.constant 0 : i32
      %scatter3A_375 = arith.constant 0 : i32
      %scatter3A_376 = tpu.memref_slice %arg6[%scatter3A_373, %scatter3A_374, %scatter3A_375] : memref<2x16x2048xf32, #tpu.memory_space<vmem>> -> memref<1x16x2048xf32, #tpu.memory_space<vmem>>
      %scatter3A_377 = tpu.memref_squeeze %scatter3A_376 : memref<1x16x2048xf32, #tpu.memory_space<vmem>> -> memref<16x2048xf32, #tpu.memory_space<vmem>>
      tpu.vector_store_idx %scatter3A_377[%broadcast_in_dim3A_155, %broadcast_in_dim3A_372], %broadcast_in_dim3A_8 masked %eq3A_5 : memref<16x2048xf32, #tpu.memory_space<vmem>>[vector<16xi32>, vector<16xi32>], vector<16xf32>, vector<16xi1>
      %slice3A_378 = vector.extract_strided_slice %get3A_289 {offsets = [11], sizes = [1], strides = [1]} : vector<16xi32> to vector<1xi32>
      %squeeze3A_379 = vector.extract %slice3A_378[0] : i32 from vector<1xi32>
      %broadcast_in_dim3A_380 = vector.broadcast %squeeze3A_379 : i32 to vector<16xi32>
      %scatter3A_381 = arith.constant 1 : i32
      %scatter3A_382 = arith.constant 0 : i32
      %scatter3A_383 = arith.constant 0 : i32
      %scatter3A_384 = tpu.memref_slice %arg6[%scatter3A_381, %scatter3A_382, %scatter3A_383] : memref<2x16x2048xf32, #tpu.memory_space<vmem>> -> memref<1x16x2048xf32, #tpu.memory_space<vmem>>
      %scatter3A_385 = tpu.memref_squeeze %scatter3A_384 : memref<1x16x2048xf32, #tpu.memory_space<vmem>> -> memref<16x2048xf32, #tpu.memory_space<vmem>>
      tpu.vector_store_idx %scatter3A_385[%broadcast_in_dim3A_155, %broadcast_in_dim3A_380], %broadcast_in_dim3A_8 masked %eq3A_5 : memref<16x2048xf32, #tpu.memory_space<vmem>>[vector<16xi32>, vector<16xi32>], vector<16xf32>, vector<16xi1>
      %slice3A_386 = vector.extract_strided_slice %get3A_289 {offsets = [12], sizes = [1], strides = [1]} : vector<16xi32> to vector<1xi32>
      %squeeze3A_387 = vector.extract %slice3A_386[0] : i32 from vector<1xi32>
      %broadcast_in_dim3A_388 = vector.broadcast %squeeze3A_387 : i32 to vector<16xi32>
      %scatter3A_389 = arith.constant 1 : i32
      %scatter3A_390 = arith.constant 0 : i32
      %scatter3A_391 = arith.constant 0 : i32
      %scatter3A_392 = tpu.memref_slice %arg6[%scatter3A_389, %scatter3A_390, %scatter3A_391] : memref<2x16x2048xf32, #tpu.memory_space<vmem>> -> memref<1x16x2048xf32, #tpu.memory_space<vmem>>
      %scatter3A_393 = tpu.memref_squeeze %scatter3A_392 : memref<1x16x2048xf32, #tpu.memory_space<vmem>> -> memref<16x2048xf32, #tpu.memory_space<vmem>>
      tpu.vector_store_idx %scatter3A_393[%broadcast_in_dim3A_155, %broadcast_in_dim3A_388], %broadcast_in_dim3A_8 masked %eq3A_5 : memref<16x2048xf32, #tpu.memory_space<vmem>>[vector<16xi32>, vector<16xi32>], vector<16xf32>, vector<16xi1>
      %slice3A_394 = vector.extract_strided_slice %get3A_289 {offsets = [13], sizes = [1], strides = [1]} : vector<16xi32> to vector<1xi32>
      %squeeze3A_395 = vector.extract %slice3A_394[0] : i32 from vector<1xi32>
      %broadcast_in_dim3A_396 = vector.broadcast %squeeze3A_395 : i32 to vector<16xi32>
      %scatter3A_397 = arith.constant 1 : i32
      %scatter3A_398 = arith.constant 0 : i32
      %scatter3A_399 = arith.constant 0 : i32
      %scatter3A_400 = tpu.memref_slice %arg6[%scatter3A_397, %scatter3A_398, %scatter3A_399] : memref<2x16x2048xf32, #tpu.memory_space<vmem>> -> memref<1x16x2048xf32, #tpu.memory_space<vmem>>
      %scatter3A_401 = tpu.memref_squeeze %scatter3A_400 : memref<1x16x2048xf32, #tpu.memory_space<vmem>> -> memref<16x2048xf32, #tpu.memory_space<vmem>>
      tpu.vector_store_idx %scatter3A_401[%broadcast_in_dim3A_155, %broadcast_in_dim3A_396], %broadcast_in_dim3A_8 masked %eq3A_5 : memref<16x2048xf32, #tpu.memory_space<vmem>>[vector<16xi32>, vector<16xi32>], vector<16xf32>, vector<16xi1>
      %slice3A_402 = vector.extract_strided_slice %get3A_289 {offsets = [14], sizes = [1], strides = [1]} : vector<16xi32> to vector<1xi32>
      %squeeze3A_403 = vector.extract %slice3A_402[0] : i32 from vector<1xi32>
      %broadcast_in_dim3A_404 = vector.broadcast %squeeze3A_403 : i32 to vector<16xi32>
      %scatter3A_405 = arith.constant 1 : i32
      %scatter3A_406 = arith.constant 0 : i32
      %scatter3A_407 = arith.constant 0 : i32
      %scatter3A_408 = tpu.memref_slice %arg6[%scatter3A_405, %scatter3A_406, %scatter3A_407] : memref<2x16x2048xf32, #tpu.memory_space<vmem>> -> memref<1x16x2048xf32, #tpu.memory_space<vmem>>
      %scatter3A_409 = tpu.memref_squeeze %scatter3A_408 : memref<1x16x2048xf32, #tpu.memory_space<vmem>> -> memref<16x2048xf32, #tpu.memory_space<vmem>>
      tpu.vector_store_idx %scatter3A_409[%broadcast_in_dim3A_155, %broadcast_in_dim3A_404], %broadcast_in_dim3A_8 masked %eq3A_5 : memref<16x2048xf32, #tpu.memory_space<vmem>>[vector<16xi32>, vector<16xi32>], vector<16xf32>, vector<16xi1>
      %slice3A_410 = vector.extract_strided_slice %get3A_289 {offsets = [15], sizes = [1], strides = [1]} : vector<16xi32> to vector<1xi32>
      %squeeze3A_411 = vector.extract %slice3A_410[0] : i32 from vector<1xi32>
      %broadcast_in_dim3A_412 = vector.broadcast %squeeze3A_411 : i32 to vector<16xi32>
      %scatter3A_413 = arith.constant 1 : i32
      %scatter3A_414 = arith.constant 0 : i32
      %scatter3A_415 = arith.constant 0 : i32
      %scatter3A_416 = tpu.memref_slice %arg6[%scatter3A_413, %scatter3A_414, %scatter3A_415] : memref<2x16x2048xf32, #tpu.memory_space<vmem>> -> memref<1x16x2048xf32, #tpu.memory_space<vmem>>
      %scatter3A_417 = tpu.memref_squeeze %scatter3A_416 : memref<1x16x2048xf32, #tpu.memory_space<vmem>> -> memref<16x2048xf32, #tpu.memory_space<vmem>>
      tpu.vector_store_idx %scatter3A_417[%broadcast_in_dim3A_155, %broadcast_in_dim3A_412], %broadcast_in_dim3A_8 masked %eq3A_5 : memref<16x2048xf32, #tpu.memory_space<vmem>>[vector<16xi32>, vector<16xi32>], vector<16xf32>, vector<16xi1>
      %add3A_418 = arith.constant 16 : i32
      %add3A_419 = arith.addi %add3A_418, %scan3A_154 : i32
      %get3A_420 = arith.index_cast %add3A_419 : i32 to index
      %get3A_421 = arith.constant 32 : index
      %get3A_422 = tpu.vector_load %arg5[%get3A_420, %get3A_421] {strides = array<i32>} : memref<64x48xi32, #tpu.memory_space<vmem>>, vector<16xi32>,
      %slice3A_423 = vector.extract_strided_slice %get3A_422 {offsets = [0], sizes = [1], strides = [1]} : vector<16xi32> to vector<1xi32>
      %squeeze3A_424 = vector.extract %slice3A_423[0] : i32 from vector<1xi32>
      %broadcast_in_dim3A_425 = vector.broadcast %squeeze3A_424 : i32 to vector<16xi32>
      %scatter3A_426 = arith.constant 1 : i32
      %scatter3A_427 = arith.constant 0 : i32
      %scatter3A_428 = arith.constant 0 : i32
      %scatter3A_429 = tpu.memref_slice %arg6[%scatter3A_426, %scatter3A_427, %scatter3A_428] : memref<2x16x2048xf32, #tpu.memory_space<vmem>> -> memref<1x16x2048xf32, #tpu.memory_space<vmem>>
      %scatter3A_430 = tpu.memref_squeeze %scatter3A_429 : memref<1x16x2048xf32, #tpu.memory_space<vmem>> -> memref<16x2048xf32, #tpu.memory_space<vmem>>
      tpu.vector_store_idx %scatter3A_430[%broadcast_in_dim3A_155, %broadcast_in_dim3A_425], %broadcast_in_dim3A_8 masked %eq3A_5 : memref<16x2048xf32, #tpu.memory_space<vmem>>[vector<16xi32>, vector<16xi32>], vector<16xf32>, vector<16xi1>
      %slice3A_431 = vector.extract_strided_slice %get3A_422 {offsets = [1], sizes = [1], strides = [1]} : vector<16xi32> to vector<1xi32>
      %squeeze3A_432 = vector.extract %slice3A_431[0] : i32 from vector<1xi32>
      %broadcast_in_dim3A_433 = vector.broadcast %squeeze3A_432 : i32 to vector<16xi32>
      %scatter3A_434 = arith.constant 1 : i32
      %scatter3A_435 = arith.constant 0 : i32
      %scatter3A_436 = arith.constant 0 : i32
      %scatter3A_437 = tpu.memref_slice %arg6[%scatter3A_434, %scatter3A_435, %scatter3A_436] : memref<2x16x2048xf32, #tpu.memory_space<vmem>> -> memref<1x16x2048xf32, #tpu.memory_space<vmem>>
      %scatter3A_438 = tpu.memref_squeeze %scatter3A_437 : memref<1x16x2048xf32, #tpu.memory_space<vmem>> -> memref<16x2048xf32, #tpu.memory_space<vmem>>
      tpu.vector_store_idx %scatter3A_438[%broadcast_in_dim3A_155, %broadcast_in_dim3A_433], %broadcast_in_dim3A_8 masked %eq3A_5 : memref<16x2048xf32, #tpu.memory_space<vmem>>[vector<16xi32>, vector<16xi32>], vector<16xf32>, vector<16xi1>
      %slice3A_439 = vector.extract_strided_slice %get3A_422 {offsets = [2], sizes = [1], strides = [1]} : vector<16xi32> to vector<1xi32>
      %squeeze3A_440 = vector.extract %slice3A_439[0] : i32 from vector<1xi32>
      %broadcast_in_dim3A_441 = vector.broadcast %squeeze3A_440 : i32 to vector<16xi32>
      %scatter3A_442 = arith.constant 1 : i32
      %scatter3A_443 = arith.constant 0 : i32
      %scatter3A_444 = arith.constant 0 : i32
      %scatter3A_445 = tpu.memref_slice %arg6[%scatter3A_442, %scatter3A_443, %scatter3A_444] : memref<2x16x2048xf32, #tpu.memory_space<vmem>> -> memref<1x16x2048xf32, #tpu.memory_space<vmem>>
      %scatter3A_446 = tpu.memref_squeeze %scatter3A_445 : memref<1x16x2048xf32, #tpu.memory_space<vmem>> -> memref<16x2048xf32, #tpu.memory_space<vmem>>
      tpu.vector_store_idx %scatter3A_446[%broadcast_in_dim3A_155, %broadcast_in_dim3A_441], %broadcast_in_dim3A_8 masked %eq3A_5 : memref<16x2048xf32, #tpu.memory_space<vmem>>[vector<16xi32>, vector<16xi32>], vector<16xf32>, vector<16xi1>
      %slice3A_447 = vector.extract_strided_slice %get3A_422 {offsets = [3], sizes = [1], strides = [1]} : vector<16xi32> to vector<1xi32>
      %squeeze3A_448 = vector.extract %slice3A_447[0] : i32 from vector<1xi32>
      %broadcast_in_dim3A_449 = vector.broadcast %squeeze3A_448 : i32 to vector<16xi32>
      %scatter3A_450 = arith.constant 1 : i32
      %scatter3A_451 = arith.constant 0 : i32
      %scatter3A_452 = arith.constant 0 : i32
      %scatter3A_453 = tpu.memref_slice %arg6[%scatter3A_450, %scatter3A_451, %scatter3A_452] : memref<2x16x2048xf32, #tpu.memory_space<vmem>> -> memref<1x16x2048xf32, #tpu.memory_space<vmem>>
      %scatter3A_454 = tpu.memref_squeeze %scatter3A_453 : memref<1x16x2048xf32, #tpu.memory_space<vmem>> -> memref<16x2048xf32, #tpu.memory_space<vmem>>
      tpu.vector_store_idx %scatter3A_454[%broadcast_in_dim3A_155, %broadcast_in_dim3A_449], %broadcast_in_dim3A_8 masked %eq3A_5 : memref<16x2048xf32, #tpu.memory_space<vmem>>[vector<16xi32>, vector<16xi32>], vector<16xf32>, vector<16xi1>
      %slice3A_455 = vector.extract_strided_slice %get3A_422 {offsets = [4], sizes = [1], strides = [1]} : vector<16xi32> to vector<1xi32>
      %squeeze3A_456 = vector.extract %slice3A_455[0] : i32 from vector<1xi32>
      %broadcast_in_dim3A_457 = vector.broadcast %squeeze3A_456 : i32 to vector<16xi32>
      %scatter3A_458 = arith.constant 1 : i32
      %scatter3A_459 = arith.constant 0 : i32
      %scatter3A_460 = arith.constant 0 : i32
      %scatter3A_461 = tpu.memref_slice %arg6[%scatter3A_458, %scatter3A_459, %scatter3A_460] : memref<2x16x2048xf32, #tpu.memory_space<vmem>> -> memref<1x16x2048xf32, #tpu.memory_space<vmem>>
      %scatter3A_462 = tpu.memref_squeeze %scatter3A_461 : memref<1x16x2048xf32, #tpu.memory_space<vmem>> -> memref<16x2048xf32, #tpu.memory_space<vmem>>
      tpu.vector_store_idx %scatter3A_462[%broadcast_in_dim3A_155, %broadcast_in_dim3A_457], %broadcast_in_dim3A_8 masked %eq3A_5 : memref<16x2048xf32, #tpu.memory_space<vmem>>[vector<16xi32>, vector<16xi32>], vector<16xf32>, vector<16xi1>
      %slice3A_463 = vector.extract_strided_slice %get3A_422 {offsets = [5], sizes = [1], strides = [1]} : vector<16xi32> to vector<1xi32>
      %squeeze3A_464 = vector.extract %slice3A_463[0] : i32 from vector<1xi32>
      %broadcast_in_dim3A_465 = vector.broadcast %squeeze3A_464 : i32 to vector<16xi32>
      %scatter3A_466 = arith.constant 1 : i32
      %scatter3A_467 = arith.constant 0 : i32
      %scatter3A_468 = arith.constant 0 : i32
      %scatter3A_469 = tpu.memref_slice %arg6[%scatter3A_466, %scatter3A_467, %scatter3A_468] : memref<2x16x2048xf32, #tpu.memory_space<vmem>> -> memref<1x16x2048xf32, #tpu.memory_space<vmem>>
      %scatter3A_470 = tpu.memref_squeeze %scatter3A_469 : memref<1x16x2048xf32, #tpu.memory_space<vmem>> -> memref<16x2048xf32, #tpu.memory_space<vmem>>
      tpu.vector_store_idx %scatter3A_470[%broadcast_in_dim3A_155, %broadcast_in_dim3A_465], %broadcast_in_dim3A_8 masked %eq3A_5 : memref<16x2048xf32, #tpu.memory_space<vmem>>[vector<16xi32>, vector<16xi32>], vector<16xf32>, vector<16xi1>
      %slice3A_471 = vector.extract_strided_slice %get3A_422 {offsets = [6], sizes = [1], strides = [1]} : vector<16xi32> to vector<1xi32>
      %squeeze3A_472 = vector.extract %slice3A_471[0] : i32 from vector<1xi32>
      %broadcast_in_dim3A_473 = vector.broadcast %squeeze3A_472 : i32 to vector<16xi32>
      %scatter3A_474 = arith.constant 1 : i32
      %scatter3A_475 = arith.constant 0 : i32
      %scatter3A_476 = arith.constant 0 : i32
      %scatter3A_477 = tpu.memref_slice %arg6[%scatter3A_474, %scatter3A_475, %scatter3A_476] : memref<2x16x2048xf32, #tpu.memory_space<vmem>> -> memref<1x16x2048xf32, #tpu.memory_space<vmem>>
      %scatter3A_478 = tpu.memref_squeeze %scatter3A_477 : memref<1x16x2048xf32, #tpu.memory_space<vmem>> -> memref<16x2048xf32, #tpu.memory_space<vmem>>
      tpu.vector_store_idx %scatter3A_478[%broadcast_in_dim3A_155, %broadcast_in_dim3A_473], %broadcast_in_dim3A_8 masked %eq3A_5 : memref<16x2048xf32, #tpu.memory_space<vmem>>[vector<16xi32>, vector<16xi32>], vector<16xf32>, vector<16xi1>
      %slice3A_479 = vector.extract_strided_slice %get3A_422 {offsets = [7], sizes = [1], strides = [1]} : vector<16xi32> to vector<1xi32>
      %squeeze3A_480 = vector.extract %slice3A_479[0] : i32 from vector<1xi32>
      %broadcast_in_dim3A_481 = vector.broadcast %squeeze3A_480 : i32 to vector<16xi32>
      %scatter3A_482 = arith.constant 1 : i32
      %scatter3A_483 = arith.constant 0 : i32
      %scatter3A_484 = arith.constant 0 : i32
      %scatter3A_485 = tpu.memref_slice %arg6[%scatter3A_482, %scatter3A_483, %scatter3A_484] : memref<2x16x2048xf32, #tpu.memory_space<vmem>> -> memref<1x16x2048xf32, #tpu.memory_space<vmem>>
      %scatter3A_486 = tpu.memref_squeeze %scatter3A_485 : memref<1x16x2048xf32, #tpu.memory_space<vmem>> -> memref<16x2048xf32, #tpu.memory_space<vmem>>
      tpu.vector_store_idx %scatter3A_486[%broadcast_in_dim3A_155, %broadcast_in_dim3A_481], %broadcast_in_dim3A_8 masked %eq3A_5 : memref<16x2048xf32, #tpu.memory_space<vmem>>[vector<16xi32>, vector<16xi32>], vector<16xf32>, vector<16xi1>
    }
    %scan3A_106 = arith.constant 16 : i32
    %scan3A_107 = arith.constant 0 : i32
    %scan3A_108 = arith.constant 0 : i32
    %scan3A_109 = arith.constant 16 : i32
    %scan3A_110 = arith.addi %scan3A_108, %scan3A_109 : i32
    %scan3A_111 = arith.constant 1 : i32
    scf.for %scan3A_154 = %scan3A_108 to %scan3A_110 step %scan3A_111  : i32 {
      %broadcast_in_dim3A_155 = vector.broadcast %scan3A_154 : i32 to vector<16xi32>
      %add3A_156 = arith.constant 48 : i32
      %add3A_157 = arith.addi %add3A_156, %scan3A_154 : i32
      %get3A = arith.index_cast %add3A_157 : i32 to index
      %get3A_158 = arith.constant 0 : index
      %get3A_159 = tpu.vector_load %arg5[%get3A, %get3A_158] {strides = array<i32>} : memref<64x48xi32, #tpu.memory_space<vmem>>, vector<16xi32>,
      %slice3A = vector.extract_strided_slice %get3A_159 {offsets = [0], sizes = [1], strides = [1]} : vector<16xi32> to vector<1xi32>
      %squeeze3A = vector.extract %slice3A[0] : i32 from vector<1xi32>
      %broadcast_in_dim3A_160 = vector.broadcast %squeeze3A : i32 to vector<16xi32>
      %scatter3A = arith.constant 1 : i32
      %scatter3A_161 = arith.constant 0 : i32
      %scatter3A_162 = arith.constant 0 : i32
      %scatter3A_163 = tpu.memref_slice %arg6[%scatter3A, %scatter3A_161, %scatter3A_162] : memref<2x16x2048xf32, #tpu.memory_space<vmem>> -> memref<1x16x2048xf32, #tpu.memory_space<vmem>>
      %scatter3A_164 = tpu.memref_squeeze %scatter3A_163 : memref<1x16x2048xf32, #tpu.memory_space<vmem>> -> memref<16x2048xf32, #tpu.memory_space<vmem>>
      tpu.vector_store_idx %scatter3A_164[%broadcast_in_dim3A_155, %broadcast_in_dim3A_160], %broadcast_in_dim3A_6 masked %eq3A_5 {add = true} : memref<16x2048xf32, #tpu.memory_space<vmem>>[vector<16xi32>, vector<16xi32>], vector<16xf32>, vector<16xi1>
      %slice3A_165 = vector.extract_strided_slice %get3A_159 {offsets = [1], sizes = [1], strides = [1]} : vector<16xi32> to vector<1xi32>
      %squeeze3A_166 = vector.extract %slice3A_165[0] : i32 from vector<1xi32>
      %broadcast_in_dim3A_167 = vector.broadcast %squeeze3A_166 : i32 to vector<16xi32>
      %scatter3A_168 = arith.constant 1 : i32
      %scatter3A_169 = arith.constant 0 : i32
      %scatter3A_170 = arith.constant 0 : i32
      %scatter3A_171 = tpu.memref_slice %arg6[%scatter3A_168, %scatter3A_169, %scatter3A_170] : memref<2x16x2048xf32, #tpu.memory_space<vmem>> -> memref<1x16x2048xf32, #tpu.memory_space<vmem>>
      %scatter3A_172 = tpu.memref_squeeze %scatter3A_171 : memref<1x16x2048xf32, #tpu.memory_space<vmem>> -> memref<16x2048xf32, #tpu.memory_space<vmem>>
      tpu.vector_store_idx %scatter3A_172[%broadcast_in_dim3A_155, %broadcast_in_dim3A_167], %broadcast_in_dim3A_6 masked %eq3A_5 {add = true} : memref<16x2048xf32, #tpu.memory_space<vmem>>[vector<16xi32>, vector<16xi32>], vector<16xf32>, vector<16xi1>
      %slice3A_173 = vector.extract_strided_slice %get3A_159 {offsets = [2], sizes = [1], strides = [1]} : vector<16xi32> to vector<1xi32>
      %squeeze3A_174 = vector.extract %slice3A_173[0] : i32 from vector<1xi32>
      %broadcast_in_dim3A_175 = vector.broadcast %squeeze3A_174 : i32 to vector<16xi32>
      %scatter3A_176 = arith.constant 1 : i32
      %scatter3A_177 = arith.constant 0 : i32
      %scatter3A_178 = arith.constant 0 : i32
      %scatter3A_179 = tpu.memref_slice %arg6[%scatter3A_176, %scatter3A_177, %scatter3A_178] : memref<2x16x2048xf32, #tpu.memory_space<vmem>> -> memref<1x16x2048xf32, #tpu.memory_space<vmem>>
      %scatter3A_180 = tpu.memref_squeeze %scatter3A_179 : memref<1x16x2048xf32, #tpu.memory_space<vmem>> -> memref<16x2048xf32, #tpu.memory_space<vmem>>
      tpu.vector_store_idx %scatter3A_180[%broadcast_in_dim3A_155, %broadcast_in_dim3A_175], %broadcast_in_dim3A_6 masked %eq3A_5 {add = true} : memref<16x2048xf32, #tpu.memory_space<vmem>>[vector<16xi32>, vector<16xi32>], vector<16xf32>, vector<16xi1>
      %slice3A_181 = vector.extract_strided_slice %get3A_159 {offsets = [3], sizes = [1], strides = [1]} : vector<16xi32> to vector<1xi32>
      %squeeze3A_182 = vector.extract %slice3A_181[0] : i32 from vector<1xi32>
      %broadcast_in_dim3A_183 = vector.broadcast %squeeze3A_182 : i32 to vector<16xi32>
      %scatter3A_184 = arith.constant 1 : i32
      %scatter3A_185 = arith.constant 0 : i32
      %scatter3A_186 = arith.constant 0 : i32
      %scatter3A_187 = tpu.memref_slice %arg6[%scatter3A_184, %scatter3A_185, %scatter3A_186] : memref<2x16x2048xf32, #tpu.memory_space<vmem>> -> memref<1x16x2048xf32, #tpu.memory_space<vmem>>
      %scatter3A_188 = tpu.memref_squeeze %scatter3A_187 : memref<1x16x2048xf32, #tpu.memory_space<vmem>> -> memref<16x2048xf32, #tpu.memory_space<vmem>>
      tpu.vector_store_idx %scatter3A_188[%broadcast_in_dim3A_155, %broadcast_in_dim3A_183], %broadcast_in_dim3A_6 masked %eq3A_5 {add = true} : memref<16x2048xf32, #tpu.memory_space<vmem>>[vector<16xi32>, vector<16xi32>], vector<16xf32>, vector<16xi1>
      %slice3A_189 = vector.extract_strided_slice %get3A_159 {offsets = [4], sizes = [1], strides = [1]} : vector<16xi32> to vector<1xi32>
      %squeeze3A_190 = vector.extract %slice3A_189[0] : i32 from vector<1xi32>
      %broadcast_in_dim3A_191 = vector.broadcast %squeeze3A_190 : i32 to vector<16xi32>
      %scatter3A_192 = arith.constant 1 : i32
      %scatter3A_193 = arith.constant 0 : i32
      %scatter3A_194 = arith.constant 0 : i32
      %scatter3A_195 = tpu.memref_slice %arg6[%scatter3A_192, %scatter3A_193, %scatter3A_194] : memref<2x16x2048xf32, #tpu.memory_space<vmem>> -> memref<1x16x2048xf32, #tpu.memory_space<vmem>>
      %scatter3A_196 = tpu.memref_squeeze %scatter3A_195 : memref<1x16x2048xf32, #tpu.memory_space<vmem>> -> memref<16x2048xf32, #tpu.memory_space<vmem>>
      tpu.vector_store_idx %scatter3A_196[%broadcast_in_dim3A_155, %broadcast_in_dim3A_191], %broadcast_in_dim3A_6 masked %eq3A_5 {add = true} : memref<16x2048xf32, #tpu.memory_space<vmem>>[vector<16xi32>, vector<16xi32>], vector<16xf32>, vector<16xi1>
      %slice3A_197 = vector.extract_strided_slice %get3A_159 {offsets = [5], sizes = [1], strides = [1]} : vector<16xi32> to vector<1xi32>
      %squeeze3A_198 = vector.extract %slice3A_197[0] : i32 from vector<1xi32>
      %broadcast_in_dim3A_199 = vector.broadcast %squeeze3A_198 : i32 to vector<16xi32>
      %scatter3A_200 = arith.constant 1 : i32
      %scatter3A_201 = arith.constant 0 : i32
      %scatter3A_202 = arith.constant 0 : i32
      %scatter3A_203 = tpu.memref_slice %arg6[%scatter3A_200, %scatter3A_201, %scatter3A_202] : memref<2x16x2048xf32, #tpu.memory_space<vmem>> -> memref<1x16x2048xf32, #tpu.memory_space<vmem>>
      %scatter3A_204 = tpu.memref_squeeze %scatter3A_203 : memref<1x16x2048xf32, #tpu.memory_space<vmem>> -> memref<16x2048xf32, #tpu.memory_space<vmem>>
      tpu.vector_store_idx %scatter3A_204[%broadcast_in_dim3A_155, %broadcast_in_dim3A_199], %broadcast_in_dim3A_6 masked %eq3A_5 {add = true} : memref<16x2048xf32, #tpu.memory_space<vmem>>[vector<16xi32>, vector<16xi32>], vector<16xf32>, vector<16xi1>
      %slice3A_205 = vector.extract_strided_slice %get3A_159 {offsets = [6], sizes = [1], strides = [1]} : vector<16xi32> to vector<1xi32>
      %squeeze3A_206 = vector.extract %slice3A_205[0] : i32 from vector<1xi32>
      %broadcast_in_dim3A_207 = vector.broadcast %squeeze3A_206 : i32 to vector<16xi32>
      %scatter3A_208 = arith.constant 1 : i32
      %scatter3A_209 = arith.constant 0 : i32
      %scatter3A_210 = arith.constant 0 : i32
      %scatter3A_211 = tpu.memref_slice %arg6[%scatter3A_208, %scatter3A_209, %scatter3A_210] : memref<2x16x2048xf32, #tpu.memory_space<vmem>> -> memref<1x16x2048xf32, #tpu.memory_space<vmem>>
      %scatter3A_212 = tpu.memref_squeeze %scatter3A_211 : memref<1x16x2048xf32, #tpu.memory_space<vmem>> -> memref<16x2048xf32, #tpu.memory_space<vmem>>
      tpu.vector_store_idx %scatter3A_212[%broadcast_in_dim3A_155, %broadcast_in_dim3A_207], %broadcast_in_dim3A_6 masked %eq3A_5 {add = true} : memref<16x2048xf32, #tpu.memory_space<vmem>>[vector<16xi32>, vector<16xi32>], vector<16xf32>, vector<16xi1>
      %slice3A_213 = vector.extract_strided_slice %get3A_159 {offsets = [7], sizes = [1], strides = [1]} : vector<16xi32> to vector<1xi32>
      %squeeze3A_214 = vector.extract %slice3A_213[0] : i32 from vector<1xi32>
      %broadcast_in_dim3A_215 = vector.broadcast %squeeze3A_214 : i32 to vector<16xi32>
      %scatter3A_216 = arith.constant 1 : i32
      %scatter3A_217 = arith.constant 0 : i32
      %scatter3A_218 = arith.constant 0 : i32
      %scatter3A_219 = tpu.memref_slice %arg6[%scatter3A_216, %scatter3A_217, %scatter3A_218] : memref<2x16x2048xf32, #tpu.memory_space<vmem>> -> memref<1x16x2048xf32, #tpu.memory_space<vmem>>
      %scatter3A_220 = tpu.memref_squeeze %scatter3A_219 : memref<1x16x2048xf32, #tpu.memory_space<vmem>> -> memref<16x2048xf32, #tpu.memory_space<vmem>>
      tpu.vector_store_idx %scatter3A_220[%broadcast_in_dim3A_155, %broadcast_in_dim3A_215], %broadcast_in_dim3A_6 masked %eq3A_5 {add = true} : memref<16x2048xf32, #tpu.memory_space<vmem>>[vector<16xi32>, vector<16xi32>], vector<16xf32>, vector<16xi1>
      %slice3A_221 = vector.extract_strided_slice %get3A_159 {offsets = [8], sizes = [1], strides = [1]} : vector<16xi32> to vector<1xi32>
      %squeeze3A_222 = vector.extract %slice3A_221[0] : i32 from vector<1xi32>
      %broadcast_in_dim3A_223 = vector.broadcast %squeeze3A_222 : i32 to vector<16xi32>
      %scatter3A_224 = arith.constant 1 : i32
      %scatter3A_225 = arith.constant 0 : i32
      %scatter3A_226 = arith.constant 0 : i32
      %scatter3A_227 = tpu.memref_slice %arg6[%scatter3A_224, %scatter3A_225, %scatter3A_226] : memref<2x16x2048xf32, #tpu.memory_space<vmem>> -> memref<1x16x2048xf32, #tpu.memory_space<vmem>>
      %scatter3A_228 = tpu.memref_squeeze %scatter3A_227 : memref<1x16x2048xf32, #tpu.memory_space<vmem>> -> memref<16x2048xf32, #tpu.memory_space<vmem>>
      tpu.vector_store_idx %scatter3A_228[%broadcast_in_dim3A_155, %broadcast_in_dim3A_223], %broadcast_in_dim3A_6 masked %eq3A_5 {add = true} : memref<16x2048xf32, #tpu.memory_space<vmem>>[vector<16xi32>, vector<16xi32>], vector<16xf32>, vector<16xi1>
      %slice3A_229 = vector.extract_strided_slice %get3A_159 {offsets = [9], sizes = [1], strides = [1]} : vector<16xi32> to vector<1xi32>
      %squeeze3A_230 = vector.extract %slice3A_229[0] : i32 from vector<1xi32>
      %broadcast_in_dim3A_231 = vector.broadcast %squeeze3A_230 : i32 to vector<16xi32>
      %scatter3A_232 = arith.constant 1 : i32
      %scatter3A_233 = arith.constant 0 : i32
      %scatter3A_234 = arith.constant 0 : i32
      %scatter3A_235 = tpu.memref_slice %arg6[%scatter3A_232, %scatter3A_233, %scatter3A_234] : memref<2x16x2048xf32, #tpu.memory_space<vmem>> -> memref<1x16x2048xf32, #tpu.memory_space<vmem>>
      %scatter3A_236 = tpu.memref_squeeze %scatter3A_235 : memref<1x16x2048xf32, #tpu.memory_space<vmem>> -> memref<16x2048xf32, #tpu.memory_space<vmem>>
      tpu.vector_store_idx %scatter3A_236[%broadcast_in_dim3A_155, %broadcast_in_dim3A_231], %broadcast_in_dim3A_6 masked %eq3A_5 {add = true} : memref<16x2048xf32, #tpu.memory_space<vmem>>[vector<16xi32>, vector<16xi32>], vector<16xf32>, vector<16xi1>
      %slice3A_237 = vector.extract_strided_slice %get3A_159 {offsets = [10], sizes = [1], strides = [1]} : vector<16xi32> to vector<1xi32>
      %squeeze3A_238 = vector.extract %slice3A_237[0] : i32 from vector<1xi32>
      %broadcast_in_dim3A_239 = vector.broadcast %squeeze3A_238 : i32 to vector<16xi32>
      %scatter3A_240 = arith.constant 1 : i32
      %scatter3A_241 = arith.constant 0 : i32
      %scatter3A_242 = arith.constant 0 : i32
      %scatter3A_243 = tpu.memref_slice %arg6[%scatter3A_240, %scatter3A_241, %scatter3A_242] : memref<2x16x2048xf32, #tpu.memory_space<vmem>> -> memref<1x16x2048xf32, #tpu.memory_space<vmem>>
      %scatter3A_244 = tpu.memref_squeeze %scatter3A_243 : memref<1x16x2048xf32, #tpu.memory_space<vmem>> -> memref<16x2048xf32, #tpu.memory_space<vmem>>
      tpu.vector_store_idx %scatter3A_244[%broadcast_in_dim3A_155, %broadcast_in_dim3A_239], %broadcast_in_dim3A_6 masked %eq3A_5 {add = true} : memref<16x2048xf32, #tpu.memory_space<vmem>>[vector<16xi32>, vector<16xi32>], vector<16xf32>, vector<16xi1>
      %slice3A_245 = vector.extract_strided_slice %get3A_159 {offsets = [11], sizes = [1], strides = [1]} : vector<16xi32> to vector<1xi32>
      %squeeze3A_246 = vector.extract %slice3A_245[0] : i32 from vector<1xi32>
      %broadcast_in_dim3A_247 = vector.broadcast %squeeze3A_246 : i32 to vector<16xi32>
      %scatter3A_248 = arith.constant 1 : i32
      %scatter3A_249 = arith.constant 0 : i32
      %scatter3A_250 = arith.constant 0 : i32
      %scatter3A_251 = tpu.memref_slice %arg6[%scatter3A_248, %scatter3A_249, %scatter3A_250] : memref<2x16x2048xf32, #tpu.memory_space<vmem>> -> memref<1x16x2048xf32, #tpu.memory_space<vmem>>
      %scatter3A_252 = tpu.memref_squeeze %scatter3A_251 : memref<1x16x2048xf32, #tpu.memory_space<vmem>> -> memref<16x2048xf32, #tpu.memory_space<vmem>>
      tpu.vector_store_idx %scatter3A_252[%broadcast_in_dim3A_155, %broadcast_in_dim3A_247], %broadcast_in_dim3A_6 masked %eq3A_5 {add = true} : memref<16x2048xf32, #tpu.memory_space<vmem>>[vector<16xi32>, vector<16xi32>], vector<16xf32>, vector<16xi1>
      %slice3A_253 = vector.extract_strided_slice %get3A_159 {offsets = [12], sizes = [1], strides = [1]} : vector<16xi32> to vector<1xi32>
      %squeeze3A_254 = vector.extract %slice3A_253[0] : i32 from vector<1xi32>
      %broadcast_in_dim3A_255 = vector.broadcast %squeeze3A_254 : i32 to vector<16xi32>
      %scatter3A_256 = arith.constant 1 : i32
      %scatter3A_257 = arith.constant 0 : i32
      %scatter3A_258 = arith.constant 0 : i32
      %scatter3A_259 = tpu.memref_slice %arg6[%scatter3A_256, %scatter3A_257, %scatter3A_258] : memref<2x16x2048xf32, #tpu.memory_space<vmem>> -> memref<1x16x2048xf32, #tpu.memory_space<vmem>>
      %scatter3A_260 = tpu.memref_squeeze %scatter3A_259 : memref<1x16x2048xf32, #tpu.memory_space<vmem>> -> memref<16x2048xf32, #tpu.memory_space<vmem>>
      tpu.vector_store_idx %scatter3A_260[%broadcast_in_dim3A_155, %broadcast_in_dim3A_255], %broadcast_in_dim3A_6 masked %eq3A_5 {add = true} : memref<16x2048xf32, #tpu.memory_space<vmem>>[vector<16xi32>, vector<16xi32>], vector<16xf32>, vector<16xi1>
      %slice3A_261 = vector.extract_strided_slice %get3A_159 {offsets = [13], sizes = [1], strides = [1]} : vector<16xi32> to vector<1xi32>
      %squeeze3A_262 = vector.extract %slice3A_261[0] : i32 from vector<1xi32>
      %broadcast_in_dim3A_263 = vector.broadcast %squeeze3A_262 : i32 to vector<16xi32>
      %scatter3A_264 = arith.constant 1 : i32
      %scatter3A_265 = arith.constant 0 : i32
      %scatter3A_266 = arith.constant 0 : i32
      %scatter3A_267 = tpu.memref_slice %arg6[%scatter3A_264, %scatter3A_265, %scatter3A_266] : memref<2x16x2048xf32, #tpu.memory_space<vmem>> -> memref<1x16x2048xf32, #tpu.memory_space<vmem>>
      %scatter3A_268 = tpu.memref_squeeze %scatter3A_267 : memref<1x16x2048xf32, #tpu.memory_space<vmem>> -> memref<16x2048xf32, #tpu.memory_space<vmem>>
      tpu.vector_store_idx %scatter3A_268[%broadcast_in_dim3A_155, %broadcast_in_dim3A_263], %broadcast_in_dim3A_6 masked %eq3A_5 {add = true} : memref<16x2048xf32, #tpu.memory_space<vmem>>[vector<16xi32>, vector<16xi32>], vector<16xf32>, vector<16xi1>
      %slice3A_269 = vector.extract_strided_slice %get3A_159 {offsets = [14], sizes = [1], strides = [1]} : vector<16xi32> to vector<1xi32>
      %squeeze3A_270 = vector.extract %slice3A_269[0] : i32 from vector<1xi32>
      %broadcast_in_dim3A_271 = vector.broadcast %squeeze3A_270 : i32 to vector<16xi32>
      %scatter3A_272 = arith.constant 1 : i32
      %scatter3A_273 = arith.constant 0 : i32
      %scatter3A_274 = arith.constant 0 : i32
      %scatter3A_275 = tpu.memref_slice %arg6[%scatter3A_272, %scatter3A_273, %scatter3A_274] : memref<2x16x2048xf32, #tpu.memory_space<vmem>> -> memref<1x16x2048xf32, #tpu.memory_space<vmem>>
      %scatter3A_276 = tpu.memref_squeeze %scatter3A_275 : memref<1x16x2048xf32, #tpu.memory_space<vmem>> -> memref<16x2048xf32, #tpu.memory_space<vmem>>
      tpu.vector_store_idx %scatter3A_276[%broadcast_in_dim3A_155, %broadcast_in_dim3A_271], %broadcast_in_dim3A_6 masked %eq3A_5 {add = true} : memref<16x2048xf32, #tpu.memory_space<vmem>>[vector<16xi32>, vector<16xi32>], vector<16xf32>, vector<16xi1>
      %slice3A_277 = vector.extract_strided_slice %get3A_159 {offsets = [15], sizes = [1], strides = [1]} : vector<16xi32> to vector<1xi32>
      %squeeze3A_278 = vector.extract %slice3A_277[0] : i32 from vector<1xi32>
      %broadcast_in_dim3A_279 = vector.broadcast %squeeze3A_278 : i32 to vector<16xi32>
      %scatter3A_280 = arith.constant 1 : i32
      %scatter3A_281 = arith.constant 0 : i32
      %scatter3A_282 = arith.constant 0 : i32
      %scatter3A_283 = tpu.memref_slice %arg6[%scatter3A_280, %scatter3A_281, %scatter3A_282] : memref<2x16x2048xf32, #tpu.memory_space<vmem>> -> memref<1x16x2048xf32, #tpu.memory_space<vmem>>
      %scatter3A_284 = tpu.memref_squeeze %scatter3A_283 : memref<1x16x2048xf32, #tpu.memory_space<vmem>> -> memref<16x2048xf32, #tpu.memory_space<vmem>>
      tpu.vector_store_idx %scatter3A_284[%broadcast_in_dim3A_155, %broadcast_in_dim3A_279], %broadcast_in_dim3A_6 masked %eq3A_5 {add = true} : memref<16x2048xf32, #tpu.memory_space<vmem>>[vector<16xi32>, vector<16xi32>], vector<16xf32>, vector<16xi1>
      %add3A_285 = arith.constant 48 : i32
      %add3A_286 = arith.addi %add3A_285, %scan3A_154 : i32
      %get3A_287 = arith.index_cast %add3A_286 : i32 to index
      %get3A_288 = arith.constant 16 : index
      %get3A_289 = tpu.vector_load %arg5[%get3A_287, %get3A_288] {strides = array<i32>} : memref<64x48xi32, #tpu.memory_space<vmem>>, vector<16xi32>,
      %slice3A_290 = vector.extract_strided_slice %get3A_289 {offsets = [0], sizes = [1], strides = [1]} : vector<16xi32> to vector<1xi32>
      %squeeze3A_291 = vector.extract %slice3A_290[0] : i32 from vector<1xi32>
      %broadcast_in_dim3A_292 = vector.broadcast %squeeze3A_291 : i32 to vector<16xi32>
      %scatter3A_293 = arith.constant 1 : i32
      %scatter3A_294 = arith.constant 0 : i32
      %scatter3A_295 = arith.constant 0 : i32
      %scatter3A_296 = tpu.memref_slice %arg6[%scatter3A_293, %scatter3A_294, %scatter3A_295] : memref<2x16x2048xf32, #tpu.memory_space<vmem>> -> memref<1x16x2048xf32, #tpu.memory_space<vmem>>
      %scatter3A_297 = tpu.memref_squeeze %scatter3A_296 : memref<1x16x2048xf32, #tpu.memory_space<vmem>> -> memref<16x2048xf32, #tpu.memory_space<vmem>>
      tpu.vector_store_idx %scatter3A_297[%broadcast_in_dim3A_155, %broadcast_in_dim3A_292], %broadcast_in_dim3A_6 masked %eq3A_5 {add = true} : memref<16x2048xf32, #tpu.memory_space<vmem>>[vector<16xi32>, vector<16xi32>], vector<16xf32>, vector<16xi1>
      %slice3A_298 = vector.extract_strided_slice %get3A_289 {offsets = [1], sizes = [1], strides = [1]} : vector<16xi32> to vector<1xi32>
      %squeeze3A_299 = vector.extract %slice3A_298[0] : i32 from vector<1xi32>
      %broadcast_in_dim3A_300 = vector.broadcast %squeeze3A_299 : i32 to vector<16xi32>
      %scatter3A_301 = arith.constant 1 : i32
      %scatter3A_302 = arith.constant 0 : i32
      %scatter3A_303 = arith.constant 0 : i32
      %scatter3A_304 = tpu.memref_slice %arg6[%scatter3A_301, %scatter3A_302, %scatter3A_303] : memref<2x16x2048xf32, #tpu.memory_space<vmem>> -> memref<1x16x2048xf32, #tpu.memory_space<vmem>>
      %scatter3A_305 = tpu.memref_squeeze %scatter3A_304 : memref<1x16x2048xf32, #tpu.memory_space<vmem>> -> memref<16x2048xf32, #tpu.memory_space<vmem>>
      tpu.vector_store_idx %scatter3A_305[%broadcast_in_dim3A_155, %broadcast_in_dim3A_300], %broadcast_in_dim3A_6 masked %eq3A_5 {add = true} : memref<16x2048xf32, #tpu.memory_space<vmem>>[vector<16xi32>, vector<16xi32>], vector<16xf32>, vector<16xi1>
      %slice3A_306 = vector.extract_strided_slice %get3A_289 {offsets = [2], sizes = [1], strides = [1]} : vector<16xi32> to vector<1xi32>
      %squeeze3A_307 = vector.extract %slice3A_306[0] : i32 from vector<1xi32>
      %broadcast_in_dim3A_308 = vector.broadcast %squeeze3A_307 : i32 to vector<16xi32>
      %scatter3A_309 = arith.constant 1 : i32
      %scatter3A_310 = arith.constant 0 : i32
      %scatter3A_311 = arith.constant 0 : i32
      %scatter3A_312 = tpu.memref_slice %arg6[%scatter3A_309, %scatter3A_310, %scatter3A_311] : memref<2x16x2048xf32, #tpu.memory_space<vmem>> -> memref<1x16x2048xf32, #tpu.memory_space<vmem>>
      %scatter3A_313 = tpu.memref_squeeze %scatter3A_312 : memref<1x16x2048xf32, #tpu.memory_space<vmem>> -> memref<16x2048xf32, #tpu.memory_space<vmem>>
      tpu.vector_store_idx %scatter3A_313[%broadcast_in_dim3A_155, %broadcast_in_dim3A_308], %broadcast_in_dim3A_6 masked %eq3A_5 {add = true} : memref<16x2048xf32, #tpu.memory_space<vmem>>[vector<16xi32>, vector<16xi32>], vector<16xf32>, vector<16xi1>
      %slice3A_314 = vector.extract_strided_slice %get3A_289 {offsets = [3], sizes = [1], strides = [1]} : vector<16xi32> to vector<1xi32>
      %squeeze3A_315 = vector.extract %slice3A_314[0] : i32 from vector<1xi32>
      %broadcast_in_dim3A_316 = vector.broadcast %squeeze3A_315 : i32 to vector<16xi32>
      %scatter3A_317 = arith.constant 1 : i32
      %scatter3A_318 = arith.constant 0 : i32
      %scatter3A_319 = arith.constant 0 : i32
      %scatter3A_320 = tpu.memref_slice %arg6[%scatter3A_317, %scatter3A_318, %scatter3A_319] : memref<2x16x2048xf32, #tpu.memory_space<vmem>> -> memref<1x16x2048xf32, #tpu.memory_space<vmem>>
      %scatter3A_321 = tpu.memref_squeeze %scatter3A_320 : memref<1x16x2048xf32, #tpu.memory_space<vmem>> -> memref<16x2048xf32, #tpu.memory_space<vmem>>
      tpu.vector_store_idx %scatter3A_321[%broadcast_in_dim3A_155, %broadcast_in_dim3A_316], %broadcast_in_dim3A_6 masked %eq3A_5 {add = true} : memref<16x2048xf32, #tpu.memory_space<vmem>>[vector<16xi32>, vector<16xi32>], vector<16xf32>, vector<16xi1>
      %slice3A_322 = vector.extract_strided_slice %get3A_289 {offsets = [4], sizes = [1], strides = [1]} : vector<16xi32> to vector<1xi32>
      %squeeze3A_323 = vector.extract %slice3A_322[0] : i32 from vector<1xi32>
      %broadcast_in_dim3A_324 = vector.broadcast %squeeze3A_323 : i32 to vector<16xi32>
      %scatter3A_325 = arith.constant 1 : i32
      %scatter3A_326 = arith.constant 0 : i32
      %scatter3A_327 = arith.constant 0 : i32
      %scatter3A_328 = tpu.memref_slice %arg6[%scatter3A_325, %scatter3A_326, %scatter3A_327] : memref<2x16x2048xf32, #tpu.memory_space<vmem>> -> memref<1x16x2048xf32, #tpu.memory_space<vmem>>
      %scatter3A_329 = tpu.memref_squeeze %scatter3A_328 : memref<1x16x2048xf32, #tpu.memory_space<vmem>> -> memref<16x2048xf32, #tpu.memory_space<vmem>>
      tpu.vector_store_idx %scatter3A_329[%broadcast_in_dim3A_155, %broadcast_in_dim3A_324], %broadcast_in_dim3A_6 masked %eq3A_5 {add = true} : memref<16x2048xf32, #tpu.memory_space<vmem>>[vector<16xi32>, vector<16xi32>], vector<16xf32>, vector<16xi1>
      %slice3A_330 = vector.extract_strided_slice %get3A_289 {offsets = [5], sizes = [1], strides = [1]} : vector<16xi32> to vector<1xi32>
      %squeeze3A_331 = vector.extract %slice3A_330[0] : i32 from vector<1xi32>
      %broadcast_in_dim3A_332 = vector.broadcast %squeeze3A_331 : i32 to vector<16xi32>
      %scatter3A_333 = arith.constant 1 : i32
      %scatter3A_334 = arith.constant 0 : i32
      %scatter3A_335 = arith.constant 0 : i32
      %scatter3A_336 = tpu.memref_slice %arg6[%scatter3A_333, %scatter3A_334, %scatter3A_335] : memref<2x16x2048xf32, #tpu.memory_space<vmem>> -> memref<1x16x2048xf32, #tpu.memory_space<vmem>>
      %scatter3A_337 = tpu.memref_squeeze %scatter3A_336 : memref<1x16x2048xf32, #tpu.memory_space<vmem>> -> memref<16x2048xf32, #tpu.memory_space<vmem>>
      tpu.vector_store_idx %scatter3A_337[%broadcast_in_dim3A_155, %broadcast_in_dim3A_332], %broadcast_in_dim3A_6 masked %eq3A_5 {add = true} : memref<16x2048xf32, #tpu.memory_space<vmem>>[vector<16xi32>, vector<16xi32>], vector<16xf32>, vector<16xi1>
      %slice3A_338 = vector.extract_strided_slice %get3A_289 {offsets = [6], sizes = [1], strides = [1]} : vector<16xi32> to vector<1xi32>
      %squeeze3A_339 = vector.extract %slice3A_338[0] : i32 from vector<1xi32>
      %broadcast_in_dim3A_340 = vector.broadcast %squeeze3A_339 : i32 to vector<16xi32>
      %scatter3A_341 = arith.constant 1 : i32
      %scatter3A_342 = arith.constant 0 : i32
      %scatter3A_343 = arith.constant 0 : i32
      %scatter3A_344 = tpu.memref_slice %arg6[%scatter3A_341, %scatter3A_342, %scatter3A_343] : memref<2x16x2048xf32, #tpu.memory_space<vmem>> -> memref<1x16x2048xf32, #tpu.memory_space<vmem>>
      %scatter3A_345 = tpu.memref_squeeze %scatter3A_344 : memref<1x16x2048xf32, #tpu.memory_space<vmem>> -> memref<16x2048xf32, #tpu.memory_space<vmem>>
      tpu.vector_store_idx %scatter3A_345[%broadcast_in_dim3A_155, %broadcast_in_dim3A_340], %broadcast_in_dim3A_6 masked %eq3A_5 {add = true} : memref<16x2048xf32, #tpu.memory_space<vmem>>[vector<16xi32>, vector<16xi32>], vector<16xf32>, vector<16xi1>
      %slice3A_346 = vector.extract_strided_slice %get3A_289 {offsets = [7], sizes = [1], strides = [1]} : vector<16xi32> to vector<1xi32>
      %squeeze3A_347 = vector.extract %slice3A_346[0] : i32 from vector<1xi32>
      %broadcast_in_dim3A_348 = vector.broadcast %squeeze3A_347 : i32 to vector<16xi32>
      %scatter3A_349 = arith.constant 1 : i32
      %scatter3A_350 = arith.constant 0 : i32
      %scatter3A_351 = arith.constant 0 : i32
      %scatter3A_352 = tpu.memref_slice %arg6[%scatter3A_349, %scatter3A_350, %scatter3A_351] : memref<2x16x2048xf32, #tpu.memory_space<vmem>> -> memref<1x16x2048xf32, #tpu.memory_space<vmem>>
      %scatter3A_353 = tpu.memref_squeeze %scatter3A_352 : memref<1x16x2048xf32, #tpu.memory_space<vmem>> -> memref<16x2048xf32, #tpu.memory_space<vmem>>
      tpu.vector_store_idx %scatter3A_353[%broadcast_in_dim3A_155, %broadcast_in_dim3A_348], %broadcast_in_dim3A_6 masked %eq3A_5 {add = true} : memref<16x2048xf32, #tpu.memory_space<vmem>>[vector<16xi32>, vector<16xi32>], vector<16xf32>, vector<16xi1>
      %slice3A_354 = vector.extract_strided_slice %get3A_289 {offsets = [8], sizes = [1], strides = [1]} : vector<16xi32> to vector<1xi32>
      %squeeze3A_355 = vector.extract %slice3A_354[0] : i32 from vector<1xi32>
      %broadcast_in_dim3A_356 = vector.broadcast %squeeze3A_355 : i32 to vector<16xi32>
      %scatter3A_357 = arith.constant 1 : i32
      %scatter3A_358 = arith.constant 0 : i32
      %scatter3A_359 = arith.constant 0 : i32
      %scatter3A_360 = tpu.memref_slice %arg6[%scatter3A_357, %scatter3A_358, %scatter3A_359] : memref<2x16x2048xf32, #tpu.memory_space<vmem>> -> memref<1x16x2048xf32, #tpu.memory_space<vmem>>
      %scatter3A_361 = tpu.memref_squeeze %scatter3A_360 : memref<1x16x2048xf32, #tpu.memory_space<vmem>> -> memref<16x2048xf32, #tpu.memory_space<vmem>>
      tpu.vector_store_idx %scatter3A_361[%broadcast_in_dim3A_155, %broadcast_in_dim3A_356], %broadcast_in_dim3A_6 masked %eq3A_5 {add = true} : memref<16x2048xf32, #tpu.memory_space<vmem>>[vector<16xi32>, vector<16xi32>], vector<16xf32>, vector<16xi1>
      %slice3A_362 = vector.extract_strided_slice %get3A_289 {offsets = [9], sizes = [1], strides = [1]} : vector<16xi32> to vector<1xi32>
      %squeeze3A_363 = vector.extract %slice3A_362[0] : i32 from vector<1xi32>
      %broadcast_in_dim3A_364 = vector.broadcast %squeeze3A_363 : i32 to vector<16xi32>
      %scatter3A_365 = arith.constant 1 : i32
      %scatter3A_366 = arith.constant 0 : i32
      %scatter3A_367 = arith.constant 0 : i32
      %scatter3A_368 = tpu.memref_slice %arg6[%scatter3A_365, %scatter3A_366, %scatter3A_367] : memref<2x16x2048xf32, #tpu.memory_space<vmem>> -> memref<1x16x2048xf32, #tpu.memory_space<vmem>>
      %scatter3A_369 = tpu.memref_squeeze %scatter3A_368 : memref<1x16x2048xf32, #tpu.memory_space<vmem>> -> memref<16x2048xf32, #tpu.memory_space<vmem>>
      tpu.vector_store_idx %scatter3A_369[%broadcast_in_dim3A_155, %broadcast_in_dim3A_364], %broadcast_in_dim3A_6 masked %eq3A_5 {add = true} : memref<16x2048xf32, #tpu.memory_space<vmem>>[vector<16xi32>, vector<16xi32>], vector<16xf32>, vector<16xi1>
      %slice3A_370 = vector.extract_strided_slice %get3A_289 {offsets = [10], sizes = [1], strides = [1]} : vector<16xi32> to vector<1xi32>
      %squeeze3A_371 = vector.extract %slice3A_370[0] : i32 from vector<1xi32>
      %broadcast_in_dim3A_372 = vector.broadcast %squeeze3A_371 : i32 to vector<16xi32>
      %scatter3A_373 = arith.constant 1 : i32
      %scatter3A_374 = arith.constant 0 : i32
      %scatter3A_375 = arith.constant 0 : i32
      %scatter3A_376 = tpu.memref_slice %arg6[%scatter3A_373, %scatter3A_374, %scatter3A_375] : memref<2x16x2048xf32, #tpu.memory_space<vmem>> -> memref<1x16x2048xf32, #tpu.memory_space<vmem>>
      %scatter3A_377 = tpu.memref_squeeze %scatter3A_376 : memref<1x16x2048xf32, #tpu.memory_space<vmem>> -> memref<16x2048xf32, #tpu.memory_space<vmem>>
      tpu.vector_store_idx %scatter3A_377[%broadcast_in_dim3A_155, %broadcast_in_dim3A_372], %broadcast_in_dim3A_6 masked %eq3A_5 {add = true} : memref<16x2048xf32, #tpu.memory_space<vmem>>[vector<16xi32>, vector<16xi32>], vector<16xf32>, vector<16xi1>
      %slice3A_378 = vector.extract_strided_slice %get3A_289 {offsets = [11], sizes = [1], strides = [1]} : vector<16xi32> to vector<1xi32>
      %squeeze3A_379 = vector.extract %slice3A_378[0] : i32 from vector<1xi32>
      %broadcast_in_dim3A_380 = vector.broadcast %squeeze3A_379 : i32 to vector<16xi32>
      %scatter3A_381 = arith.constant 1 : i32
      %scatter3A_382 = arith.constant 0 : i32
      %scatter3A_383 = arith.constant 0 : i32
      %scatter3A_384 = tpu.memref_slice %arg6[%scatter3A_381, %scatter3A_382, %scatter3A_383] : memref<2x16x2048xf32, #tpu.memory_space<vmem>> -> memref<1x16x2048xf32, #tpu.memory_space<vmem>>
      %scatter3A_385 = tpu.memref_squeeze %scatter3A_384 : memref<1x16x2048xf32, #tpu.memory_space<vmem>> -> memref<16x2048xf32, #tpu.memory_space<vmem>>
      tpu.vector_store_idx %scatter3A_385[%broadcast_in_dim3A_155, %broadcast_in_dim3A_380], %broadcast_in_dim3A_6 masked %eq3A_5 {add = true} : memref<16x2048xf32, #tpu.memory_space<vmem>>[vector<16xi32>, vector<16xi32>], vector<16xf32>, vector<16xi1>
      %slice3A_386 = vector.extract_strided_slice %get3A_289 {offsets = [12], sizes = [1], strides = [1]} : vector<16xi32> to vector<1xi32>
      %squeeze3A_387 = vector.extract %slice3A_386[0] : i32 from vector<1xi32>
      %broadcast_in_dim3A_388 = vector.broadcast %squeeze3A_387 : i32 to vector<16xi32>
      %scatter3A_389 = arith.constant 1 : i32
      %scatter3A_390 = arith.constant 0 : i32
      %scatter3A_391 = arith.constant 0 : i32
      %scatter3A_392 = tpu.memref_slice %arg6[%scatter3A_389, %scatter3A_390, %scatter3A_391] : memref<2x16x2048xf32, #tpu.memory_space<vmem>> -> memref<1x16x2048xf32, #tpu.memory_space<vmem>>
      %scatter3A_393 = tpu.memref_squeeze %scatter3A_392 : memref<1x16x2048xf32, #tpu.memory_space<vmem>> -> memref<16x2048xf32, #tpu.memory_space<vmem>>
      tpu.vector_store_idx %scatter3A_393[%broadcast_in_dim3A_155, %broadcast_in_dim3A_388], %broadcast_in_dim3A_6 masked %eq3A_5 {add = true} : memref<16x2048xf32, #tpu.memory_space<vmem>>[vector<16xi32>, vector<16xi32>], vector<16xf32>, vector<16xi1>
      %slice3A_394 = vector.extract_strided_slice %get3A_289 {offsets = [13], sizes = [1], strides = [1]} : vector<16xi32> to vector<1xi32>
      %squeeze3A_395 = vector.extract %slice3A_394[0] : i32 from vector<1xi32>
      %broadcast_in_dim3A_396 = vector.broadcast %squeeze3A_395 : i32 to vector<16xi32>
      %scatter3A_397 = arith.constant 1 : i32
      %scatter3A_398 = arith.constant 0 : i32
      %scatter3A_399 = arith.constant 0 : i32
      %scatter3A_400 = tpu.memref_slice %arg6[%scatter3A_397, %scatter3A_398, %scatter3A_399] : memref<2x16x2048xf32, #tpu.memory_space<vmem>> -> memref<1x16x2048xf32, #tpu.memory_space<vmem>>
      %scatter3A_401 = tpu.memref_squeeze %scatter3A_400 : memref<1x16x2048xf32, #tpu.memory_space<vmem>> -> memref<16x2048xf32, #tpu.memory_space<vmem>>
      tpu.vector_store_idx %scatter3A_401[%broadcast_in_dim3A_155, %broadcast_in_dim3A_396], %broadcast_in_dim3A_6 masked %eq3A_5 {add = true} : memref<16x2048xf32, #tpu.memory_space<vmem>>[vector<16xi32>, vector<16xi32>], vector<16xf32>, vector<16xi1>
      %slice3A_402 = vector.extract_strided_slice %get3A_289 {offsets = [14], sizes = [1], strides = [1]} : vector<16xi32> to vector<1xi32>
      %squeeze3A_403 = vector.extract %slice3A_402[0] : i32 from vector<1xi32>
      %broadcast_in_dim3A_404 = vector.broadcast %squeeze3A_403 : i32 to vector<16xi32>
      %scatter3A_405 = arith.constant 1 : i32
      %scatter3A_406 = arith.constant 0 : i32
      %scatter3A_407 = arith.constant 0 : i32
      %scatter3A_408 = tpu.memref_slice %arg6[%scatter3A_405, %scatter3A_406, %scatter3A_407] : memref<2x16x2048xf32, #tpu.memory_space<vmem>> -> memref<1x16x2048xf32, #tpu.memory_space<vmem>>
      %scatter3A_409 = tpu.memref_squeeze %scatter3A_408 : memref<1x16x2048xf32, #tpu.memory_space<vmem>> -> memref<16x2048xf32, #tpu.memory_space<vmem>>
      tpu.vector_store_idx %scatter3A_409[%broadcast_in_dim3A_155, %broadcast_in_dim3A_404], %broadcast_in_dim3A_6 masked %eq3A_5 {add = true} : memref<16x2048xf32, #tpu.memory_space<vmem>>[vector<16xi32>, vector<16xi32>], vector<16xf32>, vector<16xi1>
      %slice3A_410 = vector.extract_strided_slice %get3A_289 {offsets = [15], sizes = [1], strides = [1]} : vector<16xi32> to vector<1xi32>
      %squeeze3A_411 = vector.extract %slice3A_410[0] : i32 from vector<1xi32>
      %broadcast_in_dim3A_412 = vector.broadcast %squeeze3A_411 : i32 to vector<16xi32>
      %scatter3A_413 = arith.constant 1 : i32
      %scatter3A_414 = arith.constant 0 : i32
      %scatter3A_415 = arith.constant 0 : i32
      %scatter3A_416 = tpu.memref_slice %arg6[%scatter3A_413, %scatter3A_414, %scatter3A_415] : memref<2x16x2048xf32, #tpu.memory_space<vmem>> -> memref<1x16x2048xf32, #tpu.memory_space<vmem>>
      %scatter3A_417 = tpu.memref_squeeze %scatter3A_416 : memref<1x16x2048xf32, #tpu.memory_space<vmem>> -> memref<16x2048xf32, #tpu.memory_space<vmem>>
      tpu.vector_store_idx %scatter3A_417[%broadcast_in_dim3A_155, %broadcast_in_dim3A_412], %broadcast_in_dim3A_6 masked %eq3A_5 {add = true} : memref<16x2048xf32, #tpu.memory_space<vmem>>[vector<16xi32>, vector<16xi32>], vector<16xf32>, vector<16xi1>
      %add3A_418 = arith.constant 48 : i32
      %add3A_419 = arith.addi %add3A_418, %scan3A_154 : i32
      %get3A_420 = arith.index_cast %add3A_419 : i32 to index
      %get3A_421 = arith.constant 32 : index
      %get3A_422 = tpu.vector_load %arg5[%get3A_420, %get3A_421] {strides = array<i32>} : memref<64x48xi32, #tpu.memory_space<vmem>>, vector<16xi32>,
      %slice3A_423 = vector.extract_strided_slice %get3A_422 {offsets = [0], sizes = [1], strides = [1]} : vector<16xi32> to vector<1xi32>
      %squeeze3A_424 = vector.extract %slice3A_423[0] : i32 from vector<1xi32>
      %broadcast_in_dim3A_425 = vector.broadcast %squeeze3A_424 : i32 to vector<16xi32>
      %scatter3A_426 = arith.constant 1 : i32
      %scatter3A_427 = arith.constant 0 : i32
      %scatter3A_428 = arith.constant 0 : i32
      %scatter3A_429 = tpu.memref_slice %arg6[%scatter3A_426, %scatter3A_427, %scatter3A_428] : memref<2x16x2048xf32, #tpu.memory_space<vmem>> -> memref<1x16x2048xf32, #tpu.memory_space<vmem>>
      %scatter3A_430 = tpu.memref_squeeze %scatter3A_429 : memref<1x16x2048xf32, #tpu.memory_space<vmem>> -> memref<16x2048xf32, #tpu.memory_space<vmem>>
      tpu.vector_store_idx %scatter3A_430[%broadcast_in_dim3A_155, %broadcast_in_dim3A_425], %broadcast_in_dim3A_6 masked %eq3A_5 {add = true} : memref<16x2048xf32, #tpu.memory_space<vmem>>[vector<16xi32>, vector<16xi32>], vector<16xf32>, vector<16xi1>
      %slice3A_431 = vector.extract_strided_slice %get3A_422 {offsets = [1], sizes = [1], strides = [1]} : vector<16xi32> to vector<1xi32>
      %squeeze3A_432 = vector.extract %slice3A_431[0] : i32 from vector<1xi32>
      %broadcast_in_dim3A_433 = vector.broadcast %squeeze3A_432 : i32 to vector<16xi32>
      %scatter3A_434 = arith.constant 1 : i32
      %scatter3A_435 = arith.constant 0 : i32
      %scatter3A_436 = arith.constant 0 : i32
      %scatter3A_437 = tpu.memref_slice %arg6[%scatter3A_434, %scatter3A_435, %scatter3A_436] : memref<2x16x2048xf32, #tpu.memory_space<vmem>> -> memref<1x16x2048xf32, #tpu.memory_space<vmem>>
      %scatter3A_438 = tpu.memref_squeeze %scatter3A_437 : memref<1x16x2048xf32, #tpu.memory_space<vmem>> -> memref<16x2048xf32, #tpu.memory_space<vmem>>
      tpu.vector_store_idx %scatter3A_438[%broadcast_in_dim3A_155, %broadcast_in_dim3A_433], %broadcast_in_dim3A_6 masked %eq3A_5 {add = true} : memref<16x2048xf32, #tpu.memory_space<vmem>>[vector<16xi32>, vector<16xi32>], vector<16xf32>, vector<16xi1>
      %slice3A_439 = vector.extract_strided_slice %get3A_422 {offsets = [2], sizes = [1], strides = [1]} : vector<16xi32> to vector<1xi32>
      %squeeze3A_440 = vector.extract %slice3A_439[0] : i32 from vector<1xi32>
      %broadcast_in_dim3A_441 = vector.broadcast %squeeze3A_440 : i32 to vector<16xi32>
      %scatter3A_442 = arith.constant 1 : i32
      %scatter3A_443 = arith.constant 0 : i32
      %scatter3A_444 = arith.constant 0 : i32
      %scatter3A_445 = tpu.memref_slice %arg6[%scatter3A_442, %scatter3A_443, %scatter3A_444] : memref<2x16x2048xf32, #tpu.memory_space<vmem>> -> memref<1x16x2048xf32, #tpu.memory_space<vmem>>
      %scatter3A_446 = tpu.memref_squeeze %scatter3A_445 : memref<1x16x2048xf32, #tpu.memory_space<vmem>> -> memref<16x2048xf32, #tpu.memory_space<vmem>>
      tpu.vector_store_idx %scatter3A_446[%broadcast_in_dim3A_155, %broadcast_in_dim3A_441], %broadcast_in_dim3A_6 masked %eq3A_5 {add = true} : memref<16x2048xf32, #tpu.memory_space<vmem>>[vector<16xi32>, vector<16xi32>], vector<16xf32>, vector<16xi1>
      %slice3A_447 = vector.extract_strided_slice %get3A_422 {offsets = [3], sizes = [1], strides = [1]} : vector<16xi32> to vector<1xi32>
      %squeeze3A_448 = vector.extract %slice3A_447[0] : i32 from vector<1xi32>
      %broadcast_in_dim3A_449 = vector.broadcast %squeeze3A_448 : i32 to vector<16xi32>
      %scatter3A_450 = arith.constant 1 : i32
      %scatter3A_451 = arith.constant 0 : i32
      %scatter3A_452 = arith.constant 0 : i32
      %scatter3A_453 = tpu.memref_slice %arg6[%scatter3A_450, %scatter3A_451, %scatter3A_452] : memref<2x16x2048xf32, #tpu.memory_space<vmem>> -> memref<1x16x2048xf32, #tpu.memory_space<vmem>>
      %scatter3A_454 = tpu.memref_squeeze %scatter3A_453 : memref<1x16x2048xf32, #tpu.memory_space<vmem>> -> memref<16x2048xf32, #tpu.memory_space<vmem>>
      tpu.vector_store_idx %scatter3A_454[%broadcast_in_dim3A_155, %broadcast_in_dim3A_449], %broadcast_in_dim3A_6 masked %eq3A_5 {add = true} : memref<16x2048xf32, #tpu.memory_space<vmem>>[vector<16xi32>, vector<16xi32>], vector<16xf32>, vector<16xi1>
      %slice3A_455 = vector.extract_strided_slice %get3A_422 {offsets = [4], sizes = [1], strides = [1]} : vector<16xi32> to vector<1xi32>
      %squeeze3A_456 = vector.extract %slice3A_455[0] : i32 from vector<1xi32>
      %broadcast_in_dim3A_457 = vector.broadcast %squeeze3A_456 : i32 to vector<16xi32>
      %scatter3A_458 = arith.constant 1 : i32
      %scatter3A_459 = arith.constant 0 : i32
      %scatter3A_460 = arith.constant 0 : i32
      %scatter3A_461 = tpu.memref_slice %arg6[%scatter3A_458, %scatter3A_459, %scatter3A_460] : memref<2x16x2048xf32, #tpu.memory_space<vmem>> -> memref<1x16x2048xf32, #tpu.memory_space<vmem>>
      %scatter3A_462 = tpu.memref_squeeze %scatter3A_461 : memref<1x16x2048xf32, #tpu.memory_space<vmem>> -> memref<16x2048xf32, #tpu.memory_space<vmem>>
      tpu.vector_store_idx %scatter3A_462[%broadcast_in_dim3A_155, %broadcast_in_dim3A_457], %broadcast_in_dim3A_6 masked %eq3A_5 {add = true} : memref<16x2048xf32, #tpu.memory_space<vmem>>[vector<16xi32>, vector<16xi32>], vector<16xf32>, vector<16xi1>
      %slice3A_463 = vector.extract_strided_slice %get3A_422 {offsets = [5], sizes = [1], strides = [1]} : vector<16xi32> to vector<1xi32>
      %squeeze3A_464 = vector.extract %slice3A_463[0] : i32 from vector<1xi32>
      %broadcast_in_dim3A_465 = vector.broadcast %squeeze3A_464 : i32 to vector<16xi32>
      %scatter3A_466 = arith.constant 1 : i32
      %scatter3A_467 = arith.constant 0 : i32
      %scatter3A_468 = arith.constant 0 : i32
      %scatter3A_469 = tpu.memref_slice %arg6[%scatter3A_466, %scatter3A_467, %scatter3A_468] : memref<2x16x2048xf32, #tpu.memory_space<vmem>> -> memref<1x16x2048xf32, #tpu.memory_space<vmem>>
      %scatter3A_470 = tpu.memref_squeeze %scatter3A_469 : memref<1x16x2048xf32, #tpu.memory_space<vmem>> -> memref<16x2048xf32, #tpu.memory_space<vmem>>
      tpu.vector_store_idx %scatter3A_470[%broadcast_in_dim3A_155, %broadcast_in_dim3A_465], %broadcast_in_dim3A_6 masked %eq3A_5 {add = true} : memref<16x2048xf32, #tpu.memory_space<vmem>>[vector<16xi32>, vector<16xi32>], vector<16xf32>, vector<16xi1>
      %slice3A_471 = vector.extract_strided_slice %get3A_422 {offsets = [6], sizes = [1], strides = [1]} : vector<16xi32> to vector<1xi32>
      %squeeze3A_472 = vector.extract %slice3A_471[0] : i32 from vector<1xi32>
      %broadcast_in_dim3A_473 = vector.broadcast %squeeze3A_472 : i32 to vector<16xi32>
      %scatter3A_474 = arith.constant 1 : i32
      %scatter3A_475 = arith.constant 0 : i32
      %scatter3A_476 = arith.constant 0 : i32
      %scatter3A_477 = tpu.memref_slice %arg6[%scatter3A_474, %scatter3A_475, %scatter3A_476] : memref<2x16x2048xf32, #tpu.memory_space<vmem>> -> memref<1x16x2048xf32, #tpu.memory_space<vmem>>
      %scatter3A_478 = tpu.memref_squeeze %scatter3A_477 : memref<1x16x2048xf32, #tpu.memory_space<vmem>> -> memref<16x2048xf32, #tpu.memory_space<vmem>>
      tpu.vector_store_idx %scatter3A_478[%broadcast_in_dim3A_155, %broadcast_in_dim3A_473], %broadcast_in_dim3A_6 masked %eq3A_5 {add = true} : memref<16x2048xf32, #tpu.memory_space<vmem>>[vector<16xi32>, vector<16xi32>], vector<16xf32>, vector<16xi1>
      %slice3A_479 = vector.extract_strided_slice %get3A_422 {offsets = [7], sizes = [1], strides = [1]} : vector<16xi32> to vector<1xi32>
      %squeeze3A_480 = vector.extract %slice3A_479[0] : i32 from vector<1xi32>
      %broadcast_in_dim3A_481 = vector.broadcast %squeeze3A_480 : i32 to vector<16xi32>
      %scatter3A_482 = arith.constant 1 : i32
      %scatter3A_483 = arith.constant 0 : i32
      %scatter3A_484 = arith.constant 0 : i32
      %scatter3A_485 = tpu.memref_slice %arg6[%scatter3A_482, %scatter3A_483, %scatter3A_484] : memref<2x16x2048xf32, #tpu.memory_space<vmem>> -> memref<1x16x2048xf32, #tpu.memory_space<vmem>>
      %scatter3A_486 = tpu.memref_squeeze %scatter3A_485 : memref<1x16x2048xf32, #tpu.memory_space<vmem>> -> memref<16x2048xf32, #tpu.memory_space<vmem>>
      tpu.vector_store_idx %scatter3A_486[%broadcast_in_dim3A_155, %broadcast_in_dim3A_481], %broadcast_in_dim3A_6 masked %eq3A_5 {add = true} : memref<16x2048xf32, #tpu.memory_space<vmem>>[vector<16xi32>, vector<16xi32>], vector<16xf32>, vector<16xi1>
    }
    %scan3A_112 = arith.constant 16 : i32
    %add3A_113 = arith.constant 48 : i32
    %add3A_114 = arith.addi %mul3A_2, %add3A_113 : i32
    %dma_start3A_115 = arith.constant 1 : i32
    %dma_start3A_116 = arith.constant 0 : i32
    %dma_start3A_117 = arith.constant 0 : i32
    %dma_start3A_118 = tpu.memref_slice %arg6[%dma_start3A_115, %dma_start3A_116, %dma_start3A_117] : memref<2x16x2048xf32, #tpu.memory_space<vmem>> -> memref<1x16x2048xf32, #tpu.memory_space<vmem>>
    %dma_start3A_119 = tpu.memref_squeeze %dma_start3A_118 : memref<1x16x2048xf32, #tpu.memory_space<vmem>> -> memref<16x2048xf32, #tpu.memory_space<vmem>>
    %dma_start3A_120 = arith.constant 0 : i32
    %dma_start3A_121 = tpu.memref_slice %arg4[%add3A_114, %dma_start3A_120] : memref<2048x2048xf32, #tpu.memory_space<hbm>> -> memref<16x2048xf32, #tpu.memory_space<hbm>>
    %dma_start3A_122 = arith.constant 0 : i32
    %dma_start3A_123 = tpu.memref_slice %arg4[%add3A_114, %dma_start3A_122] : memref<2048x2048xf32, #tpu.memory_space<hbm>> -> memref<16x2048xf32, #tpu.memory_space<hbm>>
    %dma_start3A_124 = arith.constant 0 : i32
    %dma_start3A_125 = arith.constant 0 : i32
    %dma_start3A_126 = tpu.memref_slice %arg6[%dma_start3A_115, %dma_start3A_124, %dma_start3A_125] : memref<2x16x2048xf32, #tpu.memory_space<vmem>> -> memref<1x16x2048xf32, #tpu.memory_space<vmem>>
    %dma_start3A_127 = tpu.memref_squeeze %dma_start3A_126 : memref<1x16x2048xf32, #tpu.memory_space<vmem>> -> memref<16x2048xf32, #tpu.memory_space<vmem>>
    tpu.enqueue_dma source(%dma_start3A_127 : memref<16x2048xf32, #tpu.memory_space<vmem>>) target(%dma_start3A_123 : memref<16x2048xf32, #tpu.memory_space<hbm>>) target_semaphore(%arg8 : memref<!tpu.dma_semaphore, #tpu.memory_space<semaphore_mem>>)
    %dma_wait3A_128 = arith.constant 0 : i32
    %dma_wait3A_129 = arith.constant 0 : i32
    %dma_wait3A_130 = arith.constant 0 : i32
    %dma_wait3A_131 = tpu.memref_slice %arg6[%dma_wait3A_128, %dma_wait3A_129, %dma_wait3A_130] : memref<2x16x2048xf32, #tpu.memory_space<vmem>> -> memref<1x16x2048xf32, #tpu.memory_space<vmem>>
    %dma_wait3A_132 = tpu.memref_squeeze %dma_wait3A_131 : memref<1x16x2048xf32, #tpu.memory_space<vmem>> -> memref<16x2048xf32, #tpu.memory_space<vmem>>
    %dma_wait3A_133 = arith.constant 0 : i32
    %dma_wait3A_134 = tpu.memref_slice %arg4[%add3A_74, %dma_wait3A_133] : memref<2048x2048xf32, #tpu.memory_space<hbm>> -> memref<16x2048xf32, #tpu.memory_space<hbm>>
    %dma_wait3A_135 = arith.constant 0 : i32
    %dma_wait3A_136 = tpu.memref_slice %arg4[%add3A_74, %dma_wait3A_135] : memref<2048x2048xf32, #tpu.memory_space<hbm>> -> memref<16x2048xf32, #tpu.memory_space<hbm>>
    %dma_wait3A_137 = arith.constant 0 : i32
    %dma_wait3A_138 = arith.constant 0 : i32
    %dma_wait3A_139 = tpu.memref_slice %arg6[%dma_wait3A_128, %dma_wait3A_137, %dma_wait3A_138] : memref<2x16x2048xf32, #tpu.memory_space<vmem>> -> memref<1x16x2048xf32, #tpu.memory_space<vmem>>
    %dma_wait3A_140 = tpu.memref_squeeze %dma_wait3A_139 : memref<1x16x2048xf32, #tpu.memory_space<vmem>> -> memref<16x2048xf32, #tpu.memory_space<vmem>>
    tpu.wait_dma2 semaphore(%arg7 : memref<!tpu.dma_semaphore, #tpu.memory_space<semaphore_mem>>) src(%dma_wait3A_140 : memref<16x2048xf32, #tpu.memory_space<vmem>>) dst(%dma_wait3A_136 : memref<16x2048xf32, #tpu.memory_space<hbm>>)
    %dma_wait3A_141 = arith.constant 1 : i32
    %dma_wait3A_142 = arith.constant 0 : i32
    %dma_wait3A_143 = arith.constant 0 : i32
    %dma_wait3A_144 = tpu.memref_slice %arg6[%dma_wait3A_141, %dma_wait3A_142, %dma_wait3A_143] : memref<2x16x2048xf32, #tpu.memory_space<vmem>> -> memref<1x16x2048xf32, #tpu.memory_space<vmem>>
    %dma_wait3A_145 = tpu.memref_squeeze %dma_wait3A_144 : memref<1x16x2048xf32, #tpu.memory_space<vmem>> -> memref<16x2048xf32, #tpu.memory_space<vmem>>
    %dma_wait3A_146 = arith.constant 0 : i32
    %dma_wait3A_147 = tpu.memref_slice %arg4[%add3A_114, %dma_wait3A_146] : memref<2048x2048xf32, #tpu.memory_space<hbm>> -> memref<16x2048xf32, #tpu.memory_space<hbm>>
    %dma_wait3A_148 = arith.constant 0 : i32
    %dma_wait3A_149 = tpu.memref_slice %arg4[%add3A_114, %dma_wait3A_148] : memref<2048x2048xf32, #tpu.memory_space<hbm>> -> memref<16x2048xf32, #tpu.memory_space<hbm>>
    %dma_wait3A_150 = arith.constant 0 : i32
    %dma_wait3A_151 = arith.constant 0 : i32
    %dma_wait3A_152 = tpu.memref_slice %arg6[%dma_wait3A_141, %dma_wait3A_150, %dma_wait3A_151] : memref<2x16x2048xf32, #tpu.memory_space<vmem>> -> memref<1x16x2048xf32, #tpu.memory_space<vmem>>
    %dma_wait3A_153 = tpu.memref_squeeze %dma_wait3A_152 : memref<1x16x2048xf32, #tpu.memory_space<vmem>> -> memref<16x2048xf32, #tpu.memory_space<vmem>>
    tpu.wait_dma2 semaphore(%arg8 : memref<!tpu.dma_semaphore, #tpu.memory_space<semaphore_mem>>) src(%dma_wait3A_153 : memref<16x2048xf32, #tpu.memory_space<vmem>>) dst(%dma_wait3A_149 : memref<16x2048xf32, #tpu.memory_space<hbm>>)
    return
  }
}

module attributes {stable_mosaic.version = 14 : i64} {
  func.func @_m_body(%arg0: i32, %arg1: memref<256x1024xf32, #tpu.memory_space<vmem>>, %arg2: memref<2048x1024xf32, #tpu.memory_space<vmem>>, %arg3: memref<256x2048xf32, #tpu.memory_space<vmem>>, %arg4: memref<16x1x128xf32, #tpu.memory_space<vmem>>, %arg5: memref<16x2048xf32, #tpu.memory_space<vmem>>) attributes {dimension_semantics = [#tpu.dimension_semantics<arbitrary>], iteration_bounds = array<i64: 8>, scalar_prefetch = 0 : i64, scratch_operands = 1 : i64, tpu.core_type = #tpu.core_type<tc>, window_params = [{transform_indices = @transform_0, window_bounds = array<i64: 256, 1024>}, {pipeline_mode = #tpu.pipeline_mode<synchronous>, transform_indices = @transform_1, window_bounds = array<i64: 2048, 1024>}, {transform_indices = @transform_2, window_bounds = array<i64: 256, 2048>}, {pipeline_mode = #tpu.pipeline_mode<synchronous>, transform_indices = @transform_3, window_bounds = array<i64: 16, 1, 128>}]} {
    %get3A = arith.constant 0 : index
    %get3A_0 = arith.constant 0 : index
    %get3A_1 = vector.load %arg3[%get3A, %get3A_0] : memref<256x2048xf32, #tpu.memory_space<vmem>>, vector<256x2048xf32>
    %gt3A = arith.constant 0.000000e+00 : f32
    %gt3A_2 = vector.broadcast %gt3A : f32 to vector<256x2048xf32>
    %gt3A_3 = arith.cmpf ogt, %get3A_1, %gt3A_2 : vector<256x2048xf32>
    %jit3A = arith.constant 0.000000e+00 : f32
    %jit3A_4 = arith.constant 0xFF800000 : f32
    %broadcast_in_dim3A = vector.broadcast %jit3A : f32 to vector<256x2048xf32>
    %broadcast_in_dim3A_5 = vector.broadcast %jit3A_4 : f32 to vector<256x2048xf32>
    %select_n3A = arith.select %gt3A_3, %broadcast_in_dim3A, %broadcast_in_dim3A_5 : vector<256x2048xi1>, vector<256x2048xf32>
    %get3A_6 = arith.constant 0 : index
    %get3A_7 = arith.constant 0 : index
    %get3A_8 = vector.load %arg2[%get3A_6, %get3A_7] : memref<2048x1024xf32, #tpu.memory_space<vmem>>, vector<2048x1024xf32>
    %dot_general3A = arith.constant dense<0.000000e+00> : vector<256x1024xf32>
    %dot_general3A_9 = tpu.matmul %get3A_1, %get3A_8, %dot_general3A {dimension_numbers = #tpu.dot_dimension_numbers<[1], [0], [0], [1], [0, 0, 1, 1], [], []>, transpose_lhs_hint = false} : vector<256x2048xf32>, vector<2048x1024xf32>, vector<256x1024xf32> -> vector<256x1024xf32>
    %get3A_10 = arith.constant 0 : index
    %get3A_11 = arith.constant 0 : index
    %get3A_12 = vector.load %arg1[%get3A_10, %get3A_11] : memref<256x1024xf32, #tpu.memory_space<vmem>>, vector<256x64xf32>
    %get3A_13 = arith.constant 0 : index
    %get3A_14 = arith.constant 0 : index
    %get3A_15 = vector.load %arg2[%get3A_13, %get3A_14] : memref<2048x1024xf32, #tpu.memory_space<vmem>>, vector<2048x64xf32>
    %dot_general3A_16 = arith.constant dense<0.000000e+00> : vector<256x2048xf32>
    %dot_general3A_17 = tpu.matmul %get3A_12, %get3A_15, %dot_general3A_16 {dimension_numbers = #tpu.dot_dimension_numbers<[1], [1], [0], [0], [0, 0, 1, 0], [], []>, transpose_lhs_hint = false} : vector<256x64xf32>, vector<2048x64xf32>, vector<256x2048xf32> -> vector<256x2048xf32>
    %add3A = arith.addf %dot_general3A_17, %select_n3A : vector<256x2048xf32>
    %reduce_max3A = arith.constant dense<0xFF800000> : vector<256xf32>
    %reduce_max3A_18 = vector.multi_reduction <maximumf>, %add3A, %reduce_max3A [1] : vector<256x2048xf32> to vector<256xf32>
    %slice3A = vector.extract_strided_slice %dot_general3A_9 {offsets = [0, 0], sizes = [256, 64], strides = [1, 1]} : vector<256x1024xf32> to vector<256x64xf32>
    %mul3A = arith.mulf %get3A_12, %slice3A : vector<256x64xf32>
    %reduce_sum3A = arith.constant dense<0.000000e+00> : vector<256xf32>
    %reduce_sum3A_19 = vector.multi_reduction <add>, %mul3A, %reduce_sum3A [1] : vector<256x64xf32> to vector<256xf32>
    %mul3A_20 = arith.constant 4.8828125E-4 : f32
    %mul3A_21 = vector.broadcast %mul3A_20 : f32 to vector<256xf32>
    %mul3A_22 = arith.mulf %reduce_sum3A_19, %mul3A_21 : vector<256xf32>
    %sub3A = arith.subf %reduce_max3A_18, %mul3A_22 : vector<256xf32>
    %broadcast_in_dim3A_23 = vector.shape_cast %sub3A : vector<256xf32> to vector<1x256xf32>
    %mul3A_24 = arith.constant 256 : i32
    %mul3A_25 = arith.muli %arg0, %mul3A_24 : i32
    %swap3A = arith.constant 0 : index
    %swap3A_26 = arith.index_cast %mul3A_25 : i32 to index
    %swap3A_27 = vector.load %arg5[%swap3A, %swap3A_26] : memref<16x2048xf32, #tpu.memory_space<vmem>>, vector<1x256xf32>
    tpu.vector_store %arg5[%swap3A, %swap3A_26], %broadcast_in_dim3A_23 {strides = array<i32>} : memref<16x2048xf32, #tpu.memory_space<vmem>>, vector<1x256xf32>,
    %get3A_28 = arith.constant 0 : index
    %get3A_29 = arith.constant 64 : index
    %get3A_30 = vector.load %arg1[%get3A_28, %get3A_29] : memref<256x1024xf32, #tpu.memory_space<vmem>>, vector<256x64xf32>
    %get3A_31 = arith.constant 0 : index
    %get3A_32 = arith.constant 64 : index
    %get3A_33 = vector.load %arg2[%get3A_31, %get3A_32] : memref<2048x1024xf32, #tpu.memory_space<vmem>>, vector<2048x64xf32>
    %dot_general3A_34 = arith.constant dense<0.000000e+00> : vector<256x2048xf32>
    %dot_general3A_35 = tpu.matmul %get3A_30, %get3A_33, %dot_general3A_34 {dimension_numbers = #tpu.dot_dimension_numbers<[1], [1], [0], [0], [0, 0, 1, 0], [], []>, transpose_lhs_hint = false} : vector<256x64xf32>, vector<2048x64xf32>, vector<256x2048xf32> -> vector<256x2048xf32>
    %add3A_36 = arith.addf %dot_general3A_35, %select_n3A : vector<256x2048xf32>
    %reduce_max3A_37 = arith.constant dense<0xFF800000> : vector<256xf32>
    %reduce_max3A_38 = vector.multi_reduction <maximumf>, %add3A_36, %reduce_max3A_37 [1] : vector<256x2048xf32> to vector<256xf32>
    %slice3A_39 = vector.extract_strided_slice %dot_general3A_9 {offsets = [0, 64], sizes = [256, 64], strides = [1, 1]} : vector<256x1024xf32> to vector<256x64xf32>
    %mul3A_40 = arith.mulf %get3A_30, %slice3A_39 : vector<256x64xf32>
    %reduce_sum3A_41 = arith.constant dense<0.000000e+00> : vector<256xf32>
    %reduce_sum3A_42 = vector.multi_reduction <add>, %mul3A_40, %reduce_sum3A_41 [1] : vector<256x64xf32> to vector<256xf32>
    %mul3A_43 = arith.constant 4.8828125E-4 : f32
    %mul3A_44 = vector.broadcast %mul3A_43 : f32 to vector<256xf32>
    %mul3A_45 = arith.mulf %reduce_sum3A_42, %mul3A_44 : vector<256xf32>
    %sub3A_46 = arith.subf %reduce_max3A_38, %mul3A_45 : vector<256xf32>
    %broadcast_in_dim3A_47 = vector.shape_cast %sub3A_46 : vector<256xf32> to vector<1x256xf32>
    %mul3A_48 = arith.constant 256 : i32
    %mul3A_49 = arith.muli %arg0, %mul3A_48 : i32
    %swap3A_50 = arith.constant 1 : index
    %swap3A_51 = arith.index_cast %mul3A_49 : i32 to index
    %swap3A_52 = vector.load %arg5[%swap3A_50, %swap3A_51] : memref<16x2048xf32, #tpu.memory_space<vmem>>, vector<1x256xf32>
    tpu.vector_store %arg5[%swap3A_50, %swap3A_51], %broadcast_in_dim3A_47 {strides = array<i32>} : memref<16x2048xf32, #tpu.memory_space<vmem>>, vector<1x256xf32>,
    %get3A_53 = arith.constant 0 : index
    %get3A_54 = arith.constant 128 : index
    %get3A_55 = vector.load %arg1[%get3A_53, %get3A_54] : memref<256x1024xf32, #tpu.memory_space<vmem>>, vector<256x64xf32>
    %get3A_56 = arith.constant 0 : index
    %get3A_57 = arith.constant 128 : index
    %get3A_58 = vector.load %arg2[%get3A_56, %get3A_57] : memref<2048x1024xf32, #tpu.memory_space<vmem>>, vector<2048x64xf32>
    %dot_general3A_59 = arith.constant dense<0.000000e+00> : vector<256x2048xf32>
    %dot_general3A_60 = tpu.matmul %get3A_55, %get3A_58, %dot_general3A_59 {dimension_numbers = #tpu.dot_dimension_numbers<[1], [1], [0], [0], [0, 0, 1, 0], [], []>, transpose_lhs_hint = false} : vector<256x64xf32>, vector<2048x64xf32>, vector<256x2048xf32> -> vector<256x2048xf32>
    %add3A_61 = arith.addf %dot_general3A_60, %select_n3A : vector<256x2048xf32>
    %reduce_max3A_62 = arith.constant dense<0xFF800000> : vector<256xf32>
    %reduce_max3A_63 = vector.multi_reduction <maximumf>, %add3A_61, %reduce_max3A_62 [1] : vector<256x2048xf32> to vector<256xf32>
    %slice3A_64 = vector.extract_strided_slice %dot_general3A_9 {offsets = [0, 128], sizes = [256, 64], strides = [1, 1]} : vector<256x1024xf32> to vector<256x64xf32>
    %mul3A_65 = arith.mulf %get3A_55, %slice3A_64 : vector<256x64xf32>
    %reduce_sum3A_66 = arith.constant dense<0.000000e+00> : vector<256xf32>
    %reduce_sum3A_67 = vector.multi_reduction <add>, %mul3A_65, %reduce_sum3A_66 [1] : vector<256x64xf32> to vector<256xf32>
    %mul3A_68 = arith.constant 4.8828125E-4 : f32
    %mul3A_69 = vector.broadcast %mul3A_68 : f32 to vector<256xf32>
    %mul3A_70 = arith.mulf %reduce_sum3A_67, %mul3A_69 : vector<256xf32>
    %sub3A_71 = arith.subf %reduce_max3A_63, %mul3A_70 : vector<256xf32>
    %broadcast_in_dim3A_72 = vector.shape_cast %sub3A_71 : vector<256xf32> to vector<1x256xf32>
    %mul3A_73 = arith.constant 256 : i32
    %mul3A_74 = arith.muli %arg0, %mul3A_73 : i32
    %swap3A_75 = arith.constant 2 : index
    %swap3A_76 = arith.index_cast %mul3A_74 : i32 to index
    %swap3A_77 = vector.load %arg5[%swap3A_75, %swap3A_76] : memref<16x2048xf32, #tpu.memory_space<vmem>>, vector<1x256xf32>
    tpu.vector_store %arg5[%swap3A_75, %swap3A_76], %broadcast_in_dim3A_72 {strides = array<i32>} : memref<16x2048xf32, #tpu.memory_space<vmem>>, vector<1x256xf32>,
    %get3A_78 = arith.constant 0 : index
    %get3A_79 = arith.constant 192 : index
    %get3A_80 = vector.load %arg1[%get3A_78, %get3A_79] : memref<256x1024xf32, #tpu.memory_space<vmem>>, vector<256x64xf32>
    %get3A_81 = arith.constant 0 : index
    %get3A_82 = arith.constant 192 : index
    %get3A_83 = vector.load %arg2[%get3A_81, %get3A_82] : memref<2048x1024xf32, #tpu.memory_space<vmem>>, vector<2048x64xf32>
    %dot_general3A_84 = arith.constant dense<0.000000e+00> : vector<256x2048xf32>
    %dot_general3A_85 = tpu.matmul %get3A_80, %get3A_83, %dot_general3A_84 {dimension_numbers = #tpu.dot_dimension_numbers<[1], [1], [0], [0], [0, 0, 1, 0], [], []>, transpose_lhs_hint = false} : vector<256x64xf32>, vector<2048x64xf32>, vector<256x2048xf32> -> vector<256x2048xf32>
    %add3A_86 = arith.addf %dot_general3A_85, %select_n3A : vector<256x2048xf32>
    %reduce_max3A_87 = arith.constant dense<0xFF800000> : vector<256xf32>
    %reduce_max3A_88 = vector.multi_reduction <maximumf>, %add3A_86, %reduce_max3A_87 [1] : vector<256x2048xf32> to vector<256xf32>
    %slice3A_89 = vector.extract_strided_slice %dot_general3A_9 {offsets = [0, 192], sizes = [256, 64], strides = [1, 1]} : vector<256x1024xf32> to vector<256x64xf32>
    %mul3A_90 = arith.mulf %get3A_80, %slice3A_89 : vector<256x64xf32>
    %reduce_sum3A_91 = arith.constant dense<0.000000e+00> : vector<256xf32>
    %reduce_sum3A_92 = vector.multi_reduction <add>, %mul3A_90, %reduce_sum3A_91 [1] : vector<256x64xf32> to vector<256xf32>
    %mul3A_93 = arith.constant 4.8828125E-4 : f32
    %mul3A_94 = vector.broadcast %mul3A_93 : f32 to vector<256xf32>
    %mul3A_95 = arith.mulf %reduce_sum3A_92, %mul3A_94 : vector<256xf32>
    %sub3A_96 = arith.subf %reduce_max3A_88, %mul3A_95 : vector<256xf32>
    %broadcast_in_dim3A_97 = vector.shape_cast %sub3A_96 : vector<256xf32> to vector<1x256xf32>
    %mul3A_98 = arith.constant 256 : i32
    %mul3A_99 = arith.muli %arg0, %mul3A_98 : i32
    %swap3A_100 = arith.constant 3 : index
    %swap3A_101 = arith.index_cast %mul3A_99 : i32 to index
    %swap3A_102 = vector.load %arg5[%swap3A_100, %swap3A_101] : memref<16x2048xf32, #tpu.memory_space<vmem>>, vector<1x256xf32>
    tpu.vector_store %arg5[%swap3A_100, %swap3A_101], %broadcast_in_dim3A_97 {strides = array<i32>} : memref<16x2048xf32, #tpu.memory_space<vmem>>, vector<1x256xf32>,
    %get3A_103 = arith.constant 0 : index
    %get3A_104 = arith.constant 256 : index
    %get3A_105 = vector.load %arg1[%get3A_103, %get3A_104] : memref<256x1024xf32, #tpu.memory_space<vmem>>, vector<256x64xf32>
    %get3A_106 = arith.constant 0 : index
    %get3A_107 = arith.constant 256 : index
    %get3A_108 = vector.load %arg2[%get3A_106, %get3A_107] : memref<2048x1024xf32, #tpu.memory_space<vmem>>, vector<2048x64xf32>
    %dot_general3A_109 = arith.constant dense<0.000000e+00> : vector<256x2048xf32>
    %dot_general3A_110 = tpu.matmul %get3A_105, %get3A_108, %dot_general3A_109 {dimension_numbers = #tpu.dot_dimension_numbers<[1], [1], [0], [0], [0, 0, 1, 0], [], []>, transpose_lhs_hint = false} : vector<256x64xf32>, vector<2048x64xf32>, vector<256x2048xf32> -> vector<256x2048xf32>
    %add3A_111 = arith.addf %dot_general3A_110, %select_n3A : vector<256x2048xf32>
    %reduce_max3A_112 = arith.constant dense<0xFF800000> : vector<256xf32>
    %reduce_max3A_113 = vector.multi_reduction <maximumf>, %add3A_111, %reduce_max3A_112 [1] : vector<256x2048xf32> to vector<256xf32>
    %slice3A_114 = vector.extract_strided_slice %dot_general3A_9 {offsets = [0, 256], sizes = [256, 64], strides = [1, 1]} : vector<256x1024xf32> to vector<256x64xf32>
    %mul3A_115 = arith.mulf %get3A_105, %slice3A_114 : vector<256x64xf32>
    %reduce_sum3A_116 = arith.constant dense<0.000000e+00> : vector<256xf32>
    %reduce_sum3A_117 = vector.multi_reduction <add>, %mul3A_115, %reduce_sum3A_116 [1] : vector<256x64xf32> to vector<256xf32>
    %mul3A_118 = arith.constant 4.8828125E-4 : f32
    %mul3A_119 = vector.broadcast %mul3A_118 : f32 to vector<256xf32>
    %mul3A_120 = arith.mulf %reduce_sum3A_117, %mul3A_119 : vector<256xf32>
    %sub3A_121 = arith.subf %reduce_max3A_113, %mul3A_120 : vector<256xf32>
    %broadcast_in_dim3A_122 = vector.shape_cast %sub3A_121 : vector<256xf32> to vector<1x256xf32>
    %mul3A_123 = arith.constant 256 : i32
    %mul3A_124 = arith.muli %arg0, %mul3A_123 : i32
    %swap3A_125 = arith.constant 4 : index
    %swap3A_126 = arith.index_cast %mul3A_124 : i32 to index
    %swap3A_127 = vector.load %arg5[%swap3A_125, %swap3A_126] : memref<16x2048xf32, #tpu.memory_space<vmem>>, vector<1x256xf32>
    tpu.vector_store %arg5[%swap3A_125, %swap3A_126], %broadcast_in_dim3A_122 {strides = array<i32>} : memref<16x2048xf32, #tpu.memory_space<vmem>>, vector<1x256xf32>,
    %get3A_128 = arith.constant 0 : index
    %get3A_129 = arith.constant 320 : index
    %get3A_130 = vector.load %arg1[%get3A_128, %get3A_129] : memref<256x1024xf32, #tpu.memory_space<vmem>>, vector<256x64xf32>
    %get3A_131 = arith.constant 0 : index
    %get3A_132 = arith.constant 320 : index
    %get3A_133 = vector.load %arg2[%get3A_131, %get3A_132] : memref<2048x1024xf32, #tpu.memory_space<vmem>>, vector<2048x64xf32>
    %dot_general3A_134 = arith.constant dense<0.000000e+00> : vector<256x2048xf32>
    %dot_general3A_135 = tpu.matmul %get3A_130, %get3A_133, %dot_general3A_134 {dimension_numbers = #tpu.dot_dimension_numbers<[1], [1], [0], [0], [0, 0, 1, 0], [], []>, transpose_lhs_hint = false} : vector<256x64xf32>, vector<2048x64xf32>, vector<256x2048xf32> -> vector<256x2048xf32>
    %add3A_136 = arith.addf %dot_general3A_135, %select_n3A : vector<256x2048xf32>
    %reduce_max3A_137 = arith.constant dense<0xFF800000> : vector<256xf32>
    %reduce_max3A_138 = vector.multi_reduction <maximumf>, %add3A_136, %reduce_max3A_137 [1] : vector<256x2048xf32> to vector<256xf32>
    %slice3A_139 = vector.extract_strided_slice %dot_general3A_9 {offsets = [0, 320], sizes = [256, 64], strides = [1, 1]} : vector<256x1024xf32> to vector<256x64xf32>
    %mul3A_140 = arith.mulf %get3A_130, %slice3A_139 : vector<256x64xf32>
    %reduce_sum3A_141 = arith.constant dense<0.000000e+00> : vector<256xf32>
    %reduce_sum3A_142 = vector.multi_reduction <add>, %mul3A_140, %reduce_sum3A_141 [1] : vector<256x64xf32> to vector<256xf32>
    %mul3A_143 = arith.constant 4.8828125E-4 : f32
    %mul3A_144 = vector.broadcast %mul3A_143 : f32 to vector<256xf32>
    %mul3A_145 = arith.mulf %reduce_sum3A_142, %mul3A_144 : vector<256xf32>
    %sub3A_146 = arith.subf %reduce_max3A_138, %mul3A_145 : vector<256xf32>
    %broadcast_in_dim3A_147 = vector.shape_cast %sub3A_146 : vector<256xf32> to vector<1x256xf32>
    %mul3A_148 = arith.constant 256 : i32
    %mul3A_149 = arith.muli %arg0, %mul3A_148 : i32
    %swap3A_150 = arith.constant 5 : index
    %swap3A_151 = arith.index_cast %mul3A_149 : i32 to index
    %swap3A_152 = vector.load %arg5[%swap3A_150, %swap3A_151] : memref<16x2048xf32, #tpu.memory_space<vmem>>, vector<1x256xf32>
    tpu.vector_store %arg5[%swap3A_150, %swap3A_151], %broadcast_in_dim3A_147 {strides = array<i32>} : memref<16x2048xf32, #tpu.memory_space<vmem>>, vector<1x256xf32>,
    %get3A_153 = arith.constant 0 : index
    %get3A_154 = arith.constant 384 : index
    %get3A_155 = vector.load %arg1[%get3A_153, %get3A_154] : memref<256x1024xf32, #tpu.memory_space<vmem>>, vector<256x64xf32>
    %get3A_156 = arith.constant 0 : index
    %get3A_157 = arith.constant 384 : index
    %get3A_158 = vector.load %arg2[%get3A_156, %get3A_157] : memref<2048x1024xf32, #tpu.memory_space<vmem>>, vector<2048x64xf32>
    %dot_general3A_159 = arith.constant dense<0.000000e+00> : vector<256x2048xf32>
    %dot_general3A_160 = tpu.matmul %get3A_155, %get3A_158, %dot_general3A_159 {dimension_numbers = #tpu.dot_dimension_numbers<[1], [1], [0], [0], [0, 0, 1, 0], [], []>, transpose_lhs_hint = false} : vector<256x64xf32>, vector<2048x64xf32>, vector<256x2048xf32> -> vector<256x2048xf32>
    %add3A_161 = arith.addf %dot_general3A_160, %select_n3A : vector<256x2048xf32>
    %reduce_max3A_162 = arith.constant dense<0xFF800000> : vector<256xf32>
    %reduce_max3A_163 = vector.multi_reduction <maximumf>, %add3A_161, %reduce_max3A_162 [1] : vector<256x2048xf32> to vector<256xf32>
    %slice3A_164 = vector.extract_strided_slice %dot_general3A_9 {offsets = [0, 384], sizes = [256, 64], strides = [1, 1]} : vector<256x1024xf32> to vector<256x64xf32>
    %mul3A_165 = arith.mulf %get3A_155, %slice3A_164 : vector<256x64xf32>
    %reduce_sum3A_166 = arith.constant dense<0.000000e+00> : vector<256xf32>
    %reduce_sum3A_167 = vector.multi_reduction <add>, %mul3A_165, %reduce_sum3A_166 [1] : vector<256x64xf32> to vector<256xf32>
    %mul3A_168 = arith.constant 4.8828125E-4 : f32
    %mul3A_169 = vector.broadcast %mul3A_168 : f32 to vector<256xf32>
    %mul3A_170 = arith.mulf %reduce_sum3A_167, %mul3A_169 : vector<256xf32>
    %sub3A_171 = arith.subf %reduce_max3A_163, %mul3A_170 : vector<256xf32>
    %broadcast_in_dim3A_172 = vector.shape_cast %sub3A_171 : vector<256xf32> to vector<1x256xf32>
    %mul3A_173 = arith.constant 256 : i32
    %mul3A_174 = arith.muli %arg0, %mul3A_173 : i32
    %swap3A_175 = arith.constant 6 : index
    %swap3A_176 = arith.index_cast %mul3A_174 : i32 to index
    %swap3A_177 = vector.load %arg5[%swap3A_175, %swap3A_176] : memref<16x2048xf32, #tpu.memory_space<vmem>>, vector<1x256xf32>
    tpu.vector_store %arg5[%swap3A_175, %swap3A_176], %broadcast_in_dim3A_172 {strides = array<i32>} : memref<16x2048xf32, #tpu.memory_space<vmem>>, vector<1x256xf32>,
    %get3A_178 = arith.constant 0 : index
    %get3A_179 = arith.constant 448 : index
    %get3A_180 = vector.load %arg1[%get3A_178, %get3A_179] : memref<256x1024xf32, #tpu.memory_space<vmem>>, vector<256x64xf32>
    %get3A_181 = arith.constant 0 : index
    %get3A_182 = arith.constant 448 : index
    %get3A_183 = vector.load %arg2[%get3A_181, %get3A_182] : memref<2048x1024xf32, #tpu.memory_space<vmem>>, vector<2048x64xf32>
    %dot_general3A_184 = arith.constant dense<0.000000e+00> : vector<256x2048xf32>
    %dot_general3A_185 = tpu.matmul %get3A_180, %get3A_183, %dot_general3A_184 {dimension_numbers = #tpu.dot_dimension_numbers<[1], [1], [0], [0], [0, 0, 1, 0], [], []>, transpose_lhs_hint = false} : vector<256x64xf32>, vector<2048x64xf32>, vector<256x2048xf32> -> vector<256x2048xf32>
    %add3A_186 = arith.addf %dot_general3A_185, %select_n3A : vector<256x2048xf32>
    %reduce_max3A_187 = arith.constant dense<0xFF800000> : vector<256xf32>
    %reduce_max3A_188 = vector.multi_reduction <maximumf>, %add3A_186, %reduce_max3A_187 [1] : vector<256x2048xf32> to vector<256xf32>
    %slice3A_189 = vector.extract_strided_slice %dot_general3A_9 {offsets = [0, 448], sizes = [256, 64], strides = [1, 1]} : vector<256x1024xf32> to vector<256x64xf32>
    %mul3A_190 = arith.mulf %get3A_180, %slice3A_189 : vector<256x64xf32>
    %reduce_sum3A_191 = arith.constant dense<0.000000e+00> : vector<256xf32>
    %reduce_sum3A_192 = vector.multi_reduction <add>, %mul3A_190, %reduce_sum3A_191 [1] : vector<256x64xf32> to vector<256xf32>
    %mul3A_193 = arith.constant 4.8828125E-4 : f32
    %mul3A_194 = vector.broadcast %mul3A_193 : f32 to vector<256xf32>
    %mul3A_195 = arith.mulf %reduce_sum3A_192, %mul3A_194 : vector<256xf32>
    %sub3A_196 = arith.subf %reduce_max3A_188, %mul3A_195 : vector<256xf32>
    %broadcast_in_dim3A_197 = vector.shape_cast %sub3A_196 : vector<256xf32> to vector<1x256xf32>
    %mul3A_198 = arith.constant 256 : i32
    %mul3A_199 = arith.muli %arg0, %mul3A_198 : i32
    %swap3A_200 = arith.constant 7 : index
    %swap3A_201 = arith.index_cast %mul3A_199 : i32 to index
    %swap3A_202 = vector.load %arg5[%swap3A_200, %swap3A_201] : memref<16x2048xf32, #tpu.memory_space<vmem>>, vector<1x256xf32>
    tpu.vector_store %arg5[%swap3A_200, %swap3A_201], %broadcast_in_dim3A_197 {strides = array<i32>} : memref<16x2048xf32, #tpu.memory_space<vmem>>, vector<1x256xf32>,
    %get3A_203 = arith.constant 0 : index
    %get3A_204 = arith.constant 512 : index
    %get3A_205 = vector.load %arg1[%get3A_203, %get3A_204] : memref<256x1024xf32, #tpu.memory_space<vmem>>, vector<256x64xf32>
    %get3A_206 = arith.constant 0 : index
    %get3A_207 = arith.constant 512 : index
    %get3A_208 = vector.load %arg2[%get3A_206, %get3A_207] : memref<2048x1024xf32, #tpu.memory_space<vmem>>, vector<2048x64xf32>
    %dot_general3A_209 = arith.constant dense<0.000000e+00> : vector<256x2048xf32>
    %dot_general3A_210 = tpu.matmul %get3A_205, %get3A_208, %dot_general3A_209 {dimension_numbers = #tpu.dot_dimension_numbers<[1], [1], [0], [0], [0, 0, 1, 0], [], []>, transpose_lhs_hint = false} : vector<256x64xf32>, vector<2048x64xf32>, vector<256x2048xf32> -> vector<256x2048xf32>
    %add3A_211 = arith.addf %dot_general3A_210, %select_n3A : vector<256x2048xf32>
    %reduce_max3A_212 = arith.constant dense<0xFF800000> : vector<256xf32>
    %reduce_max3A_213 = vector.multi_reduction <maximumf>, %add3A_211, %reduce_max3A_212 [1] : vector<256x2048xf32> to vector<256xf32>
    %slice3A_214 = vector.extract_strided_slice %dot_general3A_9 {offsets = [0, 512], sizes = [256, 64], strides = [1, 1]} : vector<256x1024xf32> to vector<256x64xf32>
    %mul3A_215 = arith.mulf %get3A_205, %slice3A_214 : vector<256x64xf32>
    %reduce_sum3A_216 = arith.constant dense<0.000000e+00> : vector<256xf32>
    %reduce_sum3A_217 = vector.multi_reduction <add>, %mul3A_215, %reduce_sum3A_216 [1] : vector<256x64xf32> to vector<256xf32>
    %mul3A_218 = arith.constant 4.8828125E-4 : f32
    %mul3A_219 = vector.broadcast %mul3A_218 : f32 to vector<256xf32>
    %mul3A_220 = arith.mulf %reduce_sum3A_217, %mul3A_219 : vector<256xf32>
    %sub3A_221 = arith.subf %reduce_max3A_213, %mul3A_220 : vector<256xf32>
    %broadcast_in_dim3A_222 = vector.shape_cast %sub3A_221 : vector<256xf32> to vector<1x256xf32>
    %mul3A_223 = arith.constant 256 : i32
    %mul3A_224 = arith.muli %arg0, %mul3A_223 : i32
    %swap3A_225 = arith.constant 8 : index
    %swap3A_226 = arith.index_cast %mul3A_224 : i32 to index
    %swap3A_227 = vector.load %arg5[%swap3A_225, %swap3A_226] : memref<16x2048xf32, #tpu.memory_space<vmem>>, vector<1x256xf32>
    tpu.vector_store %arg5[%swap3A_225, %swap3A_226], %broadcast_in_dim3A_222 {strides = array<i32>} : memref<16x2048xf32, #tpu.memory_space<vmem>>, vector<1x256xf32>,
    %get3A_228 = arith.constant 0 : index
    %get3A_229 = arith.constant 576 : index
    %get3A_230 = vector.load %arg1[%get3A_228, %get3A_229] : memref<256x1024xf32, #tpu.memory_space<vmem>>, vector<256x64xf32>
    %get3A_231 = arith.constant 0 : index
    %get3A_232 = arith.constant 576 : index
    %get3A_233 = vector.load %arg2[%get3A_231, %get3A_232] : memref<2048x1024xf32, #tpu.memory_space<vmem>>, vector<2048x64xf32>
    %dot_general3A_234 = arith.constant dense<0.000000e+00> : vector<256x2048xf32>
    %dot_general3A_235 = tpu.matmul %get3A_230, %get3A_233, %dot_general3A_234 {dimension_numbers = #tpu.dot_dimension_numbers<[1], [1], [0], [0], [0, 0, 1, 0], [], []>, transpose_lhs_hint = false} : vector<256x64xf32>, vector<2048x64xf32>, vector<256x2048xf32> -> vector<256x2048xf32>
    %add3A_236 = arith.addf %dot_general3A_235, %select_n3A : vector<256x2048xf32>
    %reduce_max3A_237 = arith.constant dense<0xFF800000> : vector<256xf32>
    %reduce_max3A_238 = vector.multi_reduction <maximumf>, %add3A_236, %reduce_max3A_237 [1] : vector<256x2048xf32> to vector<256xf32>
    %slice3A_239 = vector.extract_strided_slice %dot_general3A_9 {offsets = [0, 576], sizes = [256, 64], strides = [1, 1]} : vector<256x1024xf32> to vector<256x64xf32>
    %mul3A_240 = arith.mulf %get3A_230, %slice3A_239 : vector<256x64xf32>
    %reduce_sum3A_241 = arith.constant dense<0.000000e+00> : vector<256xf32>
    %reduce_sum3A_242 = vector.multi_reduction <add>, %mul3A_240, %reduce_sum3A_241 [1] : vector<256x64xf32> to vector<256xf32>
    %mul3A_243 = arith.constant 4.8828125E-4 : f32
    %mul3A_244 = vector.broadcast %mul3A_243 : f32 to vector<256xf32>
    %mul3A_245 = arith.mulf %reduce_sum3A_242, %mul3A_244 : vector<256xf32>
    %sub3A_246 = arith.subf %reduce_max3A_238, %mul3A_245 : vector<256xf32>
    %broadcast_in_dim3A_247 = vector.shape_cast %sub3A_246 : vector<256xf32> to vector<1x256xf32>
    %mul3A_248 = arith.constant 256 : i32
    %mul3A_249 = arith.muli %arg0, %mul3A_248 : i32
    %swap3A_250 = arith.constant 9 : index
    %swap3A_251 = arith.index_cast %mul3A_249 : i32 to index
    %swap3A_252 = vector.load %arg5[%swap3A_250, %swap3A_251] : memref<16x2048xf32, #tpu.memory_space<vmem>>, vector<1x256xf32>
    tpu.vector_store %arg5[%swap3A_250, %swap3A_251], %broadcast_in_dim3A_247 {strides = array<i32>} : memref<16x2048xf32, #tpu.memory_space<vmem>>, vector<1x256xf32>,
    %get3A_253 = arith.constant 0 : index
    %get3A_254 = arith.constant 640 : index
    %get3A_255 = vector.load %arg1[%get3A_253, %get3A_254] : memref<256x1024xf32, #tpu.memory_space<vmem>>, vector<256x64xf32>
    %get3A_256 = arith.constant 0 : index
    %get3A_257 = arith.constant 640 : index
    %get3A_258 = vector.load %arg2[%get3A_256, %get3A_257] : memref<2048x1024xf32, #tpu.memory_space<vmem>>, vector<2048x64xf32>
    %dot_general3A_259 = arith.constant dense<0.000000e+00> : vector<256x2048xf32>
    %dot_general3A_260 = tpu.matmul %get3A_255, %get3A_258, %dot_general3A_259 {dimension_numbers = #tpu.dot_dimension_numbers<[1], [1], [0], [0], [0, 0, 1, 0], [], []>, transpose_lhs_hint = false} : vector<256x64xf32>, vector<2048x64xf32>, vector<256x2048xf32> -> vector<256x2048xf32>
    %add3A_261 = arith.addf %dot_general3A_260, %select_n3A : vector<256x2048xf32>
    %reduce_max3A_262 = arith.constant dense<0xFF800000> : vector<256xf32>
    %reduce_max3A_263 = vector.multi_reduction <maximumf>, %add3A_261, %reduce_max3A_262 [1] : vector<256x2048xf32> to vector<256xf32>
    %slice3A_264 = vector.extract_strided_slice %dot_general3A_9 {offsets = [0, 640], sizes = [256, 64], strides = [1, 1]} : vector<256x1024xf32> to vector<256x64xf32>
    %mul3A_265 = arith.mulf %get3A_255, %slice3A_264 : vector<256x64xf32>
    %reduce_sum3A_266 = arith.constant dense<0.000000e+00> : vector<256xf32>
    %reduce_sum3A_267 = vector.multi_reduction <add>, %mul3A_265, %reduce_sum3A_266 [1] : vector<256x64xf32> to vector<256xf32>
    %mul3A_268 = arith.constant 4.8828125E-4 : f32
    %mul3A_269 = vector.broadcast %mul3A_268 : f32 to vector<256xf32>
    %mul3A_270 = arith.mulf %reduce_sum3A_267, %mul3A_269 : vector<256xf32>
    %sub3A_271 = arith.subf %reduce_max3A_263, %mul3A_270 : vector<256xf32>
    %broadcast_in_dim3A_272 = vector.shape_cast %sub3A_271 : vector<256xf32> to vector<1x256xf32>
    %mul3A_273 = arith.constant 256 : i32
    %mul3A_274 = arith.muli %arg0, %mul3A_273 : i32
    %swap3A_275 = arith.constant 10 : index
    %swap3A_276 = arith.index_cast %mul3A_274 : i32 to index
    %swap3A_277 = vector.load %arg5[%swap3A_275, %swap3A_276] : memref<16x2048xf32, #tpu.memory_space<vmem>>, vector<1x256xf32>
    tpu.vector_store %arg5[%swap3A_275, %swap3A_276], %broadcast_in_dim3A_272 {strides = array<i32>} : memref<16x2048xf32, #tpu.memory_space<vmem>>, vector<1x256xf32>,
    %get3A_278 = arith.constant 0 : index
    %get3A_279 = arith.constant 704 : index
    %get3A_280 = vector.load %arg1[%get3A_278, %get3A_279] : memref<256x1024xf32, #tpu.memory_space<vmem>>, vector<256x64xf32>
    %get3A_281 = arith.constant 0 : index
    %get3A_282 = arith.constant 704 : index
    %get3A_283 = vector.load %arg2[%get3A_281, %get3A_282] : memref<2048x1024xf32, #tpu.memory_space<vmem>>, vector<2048x64xf32>
    %dot_general3A_284 = arith.constant dense<0.000000e+00> : vector<256x2048xf32>
    %dot_general3A_285 = tpu.matmul %get3A_280, %get3A_283, %dot_general3A_284 {dimension_numbers = #tpu.dot_dimension_numbers<[1], [1], [0], [0], [0, 0, 1, 0], [], []>, transpose_lhs_hint = false} : vector<256x64xf32>, vector<2048x64xf32>, vector<256x2048xf32> -> vector<256x2048xf32>
    %add3A_286 = arith.addf %dot_general3A_285, %select_n3A : vector<256x2048xf32>
    %reduce_max3A_287 = arith.constant dense<0xFF800000> : vector<256xf32>
    %reduce_max3A_288 = vector.multi_reduction <maximumf>, %add3A_286, %reduce_max3A_287 [1] : vector<256x2048xf32> to vector<256xf32>
    %slice3A_289 = vector.extract_strided_slice %dot_general3A_9 {offsets = [0, 704], sizes = [256, 64], strides = [1, 1]} : vector<256x1024xf32> to vector<256x64xf32>
    %mul3A_290 = arith.mulf %get3A_280, %slice3A_289 : vector<256x64xf32>
    %reduce_sum3A_291 = arith.constant dense<0.000000e+00> : vector<256xf32>
    %reduce_sum3A_292 = vector.multi_reduction <add>, %mul3A_290, %reduce_sum3A_291 [1] : vector<256x64xf32> to vector<256xf32>
    %mul3A_293 = arith.constant 4.8828125E-4 : f32
    %mul3A_294 = vector.broadcast %mul3A_293 : f32 to vector<256xf32>
    %mul3A_295 = arith.mulf %reduce_sum3A_292, %mul3A_294 : vector<256xf32>
    %sub3A_296 = arith.subf %reduce_max3A_288, %mul3A_295 : vector<256xf32>
    %broadcast_in_dim3A_297 = vector.shape_cast %sub3A_296 : vector<256xf32> to vector<1x256xf32>
    %mul3A_298 = arith.constant 256 : i32
    %mul3A_299 = arith.muli %arg0, %mul3A_298 : i32
    %swap3A_300 = arith.constant 11 : index
    %swap3A_301 = arith.index_cast %mul3A_299 : i32 to index
    %swap3A_302 = vector.load %arg5[%swap3A_300, %swap3A_301] : memref<16x2048xf32, #tpu.memory_space<vmem>>, vector<1x256xf32>
    tpu.vector_store %arg5[%swap3A_300, %swap3A_301], %broadcast_in_dim3A_297 {strides = array<i32>} : memref<16x2048xf32, #tpu.memory_space<vmem>>, vector<1x256xf32>,
    %get3A_303 = arith.constant 0 : index
    %get3A_304 = arith.constant 768 : index
    %get3A_305 = vector.load %arg1[%get3A_303, %get3A_304] : memref<256x1024xf32, #tpu.memory_space<vmem>>, vector<256x64xf32>
    %get3A_306 = arith.constant 0 : index
    %get3A_307 = arith.constant 768 : index
    %get3A_308 = vector.load %arg2[%get3A_306, %get3A_307] : memref<2048x1024xf32, #tpu.memory_space<vmem>>, vector<2048x64xf32>
    %dot_general3A_309 = arith.constant dense<0.000000e+00> : vector<256x2048xf32>
    %dot_general3A_310 = tpu.matmul %get3A_305, %get3A_308, %dot_general3A_309 {dimension_numbers = #tpu.dot_dimension_numbers<[1], [1], [0], [0], [0, 0, 1, 0], [], []>, transpose_lhs_hint = false} : vector<256x64xf32>, vector<2048x64xf32>, vector<256x2048xf32> -> vector<256x2048xf32>
    %add3A_311 = arith.addf %dot_general3A_310, %select_n3A : vector<256x2048xf32>
    %reduce_max3A_312 = arith.constant dense<0xFF800000> : vector<256xf32>
    %reduce_max3A_313 = vector.multi_reduction <maximumf>, %add3A_311, %reduce_max3A_312 [1] : vector<256x2048xf32> to vector<256xf32>
    %slice3A_314 = vector.extract_strided_slice %dot_general3A_9 {offsets = [0, 768], sizes = [256, 64], strides = [1, 1]} : vector<256x1024xf32> to vector<256x64xf32>
    %mul3A_315 = arith.mulf %get3A_305, %slice3A_314 : vector<256x64xf32>
    %reduce_sum3A_316 = arith.constant dense<0.000000e+00> : vector<256xf32>
    %reduce_sum3A_317 = vector.multi_reduction <add>, %mul3A_315, %reduce_sum3A_316 [1] : vector<256x64xf32> to vector<256xf32>
    %mul3A_318 = arith.constant 4.8828125E-4 : f32
    %mul3A_319 = vector.broadcast %mul3A_318 : f32 to vector<256xf32>
    %mul3A_320 = arith.mulf %reduce_sum3A_317, %mul3A_319 : vector<256xf32>
    %sub3A_321 = arith.subf %reduce_max3A_313, %mul3A_320 : vector<256xf32>
    %broadcast_in_dim3A_322 = vector.shape_cast %sub3A_321 : vector<256xf32> to vector<1x256xf32>
    %mul3A_323 = arith.constant 256 : i32
    %mul3A_324 = arith.muli %arg0, %mul3A_323 : i32
    %swap3A_325 = arith.constant 12 : index
    %swap3A_326 = arith.index_cast %mul3A_324 : i32 to index
    %swap3A_327 = vector.load %arg5[%swap3A_325, %swap3A_326] : memref<16x2048xf32, #tpu.memory_space<vmem>>, vector<1x256xf32>
    tpu.vector_store %arg5[%swap3A_325, %swap3A_326], %broadcast_in_dim3A_322 {strides = array<i32>} : memref<16x2048xf32, #tpu.memory_space<vmem>>, vector<1x256xf32>,
    %get3A_328 = arith.constant 0 : index
    %get3A_329 = arith.constant 832 : index
    %get3A_330 = vector.load %arg1[%get3A_328, %get3A_329] : memref<256x1024xf32, #tpu.memory_space<vmem>>, vector<256x64xf32>
    %get3A_331 = arith.constant 0 : index
    %get3A_332 = arith.constant 832 : index
    %get3A_333 = vector.load %arg2[%get3A_331, %get3A_332] : memref<2048x1024xf32, #tpu.memory_space<vmem>>, vector<2048x64xf32>
    %dot_general3A_334 = arith.constant dense<0.000000e+00> : vector<256x2048xf32>
    %dot_general3A_335 = tpu.matmul %get3A_330, %get3A_333, %dot_general3A_334 {dimension_numbers = #tpu.dot_dimension_numbers<[1], [1], [0], [0], [0, 0, 1, 0], [], []>, transpose_lhs_hint = false} : vector<256x64xf32>, vector<2048x64xf32>, vector<256x2048xf32> -> vector<256x2048xf32>
    %add3A_336 = arith.addf %dot_general3A_335, %select_n3A : vector<256x2048xf32>
    %reduce_max3A_337 = arith.constant dense<0xFF800000> : vector<256xf32>
    %reduce_max3A_338 = vector.multi_reduction <maximumf>, %add3A_336, %reduce_max3A_337 [1] : vector<256x2048xf32> to vector<256xf32>
    %slice3A_339 = vector.extract_strided_slice %dot_general3A_9 {offsets = [0, 832], sizes = [256, 64], strides = [1, 1]} : vector<256x1024xf32> to vector<256x64xf32>
    %mul3A_340 = arith.mulf %get3A_330, %slice3A_339 : vector<256x64xf32>
    %reduce_sum3A_341 = arith.constant dense<0.000000e+00> : vector<256xf32>
    %reduce_sum3A_342 = vector.multi_reduction <add>, %mul3A_340, %reduce_sum3A_341 [1] : vector<256x64xf32> to vector<256xf32>
    %mul3A_343 = arith.constant 4.8828125E-4 : f32
    %mul3A_344 = vector.broadcast %mul3A_343 : f32 to vector<256xf32>
    %mul3A_345 = arith.mulf %reduce_sum3A_342, %mul3A_344 : vector<256xf32>
    %sub3A_346 = arith.subf %reduce_max3A_338, %mul3A_345 : vector<256xf32>
    %broadcast_in_dim3A_347 = vector.shape_cast %sub3A_346 : vector<256xf32> to vector<1x256xf32>
    %mul3A_348 = arith.constant 256 : i32
    %mul3A_349 = arith.muli %arg0, %mul3A_348 : i32
    %swap3A_350 = arith.constant 13 : index
    %swap3A_351 = arith.index_cast %mul3A_349 : i32 to index
    %swap3A_352 = vector.load %arg5[%swap3A_350, %swap3A_351] : memref<16x2048xf32, #tpu.memory_space<vmem>>, vector<1x256xf32>
    tpu.vector_store %arg5[%swap3A_350, %swap3A_351], %broadcast_in_dim3A_347 {strides = array<i32>} : memref<16x2048xf32, #tpu.memory_space<vmem>>, vector<1x256xf32>,
    %get3A_353 = arith.constant 0 : index
    %get3A_354 = arith.constant 896 : index
    %get3A_355 = vector.load %arg1[%get3A_353, %get3A_354] : memref<256x1024xf32, #tpu.memory_space<vmem>>, vector<256x64xf32>
    %get3A_356 = arith.constant 0 : index
    %get3A_357 = arith.constant 896 : index
    %get3A_358 = vector.load %arg2[%get3A_356, %get3A_357] : memref<2048x1024xf32, #tpu.memory_space<vmem>>, vector<2048x64xf32>
    %dot_general3A_359 = arith.constant dense<0.000000e+00> : vector<256x2048xf32>
    %dot_general3A_360 = tpu.matmul %get3A_355, %get3A_358, %dot_general3A_359 {dimension_numbers = #tpu.dot_dimension_numbers<[1], [1], [0], [0], [0, 0, 1, 0], [], []>, transpose_lhs_hint = false} : vector<256x64xf32>, vector<2048x64xf32>, vector<256x2048xf32> -> vector<256x2048xf32>
    %add3A_361 = arith.addf %dot_general3A_360, %select_n3A : vector<256x2048xf32>
    %reduce_max3A_362 = arith.constant dense<0xFF800000> : vector<256xf32>
    %reduce_max3A_363 = vector.multi_reduction <maximumf>, %add3A_361, %reduce_max3A_362 [1] : vector<256x2048xf32> to vector<256xf32>
    %slice3A_364 = vector.extract_strided_slice %dot_general3A_9 {offsets = [0, 896], sizes = [256, 64], strides = [1, 1]} : vector<256x1024xf32> to vector<256x64xf32>
    %mul3A_365 = arith.mulf %get3A_355, %slice3A_364 : vector<256x64xf32>
    %reduce_sum3A_366 = arith.constant dense<0.000000e+00> : vector<256xf32>
    %reduce_sum3A_367 = vector.multi_reduction <add>, %mul3A_365, %reduce_sum3A_366 [1] : vector<256x64xf32> to vector<256xf32>
    %mul3A_368 = arith.constant 4.8828125E-4 : f32
    %mul3A_369 = vector.broadcast %mul3A_368 : f32 to vector<256xf32>
    %mul3A_370 = arith.mulf %reduce_sum3A_367, %mul3A_369 : vector<256xf32>
    %sub3A_371 = arith.subf %reduce_max3A_363, %mul3A_370 : vector<256xf32>
    %broadcast_in_dim3A_372 = vector.shape_cast %sub3A_371 : vector<256xf32> to vector<1x256xf32>
    %mul3A_373 = arith.constant 256 : i32
    %mul3A_374 = arith.muli %arg0, %mul3A_373 : i32
    %swap3A_375 = arith.constant 14 : index
    %swap3A_376 = arith.index_cast %mul3A_374 : i32 to index
    %swap3A_377 = vector.load %arg5[%swap3A_375, %swap3A_376] : memref<16x2048xf32, #tpu.memory_space<vmem>>, vector<1x256xf32>
    tpu.vector_store %arg5[%swap3A_375, %swap3A_376], %broadcast_in_dim3A_372 {strides = array<i32>} : memref<16x2048xf32, #tpu.memory_space<vmem>>, vector<1x256xf32>,
    %get3A_378 = arith.constant 0 : index
    %get3A_379 = arith.constant 960 : index
    %get3A_380 = vector.load %arg1[%get3A_378, %get3A_379] : memref<256x1024xf32, #tpu.memory_space<vmem>>, vector<256x64xf32>
    %get3A_381 = arith.constant 0 : index
    %get3A_382 = arith.constant 960 : index
    %get3A_383 = vector.load %arg2[%get3A_381, %get3A_382] : memref<2048x1024xf32, #tpu.memory_space<vmem>>, vector<2048x64xf32>
    %dot_general3A_384 = arith.constant dense<0.000000e+00> : vector<256x2048xf32>
    %dot_general3A_385 = tpu.matmul %get3A_380, %get3A_383, %dot_general3A_384 {dimension_numbers = #tpu.dot_dimension_numbers<[1], [1], [0], [0], [0, 0, 1, 0], [], []>, transpose_lhs_hint = false} : vector<256x64xf32>, vector<2048x64xf32>, vector<256x2048xf32> -> vector<256x2048xf32>
    %add3A_386 = arith.addf %dot_general3A_385, %select_n3A : vector<256x2048xf32>
    %reduce_max3A_387 = arith.constant dense<0xFF800000> : vector<256xf32>
    %reduce_max3A_388 = vector.multi_reduction <maximumf>, %add3A_386, %reduce_max3A_387 [1] : vector<256x2048xf32> to vector<256xf32>
    %slice3A_389 = vector.extract_strided_slice %dot_general3A_9 {offsets = [0, 960], sizes = [256, 64], strides = [1, 1]} : vector<256x1024xf32> to vector<256x64xf32>
    %mul3A_390 = arith.mulf %get3A_380, %slice3A_389 : vector<256x64xf32>
    %reduce_sum3A_391 = arith.constant dense<0.000000e+00> : vector<256xf32>
    %reduce_sum3A_392 = vector.multi_reduction <add>, %mul3A_390, %reduce_sum3A_391 [1] : vector<256x64xf32> to vector<256xf32>
    %mul3A_393 = arith.constant 4.8828125E-4 : f32
    %mul3A_394 = vector.broadcast %mul3A_393 : f32 to vector<256xf32>
    %mul3A_395 = arith.mulf %reduce_sum3A_392, %mul3A_394 : vector<256xf32>
    %sub3A_396 = arith.subf %reduce_max3A_388, %mul3A_395 : vector<256xf32>
    %broadcast_in_dim3A_397 = vector.shape_cast %sub3A_396 : vector<256xf32> to vector<1x256xf32>
    %mul3A_398 = arith.constant 256 : i32
    %mul3A_399 = arith.muli %arg0, %mul3A_398 : i32
    %swap3A_400 = arith.constant 15 : index
    %swap3A_401 = arith.index_cast %mul3A_399 : i32 to index
    %swap3A_402 = vector.load %arg5[%swap3A_400, %swap3A_401] : memref<16x2048xf32, #tpu.memory_space<vmem>>, vector<1x256xf32>
    tpu.vector_store %arg5[%swap3A_400, %swap3A_401], %broadcast_in_dim3A_397 {strides = array<i32>} : memref<16x2048xf32, #tpu.memory_space<vmem>>, vector<1x256xf32>,
    %eq3A = arith.constant 7 : i32
    %eq3A_403 = arith.cmpi eq, %arg0, %eq3A : i32
    %convert_element_type3A = arith.extui %eq3A_403 : i1 to i32
    %cond3A = arith.constant 0 : i32
    %cond3A_404 = arith.cmpi ne, %convert_element_type3A, %cond3A : i32
    scf.if %cond3A_404 {
      %get3A_405 = arith.constant 0 : index
      %get3A_406 = arith.constant 0 : index
      %get3A_407 = vector.load %arg5[%get3A_405, %get3A_406] : memref<16x2048xf32, #tpu.memory_space<vmem>>, vector<16x2048xf32>
      %iota3A = tpu.iota {dimensions = array<i32: 1>} : vector<16x2048xi32>
      %iota3A_408 = tpu.iota {dimensions = array<i32: 1>} : vector<16x128xi32>
      %broadcast_in_dim3A_409 = arith.constant 2048 : i32
      %broadcast_in_dim3A_410 = vector.broadcast %broadcast_in_dim3A_409 : i32 to vector<16x128xi32>
      %scan3A = arith.constant 0 : i32
      %scan3A_411 = arith.constant 40 : i32
      %scan3A_412 = arith.addi %scan3A, %scan3A_411 : i32
      %scan3A_413 = arith.constant 1 : i32
      %scan3A_414:2 = scf.for %scan3A_423 = %scan3A to %scan3A_412 step %scan3A_413 iter_args(%scan3A_424 = %get3A_407, %scan3A_425 = %broadcast_in_dim3A_410) -> (vector<16x2048xf32>, vector<16x128xi32>)  : i32 {
        %reduce_max3A_426 = arith.constant dense<0xFF800000> : vector<16xf32>
        %reduce_max3A_427 = vector.multi_reduction <maximumf>, %scan3A_424, %reduce_max3A_426 [1] : vector<16x2048xf32> to vector<16xf32>
        %broadcast_in_dim3A_428 = vector.shape_cast %reduce_max3A_427 : vector<16xf32> to vector<16x1xf32>
        %eq3A_429 = vector.broadcast %broadcast_in_dim3A_428 : vector<16x1xf32> to vector<16x2048xf32>
        %eq3A_430 = arith.cmpf oeq, %scan3A_424, %eq3A_429 : vector<16x2048xf32>
        %jit3A_431 = arith.constant 2048 : i32
        %broadcast_in_dim3A_432 = vector.broadcast %jit3A_431 : i32 to vector<16x2048xi32>
        %select_n3A_433 = arith.select %eq3A_430, %iota3A, %broadcast_in_dim3A_432 : vector<16x2048xi1>, vector<16x2048xi32>
        %reduce_min3A = arith.constant dense<2147483647> : vector<16xi32>
        %reduce_min3A_434 = vector.multi_reduction <minsi>, %select_n3A_433, %reduce_min3A [1] : vector<16x2048xi32> to vector<16xi32>
        %broadcast_in_dim3A_435 = vector.shape_cast %reduce_min3A_434 : vector<16xi32> to vector<16x1xi32>
        %eq3A_436 = vector.broadcast %scan3A_423 : i32 to vector<16x128xi32>
        %eq3A_437 = arith.cmpi eq, %iota3A_408, %eq3A_436 : vector<16x128xi32>
        %broadcast_in_dim3A_438 = vector.shape_cast %broadcast_in_dim3A_435 : vector<16x1xi32> to vector<16x1xi32>
        %broadcast_in_dim3A_439 = vector.broadcast %broadcast_in_dim3A_438 : vector<16x1xi32> to vector<16x128xi32>
        %select_n3A_440 = arith.select %eq3A_437, %broadcast_in_dim3A_439, %scan3A_425 : vector<16x128xi1>, vector<16x128xi32>
        %eq3A_441 = vector.broadcast %broadcast_in_dim3A_435 : vector<16x1xi32> to vector<16x2048xi32>
        %eq3A_442 = arith.cmpi eq, %iota3A, %eq3A_441 : vector<16x2048xi32>
        %jit3A_443 = arith.constant 0xFF800000 : f32
        %broadcast_in_dim3A_444 = vector.broadcast %jit3A_443 : f32 to vector<16x2048xf32>
        %select_n3A_445 = arith.select %eq3A_442, %broadcast_in_dim3A_444, %scan3A_424 : vector<16x2048xi1>, vector<16x2048xf32>
        scf.yield %select_n3A_445, %select_n3A_440 : vector<16x2048xf32>, vector<16x128xi32>
      }
      %scan3A_415 = arith.constant 40 : i32
      %convert_element_type3A_416 = arith.sitofp %scan3A_414#1 : vector<16x128xi32> to vector<16x128xf32>
      %swap3A_417 = arith.constant 0 : index
      %swap3A_418 = arith.constant 0 : index
      %swap3A_419 = arith.constant 0 : index
      %swap3A_420 = vector.load %arg4[%swap3A_417, %swap3A_418, %swap3A_419] : memref<16x1x128xf32, #tpu.memory_space<vmem>>, vector<16x1x128xf32>
      %swap3A_421 = vector.shape_cast %swap3A_420 : vector<16x1x128xf32> to vector<16x128xf32>
      %swap3A_422 = vector.shape_cast %convert_element_type3A_416 : vector<16x128xf32> to vector<16x1x128xf32>
      tpu.vector_store %arg4[%swap3A_417, %swap3A_418, %swap3A_419], %swap3A_422 {strides = array<i32>} : memref<16x1x128xf32, #tpu.memory_space<vmem>>, vector<16x1x128xf32>,
    } else {
    }
    return
  }
  func.func @transform_0(%arg0: i32) -> (i32, i32) {
    %c0_i32 = arith.constant 0 : i32
    %c0_i32_0 = arith.constant 0 : i32
    return %arg0, %c0_i32 : i32, i32
  }
  func.func @transform_1(%arg0: i32) -> (i32, i32) {
    %c0_i32 = arith.constant 0 : i32
    %c0_i32_0 = arith.constant 0 : i32
    %c0_i32_1 = arith.constant 0 : i32
    return %c0_i32, %c0_i32_0 : i32, i32
  }
  func.func @transform_2(%arg0: i32) -> (i32, i32) {
    %c0_i32 = arith.constant 0 : i32
    %c0_i32_0 = arith.constant 0 : i32
    return %arg0, %c0_i32 : i32, i32
  }
  func.func @transform_3(%arg0: i32) -> (i32, i32, i32) {
    %c0_i32 = arith.constant 0 : i32
    %c0_i32_0 = arith.constant 0 : i32
    %c0_i32_1 = arith.constant 0 : i32
    %c0_i32_2 = arith.constant 0 : i32
    return %c0_i32, %c0_i32_0, %c0_i32_1 : i32, i32, i32
  }
}

module attributes {stable_mosaic.version = 14 : i64} {
  func.func @_ctx_body(%arg0: i32, %arg1: memref<2x1x128xf32, #tpu.memory_space<vmem>>, %arg2: memref<2048x128xf32, #tpu.memory_space<vmem>>, %arg3: memref<2048x128xf32, #tpu.memory_space<vmem>>, %arg4: memref<2048x128xf32, #tpu.memory_space<vmem>>, %arg5: memref<2048x128xf32, #tpu.memory_space<vmem>>) attributes {dimension_semantics = [#tpu.dimension_semantics<arbitrary>], iteration_bounds = array<i64: 8>, scalar_prefetch = 0 : i64, scratch_operands = 0 : i64, tpu.core_type = #tpu.core_type<tc>, window_params = [{transform_indices = @transform_0, window_bounds = array<i64: 2, 1, 128>}, {transform_indices = @transform_1, window_bounds = array<i64: 2048, 128>}, {transform_indices = @transform_2, window_bounds = array<i64: 2048, 128>}, {transform_indices = @transform_3, window_bounds = array<i64: 2048, 128>}, {transform_indices = @transform_4, window_bounds = array<i64: 2048, 128>}]} {
    %iota3A = tpu.iota {dimensions = array<i32: 0>} : vector<48x128xi32>
    %iota3A_0 = tpu.iota {dimensions = array<i32: 1>} : vector<48x128xi32>
    %eq3A = arith.cmpi eq, %iota3A, %iota3A_0 : vector<48x128xi32>
    %convert_element_type3A = arith.extui %eq3A : vector<48x128xi1> to vector<48x128xi32>
    %convert_element_type3A_1 = arith.sitofp %convert_element_type3A : vector<48x128xi32> to vector<48x128xf32>
    %iota3A_2 = tpu.iota {dimensions = array<i32: 1>} : vector<1x2048xi32>
    %convert_element_type3A_3 = arith.sitofp %iota3A_2 : vector<1x2048xi32> to vector<1x2048xf32>
    %get3A = arith.constant 0 : index
    %get3A_4 = arith.constant 0 : index
    %get3A_5 = arith.constant 0 : index
    %get3A_6 = vector.load %arg1[%get3A, %get3A_4, %get3A_5] : memref<2x1x128xf32, #tpu.memory_space<vmem>>, vector<1x1x128xf32>
    %get3A_7 = vector.shape_cast %get3A_6 : vector<1x1x128xf32> to vector<1x128xf32>
    %dot_general3A = arith.constant dense<0.000000e+00> : vector<48x1xf32>
    %dot_general3A_8 = tpu.matmul %convert_element_type3A_1, %get3A_7, %dot_general3A {dimension_numbers = #tpu.dot_dimension_numbers<[1], [1], [0], [0], [0, 0, 1, 0], [], []>, transpose_lhs_hint = false} : vector<48x128xf32>, vector<1x128xf32>, vector<48x1xf32> -> vector<48x1xf32>
    %eq3A_9 = vector.broadcast %dot_general3A_8 : vector<48x1xf32> to vector<48x2048xf32>
    %eq3A_10 = vector.broadcast %convert_element_type3A_3 : vector<1x2048xf32> to vector<48x2048xf32>
    %eq3A_11 = arith.cmpf oeq, %eq3A_9, %eq3A_10 : vector<48x2048xf32>
    %convert_element_type3A_12 = arith.extui %eq3A_11 : vector<48x2048xi1> to vector<48x2048xi32>
    %convert_element_type3A_13 = arith.sitofp %convert_element_type3A_12 : vector<48x2048xi32> to vector<48x2048xf32>
    %get3A_14 = arith.constant 0 : index
    %get3A_15 = arith.constant 0 : index
    %get3A_16 = vector.load %arg2[%get3A_14, %get3A_15] : memref<2048x128xf32, #tpu.memory_space<vmem>>, vector<2048x64xf32>
    %get3A_17 = arith.constant 0 : index
    %get3A_18 = arith.constant 0 : index
    %get3A_19 = vector.load %arg3[%get3A_17, %get3A_18] : memref<2048x128xf32, #tpu.memory_space<vmem>>, vector<2048x64xf32>
    %get3A_20 = arith.constant 0 : index
    %get3A_21 = arith.constant 0 : index
    %get3A_22 = vector.load %arg4[%get3A_20, %get3A_21] : memref<2048x128xf32, #tpu.memory_space<vmem>>, vector<2048x64xf32>
    %dot_general3A_23 = arith.constant dense<0.000000e+00> : vector<48x64xf32>
    %dot_general3A_24 = tpu.matmul %convert_element_type3A_13, %get3A_16, %dot_general3A_23 {dimension_numbers = #tpu.dot_dimension_numbers<[1], [0], [0], [1], [0, 0, 1, 1], [], []>, transpose_lhs_hint = false} : vector<48x2048xf32>, vector<2048x64xf32>, vector<48x64xf32> -> vector<48x64xf32>
    %dot_general3A_25 = arith.constant dense<0.000000e+00> : vector<48x2048xf32>
    %dot_general3A_26 = tpu.matmul %dot_general3A_24, %get3A_19, %dot_general3A_25 {dimension_numbers = #tpu.dot_dimension_numbers<[1], [1], [0], [0], [0, 0, 1, 0], [], []>, transpose_lhs_hint = false} : vector<48x64xf32>, vector<2048x64xf32>, vector<48x2048xf32> -> vector<48x2048xf32>
    %mul3A = arith.constant 1.250000e-01 : f32
    %mul3A_27 = vector.broadcast %mul3A : f32 to vector<48x2048xf32>
    %mul3A_28 = arith.mulf %dot_general3A_26, %mul3A_27 : vector<48x2048xf32>
    %reduce_max3A = arith.constant dense<0xFF800000> : vector<48xf32>
    %reduce_max3A_29 = vector.multi_reduction <maximumf>, %mul3A_28, %reduce_max3A [1] : vector<48x2048xf32> to vector<48xf32>
    %broadcast_in_dim3A = vector.shape_cast %reduce_max3A_29 : vector<48xf32> to vector<48x1xf32>
    %sub3A = vector.broadcast %broadcast_in_dim3A : vector<48x1xf32> to vector<48x2048xf32>
    %sub3A_30 = arith.subf %mul3A_28, %sub3A : vector<48x2048xf32>
    %exp3A = math.exp %sub3A_30 : vector<48x2048xf32>
    %reduce_sum3A = arith.constant dense<0.000000e+00> : vector<48xf32>
    %reduce_sum3A_31 = vector.multi_reduction <add>, %exp3A, %reduce_sum3A [1] : vector<48x2048xf32> to vector<48xf32>
    %broadcast_in_dim3A_32 = vector.shape_cast %reduce_sum3A_31 : vector<48xf32> to vector<48x1xf32>
    %div3A = vector.broadcast %broadcast_in_dim3A_32 : vector<48x1xf32> to vector<48x2048xf32>
    %div3A_33 = arith.divf %exp3A, %div3A : vector<48x2048xf32>
    %dot_general3A_34 = arith.constant dense<0.000000e+00> : vector<48x64xf32>
    %dot_general3A_35 = tpu.matmul %div3A_33, %get3A_22, %dot_general3A_34 {dimension_numbers = #tpu.dot_dimension_numbers<[1], [0], [0], [1], [0, 0, 1, 1], [], []>, transpose_lhs_hint = false} : vector<48x2048xf32>, vector<2048x64xf32>, vector<48x64xf32> -> vector<48x64xf32>
    %reduce_sum3A_36 = arith.constant dense<0.000000e+00> : vector<64xf32>
    %reduce_sum3A_37 = vector.multi_reduction <add>, %get3A_22, %reduce_sum3A_36 [0] : vector<2048x64xf32> to vector<64xf32>
    %broadcast_in_dim3A_38 = vector.shape_cast %reduce_sum3A_37 : vector<64xf32> to vector<1x64xf32>
    %div3A_39 = arith.constant 2.048000e+03 : f32
    %div3A_40 = vector.broadcast %div3A_39 : f32 to vector<1x64xf32>
    %div3A_41 = arith.divf %broadcast_in_dim3A_38, %div3A_40 : vector<1x64xf32>
    %reduce_sum3A_42 = arith.constant dense<0.000000e+00> : vector<2048xf32>
    %reduce_sum3A_43 = vector.multi_reduction <add>, %convert_element_type3A_13, %reduce_sum3A_42 [0] : vector<48x2048xf32> to vector<2048xf32>
    %broadcast_in_dim3A_44 = vector.shape_cast %reduce_sum3A_43 : vector<2048xf32> to vector<2048x1xf32>
    %dot_general3A_45 = arith.constant dense<0.000000e+00> : vector<2048x64xf32>
    %dot_general3A_46 = tpu.matmul %convert_element_type3A_13, %dot_general3A_35, %dot_general3A_45 {dimension_numbers = #tpu.dot_dimension_numbers<[0], [0], [1], [1], [0, 1, 1, 1], [], []>, transpose_lhs_hint = false} : vector<48x2048xf32>, vector<48x64xf32>, vector<2048x64xf32> -> vector<2048x64xf32>
    %sub3A_47 = arith.constant 1.000000e+00 : f32
    %sub3A_48 = vector.broadcast %sub3A_47 : f32 to vector<2048x1xf32>
    %sub3A_49 = arith.subf %sub3A_48, %broadcast_in_dim3A_44 : vector<2048x1xf32>
    %mul3A_50 = vector.broadcast %sub3A_49 : vector<2048x1xf32> to vector<2048x64xf32>
    %mul3A_51 = vector.broadcast %div3A_41 : vector<1x64xf32> to vector<2048x64xf32>
    %mul3A_52 = arith.mulf %mul3A_50, %mul3A_51 : vector<2048x64xf32>
    %add3A = arith.addf %dot_general3A_46, %mul3A_52 : vector<2048x64xf32>
    %swap3A = arith.constant 0 : index
    %swap3A_53 = arith.constant 0 : index
    %swap3A_54 = vector.load %arg5[%swap3A, %swap3A_53] : memref<2048x128xf32, #tpu.memory_space<vmem>>, vector<2048x64xf32>
    tpu.vector_store %arg5[%swap3A, %swap3A_53], %add3A {strides = array<i32>} : memref<2048x128xf32, #tpu.memory_space<vmem>>, vector<2048x64xf32>,
    %get3A_55 = arith.constant 1 : index
    %get3A_56 = arith.constant 0 : index
    %get3A_57 = arith.constant 0 : index
    %get3A_58 = vector.load %arg1[%get3A_55, %get3A_56, %get3A_57] : memref<2x1x128xf32, #tpu.memory_space<vmem>>, vector<1x1x128xf32>
    %get3A_59 = vector.shape_cast %get3A_58 : vector<1x1x128xf32> to vector<1x128xf32>
    %dot_general3A_60 = arith.constant dense<0.000000e+00> : vector<48x1xf32>
    %dot_general3A_61 = tpu.matmul %convert_element_type3A_1, %get3A_59, %dot_general3A_60 {dimension_numbers = #tpu.dot_dimension_numbers<[1], [1], [0], [0], [0, 0, 1, 0], [], []>, transpose_lhs_hint = false} : vector<48x128xf32>, vector<1x128xf32>, vector<48x1xf32> -> vector<48x1xf32>
    %eq3A_62 = vector.broadcast %dot_general3A_61 : vector<48x1xf32> to vector<48x2048xf32>
    %eq3A_63 = vector.broadcast %convert_element_type3A_3 : vector<1x2048xf32> to vector<48x2048xf32>
    %eq3A_64 = arith.cmpf oeq, %eq3A_62, %eq3A_63 : vector<48x2048xf32>
    %convert_element_type3A_65 = arith.extui %eq3A_64 : vector<48x2048xi1> to vector<48x2048xi32>
    %convert_element_type3A_66 = arith.sitofp %convert_element_type3A_65 : vector<48x2048xi32> to vector<48x2048xf32>
    %get3A_67 = arith.constant 0 : index
    %get3A_68 = arith.constant 64 : index
    %get3A_69 = vector.load %arg2[%get3A_67, %get3A_68] : memref<2048x128xf32, #tpu.memory_space<vmem>>, vector<2048x64xf32>
    %get3A_70 = arith.constant 0 : index
    %get3A_71 = arith.constant 64 : index
    %get3A_72 = vector.load %arg3[%get3A_70, %get3A_71] : memref<2048x128xf32, #tpu.memory_space<vmem>>, vector<2048x64xf32>
    %get3A_73 = arith.constant 0 : index
    %get3A_74 = arith.constant 64 : index
    %get3A_75 = vector.load %arg4[%get3A_73, %get3A_74] : memref<2048x128xf32, #tpu.memory_space<vmem>>, vector<2048x64xf32>
    %dot_general3A_76 = arith.constant dense<0.000000e+00> : vector<48x64xf32>
    %dot_general3A_77 = tpu.matmul %convert_element_type3A_66, %get3A_69, %dot_general3A_76 {dimension_numbers = #tpu.dot_dimension_numbers<[1], [0], [0], [1], [0, 0, 1, 1], [], []>, transpose_lhs_hint = false} : vector<48x2048xf32>, vector<2048x64xf32>, vector<48x64xf32> -> vector<48x64xf32>
    %dot_general3A_78 = arith.constant dense<0.000000e+00> : vector<48x2048xf32>
    %dot_general3A_79 = tpu.matmul %dot_general3A_77, %get3A_72, %dot_general3A_78 {dimension_numbers = #tpu.dot_dimension_numbers<[1], [1], [0], [0], [0, 0, 1, 0], [], []>, transpose_lhs_hint = false} : vector<48x64xf32>, vector<2048x64xf32>, vector<48x2048xf32> -> vector<48x2048xf32>
    %mul3A_80 = arith.constant 1.250000e-01 : f32
    %mul3A_81 = vector.broadcast %mul3A_80 : f32 to vector<48x2048xf32>
    %mul3A_82 = arith.mulf %dot_general3A_79, %mul3A_81 : vector<48x2048xf32>
    %reduce_max3A_83 = arith.constant dense<0xFF800000> : vector<48xf32>
    %reduce_max3A_84 = vector.multi_reduction <maximumf>, %mul3A_82, %reduce_max3A_83 [1] : vector<48x2048xf32> to vector<48xf32>
    %broadcast_in_dim3A_85 = vector.shape_cast %reduce_max3A_84 : vector<48xf32> to vector<48x1xf32>
    %sub3A_86 = vector.broadcast %broadcast_in_dim3A_85 : vector<48x1xf32> to vector<48x2048xf32>
    %sub3A_87 = arith.subf %mul3A_82, %sub3A_86 : vector<48x2048xf32>
    %exp3A_88 = math.exp %sub3A_87 : vector<48x2048xf32>
    %reduce_sum3A_89 = arith.constant dense<0.000000e+00> : vector<48xf32>
    %reduce_sum3A_90 = vector.multi_reduction <add>, %exp3A_88, %reduce_sum3A_89 [1] : vector<48x2048xf32> to vector<48xf32>
    %broadcast_in_dim3A_91 = vector.shape_cast %reduce_sum3A_90 : vector<48xf32> to vector<48x1xf32>
    %div3A_92 = vector.broadcast %broadcast_in_dim3A_91 : vector<48x1xf32> to vector<48x2048xf32>
    %div3A_93 = arith.divf %exp3A_88, %div3A_92 : vector<48x2048xf32>
    %dot_general3A_94 = arith.constant dense<0.000000e+00> : vector<48x64xf32>
    %dot_general3A_95 = tpu.matmul %div3A_93, %get3A_75, %dot_general3A_94 {dimension_numbers = #tpu.dot_dimension_numbers<[1], [0], [0], [1], [0, 0, 1, 1], [], []>, transpose_lhs_hint = false} : vector<48x2048xf32>, vector<2048x64xf32>, vector<48x64xf32> -> vector<48x64xf32>
    %reduce_sum3A_96 = arith.constant dense<0.000000e+00> : vector<64xf32>
    %reduce_sum3A_97 = vector.multi_reduction <add>, %get3A_75, %reduce_sum3A_96 [0] : vector<2048x64xf32> to vector<64xf32>
    %broadcast_in_dim3A_98 = vector.shape_cast %reduce_sum3A_97 : vector<64xf32> to vector<1x64xf32>
    %div3A_99 = arith.constant 2.048000e+03 : f32
    %div3A_100 = vector.broadcast %div3A_99 : f32 to vector<1x64xf32>
    %div3A_101 = arith.divf %broadcast_in_dim3A_98, %div3A_100 : vector<1x64xf32>
    %reduce_sum3A_102 = arith.constant dense<0.000000e+00> : vector<2048xf32>
    %reduce_sum3A_103 = vector.multi_reduction <add>, %convert_element_type3A_66, %reduce_sum3A_102 [0] : vector<48x2048xf32> to vector<2048xf32>
    %broadcast_in_dim3A_104 = vector.shape_cast %reduce_sum3A_103 : vector<2048xf32> to vector<2048x1xf32>
    %dot_general3A_105 = arith.constant dense<0.000000e+00> : vector<2048x64xf32>
    %dot_general3A_106 = tpu.matmul %convert_element_type3A_66, %dot_general3A_95, %dot_general3A_105 {dimension_numbers = #tpu.dot_dimension_numbers<[0], [0], [1], [1], [0, 1, 1, 1], [], []>, transpose_lhs_hint = false} : vector<48x2048xf32>, vector<48x64xf32>, vector<2048x64xf32> -> vector<2048x64xf32>
    %sub3A_107 = arith.constant 1.000000e+00 : f32
    %sub3A_108 = vector.broadcast %sub3A_107 : f32 to vector<2048x1xf32>
    %sub3A_109 = arith.subf %sub3A_108, %broadcast_in_dim3A_104 : vector<2048x1xf32>
    %mul3A_110 = vector.broadcast %sub3A_109 : vector<2048x1xf32> to vector<2048x64xf32>
    %mul3A_111 = vector.broadcast %div3A_101 : vector<1x64xf32> to vector<2048x64xf32>
    %mul3A_112 = arith.mulf %mul3A_110, %mul3A_111 : vector<2048x64xf32>
    %add3A_113 = arith.addf %dot_general3A_106, %mul3A_112 : vector<2048x64xf32>
    %swap3A_114 = arith.constant 0 : index
    %swap3A_115 = arith.constant 64 : index
    %swap3A_116 = vector.load %arg5[%swap3A_114, %swap3A_115] : memref<2048x128xf32, #tpu.memory_space<vmem>>, vector<2048x64xf32>
    tpu.vector_store %arg5[%swap3A_114, %swap3A_115], %add3A_113 {strides = array<i32>} : memref<2048x128xf32, #tpu.memory_space<vmem>>, vector<2048x64xf32>,
    return
  }
  func.func @transform_0(%arg0: i32) -> (i32, i32, i32) {
    %c0_i32 = arith.constant 0 : i32
    %c0_i32_0 = arith.constant 0 : i32
    %c0_i32_1 = arith.constant 0 : i32
    return %arg0, %c0_i32, %c0_i32_0 : i32, i32, i32
  }
  func.func @transform_1(%arg0: i32) -> (i32, i32) {
    %c0_i32 = arith.constant 0 : i32
    %c0_i32_0 = arith.constant 0 : i32
    return %c0_i32, %arg0 : i32, i32
  }
  func.func @transform_2(%arg0: i32) -> (i32, i32) {
    %c0_i32 = arith.constant 0 : i32
    %c0_i32_0 = arith.constant 0 : i32
    return %c0_i32, %arg0 : i32, i32
  }
  func.func @transform_3(%arg0: i32) -> (i32, i32) {
    %c0_i32 = arith.constant 0 : i32
    %c0_i32_0 = arith.constant 0 : i32
    return %c0_i32, %arg0 : i32, i32
  }
  func.func @transform_4(%arg0: i32) -> (i32, i32) {
    %c0_i32 = arith.constant 0 : i32
    %c0_i32_0 = arith.constant 0 : i32
    return %c0_i32, %arg0 : i32, i32
  }
}

</mosaic_0001>

<sc_bundles>
// kernel: kernel.5.cloned.1.call-start
scs
__scs_entry_jumppad:
0x0: {  	(pc) =	sbr.rel $0x88, $3  }
0x1: {  	(tag) =	ssettag $0x0;
	lr =	simm.s32 $0x1  }
0x2: {  	[smem:$0x3F9D] =	sst lr;
	_ =	strace $0xD0000000  }
0x3: {  	_ = 	snop  }
0x4: {  	_ = 	snop  }
0x5: {  	_ = 	snop  }
0x6: {  	_ = 	snop  }
0x7: {  	_ = 	snop  }
__scs_overlays_trampoline_lowered:
0x8: {  	[smem:$0x3FAC] =	sst s0  }
0x9: {  	[smem:$0x3FAD] =	sst s1  }
0xa: {  	[smem:$0x3FAE] =	sst s2  }
0xb: {  	[smem:$0x3FAF] =	sst s3  }
0xc: {  	[smem:$0x3FB0] =	sst s4  }
0xd: {  	[smem:$0x3FB1] =	sst s5  }
0xe: {  	[smem:$0x3FB2] =	sst s6  }
0xf: {  	[smem:$0x3FB3] =	sst s7  }
0x10: {  	[smem:$0x3FB4] =	sst s8  }
0x11: {  	[smem:$0x3FB5] =	sst s9;
	s0 =	simm.s32 @!p0 $0x0  }
0x12: {  	s1 =	sld [smem:$0x3F9B];
	s0 =	simm.s32 @p0 $0x1  }
0x13: {  	[smem:$0x3FB6] =	sst s0;
	s0 =	simm.s32 @!p1 $0x0  }
0x14: {  	s2 =	sld [smem:$0x3F9A];
	s0 =	simm.s32 @p1 $0x1  }
0x15: {  	[smem:$0x3FB7] =	sst s0;
	s0 =	simm.s32 @!p2 $0x0  }
0x16: {  	s3 =	sld [smem:$0x3FDB];
	s0 =	simm.s32 @p2 $0x1  }
0x17: {  	s4 =	simm.s32 $0x1BF5;
	[smem:$0x3FB9] =	sst s0  }
0x18: {  	s0 =	sld [smem:$0x3F9C];
	_ =	swait.ge [sflag:s4], $0x0  }
0x19: {  	s7 =	sld [smem:$0x3F9D]  }
0x1a: {  	s8 =	sadd.s32 $0xFFFFE003, lr  }
0x1b: {  	s9 =	sadd.s32 $0xFFFFFEF7, lr;
	s5 =	simm.s32 $0xFFFFFFFF;
	p2 =	slt.u32 s8, $0xFFFFF086  }
0x1c: {  	p1 =	slt.u32 s9, $0xF7A;
	s5 =	simm.s32 @!p2 $0x0  }
0x1d: {  	s5 =	simm.s32 @p1 $0x1;
	p0 =	seq.s32 s7, s2  }
0x1e: {  	s7 =	smul.u32 @!p0 $0xF7A, s2;
	p2 =	seq.s32 @!p0 s5, $0x0  }
0x1f: {  	s9 =	smul.u32 $0xF7A, s1;
	s8 =	simm.s32 @!p0 $0x1BF5;
	p2 =	por !p2, p0  }
0x20: {  	[sflag:s8] =	ssyncset.s32 @!p0 $0xFFFFF086;
	s6 =	sadd.s32 @!p0 s3, s7;
	s7 =	simm.s32 @!p0 $0x108  }
0x21: {  	s3 =	sadd.s32 s3, s9;
	s6 =	sadd.s32 @!p0 $0x88, s6;
	s7 =	simm.s32 @p2 $0x1082  }
0x22: {  	[simem:s7], [sflag:s8] =	dma.local @!p0 [hbm:s6], $0xF7A  }
0x23: {  	s9 =	sor.u32 $0xD0000000, s2;
	s6 =	simm.s32 $0x108;
	_ =	swait.ge @!p0 [sflag:s8], $0x0  }
0x24: {  	s3 =	sadd.s32 $0x88, s3;
	s6 =	simm.s32 @!p1 $0x1082;
	[sflag:s4] =	ssyncset.s32 $0xFFFFF086  }
0x25: {  	[simem:s6], [sflag:s4] =	dma.local [hbm:s3], $0xF7A  }
0x26: {  	[smem:$0x3F9D] =	sst s1;
	(tag) =	ssettag s2;
	_ =	strace s9  }
0x27: {  	s1 =	sld [smem:$0x3FAD]  }
0x28: {  	s2 =	sld [smem:$0x3FAE]  }
0x29: {  	s4 =	sld [smem:$0x3FB0]  }
0x2a: {  	p0 =	seq.s32 s5, $0x0;
	s5 =	sld [smem:$0x3FB1]  }
0x2b: {  	s6 =	sld [smem:$0x3FB2]  }
0x2c: {  	s7 =	sld [smem:$0x3FB3]  }
0x2d: {  	s3 =	simm.s32 $0x108;
	s8 =	sld [smem:$0x3FB4]  }
0x2e: {  	s3 =	simm.s32 @!p0 $0x1082;
	s9 =	sld [smem:$0x3FB5]  }
0x2f: {  	lr =	sadd.s32 s0, s3;
	s0 =	sld [smem:$0x3FAC]  }
0x30: {  	s3 =	sld [smem:$0x3FAF]  }
0x31: {  	[smem:$0x3FB8] =	sst s10  }
0x32: {  	s10 =	sld [smem:$0x3FB6];
	_ =	sdelay $0x3  }
0x33: {  	p0 =	seq.s32 s10, $0x1;
	s10 =	sld [smem:$0x3FB8];
	_ =	sdelay $0x3  }
0x34: {  	[smem:$0x3FB8] =	sst s10  }
0x35: {  	s10 =	sld [smem:$0x3FB7];
	_ =	sdelay $0x3  }
0x36: {  	p1 =	seq.s32 s10, $0x1;
	s10 =	sld [smem:$0x3FB8];
	_ =	sdelay $0x3  }
0x37: {  	[smem:$0x3FB8] =	sst s10  }
0x38: {  	s10 =	sld [smem:$0x3FB9]  }
0x39: {  	_ = 	snop;
	(pc) =	sbr.ind lr, $3  }
0x3a: {  	_ = 	snop  }
0x3b: {  	_ = 	snop  }
0x3c: {  	p2 =	seq.s32 s10, $0x1;
	s10 =	sld [smem:$0x3FB8]  }
0x3d: {  	_ =	shalt  }
0x3e: {  	_ =	shalt  }
0x3f: {  	_ =	shalt  }
0x40: {  	_ =	shalt  }
0x41: {  	_ =	shalt  }
0x42: {  	_ =	shalt  }
0x43: {  	_ =	shalt  }
0x44: {  	_ =	shalt  }
0x45: {  	_ =	shalt  }
0x46: {  	_ =	shalt  }
0x47: {  	_ =	shalt  }
0x48: {  	_ =	shalt  }
0x49: {  	_ =	shalt  }
0x4a: {  	_ =	shalt  }
0x4b: {  	_ =	shalt  }
0x4c: {  	_ =	shalt  }
0x4d: {  	_ =	shalt  }
0x4e: {  	_ =	shalt  }
0x4f: {  	_ =	shalt  }
0x50: {  	_ =	shalt  }
0x51: {  	_ =	shalt  }
0x52: {  	_ =	shalt  }
0x53: {  	_ =	shalt  }
0x54: {  	_ =	shalt  }
0x55: {  	_ =	shalt  }
0x56: {  	_ =	shalt  }
0x57: {  	_ =	shalt  }
0x58: {  	_ =	shalt  }
0x59: {  	_ =	shalt  }
0x5a: {  	_ =	shalt  }
0x5b: {  	_ =	shalt  }
0x5c: {  	_ =	shalt  }
0x5d: {  	_ =	shalt  }
0x5e: {  	_ =	shalt  }
0x5f: {  	_ =	shalt  }
0x60: {  	_ =	shalt  }
0x61: {  	_ =	shalt  }
0x62: {  	_ =	shalt  }
0x63: {  	_ =	shalt  }
0x64: {  	_ =	shalt  }
0x65: {  	_ =	shalt  }
0x66: {  	_ =	shalt  }
0x67: {  	_ =	shalt  }
0x68: {  	_ =	shalt  }
0x69: {  	_ =	shalt  }
0x6a: {  	_ =	shalt  }
0x6b: {  	_ =	shalt  }
0x6c: {  	_ =	shalt  }
0x6d: {  	_ =	shalt  }
0x6e: {  	_ =	shalt  }
0x6f: {  	_ =	shalt  }
0x70: {  	_ =	shalt  }
0x71: {  	_ =	shalt  }
0x72: {  	_ =	shalt  }
0x73: {  	_ =	shalt  }
0x74: {  	_ =	shalt  }
0x75: {  	_ =	shalt  }
0x76: {  	_ =	shalt  }
0x77: {  	_ =	shalt  }
0x78: {  	_ =	shalt  }
0x79: {  	_ =	shalt  }
0x7a: {  	_ =	shalt  }
0x7b: {  	_ =	shalt  }
0x7c: {  	_ =	shalt  }
0x7d: {  	_ =	shalt  }
0x7e: {  	_ =	shalt  }
0x7f: {  	_ =	shalt  }
0x80: {  	_ =	shalt  }
0x81: {  	_ =	shalt  }
0x82: {  	_ =	shalt  }
0x83: {  	_ =	shalt  }
0x84: {  	_ =	shalt  }
0x85: {  	_ =	shalt  }
0x86: {  	_ =	shalt  }
0x87: {  	_ =	shalt  }
.Lfunc_end0:
.L_simem_size_0:
called_computation_lowered:
.L_overlay_start_0:
0x88: {  	s2 =	sld [smem:$0x3FD9]  }
0x89: {  	s3 =	sld [smem:$0x3FFE];
	_ =	sdelay $0x1  }
0x8a: {  	s1 =	srdreg.scid  }
0x8b: {  	s0 =	sand.u32 $0x1, s1  }
0x8c: {  	s16 =	sshll.u32 s0, $0xA;
	s2 =	sadd.s32 s3, s2  }
0x8d: {  	s2 =	sadd.s32 s2, s16  }
0x8e: {  	[smem:$0x3FC4] =	sst s2  }
0x8f: {  	_ = 	snop  }
0x90: {  	(tm) =	ssettm $0x1  }
0x91: {  	s17 =	sld [smem:$0x3FFB];
	_ =	sdelay $0x3  }
0x92: {  	_ =	strace s17  }
0x93: {  	s2 =	sld [smem:$0x3FFC];
	_ =	sdelay $0x3  }
0x94: {  	_ =	strace s2  }
0x95: {  	s2 =	sld [smem:$0x3FFD];
	_ =	sdelay $0x3  }
0x96: {  	_ =	strace s2  }
0x97: {  	_ =	strace $0x8FFFFFFF  }
0x98: {  	s18 =	sld [smem:$0x3FDB];
	_ =	sdelay $0x1  }
0x99: {  	s19 =	simm.s32 $_scs_section_size  }
0x9a: {  	s4 =	simm.s32 $_size__tile_overlayer_lowered;
	s5 =	simm.s32 $_tile_overlayer_lowered  }
0x9b: {  	s22 =	simm.s32 $0x1BFF;
	s21 =	sshll.u32 s5, $0x1;
	s2 =	sadd.s32 s19, s18  }
0x9c: {  	s6 =	simm.s32 $0x0;
	s20 =	sshll.u32 s4, $0x1;
	s4 =	sadd.s32 s21, s2  }
0x9d: {  	[timem:s6], [sflag:s22] =	dma.local [hbm:s4], s20  }
0x9e: {  	_ =	swait.ge [sflag:s22], s20  }
0x9f: {  	s3 =	ssub.s32 $0x0, s20;
	[sflag:s22] =	ssyncset.done $0x0  }
0xa0: {  	[sflag:s22] =	ssyncadd.s32 s3;
	_ =	sdelay $0x1  }
0xa1: {  	s23 =	simm.s32 $0x1B8B  }
0xa2: {  	_ =	swait.ge [sflag:s23], $0x1  }
0xa3: {  	[sflag:s23] =	ssyncset.done $0x0  }
0xa4: {  	s25 =	simm.s32 $0x1B8E;
	s24 =	sld [smem:$0x3FFE];
	[sflag:s23] =	ssyncadd.s32 $0xFFFFFFFF  }
0xa5: {  	s26 =	simm.s32 $execute0_lowered;
	[smem:$0x3FD2] =	sst s25  }
0xa6: {  	s4 =	sshll.u32 s26, $0x1;
	_ =	strace $0x80000046;
	[dreg:$0x1] =	wrdreg $0xFFFFFFFF  }
0xa7: {  	s28 =	simm.s32 $_size_execute0_lowered;
	s2 =	sadd.s32 s2, s4;
	[dreg:$0x0] =	wrdreg $0x0  }
0xa8: {  	s4 =	sshll.u32 s28, $0x1;
	[dreg:$0x2] =	wrdreg s2  }
0xa9: {  	[dreg:$0x3] =	wrdreg s4  }
0xaa: {  	[dreg:$0x4] =	wrdreg $0xC0  }
0xab: {  	_ =	task [dreg:s6], $0x5FFFF  }
0xac: {  	[dreg:$0x1] =	wrdreg $0xFFFFFFFF  }
0xad: {  	[dreg:$0x0] =	wrdreg $0x60  }
0xae: {  	[dreg:$0x2] =	wrdreg s24  }
0xaf: {  	[dreg:$0x3] =	wrdreg $0x9  }
0xb0: {  	_ =	task.clear_ibuf [dreg:s6], $0x4FFFF;
	_ =	strace $0x90000046  }
0xb1: {  	s29 =	simm.s32 $0x9;
	_ =	strace $0x80000048  }
0xb2: {  	_ =	swait.ge [sflag:s29], $0x1  }
0xb3: {  	[sflag:s29] =	ssyncadd.s32 $0xFFFFFFFF  }
0xb4: {  	_ =	strace $0x90000048  }
0xb5: {  	_ =	sfence  }
0xb6: {  	s30 =	sld [smem:$0x0];
	_ =	sdelay $0x2  }
0xb7: {  	s31 =	sshll.u32 s1, $0xD;
	s1 =	sshrl.u32 s1, $0x2  }
0xb8: {  	s3 =	sand.u32 $0x4000, s31;
	s1 =	sadd.s32 s1, s30  }
0xb9: {  	s0 =	sor.u32 s3, s0;
	s1 =	sshll.u32 s1, $0x11  }
0xba: {  	s0 =	sor.u32 s1, s0  }
0xbb: {  	s0 =	sadd.s32 $0x8F2B, s0  }
0xbc: {  	[sflag:s0] =	ssyncadd.remote.s32 $0x1  }
0xbd: {  	_ =	sfence.sel $0xFFFF  }
0xbe: {  	[dreg:$0x0] =	wrdreg $0xFFFFFFFF;
	(pc) =	sbr.abs _section_cstart, $3  }
0xbf: {  	[dreg:$0x1] =	wrdreg $0xFFFFFFFF  }
0xc0: {  	_ =	task.clear_ibuf [dreg:s6], $0x2FFFF;
	_ =	strace $0x9FFFFFFF  }
0xc1: {  	(tm) =	ssettm $0x7FFFFFFF  }
tec
execute0_lowered:
.L_overlay_start_1:
0x0: {  	(tag) =	ssettag $0x1  }
0x1: {  	s4 =	rddreg [dreg:$0x0];
	s2 =	srdreg.scid  }
0x2: {  	s0 =	rddreg [dreg:$0x1];
	s1 =	stileid.u32  }
0x3: {  	s11 =	simm.s32 $0x2000;
	s12 =	simm.s32 $0xA000;
	s13 =	simm.s32 $0x1  }
0x4: {  	s14 =	simm.s32 $0x2;
	s15 =	simm.s32 $0x0;
	s3 =	sand.u32 $0x1, s2  }
0x5: {  	s2 =	simm.s32 $0x0;
	s5 =	sshll.u32 s1, $0x7;
	s6 =	sshll.u32 s3, $0x6  }
0x6: {  	[smem:$0x7FF] =	sst s2;
	s7 =	ssub.s32 $0x2, s3;
	s5 =	sor.u32 s6, s5  }
0x7: {  	s3 =	sadd.s32 $0x9600, s4;
	_ =	strace $0x80000047;
	s6 =	sshll.u32 s5, $0x4  }
0x8: {  	s8 =	sshrl.u32 s7, $0x1;
	s5 =	sshll.u32 s5, $0x8;
	s6 =	sadd.s32 s6, s4  }
0x9: {  	s10 =	ssub.s32 s7, s8;
	s9 =	sadd.s32 s5, s4;
	s4 =	sadd.s32 $0x1600, s6  }
0xa: {  	s5 =	sadd.s32 $0xA600, s9;
	s6 =	sadd.s32 $0xB600, s9;
	s7 =	sadd.s32 $0xC600, s9  }
0xb: {  	v0 =	vimm.f32 $1.000000000e+00;
	v1 =	vimm.f32 $0.0e+00;
	s8 =	sadd.s32 $0xD600, s9;
	s9 =	smax.u32 s10, $0x1;
	s10 =	simm.s32 $0x3  }
.LBB2_1:
0xc: {  	[tilespmem:s2], [sflag:$0x3] =	stream.linear.gather [hbm4b:s4+s2], $0x2000, $0x38;
	[tilespmem:$0x12000] =	vst v63  }
0xd: {  	_ =	swait.ge [sflag:s10], $0x2000  }
0xe: {  	[sflag:s10] =	ssyncset.done $0x0  }
0xf: {  	[sflag:s10] =	ssyncadd.s32 $0xFFFFE000  }
0x10: {  	[tilespmem:s11], [sflag:$0x3] =	stream.linear.gather [hbm4b:s3+s2], $0x8000, $0x38;
	[tilespmem:$0x12000] =	vst v63  }
0x11: {  	_ =	swait.ge [sflag:s10], $0x8000  }
0x12: {  	[sflag:s10] =	ssyncset.done $0x0  }
0x13: {  	[sflag:s10] =	ssyncadd.s32 $0xFFFF8000  }
0x14: {  	[tilespmem:s12], [sflag:$0x3] =	stream.linear.gather [hbm4b:s3+s2], $0x8000, $0x38;
	[tilespmem:$0x12000] =	vst v63  }
0x15: {  	_ =	swait.ge [sflag:s10], $0x8000  }
0x16: {  	[sflag:s10] =	ssyncset.done $0x0  }
0x17: {  	s16 =	simm.s32 $0x20;
	s17 =	simm.s32 $0x0;
	[sflag:s10] =	ssyncadd.s32 $0xFFFF8000  }
.LBB2_2:
0x18: {  	v4 =	vld [tilespmem:s16+$0xFFFFFFE0];
	_ =	sdelay $0x4  }
0x19: {  	v2 =	vbroadcast v4, $0x0;
	v7 =	vbroadcast v4, $0x1  }
0x1a: {  	v48 =	vbroadcast v4, $0x2;
	v9 =	vbroadcast v4, $0x3  }
0x1b: {  	v11 =	vbroadcast v4, $0x4;
	v51 =	vbroadcast v4, $0x5  }
0x1c: {  	v5 =	vmov s17;
	v13 =	vbroadcast v4, $0x6;
	v55 =	vbroadcast v4, $0x7  }
0x1d: {  	v3 =	vshll.u32 v5, $0xB;
	v57 =	vbroadcast v4, $0x8;
	v15 =	vbroadcast v4, $0x9  }
0x1e: {  	v5 =	vshll.u32 v5, $0x7;
	v17 =	vbroadcast v4, $0xA;
	v18 =	vbroadcast v4, $0xB  }
0x1f: {  	v3 =	vand.u32 $0x4000, v3;
	v22 =	vbroadcast v4, $0xC;
	v25 =	vbroadcast v4, $0xD  }
0x20: {  	v31 =	vbroadcast v4, $0xE;
	v4 =	vbroadcast v4, $0xF;
	v6 =	vand.u32 $0x7F, v2  }
0x21: {  	v2 =	vshll.u32 v2, $0x3;
	v47 =	vshll.u32 v7, $0x3;
	v7 =	vand.u32 $0x7F, v7  }
0x22: {  	v49 =	vshll.u32 v48, $0x3;
	v10 =	vshll.u32 v9, $0x3;
	v9 =	vand.u32 $0x7F, v9  }
0x23: {  	v52 =	vshll.u32 v11, $0x3;
	v11 =	vand.u32 $0x7F, v11;
	v12 =	vshll.u32 v51, $0x3  }
0x24: {  	v54 =	vshll.u32 v13, $0x3;
	v13 =	vand.u32 $0x7F, v13;
	v14 =	vshll.u32 v55, $0x3  }
0x25: {  	v58 =	vshll.u32 v57, $0x3;
	v16 =	vshll.u32 v15, $0x3;
	v59 =	vand.u32 $0x7F, v15  }
0x26: {  	v61 =	vshll.u32 v17, $0x3;
	v63 =	vand.u32 $0x7F, v17;
	v20 =	vshll.u32 v18, $0x3  }
0x27: {  	v18 =	vand.u32 $0x7F, v18;
	v24 =	vshll.u32 v22, $0x3;
	v28 =	vand.u32 $0x7F, v22  }
0x28: {  	v29 =	vshll.u32 v25, $0x3;
	v32 =	vand.u32 $0x7F, v25;
	v33 =	vshll.u32 v31, $0x3  }
0x29: {  	v2 =	vand.u32 $0xFFFFFC00, v2;
	v10 =	vand.u32 $0xFFFFFC00, v10;
	v12 =	vand.u32 $0xFFFFFC00, v12  }
0x2a: {  	v56 =	vand.u32 $0xFFFFFC00, v14;
	v60 =	vand.u32 $0xFFFFFC00, v16;
	v21 =	vand.u32 $0xFFFFFC00, v20  }
0x2b: {  	v8 =	vadd.s32 v3, v2;
	v2 =	vand.u32 $0x380, v5;
	v5 =	vand.u32 $0xFFFFFC00, v47  }
0x2c: {  	v10 =	vadd.s32 v3, v10;
	v53 =	vadd.s32 v3, v12;
	v12 =	vand.u32 $0x7F, v55  }
0x2d: {  	v15 =	vadd.s32 v3, v60;
	v16 =	vadd.s32 v3, v21;
	v6 =	vor.u32 v6, v8  }
0x2e: {  	v5 =	vadd.s32 v3, v5;
	v8 =	vand.u32 $0x7F, v48;
	v50 =	vor.u32 v9, v10  }
0x2f: {  	v10 =	vand.u32 $0xFFFFFC00, v52;
	v9 =	vand.u32 $0x7F, v51;
	v23 =	vor.u32 v18, v16  }
0x30: {  	v6 =	vor.u32 v2, v6;
	v5 =	vor.u32 v7, v5;
	v7 =	vand.u32 $0xFFFFFC00, v49  }
0x31: {  	v10 =	vadd.s32 v3, v10;
	v9 =	vor.u32 v9, v53;
	v5 =	vor.u32 v2, v5  }
0x32: {  	v7 =	vadd.s32 v3, v7;
	v10 =	vor.u32 v11, v10;
	v11 =	vand.u32 $0xFFFFFC00, v54  }
0x33: {  	v9 =	vor.u32 v2, v9;
	v7 =	vor.u32 v8, v7;
	v11 =	vadd.s32 v3, v11  }
0x34: {  	v7 =	vor.u32 v2, v7;
	v11 =	vor.u32 v13, v11;
	v13 =	vadd.s32 v3, v56  }
0x35: {  	v8 =	vor.u32 v2, v50;
	v10 =	vor.u32 v2, v10;
	v12 =	vor.u32 v12, v13  }
0x36: {  	v11 =	vor.u32 v2, v11;
	v13 =	vand.u32 $0xFFFFFC00, v58;
	v12 =	vor.u32 v2, v12  }
0x37: {  	v14 =	vand.u32 $0x7F, v57;
	v13 =	vadd.s32 v3, v13;
	[tilespmem:v6+s11+$0x0] =	vst.idx.add.f32.msk $0x1, v0;
	v6 =	vor.u32 v2, v23  }
0x38: {  	v62 =	vand.u32 $0xFFFFFC00, v61;
	v13 =	vor.u32 v14, v13;
	v14 =	vor.u32 v59, v15;
	[tilespmem:v5+s11+$0x0] =	vst.idx.add.f32.msk $0x1, v0  }
0x39: {  	v34 =	vshll.u32 v4, $0x3;
	v15 =	vadd.s32 v3, v62;
	v13 =	vor.u32 v2, v13;
	[tilespmem:v7+s11+$0x0] =	vst.idx.add.f32.msk $0x1, v0  }
0x3a: {  	v27 =	vand.u32 $0xFFFFFC00, v24;
	v15 =	vor.u32 v63, v15;
	v14 =	vor.u32 v2, v14;
	[tilespmem:v8+s11+$0x0] =	vst.idx.add.f32.msk $0x1, v0  }
0x3b: {  	v30 =	vand.u32 $0xFFFFFC00, v29;
	v26 =	vor.u32 v2, v15;
	v15 =	vadd.s32 v3, v27;
	[tilespmem:v10+s11+$0x0] =	vst.idx.add.f32.msk $0x1, v0  }
0x3c: {  	v35 =	vand.u32 $0x7F, v31;
	v7 =	vor.u32 v28, v15;
	v8 =	vadd.s32 v3, v30;
	[tilespmem:v9+s11+$0x0] =	vst.idx.add.f32.msk $0x1, v0  }
0x3d: {  	v7 =	vor.u32 v2, v7;
	v8 =	vor.u32 v32, v8;
	v9 =	vand.u32 $0xFFFFFC00, v33;
	[tilespmem:v11+s11+$0x0] =	vst.idx.add.f32.msk $0x1, v0  }
0x3e: {  	v10 =	vand.u32 $0xFFFFFC00, v34;
	v8 =	vor.u32 v2, v8;
	v9 =	vadd.s32 v3, v9;
	[tilespmem:v12+s11+$0x0] =	vst.idx.add.f32.msk $0x1, v0  }
0x3f: {  	v4 =	vand.u32 $0x7F, v4;
	v10 =	vadd.s32 v3, v10;
	v9 =	vor.u32 v35, v9;
	[tilespmem:v13+s11+$0x0] =	vst.idx.add.f32.msk $0x1, v0  }
0x40: {  	v4 =	vor.u32 v4, v10;
	v9 =	vor.u32 v2, v9;
	[tilespmem:v14+s11+$0x0] =	vst.idx.add.f32.msk $0x1, v0  }
0x41: {  	v4 =	vor.u32 v2, v4;
	[tilespmem:v26+s11+$0x0] =	vst.idx.add.f32.msk $0x1, v0  }
0x42: {  	[tilespmem:v6+s11+$0x0] =	vst.idx.add.f32.msk $0x1, v0  }
0x43: {  	[tilespmem:v7+s11+$0x0] =	vst.idx.add.f32.msk $0x1, v0  }
0x44: {  	[tilespmem:v8+s11+$0x0] =	vst.idx.add.f32.msk $0x1, v0  }
0x45: {  	[tilespmem:v9+s11+$0x0] =	vst.idx.add.f32.msk $0x1, v0  }
0x46: {  	[tilespmem:v4+s11+$0x0] =	vst.idx.add.f32.msk $0x1, v0  }
0x47: {  	v4 =	vld [tilespmem:s16+$0xFFFFFFF0];
	_ =	sdelay $0x4  }
0x48: {  	v36 =	vbroadcast v4, $0x0;
	v38 =	vbroadcast v4, $0x1  }
0x49: {  	v41 =	vbroadcast v4, $0x2;
	v42 =	vbroadcast v4, $0x3  }
0x4a: {  	v45 =	vbroadcast v4, $0x4;
	v47 =	vbroadcast v4, $0x5  }
0x4b: {  	v50 =	vbroadcast v4, $0x6;
	v53 =	vbroadcast v4, $0x7  }
0x4c: {  	v56 =	vbroadcast v4, $0x8;
	v58 =	vbroadcast v4, $0x9  }
0x4d: {  	v60 =	vbroadcast v4, $0xA;
	v21 =	vbroadcast v4, $0xB  }
0x4e: {  	v26 =	vbroadcast v4, $0xC;
	v29 =	vbroadcast v4, $0xD  }
0x4f: {  	v35 =	vbroadcast v4, $0xE;
	v4 =	vbroadcast v4, $0xF  }
0x50: {  	v37 =	vshll.u32 v36, $0x3;
	v5 =	vand.u32 $0x7F, v36;
	v39 =	vshll.u32 v38, $0x3  }
0x51: {  	v7 =	vand.u32 $0x7F, v38;
	v43 =	vshll.u32 v41, $0x3;
	v44 =	vshll.u32 v42, $0x3  }
0x52: {  	v8 =	vand.u32 $0x7F, v41;
	v9 =	vand.u32 $0x7F, v42;
	v48 =	vshll.u32 v45, $0x3  }
0x53: {  	v11 =	vand.u32 $0x7F, v45;
	v49 =	vshll.u32 v47, $0x3;
	v52 =	vshll.u32 v50, $0x3  }
0x54: {  	v13 =	vand.u32 $0x7F, v50;
	v54 =	vshll.u32 v53, $0x3;
	v57 =	vshll.u32 v56, $0x3  }
0x55: {  	v14 =	vand.u32 $0x7F, v56;
	v59 =	vshll.u32 v58, $0x3;
	v61 =	vand.u32 $0x7F, v58  }
0x56: {  	v63 =	vshll.u32 v60, $0x3;
	v23 =	vand.u32 $0x7F, v60;
	v24 =	vshll.u32 v21, $0x3  }
0x57: {  	v18 =	vand.u32 $0x7F, v21;
	v28 =	vshll.u32 v26, $0x3;
	v32 =	vand.u32 $0x7F, v26  }
0x58: {  	v33 =	vshll.u32 v29, $0x3;
	v36 =	vand.u32 $0x7F, v29;
	v6 =	vand.u32 $0xFFFFFC00, v37  }
0x59: {  	v40 =	vand.u32 $0xFFFFFC00, v39;
	v10 =	vand.u32 $0xFFFFFC00, v44;
	v12 =	vand.u32 $0xFFFFFC00, v49  }
0x5a: {  	v55 =	vand.u32 $0xFFFFFC00, v54;
	v62 =	vand.u32 $0xFFFFFC00, v59;
	v25 =	vand.u32 $0xFFFFFC00, v24  }
0x5b: {  	v6 =	vadd.s32 v3, v6;
	v10 =	vadd.s32 v3, v10;
	v51 =	vadd.s32 v3, v12  }
0x5c: {  	v12 =	vand.u32 $0x7F, v53;
	v15 =	vadd.s32 v3, v62;
	v16 =	vadd.s32 v3, v25  }
0x5d: {  	v5 =	vor.u32 v5, v6;
	v6 =	vadd.s32 v3, v40;
	v46 =	vor.u32 v9, v10  }
0x5e: {  	v10 =	vand.u32 $0xFFFFFC00, v48;
	v9 =	vand.u32 $0x7F, v47;
	v27 =	vor.u32 v18, v16  }
0x5f: {  	v5 =	vor.u32 v2, v5;
	v6 =	vor.u32 v7, v6;
	v7 =	vand.u32 $0xFFFFFC00, v43  }
0x60: {  	v10 =	vadd.s32 v3, v10;
	v9 =	vor.u32 v9, v51;
	v6 =	vor.u32 v2, v6  }
0x61: {  	v7 =	vadd.s32 v3, v7;
	v10 =	vor.u32 v11, v10;
	v11 =	vand.u32 $0xFFFFFC00, v52  }
0x62: {  	v9 =	vor.u32 v2, v9;
	v7 =	vor.u32 v8, v7;
	v11 =	vadd.s32 v3, v11  }
0x63: {  	v7 =	vor.u32 v2, v7;
	v11 =	vor.u32 v13, v11;
	v13 =	vadd.s32 v3, v55  }
0x64: {  	v8 =	vor.u32 v2, v46;
	v10 =	vor.u32 v2, v10;
	v12 =	vor.u32 v12, v13  }
0x65: {  	v11 =	vor.u32 v2, v11;
	v13 =	vand.u32 $0xFFFFFC00, v57;
	v12 =	vor.u32 v2, v12  }
0x66: {  	v38 =	vshll.u32 v4, $0x3;
	v13 =	vadd.s32 v3, v13;
	[tilespmem:v5+s11+$0x0] =	vst.idx.add.f32.msk $0x1, v0;
	v5 =	vor.u32 v2, v27  }
0x67: {  	v22 =	vand.u32 $0xFFFFFC00, v63;
	v13 =	vor.u32 v14, v13;
	v14 =	vor.u32 v61, v15;
	[tilespmem:v6+s11+$0x0] =	vst.idx.add.f32.msk $0x1, v0  }
0x68: {  	v31 =	vand.u32 $0xFFFFFC00, v28;
	v15 =	vadd.s32 v3, v22;
	v13 =	vor.u32 v2, v13;
	[tilespmem:v7+s11+$0x0] =	vst.idx.add.f32.msk $0x1, v0  }
0x69: {  	v34 =	vand.u32 $0xFFFFFC00, v33;
	v15 =	vor.u32 v23, v15;
	v14 =	vor.u32 v2, v14;
	[tilespmem:v8+s11+$0x0] =	vst.idx.add.f32.msk $0x1, v0  }
0x6a: {  	v37 =	vshll.u32 v35, $0x3;
	v30 =	vor.u32 v2, v15;
	v15 =	vadd.s32 v3, v31;
	[tilespmem:v10+s11+$0x0] =	vst.idx.add.f32.msk $0x1, v0  }
0x6b: {  	v39 =	vand.u32 $0x7F, v35;
	v7 =	vor.u32 v32, v15;
	v8 =	vadd.s32 v3, v34;
	[tilespmem:v9+s11+$0x0] =	vst.idx.add.f32.msk $0x1, v0  }
0x6c: {  	v7 =	vor.u32 v2, v7;
	v8 =	vor.u32 v36, v8;
	v9 =	vand.u32 $0xFFFFFC00, v37;
	[tilespmem:v11+s11+$0x0] =	vst.idx.add.f32.msk $0x1, v0  }
0x6d: {  	v10 =	vand.u32 $0xFFFFFC00, v38;
	v8 =	vor.u32 v2, v8;
	v9 =	vadd.s32 v3, v9;
	[tilespmem:v12+s11+$0x0] =	vst.idx.add.f32.msk $0x1, v0  }
0x6e: {  	v4 =	vand.u32 $0x7F, v4;
	v10 =	vadd.s32 v3, v10;
	v9 =	vor.u32 v39, v9;
	[tilespmem:v13+s11+$0x0] =	vst.idx.add.f32.msk $0x1, v0  }
0x6f: {  	v4 =	vor.u32 v4, v10;
	v9 =	vor.u32 v2, v9;
	[tilespmem:v14+s11+$0x0] =	vst.idx.add.f32.msk $0x1, v0  }
0x70: {  	v4 =	vor.u32 v2, v4;
	[tilespmem:v30+s11+$0x0] =	vst.idx.add.f32.msk $0x1, v0  }
0x71: {  	[tilespmem:v5+s11+$0x0] =	vst.idx.add.f32.msk $0x1, v0  }
0x72: {  	[tilespmem:v7+s11+$0x0] =	vst.idx.add.f32.msk $0x1, v0  }
0x73: {  	[tilespmem:v8+s11+$0x0] =	vst.idx.add.f32.msk $0x1, v0  }
0x74: {  	[tilespmem:v9+s11+$0x0] =	vst.idx.add.f32.msk $0x1, v0  }
0x75: {  	[tilespmem:v4+s11+$0x0] =	vst.idx.add.f32.msk $0x1, v0  }
0x76: {  	v4 =	vld [tilespmem:s16+$0x0];
	_ =	sdelay $0x4  }
0x77: {  	v40 =	vbroadcast v4, $0x0;
	v42 =	vbroadcast v4, $0x1  }
0x78: {  	v44 =	vbroadcast v4, $0x2;
	v47 =	vbroadcast v4, $0x3  }
0x79: {  	v49 =	vbroadcast v4, $0x4;
	v51 =	vbroadcast v4, $0x5  }
0x7a: {  	v55 =	vbroadcast v4, $0x6;
	v4 =	vbroadcast v4, $0x7  }
0x7b: {  	v41 =	vshll.u32 v40, $0x3;
	v5 =	vand.u32 $0x7F, v40;
	v43 =	vshll.u32 v42, $0x3  }
0x7c: {  	v7 =	vand.u32 $0x7F, v42;
	v45 =	vshll.u32 v44, $0x3;
	v8 =	vand.u32 $0x7F, v44  }
0x7d: {  	v48 =	vshll.u32 v47, $0x3;
	v9 =	vand.u32 $0x7F, v47;
	v50 =	vshll.u32 v49, $0x3  }
0x7e: {  	v52 =	vand.u32 $0x7F, v49;
	v54 =	vshll.u32 v51, $0x3;
	v56 =	vand.u32 $0x7F, v51  }
0x7f: {  	v57 =	vshll.u32 v55, $0x3;
	v59 =	vand.u32 $0x7F, v55;
	v6 =	vand.u32 $0xFFFFFC00, v41  }
0x80: {  	v60 =	vshll.u32 v4, $0x3;
	v46 =	vand.u32 $0xFFFFFC00, v45;
	v6 =	vadd.s32 v3, v6  }
0x81: {  	v53 =	vand.u32 $0xFFFFFC00, v50;
	v5 =	vor.u32 v5, v6;
	v6 =	vand.u32 $0xFFFFFC00, v43  }
0x82: {  	v11 =	vand.u32 $0xFFFFFC00, v54;
	v58 =	vand.u32 $0xFFFFFC00, v57;
	v6 =	vadd.s32 v3, v6  }
0x83: {  	v61 =	vand.u32 $0xFFFFFC00, v60;
	v6 =	vor.u32 v7, v6;
	v7 =	vadd.s32 v3, v46  }
0x84: {  	v5 =	vor.u32 v2, v5;
	v7 =	vor.u32 v8, v7;
	v8 =	vand.u32 $0xFFFFFC00, v48  }
0x85: {  	v10 =	vadd.s32 v3, v53;
	v6 =	vor.u32 v2, v6;
	v8 =	vadd.s32 v3, v8  }
0x86: {  	v11 =	vadd.s32 v3, v11;
	v7 =	vor.u32 v2, v7;
	v8 =	vor.u32 v9, v8  }
0x87: {  	v9 =	vor.u32 v52, v10;
	v10 =	vor.u32 v56, v11;
	v8 =	vor.u32 v2, v8  }
0x88: {  	v11 =	vadd.s32 v3, v58;
	v3 =	vadd.s32 v3, v61;
	v9 =	vor.u32 v2, v9  }
0x89: {  	v4 =	vand.u32 $0x7F, v4;
	v11 =	vor.u32 v59, v11;
	[tilespmem:v5+s11+$0x0] =	vst.idx.add.f32.msk $0x1, v0;
	v62 =	vor.u32 v2, v10  }
0x8a: {  	v3 =	vor.u32 v4, v3;
	v63 =	vor.u32 v2, v11;
	[tilespmem:v6+s11+$0x0] =	vst.idx.add.f32.msk $0x1, v0  }
0x8b: {  	p0 =	sne.s32 s17, $0xF;
	v2 =	vor.u32 v2, v3;
	[tilespmem:v7+s11+$0x0] =	vst.idx.add.f32.msk $0x1, v0  }
.Ltmp0:
0x8c: {  	[tilespmem:v8+s11+$0x0] =	vst.idx.add.f32.msk $0x1, v0;
	(pc) =	sbr.rel @p0 .LBB2_2-.Ltmp0, $4  }
0x8d: {  	[tilespmem:v9+s11+$0x0] =	vst.idx.add.f32.msk $0x1, v0  }
0x8e: {  	[tilespmem:v62+s11+$0x0] =	vst.idx.add.f32.msk $0x1, v0  }
0x8f: {  	[tilespmem:v63+s11+$0x0] =	vst.idx.add.f32.msk $0x1, v0  }
0x90: {  	s17 =	sadd.s32 $0x1, s17;
	s16 =	sadd.s32 $0x80, s16;
	[tilespmem:v2+s11+$0x0] =	vst.idx.add.f32.msk $0x1, v0  }
0x91: {  	s16 =	simm.s32 $0x0;
	s17 =	simm.s32 $0x820  }
0x92: {  	[hbm4b:s5+s16] =	stream.linear.scatter [tilespmem:s11], [sflag:$0x1], $0x8000, $0x38;
	[tilespmem:$0x12000] =	vst v63  }
.LBB2_4:
0x93: {  	v4 =	vld [tilespmem:s17+$0xFFFFFFE0];
	_ =	sdelay $0x4  }
0x94: {  	v2 =	vbroadcast v4, $0x0;
	v7 =	vbroadcast v4, $0x1  }
0x95: {  	v48 =	vbroadcast v4, $0x2;
	v9 =	vbroadcast v4, $0x3  }
0x96: {  	v11 =	vbroadcast v4, $0x4;
	v51 =	vbroadcast v4, $0x5  }
0x97: {  	v5 =	vmov s16;
	v13 =	vbroadcast v4, $0x6;
	v55 =	vbroadcast v4, $0x7  }
0x98: {  	v3 =	vshll.u32 v5, $0xB;
	v57 =	vbroadcast v4, $0x8;
	v15 =	vbroadcast v4, $0x9  }
0x99: {  	v5 =	vshll.u32 v5, $0x7;
	v17 =	vbroadcast v4, $0xA;
	v18 =	vbroadcast v4, $0xB  }
0x9a: {  	v3 =	vand.u32 $0x4000, v3;
	v22 =	vbroadcast v4, $0xC;
	v25 =	vbroadcast v4, $0xD  }
0x9b: {  	v31 =	vbroadcast v4, $0xE;
	v4 =	vbroadcast v4, $0xF;
	v6 =	vand.u32 $0x7F, v2  }
0x9c: {  	v2 =	vshll.u32 v2, $0x3;
	v47 =	vshll.u32 v7, $0x3;
	v7 =	vand.u32 $0x7F, v7  }
0x9d: {  	v49 =	vshll.u32 v48, $0x3;
	v10 =	vshll.u32 v9, $0x3;
	v9 =	vand.u32 $0x7F, v9  }
0x9e: {  	v52 =	vshll.u32 v11, $0x3;
	v11 =	vand.u32 $0x7F, v11;
	v12 =	vshll.u32 v51, $0x3  }
0x9f: {  	v54 =	vshll.u32 v13, $0x3;
	v13 =	vand.u32 $0x7F, v13;
	v14 =	vshll.u32 v55, $0x3  }
0xa0: {  	v58 =	vshll.u32 v57, $0x3;
	v16 =	vshll.u32 v15, $0x3;
	v59 =	vand.u32 $0x7F, v15  }
0xa1: {  	v61 =	vshll.u32 v17, $0x3;
	v63 =	vand.u32 $0x7F, v17;
	v20 =	vshll.u32 v18, $0x3  }
0xa2: {  	v18 =	vand.u32 $0x7F, v18;
	v24 =	vshll.u32 v22, $0x3;
	v28 =	vand.u32 $0x7F, v22  }
0xa3: {  	v29 =	vshll.u32 v25, $0x3;
	v32 =	vand.u32 $0x7F, v25;
	v33 =	vshll.u32 v31, $0x3  }
0xa4: {  	v2 =	vand.u32 $0xFFFFFC00, v2;
	v10 =	vand.u32 $0xFFFFFC00, v10;
	v12 =	vand.u32 $0xFFFFFC00, v12  }
0xa5: {  	v56 =	vand.u32 $0xFFFFFC00, v14;
	v60 =	vand.u32 $0xFFFFFC00, v16;
	v21 =	vand.u32 $0xFFFFFC00, v20  }
0xa6: {  	v8 =	vadd.s32 v3, v2;
	v2 =	vand.u32 $0x380, v5;
	v5 =	vand.u32 $0xFFFFFC00, v47  }
0xa7: {  	v10 =	vadd.s32 v3, v10;
	v53 =	vadd.s32 v3, v12;
	v12 =	vand.u32 $0x7F, v55  }
0xa8: {  	v15 =	vadd.s32 v3, v60;
	v16 =	vadd.s32 v3, v21;
	v6 =	vor.u32 v6, v8  }
0xa9: {  	v5 =	vadd.s32 v3, v5;
	v8 =	vand.u32 $0x7F, v48;
	v50 =	vor.u32 v9, v10  }
0xaa: {  	v10 =	vand.u32 $0xFFFFFC00, v52;
	v9 =	vand.u32 $0x7F, v51;
	v23 =	vor.u32 v18, v16  }
0xab: {  	v6 =	vor.u32 v2, v6;
	v5 =	vor.u32 v7, v5;
	v7 =	vand.u32 $0xFFFFFC00, v49  }
0xac: {  	v10 =	vadd.s32 v3, v10;
	v9 =	vor.u32 v9, v53;
	v5 =	vor.u32 v2, v5  }
0xad: {  	v7 =	vadd.s32 v3, v7;
	v10 =	vor.u32 v11, v10;
	v11 =	vand.u32 $0xFFFFFC00, v54  }
0xae: {  	v9 =	vor.u32 v2, v9;
	v7 =	vor.u32 v8, v7;
	v11 =	vadd.s32 v3, v11  }
0xaf: {  	v7 =	vor.u32 v2, v7;
	v11 =	vor.u32 v13, v11;
	v13 =	vadd.s32 v3, v56  }
0xb0: {  	v8 =	vor.u32 v2, v50;
	v10 =	vor.u32 v2, v10;
	v12 =	vor.u32 v12, v13  }
0xb1: {  	v11 =	vor.u32 v2, v11;
	v13 =	vand.u32 $0xFFFFFC00, v58;
	v12 =	vor.u32 v2, v12  }
0xb2: {  	v14 =	vand.u32 $0x7F, v57;
	v13 =	vadd.s32 v3, v13;
	[tilespmem:v6+s12+$0x0] =	vst.idx.add.f32.msk $0x1, v0;
	v6 =	vor.u32 v2, v23  }
0xb3: {  	v62 =	vand.u32 $0xFFFFFC00, v61;
	v13 =	vor.u32 v14, v13;
	v14 =	vor.u32 v59, v15;
	[tilespmem:v5+s12+$0x0] =	vst.idx.add.f32.msk $0x1, v0  }
0xb4: {  	v34 =	vshll.u32 v4, $0x3;
	v15 =	vadd.s32 v3, v62;
	v13 =	vor.u32 v2, v13;
	[tilespmem:v7+s12+$0x0] =	vst.idx.add.f32.msk $0x1, v0  }
0xb5: {  	v27 =	vand.u32 $0xFFFFFC00, v24;
	v15 =	vor.u32 v63, v15;
	v14 =	vor.u32 v2, v14;
	[tilespmem:v8+s12+$0x0] =	vst.idx.add.f32.msk $0x1, v0  }
0xb6: {  	v30 =	vand.u32 $0xFFFFFC00, v29;
	v26 =	vor.u32 v2, v15;
	v15 =	vadd.s32 v3, v27;
	[tilespmem:v10+s12+$0x0] =	vst.idx.add.f32.msk $0x1, v0  }
0xb7: {  	v35 =	vand.u32 $0x7F, v31;
	v7 =	vor.u32 v28, v15;
	v8 =	vadd.s32 v3, v30;
	[tilespmem:v9+s12+$0x0] =	vst.idx.add.f32.msk $0x1, v0  }
0xb8: {  	v7 =	vor.u32 v2, v7;
	v8 =	vor.u32 v32, v8;
	v9 =	vand.u32 $0xFFFFFC00, v33;
	[tilespmem:v11+s12+$0x0] =	vst.idx.add.f32.msk $0x1, v0  }
0xb9: {  	v10 =	vand.u32 $0xFFFFFC00, v34;
	v8 =	vor.u32 v2, v8;
	v9 =	vadd.s32 v3, v9;
	[tilespmem:v12+s12+$0x0] =	vst.idx.add.f32.msk $0x1, v0  }
0xba: {  	v4 =	vand.u32 $0x7F, v4;
	v10 =	vadd.s32 v3, v10;
	v9 =	vor.u32 v35, v9;
	[tilespmem:v13+s12+$0x0] =	vst.idx.add.f32.msk $0x1, v0  }
0xbb: {  	v4 =	vor.u32 v4, v10;
	v9 =	vor.u32 v2, v9;
	[tilespmem:v14+s12+$0x0] =	vst.idx.add.f32.msk $0x1, v0  }
0xbc: {  	v4 =	vor.u32 v2, v4;
	[tilespmem:v26+s12+$0x0] =	vst.idx.add.f32.msk $0x1, v0  }
0xbd: {  	[tilespmem:v6+s12+$0x0] =	vst.idx.add.f32.msk $0x1, v0  }
0xbe: {  	[tilespmem:v7+s12+$0x0] =	vst.idx.add.f32.msk $0x1, v0  }
0xbf: {  	[tilespmem:v8+s12+$0x0] =	vst.idx.add.f32.msk $0x1, v0  }
0xc0: {  	[tilespmem:v9+s12+$0x0] =	vst.idx.add.f32.msk $0x1, v0  }
0xc1: {  	[tilespmem:v4+s12+$0x0] =	vst.idx.add.f32.msk $0x1, v0  }
0xc2: {  	v4 =	vld [tilespmem:s17+$0xFFFFFFF0];
	_ =	sdelay $0x4  }
0xc3: {  	v36 =	vbroadcast v4, $0x0;
	v38 =	vbroadcast v4, $0x1  }
0xc4: {  	v41 =	vbroadcast v4, $0x2;
	v42 =	vbroadcast v4, $0x3  }
0xc5: {  	v45 =	vbroadcast v4, $0x4;
	v47 =	vbroadcast v4, $0x5  }
0xc6: {  	v50 =	vbroadcast v4, $0x6;
	v53 =	vbroadcast v4, $0x7  }
0xc7: {  	v56 =	vbroadcast v4, $0x8;
	v58 =	vbroadcast v4, $0x9  }
0xc8: {  	v60 =	vbroadcast v4, $0xA;
	v21 =	vbroadcast v4, $0xB  }
0xc9: {  	v26 =	vbroadcast v4, $0xC;
	v29 =	vbroadcast v4, $0xD  }
0xca: {  	v35 =	vbroadcast v4, $0xE;
	v4 =	vbroadcast v4, $0xF  }
0xcb: {  	v37 =	vshll.u32 v36, $0x3;
	v5 =	vand.u32 $0x7F, v36;
	v39 =	vshll.u32 v38, $0x3  }
0xcc: {  	v7 =	vand.u32 $0x7F, v38;
	v43 =	vshll.u32 v41, $0x3;
	v44 =	vshll.u32 v42, $0x3  }
0xcd: {  	v8 =	vand.u32 $0x7F, v41;
	v9 =	vand.u32 $0x7F, v42;
	v48 =	vshll.u32 v45, $0x3  }
0xce: {  	v11 =	vand.u32 $0x7F, v45;
	v49 =	vshll.u32 v47, $0x3;
	v52 =	vshll.u32 v50, $0x3  }
0xcf: {  	v13 =	vand.u32 $0x7F, v50;
	v54 =	vshll.u32 v53, $0x3;
	v57 =	vshll.u32 v56, $0x3  }
0xd0: {  	v14 =	vand.u32 $0x7F, v56;
	v59 =	vshll.u32 v58, $0x3;
	v61 =	vand.u32 $0x7F, v58  }
0xd1: {  	v63 =	vshll.u32 v60, $0x3;
	v23 =	vand.u32 $0x7F, v60;
	v24 =	vshll.u32 v21, $0x3  }
0xd2: {  	v18 =	vand.u32 $0x7F, v21;
	v28 =	vshll.u32 v26, $0x3;
	v32 =	vand.u32 $0x7F, v26  }
0xd3: {  	v33 =	vshll.u32 v29, $0x3;
	v36 =	vand.u32 $0x7F, v29;
	v6 =	vand.u32 $0xFFFFFC00, v37  }
0xd4: {  	v40 =	vand.u32 $0xFFFFFC00, v39;
	v10 =	vand.u32 $0xFFFFFC00, v44;
	v12 =	vand.u32 $0xFFFFFC00, v49  }
0xd5: {  	v55 =	vand.u32 $0xFFFFFC00, v54;
	v62 =	vand.u32 $0xFFFFFC00, v59;
	v25 =	vand.u32 $0xFFFFFC00, v24  }
0xd6: {  	v6 =	vadd.s32 v3, v6;
	v10 =	vadd.s32 v3, v10;
	v51 =	vadd.s32 v3, v12  }
0xd7: {  	v12 =	vand.u32 $0x7F, v53;
	v15 =	vadd.s32 v3, v62;
	v16 =	vadd.s32 v3, v25  }
0xd8: {  	v5 =	vor.u32 v5, v6;
	v6 =	vadd.s32 v3, v40;
	v46 =	vor.u32 v9, v10  }
0xd9: {  	v10 =	vand.u32 $0xFFFFFC00, v48;
	v9 =	vand.u32 $0x7F, v47;
	v27 =	vor.u32 v18, v16  }
0xda: {  	v5 =	vor.u32 v2, v5;
	v6 =	vor.u32 v7, v6;
	v7 =	vand.u32 $0xFFFFFC00, v43  }
0xdb: {  	v10 =	vadd.s32 v3, v10;
	v9 =	vor.u32 v9, v51;
	v6 =	vor.u32 v2, v6  }
0xdc: {  	v7 =	vadd.s32 v3, v7;
	v10 =	vor.u32 v11, v10;
	v11 =	vand.u32 $0xFFFFFC00, v52  }
0xdd: {  	v9 =	vor.u32 v2, v9;
	v7 =	vor.u32 v8, v7;
	v11 =	vadd.s32 v3, v11  }
0xde: {  	v7 =	vor.u32 v2, v7;
	v11 =	vor.u32 v13, v11;
	v13 =	vadd.s32 v3, v55  }
0xdf: {  	v8 =	vor.u32 v2, v46;
	v10 =	vor.u32 v2, v10;
	v12 =	vor.u32 v12, v13  }
0xe0: {  	v11 =	vor.u32 v2, v11;
	v13 =	vand.u32 $0xFFFFFC00, v57;
	v12 =	vor.u32 v2, v12  }
0xe1: {  	v38 =	vshll.u32 v4, $0x3;
	v13 =	vadd.s32 v3, v13;
	[tilespmem:v5+s12+$0x0] =	vst.idx.add.f32.msk $0x1, v0;
	v5 =	vor.u32 v2, v27  }
0xe2: {  	v22 =	vand.u32 $0xFFFFFC00, v63;
	v13 =	vor.u32 v14, v13;
	v14 =	vor.u32 v61, v15;
	[tilespmem:v6+s12+$0x0] =	vst.idx.add.f32.msk $0x1, v0  }
0xe3: {  	v31 =	vand.u32 $0xFFFFFC00, v28;
	v15 =	vadd.s32 v3, v22;
	v13 =	vor.u32 v2, v13;
	[tilespmem:v7+s12+$0x0] =	vst.idx.add.f32.msk $0x1, v0  }
0xe4: {  	v34 =	vand.u32 $0xFFFFFC00, v33;
	v15 =	vor.u32 v23, v15;
	v14 =	vor.u32 v2, v14;
	[tilespmem:v8+s12+$0x0] =	vst.idx.add.f32.msk $0x1, v0  }
0xe5: {  	v37 =	vshll.u32 v35, $0x3;
	v30 =	vor.u32 v2, v15;
	v15 =	vadd.s32 v3, v31;
	[tilespmem:v10+s12+$0x0] =	vst.idx.add.f32.msk $0x1, v0  }
0xe6: {  	v39 =	vand.u32 $0x7F, v35;
	v7 =	vor.u32 v32, v15;
	v8 =	vadd.s32 v3, v34;
	[tilespmem:v9+s12+$0x0] =	vst.idx.add.f32.msk $0x1, v0  }
0xe7: {  	v7 =	vor.u32 v2, v7;
	v8 =	vor.u32 v36, v8;
	v9 =	vand.u32 $0xFFFFFC00, v37;
	[tilespmem:v11+s12+$0x0] =	vst.idx.add.f32.msk $0x1, v0  }
0xe8: {  	v10 =	vand.u32 $0xFFFFFC00, v38;
	v8 =	vor.u32 v2, v8;
	v9 =	vadd.s32 v3, v9;
	[tilespmem:v12+s12+$0x0] =	vst.idx.add.f32.msk $0x1, v0  }
0xe9: {  	v4 =	vand.u32 $0x7F, v4;
	v10 =	vadd.s32 v3, v10;
	v9 =	vor.u32 v39, v9;
	[tilespmem:v13+s12+$0x0] =	vst.idx.add.f32.msk $0x1, v0  }
0xea: {  	v4 =	vor.u32 v4, v10;
	v9 =	vor.u32 v2, v9;
	[tilespmem:v14+s12+$0x0] =	vst.idx.add.f32.msk $0x1, v0  }
0xeb: {  	v4 =	vor.u32 v2, v4;
	[tilespmem:v30+s12+$0x0] =	vst.idx.add.f32.msk $0x1, v0  }
0xec: {  	[tilespmem:v5+s12+$0x0] =	vst.idx.add.f32.msk $0x1, v0  }
0xed: {  	[tilespmem:v7+s12+$0x0] =	vst.idx.add.f32.msk $0x1, v0  }
0xee: {  	[tilespmem:v8+s12+$0x0] =	vst.idx.add.f32.msk $0x1, v0  }
0xef: {  	[tilespmem:v9+s12+$0x0] =	vst.idx.add.f32.msk $0x1, v0  }
0xf0: {  	[tilespmem:v4+s12+$0x0] =	vst.idx.add.f32.msk $0x1, v0  }
0xf1: {  	v4 =	vld [tilespmem:s17+$0x0];
	_ =	sdelay $0x4  }
0xf2: {  	v40 =	vbroadcast v4, $0x0;
	v42 =	vbroadcast v4, $0x1  }
0xf3: {  	v44 =	vbroadcast v4, $0x2;
	v47 =	vbroadcast v4, $0x3  }
0xf4: {  	v49 =	vbroadcast v4, $0x4;
	v51 =	vbroadcast v4, $0x5  }
0xf5: {  	v55 =	vbroadcast v4, $0x6;
	v4 =	vbroadcast v4, $0x7  }
0xf6: {  	v41 =	vshll.u32 v40, $0x3;
	v5 =	vand.u32 $0x7F, v40;
	v43 =	vshll.u32 v42, $0x3  }
0xf7: {  	v7 =	vand.u32 $0x7F, v42;
	v45 =	vshll.u32 v44, $0x3;
	v8 =	vand.u32 $0x7F, v44  }
0xf8: {  	v48 =	vshll.u32 v47, $0x3;
	v9 =	vand.u32 $0x7F, v47;
	v50 =	vshll.u32 v49, $0x3  }
0xf9: {  	v52 =	vand.u32 $0x7F, v49;
	v54 =	vshll.u32 v51, $0x3;
	v56 =	vand.u32 $0x7F, v51  }
0xfa: {  	v57 =	vshll.u32 v55, $0x3;
	v59 =	vand.u32 $0x7F, v55;
	v6 =	vand.u32 $0xFFFFFC00, v41  }
0xfb: {  	v60 =	vshll.u32 v4, $0x3;
	v46 =	vand.u32 $0xFFFFFC00, v45;
	v6 =	vadd.s32 v3, v6  }
0xfc: {  	v53 =	vand.u32 $0xFFFFFC00, v50;
	v5 =	vor.u32 v5, v6;
	v6 =	vand.u32 $0xFFFFFC00, v43  }
0xfd: {  	v11 =	vand.u32 $0xFFFFFC00, v54;
	v58 =	vand.u32 $0xFFFFFC00, v57;
	v6 =	vadd.s32 v3, v6  }
0xfe: {  	v61 =	vand.u32 $0xFFFFFC00, v60;
	v6 =	vor.u32 v7, v6;
	v7 =	vadd.s32 v3, v46  }
0xff: {  	v5 =	vor.u32 v2, v5;
	v7 =	vor.u32 v8, v7;
	v8 =	vand.u32 $0xFFFFFC00, v48  }
0x100: {  	v10 =	vadd.s32 v3, v53;
	v6 =	vor.u32 v2, v6;
	v8 =	vadd.s32 v3, v8  }
0x101: {  	v11 =	vadd.s32 v3, v11;
	v7 =	vor.u32 v2, v7;
	v8 =	vor.u32 v9, v8  }
0x102: {  	v9 =	vor.u32 v52, v10;
	v10 =	vor.u32 v56, v11;
	v8 =	vor.u32 v2, v8  }
0x103: {  	v11 =	vadd.s32 v3, v58;
	v3 =	vadd.s32 v3, v61;
	v9 =	vor.u32 v2, v9  }
0x104: {  	v4 =	vand.u32 $0x7F, v4;
	v11 =	vor.u32 v59, v11;
	[tilespmem:v5+s12+$0x0] =	vst.idx.add.f32.msk $0x1, v0;
	v62 =	vor.u32 v2, v10  }
0x105: {  	v3 =	vor.u32 v4, v3;
	v63 =	vor.u32 v2, v11;
	[tilespmem:v6+s12+$0x0] =	vst.idx.add.f32.msk $0x1, v0  }
0x106: {  	p0 =	sne.s32 s16, $0xF;
	v2 =	vor.u32 v2, v3;
	[tilespmem:v7+s12+$0x0] =	vst.idx.add.f32.msk $0x1, v0  }
.Ltmp1:
0x107: {  	[tilespmem:v8+s12+$0x0] =	vst.idx.add.f32.msk $0x1, v0;
	(pc) =	sbr.rel @p0 .LBB2_4-.Ltmp1, $4  }
0x108: {  	[tilespmem:v9+s12+$0x0] =	vst.idx.add.f32.msk $0x1, v0  }
0x109: {  	[tilespmem:v62+s12+$0x0] =	vst.idx.add.f32.msk $0x1, v0  }
0x10a: {  	[tilespmem:v63+s12+$0x0] =	vst.idx.add.f32.msk $0x1, v0  }
0x10b: {  	s16 =	sadd.s32 $0x1, s16;
	s17 =	sadd.s32 $0x80, s17;
	[tilespmem:v2+s12+$0x0] =	vst.idx.add.f32.msk $0x1, v0  }
0x10c: {  	s16 =	simm.s32 $0x0  }
0x10d: {  	[hbm4b:s6+s16] =	stream.linear.scatter [tilespmem:s12], [sflag:$0x2], $0x8000, $0x38;
	[tilespmem:$0x12000] =	vst v63  }
0x10e: {  	_ =	swait.ge [sflag:s13], $0x8000  }
0x10f: {  	[sflag:s13] =	ssyncset.done $0x0  }
0x110: {  	s17 =	simm.s32 $0x20;
	s18 =	simm.s32 $0x0;
	[sflag:s13] =	ssyncadd.s32 $0xFFFF8000  }
.LBB2_6:
0x111: {  	v4 =	vld [tilespmem:s17+$0xFFFFFFE0];
	_ =	sdelay $0x4  }
0x112: {  	v2 =	vbroadcast v4, $0x0;
	v7 =	vbroadcast v4, $0x1  }
0x113: {  	v48 =	vbroadcast v4, $0x2;
	v9 =	vbroadcast v4, $0x3  }
0x114: {  	v11 =	vbroadcast v4, $0x4;
	v51 =	vbroadcast v4, $0x5  }
0x115: {  	v5 =	vmov s18;
	v13 =	vbroadcast v4, $0x6;
	v55 =	vbroadcast v4, $0x7  }
0x116: {  	v3 =	vshll.u32 v5, $0xB;
	v57 =	vbroadcast v4, $0x8;
	v15 =	vbroadcast v4, $0x9  }
0x117: {  	v5 =	vshll.u32 v5, $0x7;
	v17 =	vbroadcast v4, $0xA;
	v18 =	vbroadcast v4, $0xB  }
0x118: {  	v3 =	vand.u32 $0x4000, v3;
	v22 =	vbroadcast v4, $0xC;
	v25 =	vbroadcast v4, $0xD  }
0x119: {  	v31 =	vbroadcast v4, $0xE;
	v4 =	vbroadcast v4, $0xF;
	v6 =	vand.u32 $0x7F, v2  }
0x11a: {  	v2 =	vshll.u32 v2, $0x3;
	v47 =	vshll.u32 v7, $0x3;
	v7 =	vand.u32 $0x7F, v7  }
0x11b: {  	v49 =	vshll.u32 v48, $0x3;
	v10 =	vshll.u32 v9, $0x3;
	v9 =	vand.u32 $0x7F, v9  }
0x11c: {  	v52 =	vshll.u32 v11, $0x3;
	v11 =	vand.u32 $0x7F, v11;
	v12 =	vshll.u32 v51, $0x3  }
0x11d: {  	v54 =	vshll.u32 v13, $0x3;
	v13 =	vand.u32 $0x7F, v13;
	v14 =	vshll.u32 v55, $0x3  }
0x11e: {  	v58 =	vshll.u32 v57, $0x3;
	v16 =	vshll.u32 v15, $0x3;
	v59 =	vand.u32 $0x7F, v15  }
0x11f: {  	v61 =	vshll.u32 v17, $0x3;
	v63 =	vand.u32 $0x7F, v17;
	v20 =	vshll.u32 v18, $0x3  }
0x120: {  	v18 =	vand.u32 $0x7F, v18;
	v24 =	vshll.u32 v22, $0x3;
	v28 =	vand.u32 $0x7F, v22  }
0x121: {  	v29 =	vshll.u32 v25, $0x3;
	v32 =	vand.u32 $0x7F, v25;
	v33 =	vshll.u32 v31, $0x3  }
0x122: {  	v2 =	vand.u32 $0xFFFFFC00, v2;
	v10 =	vand.u32 $0xFFFFFC00, v10;
	v12 =	vand.u32 $0xFFFFFC00, v12  }
0x123: {  	v56 =	vand.u32 $0xFFFFFC00, v14;
	v60 =	vand.u32 $0xFFFFFC00, v16;
	v21 =	vand.u32 $0xFFFFFC00, v20  }
0x124: {  	v8 =	vadd.s32 v3, v2;
	v2 =	vand.u32 $0x380, v5;
	v5 =	vand.u32 $0xFFFFFC00, v47  }
0x125: {  	v10 =	vadd.s32 v3, v10;
	v53 =	vadd.s32 v3, v12;
	v12 =	vand.u32 $0x7F, v55  }
0x126: {  	v15 =	vadd.s32 v3, v60;
	v16 =	vadd.s32 v3, v21;
	v6 =	vor.u32 v6, v8  }
0x127: {  	v5 =	vadd.s32 v3, v5;
	v8 =	vand.u32 $0x7F, v48;
	v50 =	vor.u32 v9, v10  }
0x128: {  	v10 =	vand.u32 $0xFFFFFC00, v52;
	v9 =	vand.u32 $0x7F, v51;
	v23 =	vor.u32 v18, v16  }
0x129: {  	v6 =	vor.u32 v2, v6;
	v5 =	vor.u32 v7, v5;
	v7 =	vand.u32 $0xFFFFFC00, v49  }
0x12a: {  	v10 =	vadd.s32 v3, v10;
	v9 =	vor.u32 v9, v53;
	v5 =	vor.u32 v2, v5  }
0x12b: {  	v7 =	vadd.s32 v3, v7;
	v10 =	vor.u32 v11, v10;
	v11 =	vand.u32 $0xFFFFFC00, v54  }
0x12c: {  	v9 =	vor.u32 v2, v9;
	v7 =	vor.u32 v8, v7;
	v11 =	vadd.s32 v3, v11  }
0x12d: {  	v7 =	vor.u32 v2, v7;
	v11 =	vor.u32 v13, v11;
	v13 =	vadd.s32 v3, v56  }
0x12e: {  	v8 =	vor.u32 v2, v50;
	v10 =	vor.u32 v2, v10;
	v12 =	vor.u32 v12, v13  }
0x12f: {  	v11 =	vor.u32 v2, v11;
	v13 =	vand.u32 $0xFFFFFC00, v58;
	v12 =	vor.u32 v2, v12  }
0x130: {  	v14 =	vand.u32 $0x7F, v57;
	v13 =	vadd.s32 v3, v13;
	[tilespmem:v6+s11+$0x0] =	vst.idx.msk $0x1, v1;
	v6 =	vor.u32 v2, v23  }
0x131: {  	v62 =	vand.u32 $0xFFFFFC00, v61;
	v13 =	vor.u32 v14, v13;
	v14 =	vor.u32 v59, v15;
	[tilespmem:v5+s11+$0x0] =	vst.idx.msk $0x1, v1  }
0x132: {  	v34 =	vshll.u32 v4, $0x3;
	v15 =	vadd.s32 v3, v62;
	v13 =	vor.u32 v2, v13;
	[tilespmem:v7+s11+$0x0] =	vst.idx.msk $0x1, v1  }
0x133: {  	v27 =	vand.u32 $0xFFFFFC00, v24;
	v15 =	vor.u32 v63, v15;
	v14 =	vor.u32 v2, v14;
	[tilespmem:v8+s11+$0x0] =	vst.idx.msk $0x1, v1  }
0x134: {  	v30 =	vand.u32 $0xFFFFFC00, v29;
	v26 =	vor.u32 v2, v15;
	v15 =	vadd.s32 v3, v27;
	[tilespmem:v10+s11+$0x0] =	vst.idx.msk $0x1, v1  }
0x135: {  	v35 =	vand.u32 $0x7F, v31;
	v7 =	vor.u32 v28, v15;
	v8 =	vadd.s32 v3, v30;
	[tilespmem:v9+s11+$0x0] =	vst.idx.msk $0x1, v1  }
0x136: {  	v7 =	vor.u32 v2, v7;
	v8 =	vor.u32 v32, v8;
	v9 =	vand.u32 $0xFFFFFC00, v33;
	[tilespmem:v11+s11+$0x0] =	vst.idx.msk $0x1, v1  }
0x137: {  	v10 =	vand.u32 $0xFFFFFC00, v34;
	v8 =	vor.u32 v2, v8;
	v9 =	vadd.s32 v3, v9;
	[tilespmem:v12+s11+$0x0] =	vst.idx.msk $0x1, v1  }
0x138: {  	v4 =	vand.u32 $0x7F, v4;
	v10 =	vadd.s32 v3, v10;
	v9 =	vor.u32 v35, v9;
	[tilespmem:v13+s11+$0x0] =	vst.idx.msk $0x1, v1  }
0x139: {  	v4 =	vor.u32 v4, v10;
	v9 =	vor.u32 v2, v9;
	[tilespmem:v14+s11+$0x0] =	vst.idx.msk $0x1, v1  }
0x13a: {  	v4 =	vor.u32 v2, v4;
	[tilespmem:v26+s11+$0x0] =	vst.idx.msk $0x1, v1  }
0x13b: {  	[tilespmem:v6+s11+$0x0] =	vst.idx.msk $0x1, v1  }
0x13c: {  	[tilespmem:v7+s11+$0x0] =	vst.idx.msk $0x1, v1  }
0x13d: {  	[tilespmem:v8+s11+$0x0] =	vst.idx.msk $0x1, v1  }
0x13e: {  	[tilespmem:v9+s11+$0x0] =	vst.idx.msk $0x1, v1  }
0x13f: {  	[tilespmem:v4+s11+$0x0] =	vst.idx.msk $0x1, v1  }
0x140: {  	v4 =	vld [tilespmem:s17+$0xFFFFFFF0];
	_ =	sdelay $0x4  }
0x141: {  	v36 =	vbroadcast v4, $0x0;
	v38 =	vbroadcast v4, $0x1  }
0x142: {  	v41 =	vbroadcast v4, $0x2;
	v42 =	vbroadcast v4, $0x3  }
0x143: {  	v45 =	vbroadcast v4, $0x4;
	v47 =	vbroadcast v4, $0x5  }
0x144: {  	v50 =	vbroadcast v4, $0x6;
	v53 =	vbroadcast v4, $0x7  }
0x145: {  	v56 =	vbroadcast v4, $0x8;
	v58 =	vbroadcast v4, $0x9  }
0x146: {  	v60 =	vbroadcast v4, $0xA;
	v21 =	vbroadcast v4, $0xB  }
0x147: {  	v26 =	vbroadcast v4, $0xC;
	v29 =	vbroadcast v4, $0xD  }
0x148: {  	v35 =	vbroadcast v4, $0xE;
	v4 =	vbroadcast v4, $0xF  }
0x149: {  	v37 =	vshll.u32 v36, $0x3;
	v5 =	vand.u32 $0x7F, v36;
	v39 =	vshll.u32 v38, $0x3  }
0x14a: {  	v7 =	vand.u32 $0x7F, v38;
	v43 =	vshll.u32 v41, $0x3;
	v44 =	vshll.u32 v42, $0x3  }
0x14b: {  	v8 =	vand.u32 $0x7F, v41;
	v9 =	vand.u32 $0x7F, v42;
	v48 =	vshll.u32 v45, $0x3  }
0x14c: {  	v11 =	vand.u32 $0x7F, v45;
	v49 =	vshll.u32 v47, $0x3;
	v52 =	vshll.u32 v50, $0x3  }
0x14d: {  	v13 =	vand.u32 $0x7F, v50;
	v54 =	vshll.u32 v53, $0x3;
	v57 =	vshll.u32 v56, $0x3  }
0x14e: {  	v14 =	vand.u32 $0x7F, v56;
	v59 =	vshll.u32 v58, $0x3;
	v61 =	vand.u32 $0x7F, v58  }
0x14f: {  	v63 =	vshll.u32 v60, $0x3;
	v23 =	vand.u32 $0x7F, v60;
	v24 =	vshll.u32 v21, $0x3  }
0x150: {  	v18 =	vand.u32 $0x7F, v21;
	v28 =	vshll.u32 v26, $0x3;
	v32 =	vand.u32 $0x7F, v26  }
0x151: {  	v33 =	vshll.u32 v29, $0x3;
	v36 =	vand.u32 $0x7F, v29;
	v6 =	vand.u32 $0xFFFFFC00, v37  }
0x152: {  	v40 =	vand.u32 $0xFFFFFC00, v39;
	v10 =	vand.u32 $0xFFFFFC00, v44;
	v12 =	vand.u32 $0xFFFFFC00, v49  }
0x153: {  	v55 =	vand.u32 $0xFFFFFC00, v54;
	v62 =	vand.u32 $0xFFFFFC00, v59;
	v25 =	vand.u32 $0xFFFFFC00, v24  }
0x154: {  	v6 =	vadd.s32 v3, v6;
	v10 =	vadd.s32 v3, v10;
	v51 =	vadd.s32 v3, v12  }
0x155: {  	v12 =	vand.u32 $0x7F, v53;
	v15 =	vadd.s32 v3, v62;
	v16 =	vadd.s32 v3, v25  }
0x156: {  	v5 =	vor.u32 v5, v6;
	v6 =	vadd.s32 v3, v40;
	v46 =	vor.u32 v9, v10  }
0x157: {  	v10 =	vand.u32 $0xFFFFFC00, v48;
	v9 =	vand.u32 $0x7F, v47;
	v27 =	vor.u32 v18, v16  }
0x158: {  	v5 =	vor.u32 v2, v5;
	v6 =	vor.u32 v7, v6;
	v7 =	vand.u32 $0xFFFFFC00, v43  }
0x159: {  	v10 =	vadd.s32 v3, v10;
	v9 =	vor.u32 v9, v51;
	v6 =	vor.u32 v2, v6  }
0x15a: {  	v7 =	vadd.s32 v3, v7;
	v10 =	vor.u32 v11, v10;
	v11 =	vand.u32 $0xFFFFFC00, v52  }
0x15b: {  	v9 =	vor.u32 v2, v9;
	v7 =	vor.u32 v8, v7;
	v11 =	vadd.s32 v3, v11  }
0x15c: {  	v7 =	vor.u32 v2, v7;
	v11 =	vor.u32 v13, v11;
	v13 =	vadd.s32 v3, v55  }
0x15d: {  	v8 =	vor.u32 v2, v46;
	v10 =	vor.u32 v2, v10;
	v12 =	vor.u32 v12, v13  }
0x15e: {  	v11 =	vor.u32 v2, v11;
	v13 =	vand.u32 $0xFFFFFC00, v57;
	v12 =	vor.u32 v2, v12  }
0x15f: {  	v38 =	vshll.u32 v4, $0x3;
	v13 =	vadd.s32 v3, v13;
	[tilespmem:v5+s11+$0x0] =	vst.idx.msk $0x1, v1;
	v5 =	vor.u32 v2, v27  }
0x160: {  	v22 =	vand.u32 $0xFFFFFC00, v63;
	v13 =	vor.u32 v14, v13;
	v14 =	vor.u32 v61, v15;
	[tilespmem:v6+s11+$0x0] =	vst.idx.msk $0x1, v1  }
0x161: {  	v31 =	vand.u32 $0xFFFFFC00, v28;
	v15 =	vadd.s32 v3, v22;
	v13 =	vor.u32 v2, v13;
	[tilespmem:v7+s11+$0x0] =	vst.idx.msk $0x1, v1  }
0x162: {  	v34 =	vand.u32 $0xFFFFFC00, v33;
	v15 =	vor.u32 v23, v15;
	v14 =	vor.u32 v2, v14;
	[tilespmem:v8+s11+$0x0] =	vst.idx.msk $0x1, v1  }
0x163: {  	v37 =	vshll.u32 v35, $0x3;
	v30 =	vor.u32 v2, v15;
	v15 =	vadd.s32 v3, v31;
	[tilespmem:v10+s11+$0x0] =	vst.idx.msk $0x1, v1  }
0x164: {  	v39 =	vand.u32 $0x7F, v35;
	v7 =	vor.u32 v32, v15;
	v8 =	vadd.s32 v3, v34;
	[tilespmem:v9+s11+$0x0] =	vst.idx.msk $0x1, v1  }
0x165: {  	v7 =	vor.u32 v2, v7;
	v8 =	vor.u32 v36, v8;
	v9 =	vand.u32 $0xFFFFFC00, v37;
	[tilespmem:v11+s11+$0x0] =	vst.idx.msk $0x1, v1  }
0x166: {  	v10 =	vand.u32 $0xFFFFFC00, v38;
	v8 =	vor.u32 v2, v8;
	v9 =	vadd.s32 v3, v9;
	[tilespmem:v12+s11+$0x0] =	vst.idx.msk $0x1, v1  }
0x167: {  	v4 =	vand.u32 $0x7F, v4;
	v10 =	vadd.s32 v3, v10;
	v9 =	vor.u32 v39, v9;
	[tilespmem:v13+s11+$0x0] =	vst.idx.msk $0x1, v1  }
0x168: {  	v4 =	vor.u32 v4, v10;
	v9 =	vor.u32 v2, v9;
	[tilespmem:v14+s11+$0x0] =	vst.idx.msk $0x1, v1  }
0x169: {  	v4 =	vor.u32 v2, v4;
	[tilespmem:v30+s11+$0x0] =	vst.idx.msk $0x1, v1  }
0x16a: {  	[tilespmem:v5+s11+$0x0] =	vst.idx.msk $0x1, v1  }
0x16b: {  	[tilespmem:v7+s11+$0x0] =	vst.idx.msk $0x1, v1  }
0x16c: {  	[tilespmem:v8+s11+$0x0] =	vst.idx.msk $0x1, v1  }
0x16d: {  	[tilespmem:v9+s11+$0x0] =	vst.idx.msk $0x1, v1  }
0x16e: {  	[tilespmem:v4+s11+$0x0] =	vst.idx.msk $0x1, v1  }
0x16f: {  	v4 =	vld [tilespmem:s17+$0x0];
	_ =	sdelay $0x4  }
0x170: {  	v40 =	vbroadcast v4, $0x0;
	v42 =	vbroadcast v4, $0x1  }
0x171: {  	v44 =	vbroadcast v4, $0x2;
	v47 =	vbroadcast v4, $0x3  }
0x172: {  	v49 =	vbroadcast v4, $0x4;
	v51 =	vbroadcast v4, $0x5  }
0x173: {  	v55 =	vbroadcast v4, $0x6;
	v4 =	vbroadcast v4, $0x7  }
0x174: {  	v41 =	vshll.u32 v40, $0x3;
	v5 =	vand.u32 $0x7F, v40;
	v43 =	vshll.u32 v42, $0x3  }
0x175: {  	v7 =	vand.u32 $0x7F, v42;
	v45 =	vshll.u32 v44, $0x3;
	v8 =	vand.u32 $0x7F, v44  }
0x176: {  	v48 =	vshll.u32 v47, $0x3;
	v9 =	vand.u32 $0x7F, v47;
	v50 =	vshll.u32 v49, $0x3  }
0x177: {  	v52 =	vand.u32 $0x7F, v49;
	v54 =	vshll.u32 v51, $0x3;
	v56 =	vand.u32 $0x7F, v51  }
0x178: {  	v57 =	vshll.u32 v55, $0x3;
	v59 =	vand.u32 $0x7F, v55;
	v6 =	vand.u32 $0xFFFFFC00, v41  }
0x179: {  	v60 =	vshll.u32 v4, $0x3;
	v46 =	vand.u32 $0xFFFFFC00, v45;
	v6 =	vadd.s32 v3, v6  }
0x17a: {  	v53 =	vand.u32 $0xFFFFFC00, v50;
	v5 =	vor.u32 v5, v6;
	v6 =	vand.u32 $0xFFFFFC00, v43  }
0x17b: {  	v11 =	vand.u32 $0xFFFFFC00, v54;
	v58 =	vand.u32 $0xFFFFFC00, v57;
	v6 =	vadd.s32 v3, v6  }
0x17c: {  	v61 =	vand.u32 $0xFFFFFC00, v60;
	v6 =	vor.u32 v7, v6;
	v7 =	vadd.s32 v3, v46  }
0x17d: {  	v5 =	vor.u32 v2, v5;
	v7 =	vor.u32 v8, v7;
	v8 =	vand.u32 $0xFFFFFC00, v48  }
0x17e: {  	v10 =	vadd.s32 v3, v53;
	v6 =	vor.u32 v2, v6;
	v8 =	vadd.s32 v3, v8  }
0x17f: {  	v11 =	vadd.s32 v3, v11;
	v7 =	vor.u32 v2, v7;
	v8 =	vor.u32 v9, v8  }
0x180: {  	v9 =	vor.u32 v52, v10;
	v10 =	vor.u32 v56, v11;
	v8 =	vor.u32 v2, v8  }
0x181: {  	v11 =	vadd.s32 v3, v58;
	v3 =	vadd.s32 v3, v61;
	v9 =	vor.u32 v2, v9  }
0x182: {  	v4 =	vand.u32 $0x7F, v4;
	v11 =	vor.u32 v59, v11;
	[tilespmem:v5+s11+$0x0] =	vst.idx.msk $0x1, v1;
	v62 =	vor.u32 v2, v10  }
0x183: {  	v3 =	vor.u32 v4, v3;
	v63 =	vor.u32 v2, v11;
	[tilespmem:v6+s11+$0x0] =	vst.idx.msk $0x1, v1  }
0x184: {  	p0 =	sne.s32 s18, $0xF;
	v2 =	vor.u32 v2, v3;
	[tilespmem:v7+s11+$0x0] =	vst.idx.msk $0x1, v1  }
.Ltmp2:
0x185: {  	[tilespmem:v8+s11+$0x0] =	vst.idx.msk $0x1, v1;
	(pc) =	sbr.rel @p0 .LBB2_6-.Ltmp2, $4  }
0x186: {  	[tilespmem:v9+s11+$0x0] =	vst.idx.msk $0x1, v1  }
0x187: {  	[tilespmem:v62+s11+$0x0] =	vst.idx.msk $0x1, v1  }
0x188: {  	[tilespmem:v63+s11+$0x0] =	vst.idx.msk $0x1, v1  }
0x189: {  	s18 =	sadd.s32 $0x1, s18;
	s17 =	sadd.s32 $0x80, s17;
	[tilespmem:v2+s11+$0x0] =	vst.idx.msk $0x1, v1  }
0x18a: {  	s17 =	simm.s32 $0x1020  }
.LBB2_8:
0x18b: {  	v4 =	vld [tilespmem:s17+$0xFFFFFFE0];
	_ =	sdelay $0x4  }
0x18c: {  	v2 =	vbroadcast v4, $0x0;
	v7 =	vbroadcast v4, $0x1  }
0x18d: {  	v48 =	vbroadcast v4, $0x2;
	v9 =	vbroadcast v4, $0x3  }
0x18e: {  	v11 =	vbroadcast v4, $0x4;
	v51 =	vbroadcast v4, $0x5  }
0x18f: {  	v5 =	vmov s16;
	v13 =	vbroadcast v4, $0x6;
	v55 =	vbroadcast v4, $0x7  }
0x190: {  	v3 =	vshll.u32 v5, $0xB;
	v57 =	vbroadcast v4, $0x8;
	v15 =	vbroadcast v4, $0x9  }
0x191: {  	v5 =	vshll.u32 v5, $0x7;
	v17 =	vbroadcast v4, $0xA;
	v18 =	vbroadcast v4, $0xB  }
0x192: {  	v3 =	vand.u32 $0x4000, v3;
	v22 =	vbroadcast v4, $0xC;
	v25 =	vbroadcast v4, $0xD  }
0x193: {  	v31 =	vbroadcast v4, $0xE;
	v4 =	vbroadcast v4, $0xF;
	v6 =	vand.u32 $0x7F, v2  }
0x194: {  	v2 =	vshll.u32 v2, $0x3;
	v47 =	vshll.u32 v7, $0x3;
	v7 =	vand.u32 $0x7F, v7  }
0x195: {  	v49 =	vshll.u32 v48, $0x3;
	v10 =	vshll.u32 v9, $0x3;
	v9 =	vand.u32 $0x7F, v9  }
0x196: {  	v52 =	vshll.u32 v11, $0x3;
	v11 =	vand.u32 $0x7F, v11;
	v12 =	vshll.u32 v51, $0x3  }
0x197: {  	v54 =	vshll.u32 v13, $0x3;
	v13 =	vand.u32 $0x7F, v13;
	v14 =	vshll.u32 v55, $0x3  }
0x198: {  	v58 =	vshll.u32 v57, $0x3;
	v16 =	vshll.u32 v15, $0x3;
	v59 =	vand.u32 $0x7F, v15  }
0x199: {  	v61 =	vshll.u32 v17, $0x3;
	v63 =	vand.u32 $0x7F, v17;
	v20 =	vshll.u32 v18, $0x3  }
0x19a: {  	v18 =	vand.u32 $0x7F, v18;
	v24 =	vshll.u32 v22, $0x3;
	v28 =	vand.u32 $0x7F, v22  }
0x19b: {  	v29 =	vshll.u32 v25, $0x3;
	v32 =	vand.u32 $0x7F, v25;
	v33 =	vshll.u32 v31, $0x3  }
0x19c: {  	v2 =	vand.u32 $0xFFFFFC00, v2;
	v10 =	vand.u32 $0xFFFFFC00, v10;
	v12 =	vand.u32 $0xFFFFFC00, v12  }
0x19d: {  	v56 =	vand.u32 $0xFFFFFC00, v14;
	v60 =	vand.u32 $0xFFFFFC00, v16;
	v21 =	vand.u32 $0xFFFFFC00, v20  }
0x19e: {  	v8 =	vadd.s32 v3, v2;
	v2 =	vand.u32 $0x380, v5;
	v5 =	vand.u32 $0xFFFFFC00, v47  }
0x19f: {  	v10 =	vadd.s32 v3, v10;
	v53 =	vadd.s32 v3, v12;
	v12 =	vand.u32 $0x7F, v55  }
0x1a0: {  	v15 =	vadd.s32 v3, v60;
	v16 =	vadd.s32 v3, v21;
	v6 =	vor.u32 v6, v8  }
0x1a1: {  	v5 =	vadd.s32 v3, v5;
	v8 =	vand.u32 $0x7F, v48;
	v50 =	vor.u32 v9, v10  }
0x1a2: {  	v10 =	vand.u32 $0xFFFFFC00, v52;
	v9 =	vand.u32 $0x7F, v51;
	v23 =	vor.u32 v18, v16  }
0x1a3: {  	v6 =	vor.u32 v2, v6;
	v5 =	vor.u32 v7, v5;
	v7 =	vand.u32 $0xFFFFFC00, v49  }
0x1a4: {  	v10 =	vadd.s32 v3, v10;
	v9 =	vor.u32 v9, v53;
	v5 =	vor.u32 v2, v5  }
0x1a5: {  	v7 =	vadd.s32 v3, v7;
	v10 =	vor.u32 v11, v10;
	v11 =	vand.u32 $0xFFFFFC00, v54  }
0x1a6: {  	v9 =	vor.u32 v2, v9;
	v7 =	vor.u32 v8, v7;
	v11 =	vadd.s32 v3, v11  }
0x1a7: {  	v7 =	vor.u32 v2, v7;
	v11 =	vor.u32 v13, v11;
	v13 =	vadd.s32 v3, v56  }
0x1a8: {  	v8 =	vor.u32 v2, v50;
	v10 =	vor.u32 v2, v10;
	v12 =	vor.u32 v12, v13  }
0x1a9: {  	v11 =	vor.u32 v2, v11;
	v13 =	vand.u32 $0xFFFFFC00, v58;
	v12 =	vor.u32 v2, v12  }
0x1aa: {  	v14 =	vand.u32 $0x7F, v57;
	v13 =	vadd.s32 v3, v13;
	[tilespmem:v6+s11+$0x0] =	vst.idx.add.f32.msk $0x1, v0;
	v6 =	vor.u32 v2, v23  }
0x1ab: {  	v62 =	vand.u32 $0xFFFFFC00, v61;
	v13 =	vor.u32 v14, v13;
	v14 =	vor.u32 v59, v15;
	[tilespmem:v5+s11+$0x0] =	vst.idx.add.f32.msk $0x1, v0  }
0x1ac: {  	v34 =	vshll.u32 v4, $0x3;
	v15 =	vadd.s32 v3, v62;
	v13 =	vor.u32 v2, v13;
	[tilespmem:v7+s11+$0x0] =	vst.idx.add.f32.msk $0x1, v0  }
0x1ad: {  	v27 =	vand.u32 $0xFFFFFC00, v24;
	v15 =	vor.u32 v63, v15;
	v14 =	vor.u32 v2, v14;
	[tilespmem:v8+s11+$0x0] =	vst.idx.add.f32.msk $0x1, v0  }
0x1ae: {  	v30 =	vand.u32 $0xFFFFFC00, v29;
	v26 =	vor.u32 v2, v15;
	v15 =	vadd.s32 v3, v27;
	[tilespmem:v10+s11+$0x0] =	vst.idx.add.f32.msk $0x1, v0  }
0x1af: {  	v35 =	vand.u32 $0x7F, v31;
	v7 =	vor.u32 v28, v15;
	v8 =	vadd.s32 v3, v30;
	[tilespmem:v9+s11+$0x0] =	vst.idx.add.f32.msk $0x1, v0  }
0x1b0: {  	v7 =	vor.u32 v2, v7;
	v8 =	vor.u32 v32, v8;
	v9 =	vand.u32 $0xFFFFFC00, v33;
	[tilespmem:v11+s11+$0x0] =	vst.idx.add.f32.msk $0x1, v0  }
0x1b1: {  	v10 =	vand.u32 $0xFFFFFC00, v34;
	v8 =	vor.u32 v2, v8;
	v9 =	vadd.s32 v3, v9;
	[tilespmem:v12+s11+$0x0] =	vst.idx.add.f32.msk $0x1, v0  }
0x1b2: {  	v4 =	vand.u32 $0x7F, v4;
	v10 =	vadd.s32 v3, v10;
	v9 =	vor.u32 v35, v9;
	[tilespmem:v13+s11+$0x0] =	vst.idx.add.f32.msk $0x1, v0  }
0x1b3: {  	v4 =	vor.u32 v4, v10;
	v9 =	vor.u32 v2, v9;
	[tilespmem:v14+s11+$0x0] =	vst.idx.add.f32.msk $0x1, v0  }
0x1b4: {  	v4 =	vor.u32 v2, v4;
	[tilespmem:v26+s11+$0x0] =	vst.idx.add.f32.msk $0x1, v0  }
0x1b5: {  	[tilespmem:v6+s11+$0x0] =	vst.idx.add.f32.msk $0x1, v0  }
0x1b6: {  	[tilespmem:v7+s11+$0x0] =	vst.idx.add.f32.msk $0x1, v0  }
0x1b7: {  	[tilespmem:v8+s11+$0x0] =	vst.idx.add.f32.msk $0x1, v0  }
0x1b8: {  	[tilespmem:v9+s11+$0x0] =	vst.idx.add.f32.msk $0x1, v0  }
0x1b9: {  	[tilespmem:v4+s11+$0x0] =	vst.idx.add.f32.msk $0x1, v0  }
0x1ba: {  	v4 =	vld [tilespmem:s17+$0xFFFFFFF0];
	_ =	sdelay $0x4  }
0x1bb: {  	v36 =	vbroadcast v4, $0x0;
	v38 =	vbroadcast v4, $0x1  }
0x1bc: {  	v41 =	vbroadcast v4, $0x2;
	v42 =	vbroadcast v4, $0x3  }
0x1bd: {  	v45 =	vbroadcast v4, $0x4;
	v47 =	vbroadcast v4, $0x5  }
0x1be: {  	v50 =	vbroadcast v4, $0x6;
	v53 =	vbroadcast v4, $0x7  }
0x1bf: {  	v56 =	vbroadcast v4, $0x8;
	v58 =	vbroadcast v4, $0x9  }
0x1c0: {  	v60 =	vbroadcast v4, $0xA;
	v21 =	vbroadcast v4, $0xB  }
0x1c1: {  	v26 =	vbroadcast v4, $0xC;
	v29 =	vbroadcast v4, $0xD  }
0x1c2: {  	v35 =	vbroadcast v4, $0xE;
	v4 =	vbroadcast v4, $0xF  }
0x1c3: {  	v37 =	vshll.u32 v36, $0x3;
	v5 =	vand.u32 $0x7F, v36;
	v39 =	vshll.u32 v38, $0x3  }
0x1c4: {  	v7 =	vand.u32 $0x7F, v38;
	v43 =	vshll.u32 v41, $0x3;
	v44 =	vshll.u32 v42, $0x3  }
0x1c5: {  	v8 =	vand.u32 $0x7F, v41;
	v9 =	vand.u32 $0x7F, v42;
	v48 =	vshll.u32 v45, $0x3  }
0x1c6: {  	v11 =	vand.u32 $0x7F, v45;
	v49 =	vshll.u32 v47, $0x3;
	v52 =	vshll.u32 v50, $0x3  }
0x1c7: {  	v13 =	vand.u32 $0x7F, v50;
	v54 =	vshll.u32 v53, $0x3;
	v57 =	vshll.u32 v56, $0x3  }
0x1c8: {  	v14 =	vand.u32 $0x7F, v56;
	v59 =	vshll.u32 v58, $0x3;
	v61 =	vand.u32 $0x7F, v58  }
0x1c9: {  	v63 =	vshll.u32 v60, $0x3;
	v23 =	vand.u32 $0x7F, v60;
	v24 =	vshll.u32 v21, $0x3  }
0x1ca: {  	v18 =	vand.u32 $0x7F, v21;
	v28 =	vshll.u32 v26, $0x3;
	v32 =	vand.u32 $0x7F, v26  }
0x1cb: {  	v33 =	vshll.u32 v29, $0x3;
	v36 =	vand.u32 $0x7F, v29;
	v6 =	vand.u32 $0xFFFFFC00, v37  }
0x1cc: {  	v40 =	vand.u32 $0xFFFFFC00, v39;
	v10 =	vand.u32 $0xFFFFFC00, v44;
	v12 =	vand.u32 $0xFFFFFC00, v49  }
0x1cd: {  	v55 =	vand.u32 $0xFFFFFC00, v54;
	v62 =	vand.u32 $0xFFFFFC00, v59;
	v25 =	vand.u32 $0xFFFFFC00, v24  }
0x1ce: {  	v6 =	vadd.s32 v3, v6;
	v10 =	vadd.s32 v3, v10;
	v51 =	vadd.s32 v3, v12  }
0x1cf: {  	v12 =	vand.u32 $0x7F, v53;
	v15 =	vadd.s32 v3, v62;
	v16 =	vadd.s32 v3, v25  }
0x1d0: {  	v5 =	vor.u32 v5, v6;
	v6 =	vadd.s32 v3, v40;
	v46 =	vor.u32 v9, v10  }
0x1d1: {  	v10 =	vand.u32 $0xFFFFFC00, v48;
	v9 =	vand.u32 $0x7F, v47;
	v27 =	vor.u32 v18, v16  }
0x1d2: {  	v5 =	vor.u32 v2, v5;
	v6 =	vor.u32 v7, v6;
	v7 =	vand.u32 $0xFFFFFC00, v43  }
0x1d3: {  	v10 =	vadd.s32 v3, v10;
	v9 =	vor.u32 v9, v51;
	v6 =	vor.u32 v2, v6  }
0x1d4: {  	v7 =	vadd.s32 v3, v7;
	v10 =	vor.u32 v11, v10;
	v11 =	vand.u32 $0xFFFFFC00, v52  }
0x1d5: {  	v9 =	vor.u32 v2, v9;
	v7 =	vor.u32 v8, v7;
	v11 =	vadd.s32 v3, v11  }
0x1d6: {  	v7 =	vor.u32 v2, v7;
	v11 =	vor.u32 v13, v11;
	v13 =	vadd.s32 v3, v55  }
0x1d7: {  	v8 =	vor.u32 v2, v46;
	v10 =	vor.u32 v2, v10;
	v12 =	vor.u32 v12, v13  }
0x1d8: {  	v11 =	vor.u32 v2, v11;
	v13 =	vand.u32 $0xFFFFFC00, v57;
	v12 =	vor.u32 v2, v12  }
0x1d9: {  	v38 =	vshll.u32 v4, $0x3;
	v13 =	vadd.s32 v3, v13;
	[tilespmem:v5+s11+$0x0] =	vst.idx.add.f32.msk $0x1, v0;
	v5 =	vor.u32 v2, v27  }
0x1da: {  	v22 =	vand.u32 $0xFFFFFC00, v63;
	v13 =	vor.u32 v14, v13;
	v14 =	vor.u32 v61, v15;
	[tilespmem:v6+s11+$0x0] =	vst.idx.add.f32.msk $0x1, v0  }
0x1db: {  	v31 =	vand.u32 $0xFFFFFC00, v28;
	v15 =	vadd.s32 v3, v22;
	v13 =	vor.u32 v2, v13;
	[tilespmem:v7+s11+$0x0] =	vst.idx.add.f32.msk $0x1, v0  }
0x1dc: {  	v34 =	vand.u32 $0xFFFFFC00, v33;
	v15 =	vor.u32 v23, v15;
	v14 =	vor.u32 v2, v14;
	[tilespmem:v8+s11+$0x0] =	vst.idx.add.f32.msk $0x1, v0  }
0x1dd: {  	v37 =	vshll.u32 v35, $0x3;
	v30 =	vor.u32 v2, v15;
	v15 =	vadd.s32 v3, v31;
	[tilespmem:v10+s11+$0x0] =	vst.idx.add.f32.msk $0x1, v0  }
0x1de: {  	v39 =	vand.u32 $0x7F, v35;
	v7 =	vor.u32 v32, v15;
	v8 =	vadd.s32 v3, v34;
	[tilespmem:v9+s11+$0x0] =	vst.idx.add.f32.msk $0x1, v0  }
0x1df: {  	v7 =	vor.u32 v2, v7;
	v8 =	vor.u32 v36, v8;
	v9 =	vand.u32 $0xFFFFFC00, v37;
	[tilespmem:v11+s11+$0x0] =	vst.idx.add.f32.msk $0x1, v0  }
0x1e0: {  	v10 =	vand.u32 $0xFFFFFC00, v38;
	v8 =	vor.u32 v2, v8;
	v9 =	vadd.s32 v3, v9;
	[tilespmem:v12+s11+$0x0] =	vst.idx.add.f32.msk $0x1, v0  }
0x1e1: {  	v4 =	vand.u32 $0x7F, v4;
	v10 =	vadd.s32 v3, v10;
	v9 =	vor.u32 v39, v9;
	[tilespmem:v13+s11+$0x0] =	vst.idx.add.f32.msk $0x1, v0  }
0x1e2: {  	v4 =	vor.u32 v4, v10;
	v9 =	vor.u32 v2, v9;
	[tilespmem:v14+s11+$0x0] =	vst.idx.add.f32.msk $0x1, v0  }
0x1e3: {  	v4 =	vor.u32 v2, v4;
	[tilespmem:v30+s11+$0x0] =	vst.idx.add.f32.msk $0x1, v0  }
0x1e4: {  	[tilespmem:v5+s11+$0x0] =	vst.idx.add.f32.msk $0x1, v0  }
0x1e5: {  	[tilespmem:v7+s11+$0x0] =	vst.idx.add.f32.msk $0x1, v0  }
0x1e6: {  	[tilespmem:v8+s11+$0x0] =	vst.idx.add.f32.msk $0x1, v0  }
0x1e7: {  	[tilespmem:v9+s11+$0x0] =	vst.idx.add.f32.msk $0x1, v0  }
0x1e8: {  	[tilespmem:v4+s11+$0x0] =	vst.idx.add.f32.msk $0x1, v0  }
0x1e9: {  	v4 =	vld [tilespmem:s17+$0x0];
	_ =	sdelay $0x4  }
0x1ea: {  	v40 =	vbroadcast v4, $0x0;
	v42 =	vbroadcast v4, $0x1  }
0x1eb: {  	v44 =	vbroadcast v4, $0x2;
	v47 =	vbroadcast v4, $0x3  }
0x1ec: {  	v49 =	vbroadcast v4, $0x4;
	v51 =	vbroadcast v4, $0x5  }
0x1ed: {  	v55 =	vbroadcast v4, $0x6;
	v4 =	vbroadcast v4, $0x7  }
0x1ee: {  	v41 =	vshll.u32 v40, $0x3;
	v5 =	vand.u32 $0x7F, v40;
	v43 =	vshll.u32 v42, $0x3  }
0x1ef: {  	v7 =	vand.u32 $0x7F, v42;
	v45 =	vshll.u32 v44, $0x3;
	v8 =	vand.u32 $0x7F, v44  }
0x1f0: {  	v48 =	vshll.u32 v47, $0x3;
	v9 =	vand.u32 $0x7F, v47;
	v50 =	vshll.u32 v49, $0x3  }
0x1f1: {  	v52 =	vand.u32 $0x7F, v49;
	v54 =	vshll.u32 v51, $0x3;
	v56 =	vand.u32 $0x7F, v51  }
0x1f2: {  	v57 =	vshll.u32 v55, $0x3;
	v59 =	vand.u32 $0x7F, v55;
	v6 =	vand.u32 $0xFFFFFC00, v41  }
0x1f3: {  	v60 =	vshll.u32 v4, $0x3;
	v46 =	vand.u32 $0xFFFFFC00, v45;
	v6 =	vadd.s32 v3, v6  }
0x1f4: {  	v53 =	vand.u32 $0xFFFFFC00, v50;
	v5 =	vor.u32 v5, v6;
	v6 =	vand.u32 $0xFFFFFC00, v43  }
0x1f5: {  	v11 =	vand.u32 $0xFFFFFC00, v54;
	v58 =	vand.u32 $0xFFFFFC00, v57;
	v6 =	vadd.s32 v3, v6  }
0x1f6: {  	v61 =	vand.u32 $0xFFFFFC00, v60;
	v6 =	vor.u32 v7, v6;
	v7 =	vadd.s32 v3, v46  }
0x1f7: {  	v5 =	vor.u32 v2, v5;
	v7 =	vor.u32 v8, v7;
	v8 =	vand.u32 $0xFFFFFC00, v48  }
0x1f8: {  	v10 =	vadd.s32 v3, v53;
	v6 =	vor.u32 v2, v6;
	v8 =	vadd.s32 v3, v8  }
0x1f9: {  	v11 =	vadd.s32 v3, v11;
	v7 =	vor.u32 v2, v7;
	v8 =	vor.u32 v9, v8  }
0x1fa: {  	v9 =	vor.u32 v52, v10;
	v10 =	vor.u32 v56, v11;
	v8 =	vor.u32 v2, v8  }
0x1fb: {  	v11 =	vadd.s32 v3, v58;
	v3 =	vadd.s32 v3, v61;
	v9 =	vor.u32 v2, v9  }
0x1fc: {  	v4 =	vand.u32 $0x7F, v4;
	v11 =	vor.u32 v59, v11;
	[tilespmem:v5+s11+$0x0] =	vst.idx.add.f32.msk $0x1, v0;
	v62 =	vor.u32 v2, v10  }
0x1fd: {  	v3 =	vor.u32 v4, v3;
	v63 =	vor.u32 v2, v11;
	[tilespmem:v6+s11+$0x0] =	vst.idx.add.f32.msk $0x1, v0  }
0x1fe: {  	p0 =	sne.s32 s16, $0xF;
	v2 =	vor.u32 v2, v3;
	[tilespmem:v7+s11+$0x0] =	vst.idx.add.f32.msk $0x1, v0  }
.Ltmp3:
0x1ff: {  	[tilespmem:v8+s11+$0x0] =	vst.idx.add.f32.msk $0x1, v0;
	(pc) =	sbr.rel @p0 .LBB2_8-.Ltmp3, $4  }
0x200: {  	[tilespmem:v9+s11+$0x0] =	vst.idx.add.f32.msk $0x1, v0  }
0x201: {  	[tilespmem:v62+s11+$0x0] =	vst.idx.add.f32.msk $0x1, v0  }
0x202: {  	[tilespmem:v63+s11+$0x0] =	vst.idx.add.f32.msk $0x1, v0  }
0x203: {  	s16 =	sadd.s32 $0x1, s16;
	s17 =	sadd.s32 $0x80, s17;
	[tilespmem:v2+s11+$0x0] =	vst.idx.add.f32.msk $0x1, v0  }
0x204: {  	s16 =	simm.s32 $0x0  }
0x205: {  	[hbm4b:s7+s16] =	stream.linear.scatter [tilespmem:s11], [sflag:$0x1], $0x8000, $0x38;
	[tilespmem:$0x12000] =	vst v63  }
0x206: {  	_ =	swait.ge [sflag:s14], $0x8000  }
0x207: {  	[sflag:s14] =	ssyncset.done $0x0  }
0x208: {  	s17 =	simm.s32 $0x820;
	s18 =	simm.s32 $0x0;
	[sflag:s14] =	ssyncadd.s32 $0xFFFF8000  }
.LBB2_10:
0x209: {  	v4 =	vld [tilespmem:s17+$0xFFFFFFE0];
	_ =	sdelay $0x4  }
0x20a: {  	v2 =	vbroadcast v4, $0x0;
	v7 =	vbroadcast v4, $0x1  }
0x20b: {  	v48 =	vbroadcast v4, $0x2;
	v9 =	vbroadcast v4, $0x3  }
0x20c: {  	v11 =	vbroadcast v4, $0x4;
	v51 =	vbroadcast v4, $0x5  }
0x20d: {  	v5 =	vmov s18;
	v13 =	vbroadcast v4, $0x6;
	v55 =	vbroadcast v4, $0x7  }
0x20e: {  	v3 =	vshll.u32 v5, $0xB;
	v57 =	vbroadcast v4, $0x8;
	v15 =	vbroadcast v4, $0x9  }
0x20f: {  	v5 =	vshll.u32 v5, $0x7;
	v17 =	vbroadcast v4, $0xA;
	v18 =	vbroadcast v4, $0xB  }
0x210: {  	v3 =	vand.u32 $0x4000, v3;
	v22 =	vbroadcast v4, $0xC;
	v25 =	vbroadcast v4, $0xD  }
0x211: {  	v31 =	vbroadcast v4, $0xE;
	v4 =	vbroadcast v4, $0xF;
	v6 =	vand.u32 $0x7F, v2  }
0x212: {  	v2 =	vshll.u32 v2, $0x3;
	v47 =	vshll.u32 v7, $0x3;
	v7 =	vand.u32 $0x7F, v7  }
0x213: {  	v49 =	vshll.u32 v48, $0x3;
	v10 =	vshll.u32 v9, $0x3;
	v9 =	vand.u32 $0x7F, v9  }
0x214: {  	v52 =	vshll.u32 v11, $0x3;
	v11 =	vand.u32 $0x7F, v11;
	v12 =	vshll.u32 v51, $0x3  }
0x215: {  	v54 =	vshll.u32 v13, $0x3;
	v13 =	vand.u32 $0x7F, v13;
	v14 =	vshll.u32 v55, $0x3  }
0x216: {  	v58 =	vshll.u32 v57, $0x3;
	v16 =	vshll.u32 v15, $0x3;
	v59 =	vand.u32 $0x7F, v15  }
0x217: {  	v61 =	vshll.u32 v17, $0x3;
	v63 =	vand.u32 $0x7F, v17;
	v20 =	vshll.u32 v18, $0x3  }
0x218: {  	v18 =	vand.u32 $0x7F, v18;
	v24 =	vshll.u32 v22, $0x3;
	v28 =	vand.u32 $0x7F, v22  }
0x219: {  	v29 =	vshll.u32 v25, $0x3;
	v32 =	vand.u32 $0x7F, v25;
	v33 =	vshll.u32 v31, $0x3  }
0x21a: {  	v2 =	vand.u32 $0xFFFFFC00, v2;
	v10 =	vand.u32 $0xFFFFFC00, v10;
	v12 =	vand.u32 $0xFFFFFC00, v12  }
0x21b: {  	v56 =	vand.u32 $0xFFFFFC00, v14;
	v60 =	vand.u32 $0xFFFFFC00, v16;
	v21 =	vand.u32 $0xFFFFFC00, v20  }
0x21c: {  	v8 =	vadd.s32 v3, v2;
	v2 =	vand.u32 $0x380, v5;
	v5 =	vand.u32 $0xFFFFFC00, v47  }
0x21d: {  	v10 =	vadd.s32 v3, v10;
	v53 =	vadd.s32 v3, v12;
	v12 =	vand.u32 $0x7F, v55  }
0x21e: {  	v15 =	vadd.s32 v3, v60;
	v16 =	vadd.s32 v3, v21;
	v6 =	vor.u32 v6, v8  }
0x21f: {  	v5 =	vadd.s32 v3, v5;
	v8 =	vand.u32 $0x7F, v48;
	v50 =	vor.u32 v9, v10  }
0x220: {  	v10 =	vand.u32 $0xFFFFFC00, v52;
	v9 =	vand.u32 $0x7F, v51;
	v23 =	vor.u32 v18, v16  }
0x221: {  	v6 =	vor.u32 v2, v6;
	v5 =	vor.u32 v7, v5;
	v7 =	vand.u32 $0xFFFFFC00, v49  }
0x222: {  	v10 =	vadd.s32 v3, v10;
	v9 =	vor.u32 v9, v53;
	v5 =	vor.u32 v2, v5  }
0x223: {  	v7 =	vadd.s32 v3, v7;
	v10 =	vor.u32 v11, v10;
	v11 =	vand.u32 $0xFFFFFC00, v54  }
0x224: {  	v9 =	vor.u32 v2, v9;
	v7 =	vor.u32 v8, v7;
	v11 =	vadd.s32 v3, v11  }
0x225: {  	v7 =	vor.u32 v2, v7;
	v11 =	vor.u32 v13, v11;
	v13 =	vadd.s32 v3, v56  }
0x226: {  	v8 =	vor.u32 v2, v50;
	v10 =	vor.u32 v2, v10;
	v12 =	vor.u32 v12, v13  }
0x227: {  	v11 =	vor.u32 v2, v11;
	v13 =	vand.u32 $0xFFFFFC00, v58;
	v12 =	vor.u32 v2, v12  }
0x228: {  	v14 =	vand.u32 $0x7F, v57;
	v13 =	vadd.s32 v3, v13;
	[tilespmem:v6+s12+$0x0] =	vst.idx.msk $0x1, v1;
	v6 =	vor.u32 v2, v23  }
0x229: {  	v62 =	vand.u32 $0xFFFFFC00, v61;
	v13 =	vor.u32 v14, v13;
	v14 =	vor.u32 v59, v15;
	[tilespmem:v5+s12+$0x0] =	vst.idx.msk $0x1, v1  }
0x22a: {  	v34 =	vshll.u32 v4, $0x3;
	v15 =	vadd.s32 v3, v62;
	v13 =	vor.u32 v2, v13;
	[tilespmem:v7+s12+$0x0] =	vst.idx.msk $0x1, v1  }
0x22b: {  	v27 =	vand.u32 $0xFFFFFC00, v24;
	v15 =	vor.u32 v63, v15;
	v14 =	vor.u32 v2, v14;
	[tilespmem:v8+s12+$0x0] =	vst.idx.msk $0x1, v1  }
0x22c: {  	v30 =	vand.u32 $0xFFFFFC00, v29;
	v26 =	vor.u32 v2, v15;
	v15 =	vadd.s32 v3, v27;
	[tilespmem:v10+s12+$0x0] =	vst.idx.msk $0x1, v1  }
0x22d: {  	v35 =	vand.u32 $0x7F, v31;
	v7 =	vor.u32 v28, v15;
	v8 =	vadd.s32 v3, v30;
	[tilespmem:v9+s12+$0x0] =	vst.idx.msk $0x1, v1  }
0x22e: {  	v7 =	vor.u32 v2, v7;
	v8 =	vor.u32 v32, v8;
	v9 =	vand.u32 $0xFFFFFC00, v33;
	[tilespmem:v11+s12+$0x0] =	vst.idx.msk $0x1, v1  }
0x22f: {  	v10 =	vand.u32 $0xFFFFFC00, v34;
	v8 =	vor.u32 v2, v8;
	v9 =	vadd.s32 v3, v9;
	[tilespmem:v12+s12+$0x0] =	vst.idx.msk $0x1, v1  }
0x230: {  	v4 =	vand.u32 $0x7F, v4;
	v10 =	vadd.s32 v3, v10;
	v9 =	vor.u32 v35, v9;
	[tilespmem:v13+s12+$0x0] =	vst.idx.msk $0x1, v1  }
0x231: {  	v4 =	vor.u32 v4, v10;
	v9 =	vor.u32 v2, v9;
	[tilespmem:v14+s12+$0x0] =	vst.idx.msk $0x1, v1  }
0x232: {  	v4 =	vor.u32 v2, v4;
	[tilespmem:v26+s12+$0x0] =	vst.idx.msk $0x1, v1  }
0x233: {  	[tilespmem:v6+s12+$0x0] =	vst.idx.msk $0x1, v1  }
0x234: {  	[tilespmem:v7+s12+$0x0] =	vst.idx.msk $0x1, v1  }
0x235: {  	[tilespmem:v8+s12+$0x0] =	vst.idx.msk $0x1, v1  }
0x236: {  	[tilespmem:v9+s12+$0x0] =	vst.idx.msk $0x1, v1  }
0x237: {  	[tilespmem:v4+s12+$0x0] =	vst.idx.msk $0x1, v1  }
0x238: {  	v4 =	vld [tilespmem:s17+$0xFFFFFFF0];
	_ =	sdelay $0x4  }
0x239: {  	v36 =	vbroadcast v4, $0x0;
	v38 =	vbroadcast v4, $0x1  }
0x23a: {  	v41 =	vbroadcast v4, $0x2;
	v42 =	vbroadcast v4, $0x3  }
0x23b: {  	v45 =	vbroadcast v4, $0x4;
	v47 =	vbroadcast v4, $0x5  }
0x23c: {  	v50 =	vbroadcast v4, $0x6;
	v53 =	vbroadcast v4, $0x7  }
0x23d: {  	v56 =	vbroadcast v4, $0x8;
	v58 =	vbroadcast v4, $0x9  }
0x23e: {  	v60 =	vbroadcast v4, $0xA;
	v21 =	vbroadcast v4, $0xB  }
0x23f: {  	v26 =	vbroadcast v4, $0xC;
	v29 =	vbroadcast v4, $0xD  }
0x240: {  	v35 =	vbroadcast v4, $0xE;
	v4 =	vbroadcast v4, $0xF  }
0x241: {  	v37 =	vshll.u32 v36, $0x3;
	v5 =	vand.u32 $0x7F, v36;
	v39 =	vshll.u32 v38, $0x3  }
0x242: {  	v7 =	vand.u32 $0x7F, v38;
	v43 =	vshll.u32 v41, $0x3;
	v44 =	vshll.u32 v42, $0x3  }
0x243: {  	v8 =	vand.u32 $0x7F, v41;
	v9 =	vand.u32 $0x7F, v42;
	v48 =	vshll.u32 v45, $0x3  }
0x244: {  	v11 =	vand.u32 $0x7F, v45;
	v49 =	vshll.u32 v47, $0x3;
	v52 =	vshll.u32 v50, $0x3  }
0x245: {  	v13 =	vand.u32 $0x7F, v50;
	v54 =	vshll.u32 v53, $0x3;
	v57 =	vshll.u32 v56, $0x3  }
0x246: {  	v14 =	vand.u32 $0x7F, v56;
	v59 =	vshll.u32 v58, $0x3;
	v61 =	vand.u32 $0x7F, v58  }
0x247: {  	v63 =	vshll.u32 v60, $0x3;
	v23 =	vand.u32 $0x7F, v60;
	v24 =	vshll.u32 v21, $0x3  }
0x248: {  	v18 =	vand.u32 $0x7F, v21;
	v28 =	vshll.u32 v26, $0x3;
	v32 =	vand.u32 $0x7F, v26  }
0x249: {  	v33 =	vshll.u32 v29, $0x3;
	v36 =	vand.u32 $0x7F, v29;
	v6 =	vand.u32 $0xFFFFFC00, v37  }
0x24a: {  	v40 =	vand.u32 $0xFFFFFC00, v39;
	v10 =	vand.u32 $0xFFFFFC00, v44;
	v12 =	vand.u32 $0xFFFFFC00, v49  }
0x24b: {  	v55 =	vand.u32 $0xFFFFFC00, v54;
	v62 =	vand.u32 $0xFFFFFC00, v59;
	v25 =	vand.u32 $0xFFFFFC00, v24  }
0x24c: {  	v6 =	vadd.s32 v3, v6;
	v10 =	vadd.s32 v3, v10;
	v51 =	vadd.s32 v3, v12  }
0x24d: {  	v12 =	vand.u32 $0x7F, v53;
	v15 =	vadd.s32 v3, v62;
	v16 =	vadd.s32 v3, v25  }
0x24e: {  	v5 =	vor.u32 v5, v6;
	v6 =	vadd.s32 v3, v40;
	v46 =	vor.u32 v9, v10  }
0x24f: {  	v10 =	vand.u32 $0xFFFFFC00, v48;
	v9 =	vand.u32 $0x7F, v47;
	v27 =	vor.u32 v18, v16  }
0x250: {  	v5 =	vor.u32 v2, v5;
	v6 =	vor.u32 v7, v6;
	v7 =	vand.u32 $0xFFFFFC00, v43  }
0x251: {  	v10 =	vadd.s32 v3, v10;
	v9 =	vor.u32 v9, v51;
	v6 =	vor.u32 v2, v6  }
0x252: {  	v7 =	vadd.s32 v3, v7;
	v10 =	vor.u32 v11, v10;
	v11 =	vand.u32 $0xFFFFFC00, v52  }
0x253: {  	v9 =	vor.u32 v2, v9;
	v7 =	vor.u32 v8, v7;
	v11 =	vadd.s32 v3, v11  }
0x254: {  	v7 =	vor.u32 v2, v7;
	v11 =	vor.u32 v13, v11;
	v13 =	vadd.s32 v3, v55  }
0x255: {  	v8 =	vor.u32 v2, v46;
	v10 =	vor.u32 v2, v10;
	v12 =	vor.u32 v12, v13  }
0x256: {  	v11 =	vor.u32 v2, v11;
	v13 =	vand.u32 $0xFFFFFC00, v57;
	v12 =	vor.u32 v2, v12  }
0x257: {  	v38 =	vshll.u32 v4, $0x3;
	v13 =	vadd.s32 v3, v13;
	[tilespmem:v5+s12+$0x0] =	vst.idx.msk $0x1, v1;
	v5 =	vor.u32 v2, v27  }
0x258: {  	v22 =	vand.u32 $0xFFFFFC00, v63;
	v13 =	vor.u32 v14, v13;
	v14 =	vor.u32 v61, v15;
	[tilespmem:v6+s12+$0x0] =	vst.idx.msk $0x1, v1  }
0x259: {  	v31 =	vand.u32 $0xFFFFFC00, v28;
	v15 =	vadd.s32 v3, v22;
	v13 =	vor.u32 v2, v13;
	[tilespmem:v7+s12+$0x0] =	vst.idx.msk $0x1, v1  }
0x25a: {  	v34 =	vand.u32 $0xFFFFFC00, v33;
	v15 =	vor.u32 v23, v15;
	v14 =	vor.u32 v2, v14;
	[tilespmem:v8+s12+$0x0] =	vst.idx.msk $0x1, v1  }
0x25b: {  	v37 =	vshll.u32 v35, $0x3;
	v30 =	vor.u32 v2, v15;
	v15 =	vadd.s32 v3, v31;
	[tilespmem:v10+s12+$0x0] =	vst.idx.msk $0x1, v1  }
0x25c: {  	v39 =	vand.u32 $0x7F, v35;
	v7 =	vor.u32 v32, v15;
	v8 =	vadd.s32 v3, v34;
	[tilespmem:v9+s12+$0x0] =	vst.idx.msk $0x1, v1  }
0x25d: {  	v7 =	vor.u32 v2, v7;
	v8 =	vor.u32 v36, v8;
	v9 =	vand.u32 $0xFFFFFC00, v37;
	[tilespmem:v11+s12+$0x0] =	vst.idx.msk $0x1, v1  }
0x25e: {  	v10 =	vand.u32 $0xFFFFFC00, v38;
	v8 =	vor.u32 v2, v8;
	v9 =	vadd.s32 v3, v9;
	[tilespmem:v12+s12+$0x0] =	vst.idx.msk $0x1, v1  }
0x25f: {  	v4 =	vand.u32 $0x7F, v4;
	v10 =	vadd.s32 v3, v10;
	v9 =	vor.u32 v39, v9;
	[tilespmem:v13+s12+$0x0] =	vst.idx.msk $0x1, v1  }
0x260: {  	v4 =	vor.u32 v4, v10;
	v9 =	vor.u32 v2, v9;
	[tilespmem:v14+s12+$0x0] =	vst.idx.msk $0x1, v1  }
0x261: {  	v4 =	vor.u32 v2, v4;
	[tilespmem:v30+s12+$0x0] =	vst.idx.msk $0x1, v1  }
0x262: {  	[tilespmem:v5+s12+$0x0] =	vst.idx.msk $0x1, v1  }
0x263: {  	[tilespmem:v7+s12+$0x0] =	vst.idx.msk $0x1, v1  }
0x264: {  	[tilespmem:v8+s12+$0x0] =	vst.idx.msk $0x1, v1  }
0x265: {  	[tilespmem:v9+s12+$0x0] =	vst.idx.msk $0x1, v1  }
0x266: {  	[tilespmem:v4+s12+$0x0] =	vst.idx.msk $0x1, v1  }
0x267: {  	v4 =	vld [tilespmem:s17+$0x0];
	_ =	sdelay $0x4  }
0x268: {  	v40 =	vbroadcast v4, $0x0;
	v42 =	vbroadcast v4, $0x1  }
0x269: {  	v44 =	vbroadcast v4, $0x2;
	v47 =	vbroadcast v4, $0x3  }
0x26a: {  	v49 =	vbroadcast v4, $0x4;
	v51 =	vbroadcast v4, $0x5  }
0x26b: {  	v55 =	vbroadcast v4, $0x6;
	v4 =	vbroadcast v4, $0x7  }
0x26c: {  	v41 =	vshll.u32 v40, $0x3;
	v5 =	vand.u32 $0x7F, v40;
	v43 =	vshll.u32 v42, $0x3  }
0x26d: {  	v7 =	vand.u32 $0x7F, v42;
	v45 =	vshll.u32 v44, $0x3;
	v8 =	vand.u32 $0x7F, v44  }
0x26e: {  	v48 =	vshll.u32 v47, $0x3;
	v9 =	vand.u32 $0x7F, v47;
	v50 =	vshll.u32 v49, $0x3  }
0x26f: {  	v52 =	vand.u32 $0x7F, v49;
	v54 =	vshll.u32 v51, $0x3;
	v56 =	vand.u32 $0x7F, v51  }
0x270: {  	v57 =	vshll.u32 v55, $0x3;
	v59 =	vand.u32 $0x7F, v55;
	v6 =	vand.u32 $0xFFFFFC00, v41  }
0x271: {  	v60 =	vshll.u32 v4, $0x3;
	v46 =	vand.u32 $0xFFFFFC00, v45;
	v6 =	vadd.s32 v3, v6  }
0x272: {  	v53 =	vand.u32 $0xFFFFFC00, v50;
	v5 =	vor.u32 v5, v6;
	v6 =	vand.u32 $0xFFFFFC00, v43  }
0x273: {  	v11 =	vand.u32 $0xFFFFFC00, v54;
	v58 =	vand.u32 $0xFFFFFC00, v57;
	v6 =	vadd.s32 v3, v6  }
0x274: {  	v61 =	vand.u32 $0xFFFFFC00, v60;
	v6 =	vor.u32 v7, v6;
	v7 =	vadd.s32 v3, v46  }
0x275: {  	v5 =	vor.u32 v2, v5;
	v7 =	vor.u32 v8, v7;
	v8 =	vand.u32 $0xFFFFFC00, v48  }
0x276: {  	v10 =	vadd.s32 v3, v53;
	v6 =	vor.u32 v2, v6;
	v8 =	vadd.s32 v3, v8  }
0x277: {  	v11 =	vadd.s32 v3, v11;
	v7 =	vor.u32 v2, v7;
	v8 =	vor.u32 v9, v8  }
0x278: {  	v9 =	vor.u32 v52, v10;
	v10 =	vor.u32 v56, v11;
	v8 =	vor.u32 v2, v8  }
0x279: {  	v11 =	vadd.s32 v3, v58;
	v3 =	vadd.s32 v3, v61;
	v9 =	vor.u32 v2, v9  }
0x27a: {  	v4 =	vand.u32 $0x7F, v4;
	v11 =	vor.u32 v59, v11;
	[tilespmem:v5+s12+$0x0] =	vst.idx.msk $0x1, v1;
	v62 =	vor.u32 v2, v10  }
0x27b: {  	v3 =	vor.u32 v4, v3;
	v63 =	vor.u32 v2, v11;
	[tilespmem:v6+s12+$0x0] =	vst.idx.msk $0x1, v1  }
0x27c: {  	p0 =	sne.s32 s18, $0xF;
	v2 =	vor.u32 v2, v3;
	[tilespmem:v7+s12+$0x0] =	vst.idx.msk $0x1, v1  }
.Ltmp4:
0x27d: {  	[tilespmem:v8+s12+$0x0] =	vst.idx.msk $0x1, v1;
	(pc) =	sbr.rel @p0 .LBB2_10-.Ltmp4, $4  }
0x27e: {  	[tilespmem:v9+s12+$0x0] =	vst.idx.msk $0x1, v1  }
0x27f: {  	[tilespmem:v62+s12+$0x0] =	vst.idx.msk $0x1, v1  }
0x280: {  	[tilespmem:v63+s12+$0x0] =	vst.idx.msk $0x1, v1  }
0x281: {  	s18 =	sadd.s32 $0x1, s18;
	s17 =	sadd.s32 $0x80, s17;
	[tilespmem:v2+s12+$0x0] =	vst.idx.msk $0x1, v1  }
0x282: {  	s17 =	simm.s32 $0x1820  }
.LBB2_12:
0x283: {  	v4 =	vld [tilespmem:s17+$0xFFFFFFE0];
	_ =	sdelay $0x4  }
0x284: {  	v2 =	vbroadcast v4, $0x0;
	v7 =	vbroadcast v4, $0x1  }
0x285: {  	v48 =	vbroadcast v4, $0x2;
	v9 =	vbroadcast v4, $0x3  }
0x286: {  	v11 =	vbroadcast v4, $0x4;
	v51 =	vbroadcast v4, $0x5  }
0x287: {  	v5 =	vmov s16;
	v13 =	vbroadcast v4, $0x6;
	v55 =	vbroadcast v4, $0x7  }
0x288: {  	v3 =	vshll.u32 v5, $0xB;
	v57 =	vbroadcast v4, $0x8;
	v15 =	vbroadcast v4, $0x9  }
0x289: {  	v5 =	vshll.u32 v5, $0x7;
	v17 =	vbroadcast v4, $0xA;
	v18 =	vbroadcast v4, $0xB  }
0x28a: {  	v3 =	vand.u32 $0x4000, v3;
	v22 =	vbroadcast v4, $0xC;
	v25 =	vbroadcast v4, $0xD  }
0x28b: {  	v31 =	vbroadcast v4, $0xE;
	v4 =	vbroadcast v4, $0xF;
	v6 =	vand.u32 $0x7F, v2  }
0x28c: {  	v2 =	vshll.u32 v2, $0x3;
	v47 =	vshll.u32 v7, $0x3;
	v7 =	vand.u32 $0x7F, v7  }
0x28d: {  	v49 =	vshll.u32 v48, $0x3;
	v10 =	vshll.u32 v9, $0x3;
	v9 =	vand.u32 $0x7F, v9  }
0x28e: {  	v52 =	vshll.u32 v11, $0x3;
	v11 =	vand.u32 $0x7F, v11;
	v12 =	vshll.u32 v51, $0x3  }
0x28f: {  	v54 =	vshll.u32 v13, $0x3;
	v13 =	vand.u32 $0x7F, v13;
	v14 =	vshll.u32 v55, $0x3  }
0x290: {  	v58 =	vshll.u32 v57, $0x3;
	v16 =	vshll.u32 v15, $0x3;
	v59 =	vand.u32 $0x7F, v15  }
0x291: {  	v61 =	vshll.u32 v17, $0x3;
	v63 =	vand.u32 $0x7F, v17;
	v20 =	vshll.u32 v18, $0x3  }
0x292: {  	v18 =	vand.u32 $0x7F, v18;
	v24 =	vshll.u32 v22, $0x3;
	v28 =	vand.u32 $0x7F, v22  }
0x293: {  	v29 =	vshll.u32 v25, $0x3;
	v32 =	vand.u32 $0x7F, v25;
	v33 =	vshll.u32 v31, $0x3  }
0x294: {  	v2 =	vand.u32 $0xFFFFFC00, v2;
	v10 =	vand.u32 $0xFFFFFC00, v10;
	v12 =	vand.u32 $0xFFFFFC00, v12  }
0x295: {  	v56 =	vand.u32 $0xFFFFFC00, v14;
	v60 =	vand.u32 $0xFFFFFC00, v16;
	v21 =	vand.u32 $0xFFFFFC00, v20  }
0x296: {  	v8 =	vadd.s32 v3, v2;
	v2 =	vand.u32 $0x380, v5;
	v5 =	vand.u32 $0xFFFFFC00, v47  }
0x297: {  	v10 =	vadd.s32 v3, v10;
	v53 =	vadd.s32 v3, v12;
	v12 =	vand.u32 $0x7F, v55  }
0x298: {  	v15 =	vadd.s32 v3, v60;
	v16 =	vadd.s32 v3, v21;
	v6 =	vor.u32 v6, v8  }
0x299: {  	v5 =	vadd.s32 v3, v5;
	v8 =	vand.u32 $0x7F, v48;
	v50 =	vor.u32 v9, v10  }
0x29a: {  	v10 =	vand.u32 $0xFFFFFC00, v52;
	v9 =	vand.u32 $0x7F, v51;
	v23 =	vor.u32 v18, v16  }
0x29b: {  	v6 =	vor.u32 v2, v6;
	v5 =	vor.u32 v7, v5;
	v7 =	vand.u32 $0xFFFFFC00, v49  }
0x29c: {  	v10 =	vadd.s32 v3, v10;
	v9 =	vor.u32 v9, v53;
	v5 =	vor.u32 v2, v5  }
0x29d: {  	v7 =	vadd.s32 v3, v7;
	v10 =	vor.u32 v11, v10;
	v11 =	vand.u32 $0xFFFFFC00, v54  }
0x29e: {  	v9 =	vor.u32 v2, v9;
	v7 =	vor.u32 v8, v7;
	v11 =	vadd.s32 v3, v11  }
0x29f: {  	v7 =	vor.u32 v2, v7;
	v11 =	vor.u32 v13, v11;
	v13 =	vadd.s32 v3, v56  }
0x2a0: {  	v8 =	vor.u32 v2, v50;
	v10 =	vor.u32 v2, v10;
	v12 =	vor.u32 v12, v13  }
0x2a1: {  	v11 =	vor.u32 v2, v11;
	v13 =	vand.u32 $0xFFFFFC00, v58;
	v12 =	vor.u32 v2, v12  }
0x2a2: {  	v14 =	vand.u32 $0x7F, v57;
	v13 =	vadd.s32 v3, v13;
	[tilespmem:v6+s12+$0x0] =	vst.idx.add.f32.msk $0x1, v0;
	v6 =	vor.u32 v2, v23  }
0x2a3: {  	v62 =	vand.u32 $0xFFFFFC00, v61;
	v13 =	vor.u32 v14, v13;
	v14 =	vor.u32 v59, v15;
	[tilespmem:v5+s12+$0x0] =	vst.idx.add.f32.msk $0x1, v0  }
0x2a4: {  	v34 =	vshll.u32 v4, $0x3;
	v15 =	vadd.s32 v3, v62;
	v13 =	vor.u32 v2, v13;
	[tilespmem:v7+s12+$0x0] =	vst.idx.add.f32.msk $0x1, v0  }
0x2a5: {  	v27 =	vand.u32 $0xFFFFFC00, v24;
	v15 =	vor.u32 v63, v15;
	v14 =	vor.u32 v2, v14;
	[tilespmem:v8+s12+$0x0] =	vst.idx.add.f32.msk $0x1, v0  }
0x2a6: {  	v30 =	vand.u32 $0xFFFFFC00, v29;
	v26 =	vor.u32 v2, v15;
	v15 =	vadd.s32 v3, v27;
	[tilespmem:v10+s12+$0x0] =	vst.idx.add.f32.msk $0x1, v0  }
0x2a7: {  	v35 =	vand.u32 $0x7F, v31;
	v7 =	vor.u32 v28, v15;
	v8 =	vadd.s32 v3, v30;
	[tilespmem:v9+s12+$0x0] =	vst.idx.add.f32.msk $0x1, v0  }
0x2a8: {  	v7 =	vor.u32 v2, v7;
	v8 =	vor.u32 v32, v8;
	v9 =	vand.u32 $0xFFFFFC00, v33;
	[tilespmem:v11+s12+$0x0] =	vst.idx.add.f32.msk $0x1, v0  }
0x2a9: {  	v10 =	vand.u32 $0xFFFFFC00, v34;
	v8 =	vor.u32 v2, v8;
	v9 =	vadd.s32 v3, v9;
	[tilespmem:v12+s12+$0x0] =	vst.idx.add.f32.msk $0x1, v0  }
0x2aa: {  	v4 =	vand.u32 $0x7F, v4;
	v10 =	vadd.s32 v3, v10;
	v9 =	vor.u32 v35, v9;
	[tilespmem:v13+s12+$0x0] =	vst.idx.add.f32.msk $0x1, v0  }
0x2ab: {  	v4 =	vor.u32 v4, v10;
	v9 =	vor.u32 v2, v9;
	[tilespmem:v14+s12+$0x0] =	vst.idx.add.f32.msk $0x1, v0  }
0x2ac: {  	v4 =	vor.u32 v2, v4;
	[tilespmem:v26+s12+$0x0] =	vst.idx.add.f32.msk $0x1, v0  }
0x2ad: {  	[tilespmem:v6+s12+$0x0] =	vst.idx.add.f32.msk $0x1, v0  }
0x2ae: {  	[tilespmem:v7+s12+$0x0] =	vst.idx.add.f32.msk $0x1, v0  }
0x2af: {  	[tilespmem:v8+s12+$0x0] =	vst.idx.add.f32.msk $0x1, v0  }
0x2b0: {  	[tilespmem:v9+s12+$0x0] =	vst.idx.add.f32.msk $0x1, v0  }
0x2b1: {  	[tilespmem:v4+s12+$0x0] =	vst.idx.add.f32.msk $0x1, v0  }
0x2b2: {  	v4 =	vld [tilespmem:s17+$0xFFFFFFF0];
	_ =	sdelay $0x4  }
0x2b3: {  	v36 =	vbroadcast v4, $0x0;
	v38 =	vbroadcast v4, $0x1  }
0x2b4: {  	v41 =	vbroadcast v4, $0x2;
	v42 =	vbroadcast v4, $0x3  }
0x2b5: {  	v45 =	vbroadcast v4, $0x4;
	v47 =	vbroadcast v4, $0x5  }
0x2b6: {  	v50 =	vbroadcast v4, $0x6;
	v53 =	vbroadcast v4, $0x7  }
0x2b7: {  	v56 =	vbroadcast v4, $0x8;
	v58 =	vbroadcast v4, $0x9  }
0x2b8: {  	v60 =	vbroadcast v4, $0xA;
	v21 =	vbroadcast v4, $0xB  }
0x2b9: {  	v26 =	vbroadcast v4, $0xC;
	v29 =	vbroadcast v4, $0xD  }
0x2ba: {  	v35 =	vbroadcast v4, $0xE;
	v4 =	vbroadcast v4, $0xF  }
0x2bb: {  	v37 =	vshll.u32 v36, $0x3;
	v5 =	vand.u32 $0x7F, v36;
	v39 =	vshll.u32 v38, $0x3  }
0x2bc: {  	v7 =	vand.u32 $0x7F, v38;
	v43 =	vshll.u32 v41, $0x3;
	v44 =	vshll.u32 v42, $0x3  }
0x2bd: {  	v8 =	vand.u32 $0x7F, v41;
	v9 =	vand.u32 $0x7F, v42;
	v48 =	vshll.u32 v45, $0x3  }
0x2be: {  	v11 =	vand.u32 $0x7F, v45;
	v49 =	vshll.u32 v47, $0x3;
	v52 =	vshll.u32 v50, $0x3  }
0x2bf: {  	v13 =	vand.u32 $0x7F, v50;
	v54 =	vshll.u32 v53, $0x3;
	v57 =	vshll.u32 v56, $0x3  }
0x2c0: {  	v14 =	vand.u32 $0x7F, v56;
	v59 =	vshll.u32 v58, $0x3;
	v61 =	vand.u32 $0x7F, v58  }
0x2c1: {  	v63 =	vshll.u32 v60, $0x3;
	v23 =	vand.u32 $0x7F, v60;
	v24 =	vshll.u32 v21, $0x3  }
0x2c2: {  	v18 =	vand.u32 $0x7F, v21;
	v28 =	vshll.u32 v26, $0x3;
	v32 =	vand.u32 $0x7F, v26  }
0x2c3: {  	v33 =	vshll.u32 v29, $0x3;
	v36 =	vand.u32 $0x7F, v29;
	v6 =	vand.u32 $0xFFFFFC00, v37  }
0x2c4: {  	v40 =	vand.u32 $0xFFFFFC00, v39;
	v10 =	vand.u32 $0xFFFFFC00, v44;
	v12 =	vand.u32 $0xFFFFFC00, v49  }
0x2c5: {  	v55 =	vand.u32 $0xFFFFFC00, v54;
	v62 =	vand.u32 $0xFFFFFC00, v59;
	v25 =	vand.u32 $0xFFFFFC00, v24  }
0x2c6: {  	v6 =	vadd.s32 v3, v6;
	v10 =	vadd.s32 v3, v10;
	v51 =	vadd.s32 v3, v12  }
0x2c7: {  	v12 =	vand.u32 $0x7F, v53;
	v15 =	vadd.s32 v3, v62;
	v16 =	vadd.s32 v3, v25  }
0x2c8: {  	v5 =	vor.u32 v5, v6;
	v6 =	vadd.s32 v3, v40;
	v46 =	vor.u32 v9, v10  }
0x2c9: {  	v10 =	vand.u32 $0xFFFFFC00, v48;
	v9 =	vand.u32 $0x7F, v47;
	v27 =	vor.u32 v18, v16  }
0x2ca: {  	v5 =	vor.u32 v2, v5;
	v6 =	vor.u32 v7, v6;
	v7 =	vand.u32 $0xFFFFFC00, v43  }
0x2cb: {  	v10 =	vadd.s32 v3, v10;
	v9 =	vor.u32 v9, v51;
	v6 =	vor.u32 v2, v6  }
0x2cc: {  	v7 =	vadd.s32 v3, v7;
	v10 =	vor.u32 v11, v10;
	v11 =	vand.u32 $0xFFFFFC00, v52  }
0x2cd: {  	v9 =	vor.u32 v2, v9;
	v7 =	vor.u32 v8, v7;
	v11 =	vadd.s32 v3, v11  }
0x2ce: {  	v7 =	vor.u32 v2, v7;
	v11 =	vor.u32 v13, v11;
	v13 =	vadd.s32 v3, v55  }
0x2cf: {  	v8 =	vor.u32 v2, v46;
	v10 =	vor.u32 v2, v10;
	v12 =	vor.u32 v12, v13  }
0x2d0: {  	v11 =	vor.u32 v2, v11;
	v13 =	vand.u32 $0xFFFFFC00, v57;
	v12 =	vor.u32 v2, v12  }
0x2d1: {  	v38 =	vshll.u32 v4, $0x3;
	v13 =	vadd.s32 v3, v13;
	[tilespmem:v5+s12+$0x0] =	vst.idx.add.f32.msk $0x1, v0;
	v5 =	vor.u32 v2, v27  }
0x2d2: {  	v22 =	vand.u32 $0xFFFFFC00, v63;
	v13 =	vor.u32 v14, v13;
	v14 =	vor.u32 v61, v15;
	[tilespmem:v6+s12+$0x0] =	vst.idx.add.f32.msk $0x1, v0  }
0x2d3: {  	v31 =	vand.u32 $0xFFFFFC00, v28;
	v15 =	vadd.s32 v3, v22;
	v13 =	vor.u32 v2, v13;
	[tilespmem:v7+s12+$0x0] =	vst.idx.add.f32.msk $0x1, v0  }
0x2d4: {  	v34 =	vand.u32 $0xFFFFFC00, v33;
	v15 =	vor.u32 v23, v15;
	v14 =	vor.u32 v2, v14;
	[tilespmem:v8+s12+$0x0] =	vst.idx.add.f32.msk $0x1, v0  }
0x2d5: {  	v37 =	vshll.u32 v35, $0x3;
	v30 =	vor.u32 v2, v15;
	v15 =	vadd.s32 v3, v31;
	[tilespmem:v10+s12+$0x0] =	vst.idx.add.f32.msk $0x1, v0  }
0x2d6: {  	v39 =	vand.u32 $0x7F, v35;
	v7 =	vor.u32 v32, v15;
	v8 =	vadd.s32 v3, v34;
	[tilespmem:v9+s12+$0x0] =	vst.idx.add.f32.msk $0x1, v0  }
0x2d7: {  	v7 =	vor.u32 v2, v7;
	v8 =	vor.u32 v36, v8;
	v9 =	vand.u32 $0xFFFFFC00, v37;
	[tilespmem:v11+s12+$0x0] =	vst.idx.add.f32.msk $0x1, v0  }
0x2d8: {  	v10 =	vand.u32 $0xFFFFFC00, v38;
	v8 =	vor.u32 v2, v8;
	v9 =	vadd.s32 v3, v9;
	[tilespmem:v12+s12+$0x0] =	vst.idx.add.f32.msk $0x1, v0  }
0x2d9: {  	v4 =	vand.u32 $0x7F, v4;
	v10 =	vadd.s32 v3, v10;
	v9 =	vor.u32 v39, v9;
	[tilespmem:v13+s12+$0x0] =	vst.idx.add.f32.msk $0x1, v0  }
0x2da: {  	v4 =	vor.u32 v4, v10;
	v9 =	vor.u32 v2, v9;
	[tilespmem:v14+s12+$0x0] =	vst.idx.add.f32.msk $0x1, v0  }
0x2db: {  	v4 =	vor.u32 v2, v4;
	[tilespmem:v30+s12+$0x0] =	vst.idx.add.f32.msk $0x1, v0  }
0x2dc: {  	[tilespmem:v5+s12+$0x0] =	vst.idx.add.f32.msk $0x1, v0  }
0x2dd: {  	[tilespmem:v7+s12+$0x0] =	vst.idx.add.f32.msk $0x1, v0  }
0x2de: {  	[tilespmem:v8+s12+$0x0] =	vst.idx.add.f32.msk $0x1, v0  }
0x2df: {  	[tilespmem:v9+s12+$0x0] =	vst.idx.add.f32.msk $0x1, v0  }
0x2e0: {  	[tilespmem:v4+s12+$0x0] =	vst.idx.add.f32.msk $0x1, v0  }
0x2e1: {  	v4 =	vld [tilespmem:s17+$0x0];
	_ =	sdelay $0x4  }
0x2e2: {  	v40 =	vbroadcast v4, $0x0;
	v42 =	vbroadcast v4, $0x1  }
0x2e3: {  	v44 =	vbroadcast v4, $0x2;
	v47 =	vbroadcast v4, $0x3  }
0x2e4: {  	v49 =	vbroadcast v4, $0x4;
	v51 =	vbroadcast v4, $0x5  }
0x2e5: {  	v55 =	vbroadcast v4, $0x6;
	v4 =	vbroadcast v4, $0x7  }
0x2e6: {  	v41 =	vshll.u32 v40, $0x3;
	v5 =	vand.u32 $0x7F, v40;
	v43 =	vshll.u32 v42, $0x3  }
0x2e7: {  	v7 =	vand.u32 $0x7F, v42;
	v45 =	vshll.u32 v44, $0x3;
	v8 =	vand.u32 $0x7F, v44  }
0x2e8: {  	v48 =	vshll.u32 v47, $0x3;
	v9 =	vand.u32 $0x7F, v47;
	v50 =	vshll.u32 v49, $0x3  }
0x2e9: {  	v52 =	vand.u32 $0x7F, v49;
	v54 =	vshll.u32 v51, $0x3;
	v56 =	vand.u32 $0x7F, v51  }
0x2ea: {  	v57 =	vshll.u32 v55, $0x3;
	v59 =	vand.u32 $0x7F, v55;
	v6 =	vand.u32 $0xFFFFFC00, v41  }
0x2eb: {  	v60 =	vshll.u32 v4, $0x3;
	v46 =	vand.u32 $0xFFFFFC00, v45;
	v6 =	vadd.s32 v3, v6  }
0x2ec: {  	v53 =	vand.u32 $0xFFFFFC00, v50;
	v5 =	vor.u32 v5, v6;
	v6 =	vand.u32 $0xFFFFFC00, v43  }
0x2ed: {  	v11 =	vand.u32 $0xFFFFFC00, v54;
	v58 =	vand.u32 $0xFFFFFC00, v57;
	v6 =	vadd.s32 v3, v6  }
0x2ee: {  	v61 =	vand.u32 $0xFFFFFC00, v60;
	v6 =	vor.u32 v7, v6;
	v7 =	vadd.s32 v3, v46  }
0x2ef: {  	v5 =	vor.u32 v2, v5;
	v7 =	vor.u32 v8, v7;
	v8 =	vand.u32 $0xFFFFFC00, v48  }
0x2f0: {  	v10 =	vadd.s32 v3, v53;
	v6 =	vor.u32 v2, v6;
	v8 =	vadd.s32 v3, v8  }
0x2f1: {  	v11 =	vadd.s32 v3, v11;
	v7 =	vor.u32 v2, v7;
	v8 =	vor.u32 v9, v8  }
0x2f2: {  	v9 =	vor.u32 v52, v10;
	v10 =	vor.u32 v56, v11;
	v8 =	vor.u32 v2, v8  }
0x2f3: {  	v11 =	vadd.s32 v3, v58;
	v3 =	vadd.s32 v3, v61;
	v9 =	vor.u32 v2, v9  }
0x2f4: {  	v4 =	vand.u32 $0x7F, v4;
	v11 =	vor.u32 v59, v11;
	[tilespmem:v5+s12+$0x0] =	vst.idx.add.f32.msk $0x1, v0;
	v62 =	vor.u32 v2, v10  }
0x2f5: {  	v3 =	vor.u32 v4, v3;
	v63 =	vor.u32 v2, v11;
	[tilespmem:v6+s12+$0x0] =	vst.idx.add.f32.msk $0x1, v0  }
0x2f6: {  	p0 =	sne.s32 s16, $0xF;
	v2 =	vor.u32 v2, v3;
	[tilespmem:v7+s12+$0x0] =	vst.idx.add.f32.msk $0x1, v0  }
.Ltmp5:
0x2f7: {  	[tilespmem:v8+s12+$0x0] =	vst.idx.add.f32.msk $0x1, v0;
	(pc) =	sbr.rel @p0 .LBB2_12-.Ltmp5, $4  }
0x2f8: {  	[tilespmem:v9+s12+$0x0] =	vst.idx.add.f32.msk $0x1, v0  }
0x2f9: {  	[tilespmem:v62+s12+$0x0] =	vst.idx.add.f32.msk $0x1, v0  }
0x2fa: {  	[tilespmem:v63+s12+$0x0] =	vst.idx.add.f32.msk $0x1, v0  }
0x2fb: {  	s16 =	sadd.s32 $0x1, s16;
	s17 =	sadd.s32 $0x80, s17;
	[tilespmem:v2+s12+$0x0] =	vst.idx.add.f32.msk $0x1, v0  }
0x2fc: {  	[hbm4b:s8+s2] =	stream.linear.scatter [tilespmem:s12], [sflag:$0x2], $0x8000, $0x38;
	[tilespmem:$0x12000] =	vst v63  }
0x2fd: {  	s15 =	sadd.s32 $0x1, s15  }
0x2fe: {  	_ =	swait.ge [sflag:s13], $0x8000;
	p0 =	sne.s32 s15, s9  }
.Ltmp6:
0x2ff: {  	[sflag:s13] =	ssyncset.done $0x0;
	(pc) =	sbr.rel @p0 .LBB2_1-.Ltmp6, $4  }
0x300: {  	[sflag:s13] =	ssyncadd.s32 $0xFFFF8000  }
0x301: {  	_ =	swait.ge [sflag:s14], $0x8000  }
0x302: {  	[sflag:s14] =	ssyncset.done $0x0  }
0x303: {  	[sflag:s14] =	ssyncadd.s32 $0xFFFF8000  }
0x304: {  	_ =	sfence.sel $0x180000  }
0x305: {  	[bflag:$0x0] =	sbarrier.arrive $0xFFFF  }
0x306: {  	p0 =	sne.s32 s1, $0x0;
	_ =	strace $0x90000047  }
0x307: {  	s0 =	sadd.s32 @!p0 $0x100000, s0;
	[bflag:$0x2] =	sbarrier.arrive $0xFFFF  }
0x308: {  	[sflag:s0] =	ssyncadd.tile.s32 @!p0 $0x1;
	_ =	shalt  }
.Lfunc_end2:
_tile_overlayer_lowered:
.L_overlay_start_2:
0x309: {  	(tag) =	ssettag $0x2  }
0x30a: {  	s0 =	rddreg [dreg:$0x0];
	s2 =	stileid.u32  }
0x30b: {  	s1 =	rddreg [dreg:$0x1];
	p0 =	sne.s32 s2, $0x0  }
0x30c: {  	s3 =	rddreg [dreg:$0x2];
	[bflag:$0x3] =	sbarrier.arrive $0xFFFF;
	s2 =	simm.s32 @!p0 $0x1C03  }
0x30d: {  	[timem:s3], [sflag:s2] =	dma.local @!p0 [hbm:s0], s1  }
0x30e: {  	s0 =	simm.s32 @!p0 $0x3  }
0x30f: {  	_ =	swait.ge @!p0 [sflag:s0], s1  }
0x310: {  	s1 =	ssub.s32 @!p0 $0x0, s1;
	[sflag:s0] =	ssyncset.done @!p0 $0x0  }
0x311: {  	[sflag:s0] =	ssyncadd.s32 @!p0 s1  }
0x312: {  	[bflag:$0x3] =	sbarrier.arrive $0xFFFF  }
0x313: {  	_ =	shalt  }

</sc_bundles>
